<compile_context>
chip_gen: v7x
topology: tpu7x:2x2x1
jax: 0.10.2.dev20260603
libtpu: 0.0.44.dev20260713+nightly
codegen_flags: <defaults>
</compile_context>

<pallas_src>
import functools

import jax
import jax.numpy as jnp
from jax import lax
from jax.experimental import pallas as pl
from jax.experimental.pallas import tpu as pltpu
from jax.experimental.pallas import tpu_sc as plsc

N = 3200
E = 12800
G = 128
K = 32

NC = 2
NS = 16
NW = NC * NS
EPW = E // NW
CHUNK = 80
NCHUNK = EPW // CHUNK
NPT = N // NS
CNTCOL = 64

_MESH = plsc.VectorSubcoreMesh(core_axis_name="c", subcore_axis_name="s")



def _sc_gather(D, dtype=jnp.float32):

    @functools.partial(
        pl.kernel,
        out_type=jax.ShapeDtypeStruct((E, D), dtype),
        mesh=_MESH,
        scratch_types=[
            pltpu.VMEM((NCHUNK, CHUNK), jnp.int32),
            pltpu.VMEM((EPW, D), dtype),
            pltpu.SemaphoreType.DMA,
        ],
    )
    def k(table_hbm, idx_hbm, out_hbm, idx_v, rows_v, sem):
        wid = lax.axis_index("s") * NC + lax.axis_index("c")
        pltpu.sync_copy(idx_hbm.at[wid], idx_v)
        copies = [
            pltpu.async_copy(
                table_hbm.at[idx_v.at[j]],
                rows_v.at[pl.ds(j * CHUNK, CHUNK)],
                sem,
            )
            for j in range(NCHUNK)
        ]
        for c in copies:
            c.wait()
        pltpu.sync_copy(rows_v, out_hbm.at[pl.ds(wid * EPW, EPW)])

    return k


def _sc_scatter_add(C):

    @functools.partial(
        pl.kernel,
        out_type=pltpu.HBM((NC, N, C), jnp.float32),
        mesh=_MESH,
        scratch_types=[
            pltpu.VMEM((NCHUNK, CHUNK), jnp.int32),
            pltpu.VMEM((EPW, C), jnp.float32),
            pltpu.VMEM_SHARED((N, C), jnp.float32),
        ],
    )
    def k(rows_hbm, idx_hbm, zeros_hbm, out_hbm, idx_v, rows_v, acc_sh):
        cid = lax.axis_index("c")
        sid = lax.axis_index("s")
        wid = sid * NC + cid
        pltpu.sync_copy(zeros_hbm.at[pl.ds(sid * NPT, NPT)],
                        acc_sh.at[pl.ds(sid * NPT, NPT)])
        pltpu.sync_copy(idx_hbm.at[wid], idx_v)
        pltpu.sync_copy(rows_hbm.at[pl.ds(wid * EPW, EPW)], rows_v)
        plsc.subcore_barrier()
        for j in range(NCHUNK):
            pltpu.sync_copy(rows_v.at[pl.ds(j * CHUNK, CHUNK)],
                            acc_sh.at[idx_v.at[j]], add=True)
        plsc.subcore_barrier()
        pltpu.sync_copy(acc_sh.at[pl.ds(sid * NPT, NPT)],
                        out_hbm.at[cid, pl.ds(sid * NPT, NPT)])

    return k


def _sc_scatter_add2(C):

    @functools.partial(
        pl.kernel,
        out_type=pltpu.HBM((NC, 2, N, C), jnp.float32),
        mesh=_MESH,
        scratch_types=[
            pltpu.VMEM((NCHUNK, CHUNK), jnp.int32),
            pltpu.VMEM((EPW, C), jnp.float32),
            pltpu.VMEM_SHARED((N, C), jnp.float32),
        ],
    )
    def k(rows_a, rows_b, idx_hbm, zeros_hbm, out_hbm, idx_v, rows_v, acc_sh):
        cid = lax.axis_index("c")
        sid = lax.axis_index("s")
        wid = sid * NC + cid
        pltpu.sync_copy(idx_hbm.at[wid], idx_v)
        for half, rows_hbm in enumerate((rows_a, rows_b)):
            pltpu.sync_copy(zeros_hbm.at[pl.ds(sid * NPT, NPT)],
                            acc_sh.at[pl.ds(sid * NPT, NPT)])
            pltpu.sync_copy(rows_hbm.at[pl.ds(wid * EPW, EPW)], rows_v)
            plsc.subcore_barrier()
            for j in range(NCHUNK):
                pltpu.sync_copy(rows_v.at[pl.ds(j * CHUNK, CHUNK)],
                                acc_sh.at[idx_v.at[j]], add=True)
            plsc.subcore_barrier()
            pltpu.sync_copy(acc_sh.at[pl.ds(sid * NPT, NPT)],
                            out_hbm.at[cid, half, pl.ds(sid * NPT, NPT)])

    return k



def _msg_body(xg_ref, ea_ref, wa_ref, ba_ref, w2_ref, bb_ref, ex_ref,
              *out_refs, D):
    h = jnp.maximum(ea_ref[...] @ wa_ref[...] + ba_ref[...], 0.0)
    xg = xg_ref[...][:, :D].astype(jnp.float32)
    acc = xg @ bb_ref[...] + ex_ref[...]
    if D == 128:
        xgb = xg.astype(jnp.bfloat16)
        hb = h.astype(jnp.bfloat16)
        y = jnp.concatenate(
            [xgb * hb[:, k:k + 1] for k in range(K)], axis=1)
        acc = acc + lax.dot(y, w2_ref[...],
                            preferred_element_type=jnp.float32)
    else:
        xgb = xg.astype(jnp.bfloat16)
        hb = h.astype(jnp.bfloat16)
        for k in range(K):
            acc = acc + lax.dot(xgb * hb[:, k:k + 1],
                                w2_ref[pl.ds(k * D, D), :],
                                preferred_element_type=jnp.float32)
    for i, o in enumerate(out_refs):
        o[...] = acc[:, i * 128:(i + 1) * 128]


def _msg(xg, ea, Wa, ba, W2, Bb, extra, Cp, D):
    EB = 1600
    nout = Cp // 128
    return pl.pallas_call(
        functools.partial(_msg_body, D=D),
        grid=(E // EB,),
        in_specs=[
            pl.BlockSpec((EB, 128), lambda i: (i, 0)),
            pl.BlockSpec((EB, 3), lambda i: (i, 0)),
            pl.BlockSpec((3, K), lambda i: (0, 0)),
            pl.BlockSpec((1, K), lambda i: (0, 0)),
            pl.BlockSpec((K * D, Cp), lambda i: (0, 0)),
            pl.BlockSpec((D, Cp), lambda i: (0, 0)),
            pl.BlockSpec((1, Cp), lambda i: (0, 0)),
        ],
        out_specs=[pl.BlockSpec((EB, 128), lambda i: (i, 0))] * nout,
        out_shape=[jax.ShapeDtypeStruct((E, 128), jnp.float32)] * nout,
    )(xg, ea, Wa, ba, W2, Bb, extra)


def _finalize_body(p_ref, c_ref, x_ref, root_ref, bias_ref, g_ref, b_ref,
                   out_ref):
    C = root_ref.shape[1]
    s = (p_ref[0] + p_ref[1])[:, :C]
    cnt = (c_ref[0] + c_ref[1])[:, CNTCOL:CNTCOL + 1]
    z = s / jnp.maximum(cnt, 1.0) + x_ref[...] @ root_ref[...] + bias_ref[...]
    mu = jnp.mean(z, axis=0, keepdims=True)
    var = jnp.mean((z - mu) ** 2, axis=0, keepdims=True)
    zn = g_ref[...] * (z - mu) * lax.rsqrt(var + 1e-5) + b_ref[...]
    out_ref[...] = jnp.maximum(zn, 0.0)


def _finalize(part, cntp, x_nodes, root, bias, gamma, beta, C):
    return pl.pallas_call(
        _finalize_body,
        out_shape=jax.ShapeDtypeStruct((N, C), jnp.float32),
    )(part, cntp, x_nodes, root, bias, gamma, beta)


def _fin3_head_body(p_ref, c_ref, x_ref, root_ref, bias_ref, g_ref, b3_ref,
                    batch_ref, atom_ref, wm_ref, bm_ref, out_ref, ne_ref):
    p = p_ref[...]
    s = jnp.concatenate([p[0, 0] + p[1, 0], p[0, 1] + p[1, 1]], axis=1)
    cnt = (c_ref[0] + c_ref[1])[:, CNTCOL:CNTCOL + 1]
    z = s / jnp.maximum(cnt, 1.0) + x_ref[...] @ root_ref[...] + bias_ref[...]
    mu = jnp.mean(z, axis=0, keepdims=True)
    var = jnp.mean((z - mu) ** 2, axis=0, keepdims=True)
    h = jnp.maximum(g_ref[...] * (z - mu) * lax.rsqrt(var + 1e-5)
                    + b3_ref[...], 0.0)
    b = batch_ref[...]
    gids = lax.broadcasted_iota(jnp.int32, (G, N), 0)
    member = (b == gids)
    onehot = member.astype(jnp.float32)
    sizes_i = jnp.sum(member.astype(jnp.int32), axis=1, keepdims=True)
    gsum = onehot @ h
    graph_emb = gsum / jnp.maximum(sizes_i.astype(jnp.float32), 1.0)
    cum = jnp.sum((b < gids).astype(jnp.int32), axis=1, keepdims=True)
    mod = jnp.minimum(atom_ref[...] + cum, N - 1)
    nids = lax.broadcasted_iota(jnp.int32, (G, N), 1)
    node_emb = (nids == mod).astype(jnp.float32) @ h
    hn = 0.5 * graph_emb + node_emb
    out_ref[...] = hn @ wm_ref[...] + bm_ref[...]
    ne_ref[...] = node_emb


def _fin3_head(part3, cntp, h2, root, bias, gamma, beta, batch2, atom2,
               Wm, bm2):
    return pl.pallas_call(
        _fin3_head_body,
        out_shape=(
            jax.ShapeDtypeStruct((G, 200), jnp.float32),
            jax.ShapeDtypeStruct((G, 256), jnp.float32),
        ),
    )(part3, cntp, h2, root, bias, gamma, beta, batch2, atom2, Wm, bm2)



def kernel(x, edge_index, edge_attr, batch, atom_num, W1a, b1a, W1b, b1b,
           root1, bias1, g1, be1, W2a, b2a, W2b, b2b, root2, bias2, g2, be2,
           W3a, b3a, W3b, b3b, root3, bias3, g3, be3, Wm, bm):
    f32 = jnp.float32
    src2 = edge_index[0].reshape(NW, NCHUNK, CHUNK)
    dst2 = edge_index[1].reshape(NW, NCHUNK, CHUNK)

    bf16 = jnp.bfloat16
    W2_1 = jnp.pad(W1b.reshape(K, 15, 64), ((0, 0), (0, 1), (0, 64)))
    W2_1 = W2_1.reshape(K * 16, 128).astype(bf16)
    Bb1 = jnp.pad(b1b.reshape(15, 64), ((0, 1), (0, 64)))
    W2_2 = W2b.reshape(K * 64, 128).astype(bf16)
    Bb2 = b2b.reshape(64, 128)
    W2_3 = W3b.reshape(K * 128, 256).astype(bf16)
    Bb3 = b3b.reshape(128, 256)

    cnt_row = jnp.zeros((1, 128), f32).at[0, CNTCOL].set(1.0)
    z128 = jnp.zeros((1, 128), f32)
    z256 = jnp.zeros((1, 256), f32)
    zN128 = jnp.zeros((N, 128), f32)

    xp1 = jnp.pad(x, ((0, 0), (0, 113)))
    scat = _sc_scatter_add(128)
    gat = _sc_gather(128)

    xg1 = gat(xp1, src2)
    (m1,) = _msg(xg1, edge_attr, W1a, b1a.reshape(1, K), W2_1, Bb1,
                 cnt_row, 128, 16)
    part1 = scat(m1, dst2, zN128)
    h1 = _finalize(part1, part1, x, root1, bias1.reshape(1, 64),
                   g1.reshape(1, 64), be1.reshape(1, 64), 64)

    h1p = jnp.pad(h1, ((0, 0), (0, 64)))
    xg2 = gat(h1p, src2)
    (m2,) = _msg(xg2, edge_attr, W2a, b2a.reshape(1, K), W2_2, Bb2,
                 z128, 128, 64)
    part2 = scat(m2, dst2, zN128)
    h2 = _finalize(part2, part1, h1, root2, bias2.reshape(1, 128),
                   g2.reshape(1, 128), be2.reshape(1, 128), 128)

    xg3 = gat(h2, src2)
    m3a, m3b = _msg(xg3, edge_attr, W3a, b3a.reshape(1, K), W2_3, Bb3,
                    z256, 256, 128)
    part3 = _sc_scatter_add2(128)(m3a, m3b, dst2, zN128)
    out, node_emb = _fin3_head(part3, part1, h2, root3, bias3.reshape(1, 256),
                               g3.reshape(1, 256), be3.reshape(1, 256),
                               batch.reshape(1, N), atom_num.reshape(G, 1),
                               Wm, bm.reshape(1, 200))
    return (out, node_emb)

# --- scband reference (transcript-rebuilt; emitter-appended) ---
"""Pipeline reference for scband-nnconv-10703058502291 (READ-ONLY COPY).

The authoritative reference and input builder live on the scoring server;
editing this copy changes nothing except your own understanding.
"""

import jax, jax.numpy as jnp
import numpy as np

N = 3200
E = 12800
G = 128


def _edge_nn(e, Wa, ba, Wb, bb):
    h = jax.nn.relu(e @ Wa + ba)
    return h @ Wb + bb


def _nnconv(x, src, dst, e, Wa, ba, Wb, bb, Wroot, bias, cin, cout):
    We = _edge_nn(e, Wa, ba, Wb, bb).reshape(-1, cin, cout)
    msg = jnp.einsum('ei,eio->eo', x[src], We)
    s = jax.ops.segment_sum(msg, dst, num_segments=N)
    cnt = jax.ops.segment_sum(jnp.ones((msg.shape[0], 1), msg.dtype), dst, num_segments=N)
    aggr = s / jnp.maximum(cnt, 1.0)
    return aggr + x @ Wroot + bias


def _bn(x, gamma, beta):
    mu = jnp.mean(x, axis=0)
    var = jnp.var(x, axis=0)
    return gamma * (x - mu) * jax.lax.rsqrt(var + 1e-5) + beta


def setup_inputs(seed: int = 0):
    key = jax.random.key(seed)
    ks = [jax.random.fold_in(key, i) for i in range(40)]
    def lin(k, fi, fo):
        return jax.random.normal(k, (fi, fo), jnp.float32) * 0.1
    inp = {}
    inp['x'] = jax.random.normal(ks[0], (N, 15), jnp.float32)
    inp['edge_index'] = jax.random.randint(ks[1], (2, E), 0, N, jnp.int32)
    inp['edge_attr'] = jax.random.uniform(ks[2], (E, 3), jnp.float32)
    inp['batch'] = jnp.sort(jax.random.randint(ks[3], (N,), 0, G, jnp.int32))
    inp['atom_num'] = jnp.zeros((G,), jnp.int32)
    inp['W1a'] = lin(ks[4], 3, 32); inp['b1a'] = jnp.zeros((32,), jnp.float32)
    inp['W1b'] = lin(ks[5], 32, 15 * 64); inp['b1b'] = jnp.zeros((15 * 64,), jnp.float32)
    inp['root1'] = lin(ks[6], 15, 64); inp['bias1'] = jnp.zeros((64,), jnp.float32)
    inp['g1'] = jnp.ones((64,), jnp.float32); inp['be1'] = jnp.zeros((64,), jnp.float32)
    inp['W2a'] = lin(ks[7], 3, 32); inp['b2a'] = jnp.zeros((32,), jnp.float32)
    inp['W2b'] = lin(ks[8], 32, 64 * 128); inp['b2b'] = jnp.zeros((64 * 128,), jnp.float32)
    inp['root2'] = lin(ks[9], 64, 128); inp['bias2'] = jnp.zeros((128,), jnp.float32)
    inp['g2'] = jnp.ones((128,), jnp.float32); inp['be2'] = jnp.zeros((128,), jnp.float32)
    inp['W3a'] = lin(ks[10], 3, 32); inp['b3a'] = jnp.zeros((32,), jnp.float32)
    inp['W3b'] = lin(ks[11], 32, 128 * 256); inp['b3b'] = jnp.zeros((128 * 256,), jnp.float32)
    inp['root3'] = lin(ks[12], 128, 256); inp['bias3'] = jnp.zeros((256,), jnp.float32)
    inp['g3'] = jnp.ones((256,), jnp.float32); inp['be3'] = jnp.zeros((256,), jnp.float32)
    inp['Wm'] = lin(ks[13], 256, 200); inp['bm'] = jnp.zeros((200,), jnp.float32)
    return inp


def reference(x, edge_index, edge_attr, batch, atom_num,
              W1a, b1a, W1b, b1b, root1, bias1, g1, be1,
              W2a, b2a, W2b, b2b, root2, bias2, g2, be2,
              W3a, b3a, W3b, b3b, root3, bias3, g3, be3,
              Wm, bm):
    src = edge_index[0]
    dst = edge_index[1]
    h = jax.nn.relu(_bn(_nnconv(x, src, dst, edge_attr, W1a, b1a, W1b, b1b, root1, bias1, 15, 64), g1, be1))
    h = jax.nn.relu(_bn(_nnconv(h, src, dst, edge_attr, W2a, b2a, W2b, b2b, root2, bias2, 64, 128), g2, be2))
    h = jax.nn.relu(_bn(_nnconv(h, src, dst, edge_attr, W3a, b3a, W3b, b3b, root3, bias3, 128, 256), g3, be3))
    sizes = jnp.bincount(batch, length=G)
    cum = jnp.concatenate([jnp.zeros((1,), sizes.dtype), jnp.cumsum(sizes)[:-1]])
    mod_idx = atom_num + cum
    node_embedding = h[mod_idx]
    gsum = jax.ops.segment_sum(h, batch, num_segments=G)
    graph_embedding = gsum / jnp.maximum(sizes, 1).astype(h.dtype)[:, None]
    h_new = 0.5 * graph_embedding + node_embedding
    out = h_new @ Wm + bm
    return (out, node_embedding)

if __name__ == "__main__":
    import jax
    _d = setup_inputs()
    print(jax.jit(kernel)(*tuple(_d.values())))

</pallas_src>

<mosaic_0001>
#map = affine_map<(d0, d1) -> (0, 0)>
#map1 = affine_map<(d0, d1) -> (0, 0, 0)>
module attributes {stable_mosaic.version = 14 : i64} {
  func.func @k(%arg0: i32, %arg1: i32, %arg2: memref<3200x128xf32, #tpu.memory_space<hbm>>, %arg3: memref<32x5x80xi32, #tpu.memory_space<hbm>>, %arg4: memref<12800x128xf32, #tpu.memory_space<hbm>>, %arg5: memref<5x80xi32, #tpu.memory_space<vmem>>, %arg6: memref<400x128xf32, #tpu.memory_space<vmem>>, %arg7: memref<!tpu.dma_semaphore, #tpu.memory_space<semaphore_mem>>) attributes {dimension_semantics = [#tpu.dimension_semantics<core_parallel>, #tpu.dimension_semantics<subcore_parallel>], iteration_bounds = array<i64: 2, 16>, scalar_prefetch = 0 : i64, scratch_operands = 3 : i64, tpu.core_type = #tpu.core_type<sc_vector_subcore>, window_params = [{transform_indices = #map}, {transform_indices = #map1}, {transform_indices = #map}]} {
    %mul3A = arith.constant 2 : i32
    %mul3A_0 = arith.muli %arg1, %mul3A : i32
    %add3A = arith.addi %mul3A_0, %arg0 : i32
    "tpu.region"() ({
      %run_scoped3A = tpu.sem_alloc : memref<!tpu.dma_semaphore, #tpu.memory_space<semaphore_mem>>
      %dma_start3A_101 = arith.constant 0 : i32
      %dma_start3A_102 = arith.constant 0 : i32
      %dma_start3A_103 = tpu.memref_slice %arg3[%add3A, %dma_start3A_101, %dma_start3A_102] : memref<32x5x80xi32, #tpu.memory_space<hbm>> -> memref<1x5x80xi32, #tpu.memory_space<hbm>>
      %dma_start3A_104 = tpu.memref_squeeze %dma_start3A_103 : memref<1x5x80xi32, #tpu.memory_space<hbm>> -> memref<5x80xi32, #tpu.memory_space<hbm>>
      %dma_start3A_105 = arith.constant 0 : i32
      %dma_start3A_106 = arith.constant 0 : i32
      %dma_start3A_107 = tpu.memref_slice %arg3[%add3A, %dma_start3A_105, %dma_start3A_106] : memref<32x5x80xi32, #tpu.memory_space<hbm>> -> memref<1x5x80xi32, #tpu.memory_space<hbm>>
      %dma_start3A_108 = tpu.memref_squeeze %dma_start3A_107 : memref<1x5x80xi32, #tpu.memory_space<hbm>> -> memref<5x80xi32, #tpu.memory_space<hbm>>
      tpu.enqueue_dma source(%dma_start3A_108 : memref<5x80xi32, #tpu.memory_space<hbm>>) target(%arg5 : memref<5x80xi32, #tpu.memory_space<vmem>>) target_semaphore(%run_scoped3A : memref<!tpu.dma_semaphore, #tpu.memory_space<semaphore_mem>>)
      %dma_wait3A_109 = arith.constant 0 : i32
      %dma_wait3A_110 = arith.constant 0 : i32
      %dma_wait3A_111 = tpu.memref_slice %arg3[%add3A, %dma_wait3A_109, %dma_wait3A_110] : memref<32x5x80xi32, #tpu.memory_space<hbm>> -> memref<1x5x80xi32, #tpu.memory_space<hbm>>
      %dma_wait3A_112 = tpu.memref_squeeze %dma_wait3A_111 : memref<1x5x80xi32, #tpu.memory_space<hbm>> -> memref<5x80xi32, #tpu.memory_space<hbm>>
      %dma_wait3A_113 = arith.constant 0 : i32
      %dma_wait3A_114 = arith.constant 0 : i32
      %dma_wait3A_115 = tpu.memref_slice %arg3[%add3A, %dma_wait3A_113, %dma_wait3A_114] : memref<32x5x80xi32, #tpu.memory_space<hbm>> -> memref<1x5x80xi32, #tpu.memory_space<hbm>>
      %dma_wait3A_116 = tpu.memref_squeeze %dma_wait3A_115 : memref<1x5x80xi32, #tpu.memory_space<hbm>> -> memref<5x80xi32, #tpu.memory_space<hbm>>
      tpu.wait_dma2 semaphore(%run_scoped3A : memref<!tpu.dma_semaphore, #tpu.memory_space<semaphore_mem>>) src(%dma_wait3A_116 : memref<5x80xi32, #tpu.memory_space<hbm>>) dst(%arg5 : memref<5x80xi32, #tpu.memory_space<vmem>>)
      tpu.yield
    }) : () -> ()
    %dma_start3A = arith.constant 0 : i32
    %dma_start3A_1 = arith.constant 0 : i32
    %dma_start3A_2 = arith.constant 0 : i32
    %dma_start3A_3 = tpu.memref_slice %arg6[%dma_start3A_1, %dma_start3A_2] : memref<400x128xf32, #tpu.memory_space<vmem>> -> memref<80x128xf32, #tpu.memory_space<vmem>>
    %dma_start3A_4 = arith.constant 0 : i32
    %dma_start3A_5 = tpu.memref_slice %arg5[%dma_start3A, %dma_start3A_4] : memref<5x80xi32, #tpu.memory_space<vmem>> -> memref<1x80xi32, #tpu.memory_space<vmem>>
    %dma_start3A_6 = tpu.memref_squeeze %dma_start3A_5 : memref<1x80xi32, #tpu.memory_space<vmem>> -> memref<80xi32, #tpu.memory_space<vmem>>
    %dma_start3A_7 = arith.constant 0 : i32
    %dma_start3A_8 = arith.constant 0 : i32
    %dma_start3A_9 = tpu.memref_slice %arg2[%dma_start3A_7, %dma_start3A_8] : memref<3200x128xf32, #tpu.memory_space<hbm>> -> memref<3200x128xf32, #tpu.memory_space<hbm>>
    tpu.enqueue_indirect_dma source(%dma_start3A_9 : memref<3200x128xf32, #tpu.memory_space<hbm>>) target(%dma_start3A_3 : memref<80x128xf32, #tpu.memory_space<vmem>>) offsets(%dma_start3A_6 : memref<80xi32, #tpu.memory_space<vmem>>) semaphore(%arg7 : memref<!tpu.dma_semaphore, #tpu.memory_space<semaphore_mem>>)
    %dma_start3A_10 = arith.constant 1 : i32
    %dma_start3A_11 = arith.constant 80 : i32
    %dma_start3A_12 = arith.constant 0 : i32
    %dma_start3A_13 = tpu.memref_slice %arg6[%dma_start3A_11, %dma_start3A_12] : memref<400x128xf32, #tpu.memory_space<vmem>> -> memref<80x128xf32, #tpu.memory_space<vmem>>
    %dma_start3A_14 = arith.constant 0 : i32
    %dma_start3A_15 = tpu.memref_slice %arg5[%dma_start3A_10, %dma_start3A_14] : memref<5x80xi32, #tpu.memory_space<vmem>> -> memref<1x80xi32, #tpu.memory_space<vmem>>
    %dma_start3A_16 = tpu.memref_squeeze %dma_start3A_15 : memref<1x80xi32, #tpu.memory_space<vmem>> -> memref<80xi32, #tpu.memory_space<vmem>>
    %dma_start3A_17 = arith.constant 0 : i32
    %dma_start3A_18 = arith.constant 0 : i32
    %dma_start3A_19 = tpu.memref_slice %arg2[%dma_start3A_17, %dma_start3A_18] : memref<3200x128xf32, #tpu.memory_space<hbm>> -> memref<3200x128xf32, #tpu.memory_space<hbm>>
    tpu.enqueue_indirect_dma source(%dma_start3A_19 : memref<3200x128xf32, #tpu.memory_space<hbm>>) target(%dma_start3A_13 : memref<80x128xf32, #tpu.memory_space<vmem>>) offsets(%dma_start3A_16 : memref<80xi32, #tpu.memory_space<vmem>>) semaphore(%arg7 : memref<!tpu.dma_semaphore, #tpu.memory_space<semaphore_mem>>)
    %dma_start3A_20 = arith.constant 2 : i32
    %dma_start3A_21 = arith.constant 160 : i32
    %dma_start3A_22 = arith.constant 0 : i32
    %dma_start3A_23 = tpu.memref_slice %arg6[%dma_start3A_21, %dma_start3A_22] : memref<400x128xf32, #tpu.memory_space<vmem>> -> memref<80x128xf32, #tpu.memory_space<vmem>>
    %dma_start3A_24 = arith.constant 0 : i32
    %dma_start3A_25 = tpu.memref_slice %arg5[%dma_start3A_20, %dma_start3A_24] : memref<5x80xi32, #tpu.memory_space<vmem>> -> memref<1x80xi32, #tpu.memory_space<vmem>>
    %dma_start3A_26 = tpu.memref_squeeze %dma_start3A_25 : memref<1x80xi32, #tpu.memory_space<vmem>> -> memref<80xi32, #tpu.memory_space<vmem>>
    %dma_start3A_27 = arith.constant 0 : i32
    %dma_start3A_28 = arith.constant 0 : i32
    %dma_start3A_29 = tpu.memref_slice %arg2[%dma_start3A_27, %dma_start3A_28] : memref<3200x128xf32, #tpu.memory_space<hbm>> -> memref<3200x128xf32, #tpu.memory_space<hbm>>
    tpu.enqueue_indirect_dma source(%dma_start3A_29 : memref<3200x128xf32, #tpu.memory_space<hbm>>) target(%dma_start3A_23 : memref<80x128xf32, #tpu.memory_space<vmem>>) offsets(%dma_start3A_26 : memref<80xi32, #tpu.memory_space<vmem>>) semaphore(%arg7 : memref<!tpu.dma_semaphore, #tpu.memory_space<semaphore_mem>>)
    %dma_start3A_30 = arith.constant 3 : i32
    %dma_start3A_31 = arith.constant 240 : i32
    %dma_start3A_32 = arith.constant 0 : i32
    %dma_start3A_33 = tpu.memref_slice %arg6[%dma_start3A_31, %dma_start3A_32] : memref<400x128xf32, #tpu.memory_space<vmem>> -> memref<80x128xf32, #tpu.memory_space<vmem>>
    %dma_start3A_34 = arith.constant 0 : i32
    %dma_start3A_35 = tpu.memref_slice %arg5[%dma_start3A_30, %dma_start3A_34] : memref<5x80xi32, #tpu.memory_space<vmem>> -> memref<1x80xi32, #tpu.memory_space<vmem>>
    %dma_start3A_36 = tpu.memref_squeeze %dma_start3A_35 : memref<1x80xi32, #tpu.memory_space<vmem>> -> memref<80xi32, #tpu.memory_space<vmem>>
    %dma_start3A_37 = arith.constant 0 : i32
    %dma_start3A_38 = arith.constant 0 : i32
    %dma_start3A_39 = tpu.memref_slice %arg2[%dma_start3A_37, %dma_start3A_38] : memref<3200x128xf32, #tpu.memory_space<hbm>> -> memref<3200x128xf32, #tpu.memory_space<hbm>>
    tpu.enqueue_indirect_dma source(%dma_start3A_39 : memref<3200x128xf32, #tpu.memory_space<hbm>>) target(%dma_start3A_33 : memref<80x128xf32, #tpu.memory_space<vmem>>) offsets(%dma_start3A_36 : memref<80xi32, #tpu.memory_space<vmem>>) semaphore(%arg7 : memref<!tpu.dma_semaphore, #tpu.memory_space<semaphore_mem>>)
    %dma_start3A_40 = arith.constant 4 : i32
    %dma_start3A_41 = arith.constant 320 : i32
    %dma_start3A_42 = arith.constant 0 : i32
    %dma_start3A_43 = tpu.memref_slice %arg6[%dma_start3A_41, %dma_start3A_42] : memref<400x128xf32, #tpu.memory_space<vmem>> -> memref<80x128xf32, #tpu.memory_space<vmem>>
    %dma_start3A_44 = arith.constant 0 : i32
    %dma_start3A_45 = tpu.memref_slice %arg5[%dma_start3A_40, %dma_start3A_44] : memref<5x80xi32, #tpu.memory_space<vmem>> -> memref<1x80xi32, #tpu.memory_space<vmem>>
    %dma_start3A_46 = tpu.memref_squeeze %dma_start3A_45 : memref<1x80xi32, #tpu.memory_space<vmem>> -> memref<80xi32, #tpu.memory_space<vmem>>
    %dma_start3A_47 = arith.constant 0 : i32
    %dma_start3A_48 = arith.constant 0 : i32
    %dma_start3A_49 = tpu.memref_slice %arg2[%dma_start3A_47, %dma_start3A_48] : memref<3200x128xf32, #tpu.memory_space<hbm>> -> memref<3200x128xf32, #tpu.memory_space<hbm>>
    tpu.enqueue_indirect_dma source(%dma_start3A_49 : memref<3200x128xf32, #tpu.memory_space<hbm>>) target(%dma_start3A_43 : memref<80x128xf32, #tpu.memory_space<vmem>>) offsets(%dma_start3A_46 : memref<80xi32, #tpu.memory_space<vmem>>) semaphore(%arg7 : memref<!tpu.dma_semaphore, #tpu.memory_space<semaphore_mem>>)
    %dma_wait3A = arith.constant 0 : i32
    %dma_wait3A_50 = arith.constant 0 : i32
    %dma_wait3A_51 = arith.constant 0 : i32
    %dma_wait3A_52 = tpu.memref_slice %arg6[%dma_wait3A_50, %dma_wait3A_51] : memref<400x128xf32, #tpu.memory_space<vmem>> -> memref<80x128xf32, #tpu.memory_space<vmem>>
    %dma_wait3A_53 = arith.constant 0 : i32
    %dma_wait3A_54 = tpu.memref_slice %arg5[%dma_wait3A, %dma_wait3A_53] : memref<5x80xi32, #tpu.memory_space<vmem>> -> memref<1x80xi32, #tpu.memory_space<vmem>>
    %dma_wait3A_55 = tpu.memref_squeeze %dma_wait3A_54 : memref<1x80xi32, #tpu.memory_space<vmem>> -> memref<80xi32, #tpu.memory_space<vmem>>
    %dma_wait3A_56 = arith.constant 0 : i32
    %dma_wait3A_57 = arith.constant 0 : i32
    %dma_wait3A_58 = tpu.memref_slice %arg2[%dma_wait3A_56, %dma_wait3A_57] : memref<3200x128xf32, #tpu.memory_space<hbm>> -> memref<3200x128xf32, #tpu.memory_space<hbm>>
    tpu.wait_indirect_dma semaphore(%arg7 : memref<!tpu.dma_semaphore, #tpu.memory_space<semaphore_mem>>) src(%dma_wait3A_58 : memref<3200x128xf32, #tpu.memory_space<hbm>>) dst(%dma_wait3A_52 : memref<80x128xf32, #tpu.memory_space<vmem>>)
    %dma_wait3A_59 = arith.constant 1 : i32
    %dma_wait3A_60 = arith.constant 80 : i32
    %dma_wait3A_61 = arith.constant 0 : i32
    %dma_wait3A_62 = tpu.memref_slice %arg6[%dma_wait3A_60, %dma_wait3A_61] : memref<400x128xf32, #tpu.memory_space<vmem>> -> memref<80x128xf32, #tpu.memory_space<vmem>>
    %dma_wait3A_63 = arith.constant 0 : i32
    %dma_wait3A_64 = tpu.memref_slice %arg5[%dma_wait3A_59, %dma_wait3A_63] : memref<5x80xi32, #tpu.memory_space<vmem>> -> memref<1x80xi32, #tpu.memory_space<vmem>>
    %dma_wait3A_65 = tpu.memref_squeeze %dma_wait3A_64 : memref<1x80xi32, #tpu.memory_space<vmem>> -> memref<80xi32, #tpu.memory_space<vmem>>
    %dma_wait3A_66 = arith.constant 0 : i32
    %dma_wait3A_67 = arith.constant 0 : i32
    %dma_wait3A_68 = tpu.memref_slice %arg2[%dma_wait3A_66, %dma_wait3A_67] : memref<3200x128xf32, #tpu.memory_space<hbm>> -> memref<3200x128xf32, #tpu.memory_space<hbm>>
    tpu.wait_indirect_dma semaphore(%arg7 : memref<!tpu.dma_semaphore, #tpu.memory_space<semaphore_mem>>) src(%dma_wait3A_68 : memref<3200x128xf32, #tpu.memory_space<hbm>>) dst(%dma_wait3A_62 : memref<80x128xf32, #tpu.memory_space<vmem>>)
    %dma_wait3A_69 = arith.constant 2 : i32
    %dma_wait3A_70 = arith.constant 160 : i32
    %dma_wait3A_71 = arith.constant 0 : i32
    %dma_wait3A_72 = tpu.memref_slice %arg6[%dma_wait3A_70, %dma_wait3A_71] : memref<400x128xf32, #tpu.memory_space<vmem>> -> memref<80x128xf32, #tpu.memory_space<vmem>>
    %dma_wait3A_73 = arith.constant 0 : i32
    %dma_wait3A_74 = tpu.memref_slice %arg5[%dma_wait3A_69, %dma_wait3A_73] : memref<5x80xi32, #tpu.memory_space<vmem>> -> memref<1x80xi32, #tpu.memory_space<vmem>>
    %dma_wait3A_75 = tpu.memref_squeeze %dma_wait3A_74 : memref<1x80xi32, #tpu.memory_space<vmem>> -> memref<80xi32, #tpu.memory_space<vmem>>
    %dma_wait3A_76 = arith.constant 0 : i32
    %dma_wait3A_77 = arith.constant 0 : i32
    %dma_wait3A_78 = tpu.memref_slice %arg2[%dma_wait3A_76, %dma_wait3A_77] : memref<3200x128xf32, #tpu.memory_space<hbm>> -> memref<3200x128xf32, #tpu.memory_space<hbm>>
    tpu.wait_indirect_dma semaphore(%arg7 : memref<!tpu.dma_semaphore, #tpu.memory_space<semaphore_mem>>) src(%dma_wait3A_78 : memref<3200x128xf32, #tpu.memory_space<hbm>>) dst(%dma_wait3A_72 : memref<80x128xf32, #tpu.memory_space<vmem>>)
    %dma_wait3A_79 = arith.constant 3 : i32
    %dma_wait3A_80 = arith.constant 240 : i32
    %dma_wait3A_81 = arith.constant 0 : i32
    %dma_wait3A_82 = tpu.memref_slice %arg6[%dma_wait3A_80, %dma_wait3A_81] : memref<400x128xf32, #tpu.memory_space<vmem>> -> memref<80x128xf32, #tpu.memory_space<vmem>>
    %dma_wait3A_83 = arith.constant 0 : i32
    %dma_wait3A_84 = tpu.memref_slice %arg5[%dma_wait3A_79, %dma_wait3A_83] : memref<5x80xi32, #tpu.memory_space<vmem>> -> memref<1x80xi32, #tpu.memory_space<vmem>>
    %dma_wait3A_85 = tpu.memref_squeeze %dma_wait3A_84 : memref<1x80xi32, #tpu.memory_space<vmem>> -> memref<80xi32, #tpu.memory_space<vmem>>
    %dma_wait3A_86 = arith.constant 0 : i32
    %dma_wait3A_87 = arith.constant 0 : i32
    %dma_wait3A_88 = tpu.memref_slice %arg2[%dma_wait3A_86, %dma_wait3A_87] : memref<3200x128xf32, #tpu.memory_space<hbm>> -> memref<3200x128xf32, #tpu.memory_space<hbm>>
    tpu.wait_indirect_dma semaphore(%arg7 : memref<!tpu.dma_semaphore, #tpu.memory_space<semaphore_mem>>) src(%dma_wait3A_88 : memref<3200x128xf32, #tpu.memory_space<hbm>>) dst(%dma_wait3A_82 : memref<80x128xf32, #tpu.memory_space<vmem>>)
    %dma_wait3A_89 = arith.constant 4 : i32
    %dma_wait3A_90 = arith.constant 320 : i32
    %dma_wait3A_91 = arith.constant 0 : i32
    %dma_wait3A_92 = tpu.memref_slice %arg6[%dma_wait3A_90, %dma_wait3A_91] : memref<400x128xf32, #tpu.memory_space<vmem>> -> memref<80x128xf32, #tpu.memory_space<vmem>>
    %dma_wait3A_93 = arith.constant 0 : i32
    %dma_wait3A_94 = tpu.memref_slice %arg5[%dma_wait3A_89, %dma_wait3A_93] : memref<5x80xi32, #tpu.memory_space<vmem>> -> memref<1x80xi32, #tpu.memory_space<vmem>>
    %dma_wait3A_95 = tpu.memref_squeeze %dma_wait3A_94 : memref<1x80xi32, #tpu.memory_space<vmem>> -> memref<80xi32, #tpu.memory_space<vmem>>
    %dma_wait3A_96 = arith.constant 0 : i32
    %dma_wait3A_97 = arith.constant 0 : i32
    %dma_wait3A_98 = tpu.memref_slice %arg2[%dma_wait3A_96, %dma_wait3A_97] : memref<3200x128xf32, #tpu.memory_space<hbm>> -> memref<3200x128xf32, #tpu.memory_space<hbm>>
    tpu.wait_indirect_dma semaphore(%arg7 : memref<!tpu.dma_semaphore, #tpu.memory_space<semaphore_mem>>) src(%dma_wait3A_98 : memref<3200x128xf32, #tpu.memory_space<hbm>>) dst(%dma_wait3A_92 : memref<80x128xf32, #tpu.memory_space<vmem>>)
    %mul3A_99 = arith.constant 400 : i32
    %mul3A_100 = arith.muli %add3A, %mul3A_99 : i32
    "tpu.region"() ({
      %run_scoped3A = tpu.sem_alloc : memref<!tpu.dma_semaphore, #tpu.memory_space<semaphore_mem>>
      %dma_start3A_101 = arith.constant 0 : i32
      %dma_start3A_102 = tpu.memref_slice %arg4[%mul3A_100, %dma_start3A_101] : memref<12800x128xf32, #tpu.memory_space<hbm>> -> memref<400x128xf32, #tpu.memory_space<hbm>>
      %dma_start3A_103 = arith.constant 0 : i32
      %dma_start3A_104 = tpu.memref_slice %arg4[%mul3A_100, %dma_start3A_103] : memref<12800x128xf32, #tpu.memory_space<hbm>> -> memref<400x128xf32, #tpu.memory_space<hbm>>
      tpu.enqueue_dma source(%arg6 : memref<400x128xf32, #tpu.memory_space<vmem>>) target(%dma_start3A_104 : memref<400x128xf32, #tpu.memory_space<hbm>>) target_semaphore(%run_scoped3A : memref<!tpu.dma_semaphore, #tpu.memory_space<semaphore_mem>>)
      %dma_wait3A_105 = arith.constant 0 : i32
      %dma_wait3A_106 = tpu.memref_slice %arg4[%mul3A_100, %dma_wait3A_105] : memref<12800x128xf32, #tpu.memory_space<hbm>> -> memref<400x128xf32, #tpu.memory_space<hbm>>
      %dma_wait3A_107 = arith.constant 0 : i32
      %dma_wait3A_108 = tpu.memref_slice %arg4[%mul3A_100, %dma_wait3A_107] : memref<12800x128xf32, #tpu.memory_space<hbm>> -> memref<400x128xf32, #tpu.memory_space<hbm>>
      tpu.wait_dma2 semaphore(%run_scoped3A : memref<!tpu.dma_semaphore, #tpu.memory_space<semaphore_mem>>) src(%arg6 : memref<400x128xf32, #tpu.memory_space<vmem>>) dst(%dma_wait3A_108 : memref<400x128xf32, #tpu.memory_space<hbm>>)
      tpu.yield
    }) : () -> ()
    return
  }
}

#map = affine_map<(d0, d1) -> (0, 0)>
#map1 = affine_map<(d0, d1) -> (0, 0, 0)>
module attributes {stable_mosaic.version = 14 : i64} {
  func.func @k(%arg0: i32, %arg1: i32, %arg2: memref<3200x128xf32, #tpu.memory_space<hbm>>, %arg3: memref<32x5x80xi32, #tpu.memory_space<hbm>>, %arg4: memref<12800x128xf32, #tpu.memory_space<hbm>>, %arg5: memref<5x80xi32, #tpu.memory_space<vmem>>, %arg6: memref<400x128xf32, #tpu.memory_space<vmem>>, %arg7: memref<!tpu.dma_semaphore, #tpu.memory_space<semaphore_mem>>) attributes {dimension_semantics = [#tpu.dimension_semantics<core_parallel>, #tpu.dimension_semantics<subcore_parallel>], iteration_bounds = array<i64: 2, 16>, scalar_prefetch = 0 : i64, scratch_operands = 3 : i64, tpu.core_type = #tpu.core_type<sc_vector_subcore>, window_params = [{transform_indices = #map}, {transform_indices = #map1}, {transform_indices = #map}]} {
    %mul3A = arith.constant 2 : i32
    %mul3A_0 = arith.muli %arg1, %mul3A : i32
    %add3A = arith.addi %mul3A_0, %arg0 : i32
    "tpu.region"() ({
      %run_scoped3A = tpu.sem_alloc : memref<!tpu.dma_semaphore, #tpu.memory_space<semaphore_mem>>
      %dma_start3A_101 = arith.constant 0 : i32
      %dma_start3A_102 = arith.constant 0 : i32
      %dma_start3A_103 = tpu.memref_slice %arg3[%add3A, %dma_start3A_101, %dma_start3A_102] : memref<32x5x80xi32, #tpu.memory_space<hbm>> -> memref<1x5x80xi32, #tpu.memory_space<hbm>>
      %dma_start3A_104 = tpu.memref_squeeze %dma_start3A_103 : memref<1x5x80xi32, #tpu.memory_space<hbm>> -> memref<5x80xi32, #tpu.memory_space<hbm>>
      %dma_start3A_105 = arith.constant 0 : i32
      %dma_start3A_106 = arith.constant 0 : i32
      %dma_start3A_107 = tpu.memref_slice %arg3[%add3A, %dma_start3A_105, %dma_start3A_106] : memref<32x5x80xi32, #tpu.memory_space<hbm>> -> memref<1x5x80xi32, #tpu.memory_space<hbm>>
      %dma_start3A_108 = tpu.memref_squeeze %dma_start3A_107 : memref<1x5x80xi32, #tpu.memory_space<hbm>> -> memref<5x80xi32, #tpu.memory_space<hbm>>
      tpu.enqueue_dma source(%dma_start3A_108 : memref<5x80xi32, #tpu.memory_space<hbm>>) target(%arg5 : memref<5x80xi32, #tpu.memory_space<vmem>>) target_semaphore(%run_scoped3A : memref<!tpu.dma_semaphore, #tpu.memory_space<semaphore_mem>>)
      %dma_wait3A_109 = arith.constant 0 : i32
      %dma_wait3A_110 = arith.constant 0 : i32
      %dma_wait3A_111 = tpu.memref_slice %arg3[%add3A, %dma_wait3A_109, %dma_wait3A_110] : memref<32x5x80xi32, #tpu.memory_space<hbm>> -> memref<1x5x80xi32, #tpu.memory_space<hbm>>
      %dma_wait3A_112 = tpu.memref_squeeze %dma_wait3A_111 : memref<1x5x80xi32, #tpu.memory_space<hbm>> -> memref<5x80xi32, #tpu.memory_space<hbm>>
      %dma_wait3A_113 = arith.constant 0 : i32
      %dma_wait3A_114 = arith.constant 0 : i32
      %dma_wait3A_115 = tpu.memref_slice %arg3[%add3A, %dma_wait3A_113, %dma_wait3A_114] : memref<32x5x80xi32, #tpu.memory_space<hbm>> -> memref<1x5x80xi32, #tpu.memory_space<hbm>>
      %dma_wait3A_116 = tpu.memref_squeeze %dma_wait3A_115 : memref<1x5x80xi32, #tpu.memory_space<hbm>> -> memref<5x80xi32, #tpu.memory_space<hbm>>
      tpu.wait_dma2 semaphore(%run_scoped3A : memref<!tpu.dma_semaphore, #tpu.memory_space<semaphore_mem>>) src(%dma_wait3A_116 : memref<5x80xi32, #tpu.memory_space<hbm>>) dst(%arg5 : memref<5x80xi32, #tpu.memory_space<vmem>>)
      tpu.yield
    }) : () -> ()
    %dma_start3A = arith.constant 0 : i32
    %dma_start3A_1 = arith.constant 0 : i32
    %dma_start3A_2 = arith.constant 0 : i32
    %dma_start3A_3 = tpu.memref_slice %arg6[%dma_start3A_1, %dma_start3A_2] : memref<400x128xf32, #tpu.memory_space<vmem>> -> memref<80x128xf32, #tpu.memory_space<vmem>>
    %dma_start3A_4 = arith.constant 0 : i32
    %dma_start3A_5 = tpu.memref_slice %arg5[%dma_start3A, %dma_start3A_4] : memref<5x80xi32, #tpu.memory_space<vmem>> -> memref<1x80xi32, #tpu.memory_space<vmem>>
    %dma_start3A_6 = tpu.memref_squeeze %dma_start3A_5 : memref<1x80xi32, #tpu.memory_space<vmem>> -> memref<80xi32, #tpu.memory_space<vmem>>
    %dma_start3A_7 = arith.constant 0 : i32
    %dma_start3A_8 = arith.constant 0 : i32
    %dma_start3A_9 = tpu.memref_slice %arg2[%dma_start3A_7, %dma_start3A_8] : memref<3200x128xf32, #tpu.memory_space<hbm>> -> memref<3200x128xf32, #tpu.memory_space<hbm>>
    tpu.enqueue_indirect_dma source(%dma_start3A_9 : memref<3200x128xf32, #tpu.memory_space<hbm>>) target(%dma_start3A_3 : memref<80x128xf32, #tpu.memory_space<vmem>>) offsets(%dma_start3A_6 : memref<80xi32, #tpu.memory_space<vmem>>) semaphore(%arg7 : memref<!tpu.dma_semaphore, #tpu.memory_space<semaphore_mem>>)
    %dma_start3A_10 = arith.constant 1 : i32
    %dma_start3A_11 = arith.constant 80 : i32
    %dma_start3A_12 = arith.constant 0 : i32
    %dma_start3A_13 = tpu.memref_slice %arg6[%dma_start3A_11, %dma_start3A_12] : memref<400x128xf32, #tpu.memory_space<vmem>> -> memref<80x128xf32, #tpu.memory_space<vmem>>
    %dma_start3A_14 = arith.constant 0 : i32
    %dma_start3A_15 = tpu.memref_slice %arg5[%dma_start3A_10, %dma_start3A_14] : memref<5x80xi32, #tpu.memory_space<vmem>> -> memref<1x80xi32, #tpu.memory_space<vmem>>
    %dma_start3A_16 = tpu.memref_squeeze %dma_start3A_15 : memref<1x80xi32, #tpu.memory_space<vmem>> -> memref<80xi32, #tpu.memory_space<vmem>>
    %dma_start3A_17 = arith.constant 0 : i32
    %dma_start3A_18 = arith.constant 0 : i32
    %dma_start3A_19 = tpu.memref_slice %arg2[%dma_start3A_17, %dma_start3A_18] : memref<3200x128xf32, #tpu.memory_space<hbm>> -> memref<3200x128xf32, #tpu.memory_space<hbm>>
    tpu.enqueue_indirect_dma source(%dma_start3A_19 : memref<3200x128xf32, #tpu.memory_space<hbm>>) target(%dma_start3A_13 : memref<80x128xf32, #tpu.memory_space<vmem>>) offsets(%dma_start3A_16 : memref<80xi32, #tpu.memory_space<vmem>>) semaphore(%arg7 : memref<!tpu.dma_semaphore, #tpu.memory_space<semaphore_mem>>)
    %dma_start3A_20 = arith.constant 2 : i32
    %dma_start3A_21 = arith.constant 160 : i32
    %dma_start3A_22 = arith.constant 0 : i32
    %dma_start3A_23 = tpu.memref_slice %arg6[%dma_start3A_21, %dma_start3A_22] : memref<400x128xf32, #tpu.memory_space<vmem>> -> memref<80x128xf32, #tpu.memory_space<vmem>>
    %dma_start3A_24 = arith.constant 0 : i32
    %dma_start3A_25 = tpu.memref_slice %arg5[%dma_start3A_20, %dma_start3A_24] : memref<5x80xi32, #tpu.memory_space<vmem>> -> memref<1x80xi32, #tpu.memory_space<vmem>>
    %dma_start3A_26 = tpu.memref_squeeze %dma_start3A_25 : memref<1x80xi32, #tpu.memory_space<vmem>> -> memref<80xi32, #tpu.memory_space<vmem>>
    %dma_start3A_27 = arith.constant 0 : i32
    %dma_start3A_28 = arith.constant 0 : i32
    %dma_start3A_29 = tpu.memref_slice %arg2[%dma_start3A_27, %dma_start3A_28] : memref<3200x128xf32, #tpu.memory_space<hbm>> -> memref<3200x128xf32, #tpu.memory_space<hbm>>
    tpu.enqueue_indirect_dma source(%dma_start3A_29 : memref<3200x128xf32, #tpu.memory_space<hbm>>) target(%dma_start3A_23 : memref<80x128xf32, #tpu.memory_space<vmem>>) offsets(%dma_start3A_26 : memref<80xi32, #tpu.memory_space<vmem>>) semaphore(%arg7 : memref<!tpu.dma_semaphore, #tpu.memory_space<semaphore_mem>>)
    %dma_start3A_30 = arith.constant 3 : i32
    %dma_start3A_31 = arith.constant 240 : i32
    %dma_start3A_32 = arith.constant 0 : i32
    %dma_start3A_33 = tpu.memref_slice %arg6[%dma_start3A_31, %dma_start3A_32] : memref<400x128xf32, #tpu.memory_space<vmem>> -> memref<80x128xf32, #tpu.memory_space<vmem>>
    %dma_start3A_34 = arith.constant 0 : i32
    %dma_start3A_35 = tpu.memref_slice %arg5[%dma_start3A_30, %dma_start3A_34] : memref<5x80xi32, #tpu.memory_space<vmem>> -> memref<1x80xi32, #tpu.memory_space<vmem>>
    %dma_start3A_36 = tpu.memref_squeeze %dma_start3A_35 : memref<1x80xi32, #tpu.memory_space<vmem>> -> memref<80xi32, #tpu.memory_space<vmem>>
    %dma_start3A_37 = arith.constant 0 : i32
    %dma_start3A_38 = arith.constant 0 : i32
    %dma_start3A_39 = tpu.memref_slice %arg2[%dma_start3A_37, %dma_start3A_38] : memref<3200x128xf32, #tpu.memory_space<hbm>> -> memref<3200x128xf32, #tpu.memory_space<hbm>>
    tpu.enqueue_indirect_dma source(%dma_start3A_39 : memref<3200x128xf32, #tpu.memory_space<hbm>>) target(%dma_start3A_33 : memref<80x128xf32, #tpu.memory_space<vmem>>) offsets(%dma_start3A_36 : memref<80xi32, #tpu.memory_space<vmem>>) semaphore(%arg7 : memref<!tpu.dma_semaphore, #tpu.memory_space<semaphore_mem>>)
    %dma_start3A_40 = arith.constant 4 : i32
    %dma_start3A_41 = arith.constant 320 : i32
    %dma_start3A_42 = arith.constant 0 : i32
    %dma_start3A_43 = tpu.memref_slice %arg6[%dma_start3A_41, %dma_start3A_42] : memref<400x128xf32, #tpu.memory_space<vmem>> -> memref<80x128xf32, #tpu.memory_space<vmem>>
    %dma_start3A_44 = arith.constant 0 : i32
    %dma_start3A_45 = tpu.memref_slice %arg5[%dma_start3A_40, %dma_start3A_44] : memref<5x80xi32, #tpu.memory_space<vmem>> -> memref<1x80xi32, #tpu.memory_space<vmem>>
    %dma_start3A_46 = tpu.memref_squeeze %dma_start3A_45 : memref<1x80xi32, #tpu.memory_space<vmem>> -> memref<80xi32, #tpu.memory_space<vmem>>
    %dma_start3A_47 = arith.constant 0 : i32
    %dma_start3A_48 = arith.constant 0 : i32
    %dma_start3A_49 = tpu.memref_slice %arg2[%dma_start3A_47, %dma_start3A_48] : memref<3200x128xf32, #tpu.memory_space<hbm>> -> memref<3200x128xf32, #tpu.memory_space<hbm>>
    tpu.enqueue_indirect_dma source(%dma_start3A_49 : memref<3200x128xf32, #tpu.memory_space<hbm>>) target(%dma_start3A_43 : memref<80x128xf32, #tpu.memory_space<vmem>>) offsets(%dma_start3A_46 : memref<80xi32, #tpu.memory_space<vmem>>) semaphore(%arg7 : memref<!tpu.dma_semaphore, #tpu.memory_space<semaphore_mem>>)
    %dma_wait3A = arith.constant 0 : i32
    %dma_wait3A_50 = arith.constant 0 : i32
    %dma_wait3A_51 = arith.constant 0 : i32
    %dma_wait3A_52 = tpu.memref_slice %arg6[%dma_wait3A_50, %dma_wait3A_51] : memref<400x128xf32, #tpu.memory_space<vmem>> -> memref<80x128xf32, #tpu.memory_space<vmem>>
    %dma_wait3A_53 = arith.constant 0 : i32
    %dma_wait3A_54 = tpu.memref_slice %arg5[%dma_wait3A, %dma_wait3A_53] : memref<5x80xi32, #tpu.memory_space<vmem>> -> memref<1x80xi32, #tpu.memory_space<vmem>>
    %dma_wait3A_55 = tpu.memref_squeeze %dma_wait3A_54 : memref<1x80xi32, #tpu.memory_space<vmem>> -> memref<80xi32, #tpu.memory_space<vmem>>
    %dma_wait3A_56 = arith.constant 0 : i32
    %dma_wait3A_57 = arith.constant 0 : i32
    %dma_wait3A_58 = tpu.memref_slice %arg2[%dma_wait3A_56, %dma_wait3A_57] : memref<3200x128xf32, #tpu.memory_space<hbm>> -> memref<3200x128xf32, #tpu.memory_space<hbm>>
    tpu.wait_indirect_dma semaphore(%arg7 : memref<!tpu.dma_semaphore, #tpu.memory_space<semaphore_mem>>) src(%dma_wait3A_58 : memref<3200x128xf32, #tpu.memory_space<hbm>>) dst(%dma_wait3A_52 : memref<80x128xf32, #tpu.memory_space<vmem>>)
    %dma_wait3A_59 = arith.constant 1 : i32
    %dma_wait3A_60 = arith.constant 80 : i32
    %dma_wait3A_61 = arith.constant 0 : i32
    %dma_wait3A_62 = tpu.memref_slice %arg6[%dma_wait3A_60, %dma_wait3A_61] : memref<400x128xf32, #tpu.memory_space<vmem>> -> memref<80x128xf32, #tpu.memory_space<vmem>>
    %dma_wait3A_63 = arith.constant 0 : i32
    %dma_wait3A_64 = tpu.memref_slice %arg5[%dma_wait3A_59, %dma_wait3A_63] : memref<5x80xi32, #tpu.memory_space<vmem>> -> memref<1x80xi32, #tpu.memory_space<vmem>>
    %dma_wait3A_65 = tpu.memref_squeeze %dma_wait3A_64 : memref<1x80xi32, #tpu.memory_space<vmem>> -> memref<80xi32, #tpu.memory_space<vmem>>
    %dma_wait3A_66 = arith.constant 0 : i32
    %dma_wait3A_67 = arith.constant 0 : i32
    %dma_wait3A_68 = tpu.memref_slice %arg2[%dma_wait3A_66, %dma_wait3A_67] : memref<3200x128xf32, #tpu.memory_space<hbm>> -> memref<3200x128xf32, #tpu.memory_space<hbm>>
    tpu.wait_indirect_dma semaphore(%arg7 : memref<!tpu.dma_semaphore, #tpu.memory_space<semaphore_mem>>) src(%dma_wait3A_68 : memref<3200x128xf32, #tpu.memory_space<hbm>>) dst(%dma_wait3A_62 : memref<80x128xf32, #tpu.memory_space<vmem>>)
    %dma_wait3A_69 = arith.constant 2 : i32
    %dma_wait3A_70 = arith.constant 160 : i32
    %dma_wait3A_71 = arith.constant 0 : i32
    %dma_wait3A_72 = tpu.memref_slice %arg6[%dma_wait3A_70, %dma_wait3A_71] : memref<400x128xf32, #tpu.memory_space<vmem>> -> memref<80x128xf32, #tpu.memory_space<vmem>>
    %dma_wait3A_73 = arith.constant 0 : i32
    %dma_wait3A_74 = tpu.memref_slice %arg5[%dma_wait3A_69, %dma_wait3A_73] : memref<5x80xi32, #tpu.memory_space<vmem>> -> memref<1x80xi32, #tpu.memory_space<vmem>>
    %dma_wait3A_75 = tpu.memref_squeeze %dma_wait3A_74 : memref<1x80xi32, #tpu.memory_space<vmem>> -> memref<80xi32, #tpu.memory_space<vmem>>
    %dma_wait3A_76 = arith.constant 0 : i32
    %dma_wait3A_77 = arith.constant 0 : i32
    %dma_wait3A_78 = tpu.memref_slice %arg2[%dma_wait3A_76, %dma_wait3A_77] : memref<3200x128xf32, #tpu.memory_space<hbm>> -> memref<3200x128xf32, #tpu.memory_space<hbm>>
    tpu.wait_indirect_dma semaphore(%arg7 : memref<!tpu.dma_semaphore, #tpu.memory_space<semaphore_mem>>) src(%dma_wait3A_78 : memref<3200x128xf32, #tpu.memory_space<hbm>>) dst(%dma_wait3A_72 : memref<80x128xf32, #tpu.memory_space<vmem>>)
    %dma_wait3A_79 = arith.constant 3 : i32
    %dma_wait3A_80 = arith.constant 240 : i32
    %dma_wait3A_81 = arith.constant 0 : i32
    %dma_wait3A_82 = tpu.memref_slice %arg6[%dma_wait3A_80, %dma_wait3A_81] : memref<400x128xf32, #tpu.memory_space<vmem>> -> memref<80x128xf32, #tpu.memory_space<vmem>>
    %dma_wait3A_83 = arith.constant 0 : i32
    %dma_wait3A_84 = tpu.memref_slice %arg5[%dma_wait3A_79, %dma_wait3A_83] : memref<5x80xi32, #tpu.memory_space<vmem>> -> memref<1x80xi32, #tpu.memory_space<vmem>>
    %dma_wait3A_85 = tpu.memref_squeeze %dma_wait3A_84 : memref<1x80xi32, #tpu.memory_space<vmem>> -> memref<80xi32, #tpu.memory_space<vmem>>
    %dma_wait3A_86 = arith.constant 0 : i32
    %dma_wait3A_87 = arith.constant 0 : i32
    %dma_wait3A_88 = tpu.memref_slice %arg2[%dma_wait3A_86, %dma_wait3A_87] : memref<3200x128xf32, #tpu.memory_space<hbm>> -> memref<3200x128xf32, #tpu.memory_space<hbm>>
    tpu.wait_indirect_dma semaphore(%arg7 : memref<!tpu.dma_semaphore, #tpu.memory_space<semaphore_mem>>) src(%dma_wait3A_88 : memref<3200x128xf32, #tpu.memory_space<hbm>>) dst(%dma_wait3A_82 : memref<80x128xf32, #tpu.memory_space<vmem>>)
    %dma_wait3A_89 = arith.constant 4 : i32
    %dma_wait3A_90 = arith.constant 320 : i32
    %dma_wait3A_91 = arith.constant 0 : i32
    %dma_wait3A_92 = tpu.memref_slice %arg6[%dma_wait3A_90, %dma_wait3A_91] : memref<400x128xf32, #tpu.memory_space<vmem>> -> memref<80x128xf32, #tpu.memory_space<vmem>>
    %dma_wait3A_93 = arith.constant 0 : i32
    %dma_wait3A_94 = tpu.memref_slice %arg5[%dma_wait3A_89, %dma_wait3A_93] : memref<5x80xi32, #tpu.memory_space<vmem>> -> memref<1x80xi32, #tpu.memory_space<vmem>>
    %dma_wait3A_95 = tpu.memref_squeeze %dma_wait3A_94 : memref<1x80xi32, #tpu.memory_space<vmem>> -> memref<80xi32, #tpu.memory_space<vmem>>
    %dma_wait3A_96 = arith.constant 0 : i32
    %dma_wait3A_97 = arith.constant 0 : i32
    %dma_wait3A_98 = tpu.memref_slice %arg2[%dma_wait3A_96, %dma_wait3A_97] : memref<3200x128xf32, #tpu.memory_space<hbm>> -> memref<3200x128xf32, #tpu.memory_space<hbm>>
    tpu.wait_indirect_dma semaphore(%arg7 : memref<!tpu.dma_semaphore, #tpu.memory_space<semaphore_mem>>) src(%dma_wait3A_98 : memref<3200x128xf32, #tpu.memory_space<hbm>>) dst(%dma_wait3A_92 : memref<80x128xf32, #tpu.memory_space<vmem>>)
    %mul3A_99 = arith.constant 400 : i32
    %mul3A_100 = arith.muli %add3A, %mul3A_99 : i32
    "tpu.region"() ({
      %run_scoped3A = tpu.sem_alloc : memref<!tpu.dma_semaphore, #tpu.memory_space<semaphore_mem>>
      %dma_start3A_101 = arith.constant 0 : i32
      %dma_start3A_102 = tpu.memref_slice %arg4[%mul3A_100, %dma_start3A_101] : memref<12800x128xf32, #tpu.memory_space<hbm>> -> memref<400x128xf32, #tpu.memory_space<hbm>>
      %dma_start3A_103 = arith.constant 0 : i32
      %dma_start3A_104 = tpu.memref_slice %arg4[%mul3A_100, %dma_start3A_103] : memref<12800x128xf32, #tpu.memory_space<hbm>> -> memref<400x128xf32, #tpu.memory_space<hbm>>
      tpu.enqueue_dma source(%arg6 : memref<400x128xf32, #tpu.memory_space<vmem>>) target(%dma_start3A_104 : memref<400x128xf32, #tpu.memory_space<hbm>>) target_semaphore(%run_scoped3A : memref<!tpu.dma_semaphore, #tpu.memory_space<semaphore_mem>>)
      %dma_wait3A_105 = arith.constant 0 : i32
      %dma_wait3A_106 = tpu.memref_slice %arg4[%mul3A_100, %dma_wait3A_105] : memref<12800x128xf32, #tpu.memory_space<hbm>> -> memref<400x128xf32, #tpu.memory_space<hbm>>
      %dma_wait3A_107 = arith.constant 0 : i32
      %dma_wait3A_108 = tpu.memref_slice %arg4[%mul3A_100, %dma_wait3A_107] : memref<12800x128xf32, #tpu.memory_space<hbm>> -> memref<400x128xf32, #tpu.memory_space<hbm>>
      tpu.wait_dma2 semaphore(%run_scoped3A : memref<!tpu.dma_semaphore, #tpu.memory_space<semaphore_mem>>) src(%arg6 : memref<400x128xf32, #tpu.memory_space<vmem>>) dst(%dma_wait3A_108 : memref<400x128xf32, #tpu.memory_space<hbm>>)
      tpu.yield
    }) : () -> ()
    return
  }
}

#map = affine_map<(d0, d1) -> (0, 0)>
#map1 = affine_map<(d0, d1) -> (0, 0, 0)>
module attributes {stable_mosaic.version = 14 : i64} {
  func.func @k(%arg0: i32, %arg1: i32, %arg2: memref<12800x128xf32, #tpu.memory_space<hbm>>, %arg3: memref<32x5x80xi32, #tpu.memory_space<hbm>>, %arg4: memref<3200x128xf32, #tpu.memory_space<hbm>>, %arg5: memref<2x3200x128xf32, #tpu.memory_space<hbm>>, %arg6: memref<5x80xi32, #tpu.memory_space<vmem>>, %arg7: memref<400x128xf32, #tpu.memory_space<vmem>>, %arg8: memref<3200x128xf32, #tpu.memory_space<vmem_shared>>) attributes {dimension_semantics = [#tpu.dimension_semantics<core_parallel>, #tpu.dimension_semantics<subcore_parallel>], iteration_bounds = array<i64: 2, 16>, scalar_prefetch = 0 : i64, scratch_operands = 3 : i64, tpu.core_type = #tpu.core_type<sc_vector_subcore>, window_params = [{transform_indices = #map}, {transform_indices = #map1}, {transform_indices = #map}, {transform_indices = #map1}]} {
    %mul3A = arith.constant 2 : i32
    %mul3A_0 = arith.muli %arg1, %mul3A : i32
    %add3A = arith.addi %mul3A_0, %arg0 : i32
    %mul3A_1 = arith.constant 200 : i32
    %mul3A_2 = arith.muli %arg1, %mul3A_1 : i32
    %mul3A_3 = arith.constant 200 : i32
    %mul3A_4 = arith.muli %arg1, %mul3A_3 : i32
    "tpu.region"() ({
      %run_scoped3A_16 = tpu.sem_alloc : memref<!tpu.dma_semaphore, #tpu.memory_space<semaphore_mem>>
      %dma_start3A = arith.constant 0 : i32
      %dma_start3A_17 = tpu.memref_slice %arg8[%mul3A_4, %dma_start3A] : memref<3200x128xf32, #tpu.memory_space<vmem_shared>> -> memref<200x128xf32, #tpu.memory_space<vmem_shared>>
      %dma_start3A_18 = arith.constant 0 : i32
      %dma_start3A_19 = tpu.memref_slice %arg4[%mul3A_2, %dma_start3A_18] : memref<3200x128xf32, #tpu.memory_space<hbm>> -> memref<200x128xf32, #tpu.memory_space<hbm>>
      tpu.enqueue_dma source(%dma_start3A_19 : memref<200x128xf32, #tpu.memory_space<hbm>>) target(%dma_start3A_17 : memref<200x128xf32, #tpu.memory_space<vmem_shared>>) target_semaphore(%run_scoped3A_16 : memref<!tpu.dma_semaphore, #tpu.memory_space<semaphore_mem>>)
      %dma_wait3A = arith.constant 0 : i32
      %dma_wait3A_20 = tpu.memref_slice %arg8[%mul3A_4, %dma_wait3A] : memref<3200x128xf32, #tpu.memory_space<vmem_shared>> -> memref<200x128xf32, #tpu.memory_space<vmem_shared>>
      %dma_wait3A_21 = arith.constant 0 : i32
      %dma_wait3A_22 = tpu.memref_slice %arg4[%mul3A_2, %dma_wait3A_21] : memref<3200x128xf32, #tpu.memory_space<hbm>> -> memref<200x128xf32, #tpu.memory_space<hbm>>
      tpu.wait_dma2 semaphore(%run_scoped3A_16 : memref<!tpu.dma_semaphore, #tpu.memory_space<semaphore_mem>>) src(%dma_wait3A_22 : memref<200x128xf32, #tpu.memory_space<hbm>>) dst(%dma_wait3A_20 : memref<200x128xf32, #tpu.memory_space<vmem_shared>>)
      tpu.yield
    }) : () -> ()
    "tpu.region"() ({
      %run_scoped3A_16 = tpu.sem_alloc : memref<!tpu.dma_semaphore, #tpu.memory_space<semaphore_mem>>
      %dma_start3A = arith.constant 0 : i32
      %dma_start3A_17 = arith.constant 0 : i32
      %dma_start3A_18 = tpu.memref_slice %arg3[%add3A, %dma_start3A, %dma_start3A_17] : memref<32x5x80xi32, #tpu.memory_space<hbm>> -> memref<1x5x80xi32, #tpu.memory_space<hbm>>
      %dma_start3A_19 = tpu.memref_squeeze %dma_start3A_18 : memref<1x5x80xi32, #tpu.memory_space<hbm>> -> memref<5x80xi32, #tpu.memory_space<hbm>>
      %dma_start3A_20 = arith.constant 0 : i32
      %dma_start3A_21 = arith.constant 0 : i32
      %dma_start3A_22 = tpu.memref_slice %arg3[%add3A, %dma_start3A_20, %dma_start3A_21] : memref<32x5x80xi32, #tpu.memory_space<hbm>> -> memref<1x5x80xi32, #tpu.memory_space<hbm>>
      %dma_start3A_23 = tpu.memref_squeeze %dma_start3A_22 : memref<1x5x80xi32, #tpu.memory_space<hbm>> -> memref<5x80xi32, #tpu.memory_space<hbm>>
      tpu.enqueue_dma source(%dma_start3A_23 : memref<5x80xi32, #tpu.memory_space<hbm>>) target(%arg6 : memref<5x80xi32, #tpu.memory_space<vmem>>) target_semaphore(%run_scoped3A_16 : memref<!tpu.dma_semaphore, #tpu.memory_space<semaphore_mem>>)
      %dma_wait3A = arith.constant 0 : i32
      %dma_wait3A_24 = arith.constant 0 : i32
      %dma_wait3A_25 = tpu.memref_slice %arg3[%add3A, %dma_wait3A, %dma_wait3A_24] : memref<32x5x80xi32, #tpu.memory_space<hbm>> -> memref<1x5x80xi32, #tpu.memory_space<hbm>>
      %dma_wait3A_26 = tpu.memref_squeeze %dma_wait3A_25 : memref<1x5x80xi32, #tpu.memory_space<hbm>> -> memref<5x80xi32, #tpu.memory_space<hbm>>
      %dma_wait3A_27 = arith.constant 0 : i32
      %dma_wait3A_28 = arith.constant 0 : i32
      %dma_wait3A_29 = tpu.memref_slice %arg3[%add3A, %dma_wait3A_27, %dma_wait3A_28] : memref<32x5x80xi32, #tpu.memory_space<hbm>> -> memref<1x5x80xi32, #tpu.memory_space<hbm>>
      %dma_wait3A_30 = tpu.memref_squeeze %dma_wait3A_29 : memref<1x5x80xi32, #tpu.memory_space<hbm>> -> memref<5x80xi32, #tpu.memory_space<hbm>>
      tpu.wait_dma2 semaphore(%run_scoped3A_16 : memref<!tpu.dma_semaphore, #tpu.memory_space<semaphore_mem>>) src(%dma_wait3A_30 : memref<5x80xi32, #tpu.memory_space<hbm>>) dst(%arg6 : memref<5x80xi32, #tpu.memory_space<vmem>>)
      tpu.yield
    }) : () -> ()
    %mul3A_5 = arith.constant 400 : i32
    %mul3A_6 = arith.muli %add3A, %mul3A_5 : i32
    "tpu.region"() ({
      %run_scoped3A_16 = tpu.sem_alloc : memref<!tpu.dma_semaphore, #tpu.memory_space<semaphore_mem>>
      %dma_start3A = arith.constant 0 : i32
      %dma_start3A_17 = tpu.memref_slice %arg2[%mul3A_6, %dma_start3A] : memref<12800x128xf32, #tpu.memory_space<hbm>> -> memref<400x128xf32, #tpu.memory_space<hbm>>
      %dma_start3A_18 = arith.constant 0 : i32
      %dma_start3A_19 = tpu.memref_slice %arg2[%mul3A_6, %dma_start3A_18] : memref<12800x128xf32, #tpu.memory_space<hbm>> -> memref<400x128xf32, #tpu.memory_space<hbm>>
      tpu.enqueue_dma source(%dma_start3A_19 : memref<400x128xf32, #tpu.memory_space<hbm>>) target(%arg7 : memref<400x128xf32, #tpu.memory_space<vmem>>) target_semaphore(%run_scoped3A_16 : memref<!tpu.dma_semaphore, #tpu.memory_space<semaphore_mem>>)
      %dma_wait3A = arith.constant 0 : i32
      %dma_wait3A_20 = tpu.memref_slice %arg2[%mul3A_6, %dma_wait3A] : memref<12800x128xf32, #tpu.memory_space<hbm>> -> memref<400x128xf32, #tpu.memory_space<hbm>>
      %dma_wait3A_21 = arith.constant 0 : i32
      %dma_wait3A_22 = tpu.memref_slice %arg2[%mul3A_6, %dma_wait3A_21] : memref<12800x128xf32, #tpu.memory_space<hbm>> -> memref<400x128xf32, #tpu.memory_space<hbm>>
      tpu.wait_dma2 semaphore(%run_scoped3A_16 : memref<!tpu.dma_semaphore, #tpu.memory_space<semaphore_mem>>) src(%dma_wait3A_22 : memref<400x128xf32, #tpu.memory_space<hbm>>) dst(%arg7 : memref<400x128xf32, #tpu.memory_space<vmem>>)
      tpu.yield
    }) : () -> ()
    %barrier3A = arith.constant 0 : index
    tpu.barrier barrier_id(%barrier3A)
    %run_scoped3A = arith.constant 0 : i32
    "tpu.region"() ({
      %run_scoped3A_16 = tpu.sem_alloc : memref<!tpu.dma_semaphore, #tpu.memory_space<semaphore_mem>>
      %dma_start3A = arith.constant 0 : i32
      %dma_start3A_17 = arith.constant 0 : i32
      %dma_start3A_18 = tpu.memref_slice %arg7[%dma_start3A, %dma_start3A_17] : memref<400x128xf32, #tpu.memory_space<vmem>> -> memref<80x128xf32, #tpu.memory_space<vmem>>
      %dma_start3A_19 = arith.constant 0 : i32
      %dma_start3A_20 = tpu.memref_slice %arg6[%run_scoped3A, %dma_start3A_19] : memref<5x80xi32, #tpu.memory_space<vmem>> -> memref<1x80xi32, #tpu.memory_space<vmem>>
      %dma_start3A_21 = tpu.memref_squeeze %dma_start3A_20 : memref<1x80xi32, #tpu.memory_space<vmem>> -> memref<80xi32, #tpu.memory_space<vmem>>
      %dma_start3A_22 = arith.constant 0 : i32
      %dma_start3A_23 = arith.constant 0 : i32
      %dma_start3A_24 = tpu.memref_slice %arg8[%dma_start3A_22, %dma_start3A_23] : memref<3200x128xf32, #tpu.memory_space<vmem_shared>> -> memref<3200x128xf32, #tpu.memory_space<vmem_shared>>
      tpu.enqueue_indirect_dma source(%dma_start3A_18 : memref<80x128xf32, #tpu.memory_space<vmem>>) target(%dma_start3A_24 : memref<3200x128xf32, #tpu.memory_space<vmem_shared>>) offsets(%dma_start3A_21 : memref<80xi32, #tpu.memory_space<vmem>>) semaphore(%run_scoped3A_16 : memref<!tpu.dma_semaphore, #tpu.memory_space<semaphore_mem>>) {add = true}
      %dma_wait3A = arith.constant 0 : i32
      %dma_wait3A_25 = arith.constant 0 : i32
      %dma_wait3A_26 = tpu.memref_slice %arg7[%dma_wait3A, %dma_wait3A_25] : memref<400x128xf32, #tpu.memory_space<vmem>> -> memref<80x128xf32, #tpu.memory_space<vmem>>
      %dma_wait3A_27 = arith.constant 0 : i32
      %dma_wait3A_28 = tpu.memref_slice %arg6[%run_scoped3A, %dma_wait3A_27] : memref<5x80xi32, #tpu.memory_space<vmem>> -> memref<1x80xi32, #tpu.memory_space<vmem>>
      %dma_wait3A_29 = tpu.memref_squeeze %dma_wait3A_28 : memref<1x80xi32, #tpu.memory_space<vmem>> -> memref<80xi32, #tpu.memory_space<vmem>>
      %dma_wait3A_30 = arith.constant 0 : i32
      %dma_wait3A_31 = arith.constant 0 : i32
      %dma_wait3A_32 = tpu.memref_slice %arg8[%dma_wait3A_30, %dma_wait3A_31] : memref<3200x128xf32, #tpu.memory_space<vmem_shared>> -> memref<3200x128xf32, #tpu.memory_space<vmem_shared>>
      tpu.wait_indirect_dma semaphore(%run_scoped3A_16 : memref<!tpu.dma_semaphore, #tpu.memory_space<semaphore_mem>>) src(%dma_wait3A_26 : memref<80x128xf32, #tpu.memory_space<vmem>>) dst(%dma_wait3A_32 : memref<3200x128xf32, #tpu.memory_space<vmem_shared>>)
      tpu.yield
    }) : () -> ()
    %run_scoped3A_7 = arith.constant 1 : i32
    "tpu.region"() ({
      %run_scoped3A_16 = tpu.sem_alloc : memref<!tpu.dma_semaphore, #tpu.memory_space<semaphore_mem>>
      %dma_start3A = arith.constant 80 : i32
      %dma_start3A_17 = arith.constant 0 : i32
      %dma_start3A_18 = tpu.memref_slice %arg7[%dma_start3A, %dma_start3A_17] : memref<400x128xf32, #tpu.memory_space<vmem>> -> memref<80x128xf32, #tpu.memory_space<vmem>>
      %dma_start3A_19 = arith.constant 0 : i32
      %dma_start3A_20 = tpu.memref_slice %arg6[%run_scoped3A_7, %dma_start3A_19] : memref<5x80xi32, #tpu.memory_space<vmem>> -> memref<1x80xi32, #tpu.memory_space<vmem>>
      %dma_start3A_21 = tpu.memref_squeeze %dma_start3A_20 : memref<1x80xi32, #tpu.memory_space<vmem>> -> memref<80xi32, #tpu.memory_space<vmem>>
      %dma_start3A_22 = arith.constant 0 : i32
      %dma_start3A_23 = arith.constant 0 : i32
      %dma_start3A_24 = tpu.memref_slice %arg8[%dma_start3A_22, %dma_start3A_23] : memref<3200x128xf32, #tpu.memory_space<vmem_shared>> -> memref<3200x128xf32, #tpu.memory_space<vmem_shared>>
      tpu.enqueue_indirect_dma source(%dma_start3A_18 : memref<80x128xf32, #tpu.memory_space<vmem>>) target(%dma_start3A_24 : memref<3200x128xf32, #tpu.memory_space<vmem_shared>>) offsets(%dma_start3A_21 : memref<80xi32, #tpu.memory_space<vmem>>) semaphore(%run_scoped3A_16 : memref<!tpu.dma_semaphore, #tpu.memory_space<semaphore_mem>>) {add = true}
      %dma_wait3A = arith.constant 80 : i32
      %dma_wait3A_25 = arith.constant 0 : i32
      %dma_wait3A_26 = tpu.memref_slice %arg7[%dma_wait3A, %dma_wait3A_25] : memref<400x128xf32, #tpu.memory_space<vmem>> -> memref<80x128xf32, #tpu.memory_space<vmem>>
      %dma_wait3A_27 = arith.constant 0 : i32
      %dma_wait3A_28 = tpu.memref_slice %arg6[%run_scoped3A_7, %dma_wait3A_27] : memref<5x80xi32, #tpu.memory_space<vmem>> -> memref<1x80xi32, #tpu.memory_space<vmem>>
      %dma_wait3A_29 = tpu.memref_squeeze %dma_wait3A_28 : memref<1x80xi32, #tpu.memory_space<vmem>> -> memref<80xi32, #tpu.memory_space<vmem>>
      %dma_wait3A_30 = arith.constant 0 : i32
      %dma_wait3A_31 = arith.constant 0 : i32
      %dma_wait3A_32 = tpu.memref_slice %arg8[%dma_wait3A_30, %dma_wait3A_31] : memref<3200x128xf32, #tpu.memory_space<vmem_shared>> -> memref<3200x128xf32, #tpu.memory_space<vmem_shared>>
      tpu.wait_indirect_dma semaphore(%run_scoped3A_16 : memref<!tpu.dma_semaphore, #tpu.memory_space<semaphore_mem>>) src(%dma_wait3A_26 : memref<80x128xf32, #tpu.memory_space<vmem>>) dst(%dma_wait3A_32 : memref<3200x128xf32, #tpu.memory_space<vmem_shared>>)
      tpu.yield
    }) : () -> ()
    %run_scoped3A_8 = arith.constant 2 : i32
    "tpu.region"() ({
      %run_scoped3A_16 = tpu.sem_alloc : memref<!tpu.dma_semaphore, #tpu.memory_space<semaphore_mem>>
      %dma_start3A = arith.constant 160 : i32
      %dma_start3A_17 = arith.constant 0 : i32
      %dma_start3A_18 = tpu.memref_slice %arg7[%dma_start3A, %dma_start3A_17] : memref<400x128xf32, #tpu.memory_space<vmem>> -> memref<80x128xf32, #tpu.memory_space<vmem>>
      %dma_start3A_19 = arith.constant 0 : i32
      %dma_start3A_20 = tpu.memref_slice %arg6[%run_scoped3A_8, %dma_start3A_19] : memref<5x80xi32, #tpu.memory_space<vmem>> -> memref<1x80xi32, #tpu.memory_space<vmem>>
      %dma_start3A_21 = tpu.memref_squeeze %dma_start3A_20 : memref<1x80xi32, #tpu.memory_space<vmem>> -> memref<80xi32, #tpu.memory_space<vmem>>
      %dma_start3A_22 = arith.constant 0 : i32
      %dma_start3A_23 = arith.constant 0 : i32
      %dma_start3A_24 = tpu.memref_slice %arg8[%dma_start3A_22, %dma_start3A_23] : memref<3200x128xf32, #tpu.memory_space<vmem_shared>> -> memref<3200x128xf32, #tpu.memory_space<vmem_shared>>
      tpu.enqueue_indirect_dma source(%dma_start3A_18 : memref<80x128xf32, #tpu.memory_space<vmem>>) target(%dma_start3A_24 : memref<3200x128xf32, #tpu.memory_space<vmem_shared>>) offsets(%dma_start3A_21 : memref<80xi32, #tpu.memory_space<vmem>>) semaphore(%run_scoped3A_16 : memref<!tpu.dma_semaphore, #tpu.memory_space<semaphore_mem>>) {add = true}
      %dma_wait3A = arith.constant 160 : i32
      %dma_wait3A_25 = arith.constant 0 : i32
      %dma_wait3A_26 = tpu.memref_slice %arg7[%dma_wait3A, %dma_wait3A_25] : memref<400x128xf32, #tpu.memory_space<vmem>> -> memref<80x128xf32, #tpu.memory_space<vmem>>
      %dma_wait3A_27 = arith.constant 0 : i32
      %dma_wait3A_28 = tpu.memref_slice %arg6[%run_scoped3A_8, %dma_wait3A_27] : memref<5x80xi32, #tpu.memory_space<vmem>> -> memref<1x80xi32, #tpu.memory_space<vmem>>
      %dma_wait3A_29 = tpu.memref_squeeze %dma_wait3A_28 : memref<1x80xi32, #tpu.memory_space<vmem>> -> memref<80xi32, #tpu.memory_space<vmem>>
      %dma_wait3A_30 = arith.constant 0 : i32
      %dma_wait3A_31 = arith.constant 0 : i32
      %dma_wait3A_32 = tpu.memref_slice %arg8[%dma_wait3A_30, %dma_wait3A_31] : memref<3200x128xf32, #tpu.memory_space<vmem_shared>> -> memref<3200x128xf32, #tpu.memory_space<vmem_shared>>
      tpu.wait_indirect_dma semaphore(%run_scoped3A_16 : memref<!tpu.dma_semaphore, #tpu.memory_space<semaphore_mem>>) src(%dma_wait3A_26 : memref<80x128xf32, #tpu.memory_space<vmem>>) dst(%dma_wait3A_32 : memref<3200x128xf32, #tpu.memory_space<vmem_shared>>)
      tpu.yield
    }) : () -> ()
    %run_scoped3A_9 = arith.constant 3 : i32
    "tpu.region"() ({
      %run_scoped3A_16 = tpu.sem_alloc : memref<!tpu.dma_semaphore, #tpu.memory_space<semaphore_mem>>
      %dma_start3A = arith.constant 240 : i32
      %dma_start3A_17 = arith.constant 0 : i32
      %dma_start3A_18 = tpu.memref_slice %arg7[%dma_start3A, %dma_start3A_17] : memref<400x128xf32, #tpu.memory_space<vmem>> -> memref<80x128xf32, #tpu.memory_space<vmem>>
      %dma_start3A_19 = arith.constant 0 : i32
      %dma_start3A_20 = tpu.memref_slice %arg6[%run_scoped3A_9, %dma_start3A_19] : memref<5x80xi32, #tpu.memory_space<vmem>> -> memref<1x80xi32, #tpu.memory_space<vmem>>
      %dma_start3A_21 = tpu.memref_squeeze %dma_start3A_20 : memref<1x80xi32, #tpu.memory_space<vmem>> -> memref<80xi32, #tpu.memory_space<vmem>>
      %dma_start3A_22 = arith.constant 0 : i32
      %dma_start3A_23 = arith.constant 0 : i32
      %dma_start3A_24 = tpu.memref_slice %arg8[%dma_start3A_22, %dma_start3A_23] : memref<3200x128xf32, #tpu.memory_space<vmem_shared>> -> memref<3200x128xf32, #tpu.memory_space<vmem_shared>>
      tpu.enqueue_indirect_dma source(%dma_start3A_18 : memref<80x128xf32, #tpu.memory_space<vmem>>) target(%dma_start3A_24 : memref<3200x128xf32, #tpu.memory_space<vmem_shared>>) offsets(%dma_start3A_21 : memref<80xi32, #tpu.memory_space<vmem>>) semaphore(%run_scoped3A_16 : memref<!tpu.dma_semaphore, #tpu.memory_space<semaphore_mem>>) {add = true}
      %dma_wait3A = arith.constant 240 : i32
      %dma_wait3A_25 = arith.constant 0 : i32
      %dma_wait3A_26 = tpu.memref_slice %arg7[%dma_wait3A, %dma_wait3A_25] : memref<400x128xf32, #tpu.memory_space<vmem>> -> memref<80x128xf32, #tpu.memory_space<vmem>>
      %dma_wait3A_27 = arith.constant 0 : i32
      %dma_wait3A_28 = tpu.memref_slice %arg6[%run_scoped3A_9, %dma_wait3A_27] : memref<5x80xi32, #tpu.memory_space<vmem>> -> memref<1x80xi32, #tpu.memory_space<vmem>>
      %dma_wait3A_29 = tpu.memref_squeeze %dma_wait3A_28 : memref<1x80xi32, #tpu.memory_space<vmem>> -> memref<80xi32, #tpu.memory_space<vmem>>
      %dma_wait3A_30 = arith.constant 0 : i32
      %dma_wait3A_31 = arith.constant 0 : i32
      %dma_wait3A_32 = tpu.memref_slice %arg8[%dma_wait3A_30, %dma_wait3A_31] : memref<3200x128xf32, #tpu.memory_space<vmem_shared>> -> memref<3200x128xf32, #tpu.memory_space<vmem_shared>>
      tpu.wait_indirect_dma semaphore(%run_scoped3A_16 : memref<!tpu.dma_semaphore, #tpu.memory_space<semaphore_mem>>) src(%dma_wait3A_26 : memref<80x128xf32, #tpu.memory_space<vmem>>) dst(%dma_wait3A_32 : memref<3200x128xf32, #tpu.memory_space<vmem_shared>>)
      tpu.yield
    }) : () -> ()
    %run_scoped3A_10 = arith.constant 4 : i32
    "tpu.region"() ({
      %run_scoped3A_16 = tpu.sem_alloc : memref<!tpu.dma_semaphore, #tpu.memory_space<semaphore_mem>>
      %dma_start3A = arith.constant 320 : i32
      %dma_start3A_17 = arith.constant 0 : i32
      %dma_start3A_18 = tpu.memref_slice %arg7[%dma_start3A, %dma_start3A_17] : memref<400x128xf32, #tpu.memory_space<vmem>> -> memref<80x128xf32, #tpu.memory_space<vmem>>
      %dma_start3A_19 = arith.constant 0 : i32
      %dma_start3A_20 = tpu.memref_slice %arg6[%run_scoped3A_10, %dma_start3A_19] : memref<5x80xi32, #tpu.memory_space<vmem>> -> memref<1x80xi32, #tpu.memory_space<vmem>>
      %dma_start3A_21 = tpu.memref_squeeze %dma_start3A_20 : memref<1x80xi32, #tpu.memory_space<vmem>> -> memref<80xi32, #tpu.memory_space<vmem>>
      %dma_start3A_22 = arith.constant 0 : i32
      %dma_start3A_23 = arith.constant 0 : i32
      %dma_start3A_24 = tpu.memref_slice %arg8[%dma_start3A_22, %dma_start3A_23] : memref<3200x128xf32, #tpu.memory_space<vmem_shared>> -> memref<3200x128xf32, #tpu.memory_space<vmem_shared>>
      tpu.enqueue_indirect_dma source(%dma_start3A_18 : memref<80x128xf32, #tpu.memory_space<vmem>>) target(%dma_start3A_24 : memref<3200x128xf32, #tpu.memory_space<vmem_shared>>) offsets(%dma_start3A_21 : memref<80xi32, #tpu.memory_space<vmem>>) semaphore(%run_scoped3A_16 : memref<!tpu.dma_semaphore, #tpu.memory_space<semaphore_mem>>) {add = true}
      %dma_wait3A = arith.constant 320 : i32
      %dma_wait3A_25 = arith.constant 0 : i32
      %dma_wait3A_26 = tpu.memref_slice %arg7[%dma_wait3A, %dma_wait3A_25] : memref<400x128xf32, #tpu.memory_space<vmem>> -> memref<80x128xf32, #tpu.memory_space<vmem>>
      %dma_wait3A_27 = arith.constant 0 : i32
      %dma_wait3A_28 = tpu.memref_slice %arg6[%run_scoped3A_10, %dma_wait3A_27] : memref<5x80xi32, #tpu.memory_space<vmem>> -> memref<1x80xi32, #tpu.memory_space<vmem>>
      %dma_wait3A_29 = tpu.memref_squeeze %dma_wait3A_28 : memref<1x80xi32, #tpu.memory_space<vmem>> -> memref<80xi32, #tpu.memory_space<vmem>>
      %dma_wait3A_30 = arith.constant 0 : i32
      %dma_wait3A_31 = arith.constant 0 : i32
      %dma_wait3A_32 = tpu.memref_slice %arg8[%dma_wait3A_30, %dma_wait3A_31] : memref<3200x128xf32, #tpu.memory_space<vmem_shared>> -> memref<3200x128xf32, #tpu.memory_space<vmem_shared>>
      tpu.wait_indirect_dma semaphore(%run_scoped3A_16 : memref<!tpu.dma_semaphore, #tpu.memory_space<semaphore_mem>>) src(%dma_wait3A_26 : memref<80x128xf32, #tpu.memory_space<vmem>>) dst(%dma_wait3A_32 : memref<3200x128xf32, #tpu.memory_space<vmem_shared>>)
      tpu.yield
    }) : () -> ()
    %barrier3A_11 = arith.constant 0 : index
    tpu.barrier barrier_id(%barrier3A_11)
    %mul3A_12 = arith.constant 200 : i32
    %mul3A_13 = arith.muli %arg1, %mul3A_12 : i32
    %mul3A_14 = arith.constant 200 : i32
    %mul3A_15 = arith.muli %arg1, %mul3A_14 : i32
    "tpu.region"() ({
      %run_scoped3A_16 = tpu.sem_alloc : memref<!tpu.dma_semaphore, #tpu.memory_space<semaphore_mem>>
      %dma_start3A = arith.constant 0 : i32
      %dma_start3A_17 = tpu.memref_slice %arg5[%arg0, %mul3A_15, %dma_start3A] : memref<2x3200x128xf32, #tpu.memory_space<hbm>> -> memref<1x200x128xf32, #tpu.memory_space<hbm>>
      %dma_start3A_18 = tpu.memref_squeeze %dma_start3A_17 : memref<1x200x128xf32, #tpu.memory_space<hbm>> -> memref<200x128xf32, #tpu.memory_space<hbm>>
      %dma_start3A_19 = arith.constant 0 : i32
      %dma_start3A_20 = tpu.memref_slice %arg8[%mul3A_13, %dma_start3A_19] : memref<3200x128xf32, #tpu.memory_space<vmem_shared>> -> memref<200x128xf32, #tpu.memory_space<vmem_shared>>
      tpu.enqueue_dma source(%dma_start3A_20 : memref<200x128xf32, #tpu.memory_space<vmem_shared>>) target(%dma_start3A_18 : memref<200x128xf32, #tpu.memory_space<hbm>>) target_semaphore(%run_scoped3A_16 : memref<!tpu.dma_semaphore, #tpu.memory_space<semaphore_mem>>)
      %dma_wait3A = arith.constant 0 : i32
      %dma_wait3A_21 = tpu.memref_slice %arg5[%arg0, %mul3A_15, %dma_wait3A] : memref<2x3200x128xf32, #tpu.memory_space<hbm>> -> memref<1x200x128xf32, #tpu.memory_space<hbm>>
      %dma_wait3A_22 = tpu.memref_squeeze %dma_wait3A_21 : memref<1x200x128xf32, #tpu.memory_space<hbm>> -> memref<200x128xf32, #tpu.memory_space<hbm>>
      %dma_wait3A_23 = arith.constant 0 : i32
      %dma_wait3A_24 = tpu.memref_slice %arg8[%mul3A_13, %dma_wait3A_23] : memref<3200x128xf32, #tpu.memory_space<vmem_shared>> -> memref<200x128xf32, #tpu.memory_space<vmem_shared>>
      tpu.wait_dma2 semaphore(%run_scoped3A_16 : memref<!tpu.dma_semaphore, #tpu.memory_space<semaphore_mem>>) src(%dma_wait3A_24 : memref<200x128xf32, #tpu.memory_space<vmem_shared>>) dst(%dma_wait3A_22 : memref<200x128xf32, #tpu.memory_space<hbm>>)
      tpu.yield
    }) : () -> ()
    return
  }
}

#map = affine_map<(d0, d1) -> (0, 0)>
#map1 = affine_map<(d0, d1) -> (0, 0, 0)>
module attributes {stable_mosaic.version = 14 : i64} {
  func.func @k(%arg0: i32, %arg1: i32, %arg2: memref<12800x128xf32, #tpu.memory_space<hbm>>, %arg3: memref<32x5x80xi32, #tpu.memory_space<hbm>>, %arg4: memref<3200x128xf32, #tpu.memory_space<hbm>>, %arg5: memref<2x3200x128xf32, #tpu.memory_space<hbm>>, %arg6: memref<5x80xi32, #tpu.memory_space<vmem>>, %arg7: memref<400x128xf32, #tpu.memory_space<vmem>>, %arg8: memref<3200x128xf32, #tpu.memory_space<vmem_shared>>) attributes {dimension_semantics = [#tpu.dimension_semantics<core_parallel>, #tpu.dimension_semantics<subcore_parallel>], iteration_bounds = array<i64: 2, 16>, scalar_prefetch = 0 : i64, scratch_operands = 3 : i64, tpu.core_type = #tpu.core_type<sc_vector_subcore>, window_params = [{transform_indices = #map}, {transform_indices = #map1}, {transform_indices = #map}, {transform_indices = #map1}]} {
    %mul3A = arith.constant 2 : i32
    %mul3A_0 = arith.muli %arg1, %mul3A : i32
    %add3A = arith.addi %mul3A_0, %arg0 : i32
    %mul3A_1 = arith.constant 200 : i32
    %mul3A_2 = arith.muli %arg1, %mul3A_1 : i32
    %mul3A_3 = arith.constant 200 : i32
    %mul3A_4 = arith.muli %arg1, %mul3A_3 : i32
    "tpu.region"() ({
      %run_scoped3A_16 = tpu.sem_alloc : memref<!tpu.dma_semaphore, #tpu.memory_space<semaphore_mem>>
      %dma_start3A = arith.constant 0 : i32
      %dma_start3A_17 = tpu.memref_slice %arg8[%mul3A_4, %dma_start3A] : memref<3200x128xf32, #tpu.memory_space<vmem_shared>> -> memref<200x128xf32, #tpu.memory_space<vmem_shared>>
      %dma_start3A_18 = arith.constant 0 : i32
      %dma_start3A_19 = tpu.memref_slice %arg4[%mul3A_2, %dma_start3A_18] : memref<3200x128xf32, #tpu.memory_space<hbm>> -> memref<200x128xf32, #tpu.memory_space<hbm>>
      tpu.enqueue_dma source(%dma_start3A_19 : memref<200x128xf32, #tpu.memory_space<hbm>>) target(%dma_start3A_17 : memref<200x128xf32, #tpu.memory_space<vmem_shared>>) target_semaphore(%run_scoped3A_16 : memref<!tpu.dma_semaphore, #tpu.memory_space<semaphore_mem>>)
      %dma_wait3A = arith.constant 0 : i32
      %dma_wait3A_20 = tpu.memref_slice %arg8[%mul3A_4, %dma_wait3A] : memref<3200x128xf32, #tpu.memory_space<vmem_shared>> -> memref<200x128xf32, #tpu.memory_space<vmem_shared>>
      %dma_wait3A_21 = arith.constant 0 : i32
      %dma_wait3A_22 = tpu.memref_slice %arg4[%mul3A_2, %dma_wait3A_21] : memref<3200x128xf32, #tpu.memory_space<hbm>> -> memref<200x128xf32, #tpu.memory_space<hbm>>
      tpu.wait_dma2 semaphore(%run_scoped3A_16 : memref<!tpu.dma_semaphore, #tpu.memory_space<semaphore_mem>>) src(%dma_wait3A_22 : memref<200x128xf32, #tpu.memory_space<hbm>>) dst(%dma_wait3A_20 : memref<200x128xf32, #tpu.memory_space<vmem_shared>>)
      tpu.yield
    }) : () -> ()
    "tpu.region"() ({
      %run_scoped3A_16 = tpu.sem_alloc : memref<!tpu.dma_semaphore, #tpu.memory_space<semaphore_mem>>
      %dma_start3A = arith.constant 0 : i32
      %dma_start3A_17 = arith.constant 0 : i32
      %dma_start3A_18 = tpu.memref_slice %arg3[%add3A, %dma_start3A, %dma_start3A_17] : memref<32x5x80xi32, #tpu.memory_space<hbm>> -> memref<1x5x80xi32, #tpu.memory_space<hbm>>
      %dma_start3A_19 = tpu.memref_squeeze %dma_start3A_18 : memref<1x5x80xi32, #tpu.memory_space<hbm>> -> memref<5x80xi32, #tpu.memory_space<hbm>>
      %dma_start3A_20 = arith.constant 0 : i32
      %dma_start3A_21 = arith.constant 0 : i32
      %dma_start3A_22 = tpu.memref_slice %arg3[%add3A, %dma_start3A_20, %dma_start3A_21] : memref<32x5x80xi32, #tpu.memory_space<hbm>> -> memref<1x5x80xi32, #tpu.memory_space<hbm>>
      %dma_start3A_23 = tpu.memref_squeeze %dma_start3A_22 : memref<1x5x80xi32, #tpu.memory_space<hbm>> -> memref<5x80xi32, #tpu.memory_space<hbm>>
      tpu.enqueue_dma source(%dma_start3A_23 : memref<5x80xi32, #tpu.memory_space<hbm>>) target(%arg6 : memref<5x80xi32, #tpu.memory_space<vmem>>) target_semaphore(%run_scoped3A_16 : memref<!tpu.dma_semaphore, #tpu.memory_space<semaphore_mem>>)
      %dma_wait3A = arith.constant 0 : i32
      %dma_wait3A_24 = arith.constant 0 : i32
      %dma_wait3A_25 = tpu.memref_slice %arg3[%add3A, %dma_wait3A, %dma_wait3A_24] : memref<32x5x80xi32, #tpu.memory_space<hbm>> -> memref<1x5x80xi32, #tpu.memory_space<hbm>>
      %dma_wait3A_26 = tpu.memref_squeeze %dma_wait3A_25 : memref<1x5x80xi32, #tpu.memory_space<hbm>> -> memref<5x80xi32, #tpu.memory_space<hbm>>
      %dma_wait3A_27 = arith.constant 0 : i32
      %dma_wait3A_28 = arith.constant 0 : i32
      %dma_wait3A_29 = tpu.memref_slice %arg3[%add3A, %dma_wait3A_27, %dma_wait3A_28] : memref<32x5x80xi32, #tpu.memory_space<hbm>> -> memref<1x5x80xi32, #tpu.memory_space<hbm>>
      %dma_wait3A_30 = tpu.memref_squeeze %dma_wait3A_29 : memref<1x5x80xi32, #tpu.memory_space<hbm>> -> memref<5x80xi32, #tpu.memory_space<hbm>>
      tpu.wait_dma2 semaphore(%run_scoped3A_16 : memref<!tpu.dma_semaphore, #tpu.memory_space<semaphore_mem>>) src(%dma_wait3A_30 : memref<5x80xi32, #tpu.memory_space<hbm>>) dst(%arg6 : memref<5x80xi32, #tpu.memory_space<vmem>>)
      tpu.yield
    }) : () -> ()
    %mul3A_5 = arith.constant 400 : i32
    %mul3A_6 = arith.muli %add3A, %mul3A_5 : i32
    "tpu.region"() ({
      %run_scoped3A_16 = tpu.sem_alloc : memref<!tpu.dma_semaphore, #tpu.memory_space<semaphore_mem>>
      %dma_start3A = arith.constant 0 : i32
      %dma_start3A_17 = tpu.memref_slice %arg2[%mul3A_6, %dma_start3A] : memref<12800x128xf32, #tpu.memory_space<hbm>> -> memref<400x128xf32, #tpu.memory_space<hbm>>
      %dma_start3A_18 = arith.constant 0 : i32
      %dma_start3A_19 = tpu.memref_slice %arg2[%mul3A_6, %dma_start3A_18] : memref<12800x128xf32, #tpu.memory_space<hbm>> -> memref<400x128xf32, #tpu.memory_space<hbm>>
      tpu.enqueue_dma source(%dma_start3A_19 : memref<400x128xf32, #tpu.memory_space<hbm>>) target(%arg7 : memref<400x128xf32, #tpu.memory_space<vmem>>) target_semaphore(%run_scoped3A_16 : memref<!tpu.dma_semaphore, #tpu.memory_space<semaphore_mem>>)
      %dma_wait3A = arith.constant 0 : i32
      %dma_wait3A_20 = tpu.memref_slice %arg2[%mul3A_6, %dma_wait3A] : memref<12800x128xf32, #tpu.memory_space<hbm>> -> memref<400x128xf32, #tpu.memory_space<hbm>>
      %dma_wait3A_21 = arith.constant 0 : i32
      %dma_wait3A_22 = tpu.memref_slice %arg2[%mul3A_6, %dma_wait3A_21] : memref<12800x128xf32, #tpu.memory_space<hbm>> -> memref<400x128xf32, #tpu.memory_space<hbm>>
      tpu.wait_dma2 semaphore(%run_scoped3A_16 : memref<!tpu.dma_semaphore, #tpu.memory_space<semaphore_mem>>) src(%dma_wait3A_22 : memref<400x128xf32, #tpu.memory_space<hbm>>) dst(%arg7 : memref<400x128xf32, #tpu.memory_space<vmem>>)
      tpu.yield
    }) : () -> ()
    %barrier3A = arith.constant 0 : index
    tpu.barrier barrier_id(%barrier3A)
    %run_scoped3A = arith.constant 0 : i32
    "tpu.region"() ({
      %run_scoped3A_16 = tpu.sem_alloc : memref<!tpu.dma_semaphore, #tpu.memory_space<semaphore_mem>>
      %dma_start3A = arith.constant 0 : i32
      %dma_start3A_17 = arith.constant 0 : i32
      %dma_start3A_18 = tpu.memref_slice %arg7[%dma_start3A, %dma_start3A_17] : memref<400x128xf32, #tpu.memory_space<vmem>> -> memref<80x128xf32, #tpu.memory_space<vmem>>
      %dma_start3A_19 = arith.constant 0 : i32
      %dma_start3A_20 = tpu.memref_slice %arg6[%run_scoped3A, %dma_start3A_19] : memref<5x80xi32, #tpu.memory_space<vmem>> -> memref<1x80xi32, #tpu.memory_space<vmem>>
      %dma_start3A_21 = tpu.memref_squeeze %dma_start3A_20 : memref<1x80xi32, #tpu.memory_space<vmem>> -> memref<80xi32, #tpu.memory_space<vmem>>
      %dma_start3A_22 = arith.constant 0 : i32
      %dma_start3A_23 = arith.constant 0 : i32
      %dma_start3A_24 = tpu.memref_slice %arg8[%dma_start3A_22, %dma_start3A_23] : memref<3200x128xf32, #tpu.memory_space<vmem_shared>> -> memref<3200x128xf32, #tpu.memory_space<vmem_shared>>
      tpu.enqueue_indirect_dma source(%dma_start3A_18 : memref<80x128xf32, #tpu.memory_space<vmem>>) target(%dma_start3A_24 : memref<3200x128xf32, #tpu.memory_space<vmem_shared>>) offsets(%dma_start3A_21 : memref<80xi32, #tpu.memory_space<vmem>>) semaphore(%run_scoped3A_16 : memref<!tpu.dma_semaphore, #tpu.memory_space<semaphore_mem>>) {add = true}
      %dma_wait3A = arith.constant 0 : i32
      %dma_wait3A_25 = arith.constant 0 : i32
      %dma_wait3A_26 = tpu.memref_slice %arg7[%dma_wait3A, %dma_wait3A_25] : memref<400x128xf32, #tpu.memory_space<vmem>> -> memref<80x128xf32, #tpu.memory_space<vmem>>
      %dma_wait3A_27 = arith.constant 0 : i32
      %dma_wait3A_28 = tpu.memref_slice %arg6[%run_scoped3A, %dma_wait3A_27] : memref<5x80xi32, #tpu.memory_space<vmem>> -> memref<1x80xi32, #tpu.memory_space<vmem>>
      %dma_wait3A_29 = tpu.memref_squeeze %dma_wait3A_28 : memref<1x80xi32, #tpu.memory_space<vmem>> -> memref<80xi32, #tpu.memory_space<vmem>>
      %dma_wait3A_30 = arith.constant 0 : i32
      %dma_wait3A_31 = arith.constant 0 : i32
      %dma_wait3A_32 = tpu.memref_slice %arg8[%dma_wait3A_30, %dma_wait3A_31] : memref<3200x128xf32, #tpu.memory_space<vmem_shared>> -> memref<3200x128xf32, #tpu.memory_space<vmem_shared>>
      tpu.wait_indirect_dma semaphore(%run_scoped3A_16 : memref<!tpu.dma_semaphore, #tpu.memory_space<semaphore_mem>>) src(%dma_wait3A_26 : memref<80x128xf32, #tpu.memory_space<vmem>>) dst(%dma_wait3A_32 : memref<3200x128xf32, #tpu.memory_space<vmem_shared>>)
      tpu.yield
    }) : () -> ()
    %run_scoped3A_7 = arith.constant 1 : i32
    "tpu.region"() ({
      %run_scoped3A_16 = tpu.sem_alloc : memref<!tpu.dma_semaphore, #tpu.memory_space<semaphore_mem>>
      %dma_start3A = arith.constant 80 : i32
      %dma_start3A_17 = arith.constant 0 : i32
      %dma_start3A_18 = tpu.memref_slice %arg7[%dma_start3A, %dma_start3A_17] : memref<400x128xf32, #tpu.memory_space<vmem>> -> memref<80x128xf32, #tpu.memory_space<vmem>>
      %dma_start3A_19 = arith.constant 0 : i32
      %dma_start3A_20 = tpu.memref_slice %arg6[%run_scoped3A_7, %dma_start3A_19] : memref<5x80xi32, #tpu.memory_space<vmem>> -> memref<1x80xi32, #tpu.memory_space<vmem>>
      %dma_start3A_21 = tpu.memref_squeeze %dma_start3A_20 : memref<1x80xi32, #tpu.memory_space<vmem>> -> memref<80xi32, #tpu.memory_space<vmem>>
      %dma_start3A_22 = arith.constant 0 : i32
      %dma_start3A_23 = arith.constant 0 : i32
      %dma_start3A_24 = tpu.memref_slice %arg8[%dma_start3A_22, %dma_start3A_23] : memref<3200x128xf32, #tpu.memory_space<vmem_shared>> -> memref<3200x128xf32, #tpu.memory_space<vmem_shared>>
      tpu.enqueue_indirect_dma source(%dma_start3A_18 : memref<80x128xf32, #tpu.memory_space<vmem>>) target(%dma_start3A_24 : memref<3200x128xf32, #tpu.memory_space<vmem_shared>>) offsets(%dma_start3A_21 : memref<80xi32, #tpu.memory_space<vmem>>) semaphore(%run_scoped3A_16 : memref<!tpu.dma_semaphore, #tpu.memory_space<semaphore_mem>>) {add = true}
      %dma_wait3A = arith.constant 80 : i32
      %dma_wait3A_25 = arith.constant 0 : i32
      %dma_wait3A_26 = tpu.memref_slice %arg7[%dma_wait3A, %dma_wait3A_25] : memref<400x128xf32, #tpu.memory_space<vmem>> -> memref<80x128xf32, #tpu.memory_space<vmem>>
      %dma_wait3A_27 = arith.constant 0 : i32
      %dma_wait3A_28 = tpu.memref_slice %arg6[%run_scoped3A_7, %dma_wait3A_27] : memref<5x80xi32, #tpu.memory_space<vmem>> -> memref<1x80xi32, #tpu.memory_space<vmem>>
      %dma_wait3A_29 = tpu.memref_squeeze %dma_wait3A_28 : memref<1x80xi32, #tpu.memory_space<vmem>> -> memref<80xi32, #tpu.memory_space<vmem>>
      %dma_wait3A_30 = arith.constant 0 : i32
      %dma_wait3A_31 = arith.constant 0 : i32
      %dma_wait3A_32 = tpu.memref_slice %arg8[%dma_wait3A_30, %dma_wait3A_31] : memref<3200x128xf32, #tpu.memory_space<vmem_shared>> -> memref<3200x128xf32, #tpu.memory_space<vmem_shared>>
      tpu.wait_indirect_dma semaphore(%run_scoped3A_16 : memref<!tpu.dma_semaphore, #tpu.memory_space<semaphore_mem>>) src(%dma_wait3A_26 : memref<80x128xf32, #tpu.memory_space<vmem>>) dst(%dma_wait3A_32 : memref<3200x128xf32, #tpu.memory_space<vmem_shared>>)
      tpu.yield
    }) : () -> ()
    %run_scoped3A_8 = arith.constant 2 : i32
    "tpu.region"() ({
      %run_scoped3A_16 = tpu.sem_alloc : memref<!tpu.dma_semaphore, #tpu.memory_space<semaphore_mem>>
      %dma_start3A = arith.constant 160 : i32
      %dma_start3A_17 = arith.constant 0 : i32
      %dma_start3A_18 = tpu.memref_slice %arg7[%dma_start3A, %dma_start3A_17] : memref<400x128xf32, #tpu.memory_space<vmem>> -> memref<80x128xf32, #tpu.memory_space<vmem>>
      %dma_start3A_19 = arith.constant 0 : i32
      %dma_start3A_20 = tpu.memref_slice %arg6[%run_scoped3A_8, %dma_start3A_19] : memref<5x80xi32, #tpu.memory_space<vmem>> -> memref<1x80xi32, #tpu.memory_space<vmem>>
      %dma_start3A_21 = tpu.memref_squeeze %dma_start3A_20 : memref<1x80xi32, #tpu.memory_space<vmem>> -> memref<80xi32, #tpu.memory_space<vmem>>
      %dma_start3A_22 = arith.constant 0 : i32
      %dma_start3A_23 = arith.constant 0 : i32
      %dma_start3A_24 = tpu.memref_slice %arg8[%dma_start3A_22, %dma_start3A_23] : memref<3200x128xf32, #tpu.memory_space<vmem_shared>> -> memref<3200x128xf32, #tpu.memory_space<vmem_shared>>
      tpu.enqueue_indirect_dma source(%dma_start3A_18 : memref<80x128xf32, #tpu.memory_space<vmem>>) target(%dma_start3A_24 : memref<3200x128xf32, #tpu.memory_space<vmem_shared>>) offsets(%dma_start3A_21 : memref<80xi32, #tpu.memory_space<vmem>>) semaphore(%run_scoped3A_16 : memref<!tpu.dma_semaphore, #tpu.memory_space<semaphore_mem>>) {add = true}
      %dma_wait3A = arith.constant 160 : i32
      %dma_wait3A_25 = arith.constant 0 : i32
      %dma_wait3A_26 = tpu.memref_slice %arg7[%dma_wait3A, %dma_wait3A_25] : memref<400x128xf32, #tpu.memory_space<vmem>> -> memref<80x128xf32, #tpu.memory_space<vmem>>
      %dma_wait3A_27 = arith.constant 0 : i32
      %dma_wait3A_28 = tpu.memref_slice %arg6[%run_scoped3A_8, %dma_wait3A_27] : memref<5x80xi32, #tpu.memory_space<vmem>> -> memref<1x80xi32, #tpu.memory_space<vmem>>
      %dma_wait3A_29 = tpu.memref_squeeze %dma_wait3A_28 : memref<1x80xi32, #tpu.memory_space<vmem>> -> memref<80xi32, #tpu.memory_space<vmem>>
      %dma_wait3A_30 = arith.constant 0 : i32
      %dma_wait3A_31 = arith.constant 0 : i32
      %dma_wait3A_32 = tpu.memref_slice %arg8[%dma_wait3A_30, %dma_wait3A_31] : memref<3200x128xf32, #tpu.memory_space<vmem_shared>> -> memref<3200x128xf32, #tpu.memory_space<vmem_shared>>
      tpu.wait_indirect_dma semaphore(%run_scoped3A_16 : memref<!tpu.dma_semaphore, #tpu.memory_space<semaphore_mem>>) src(%dma_wait3A_26 : memref<80x128xf32, #tpu.memory_space<vmem>>) dst(%dma_wait3A_32 : memref<3200x128xf32, #tpu.memory_space<vmem_shared>>)
      tpu.yield
    }) : () -> ()
    %run_scoped3A_9 = arith.constant 3 : i32
    "tpu.region"() ({
      %run_scoped3A_16 = tpu.sem_alloc : memref<!tpu.dma_semaphore, #tpu.memory_space<semaphore_mem>>
      %dma_start3A = arith.constant 240 : i32
      %dma_start3A_17 = arith.constant 0 : i32
      %dma_start3A_18 = tpu.memref_slice %arg7[%dma_start3A, %dma_start3A_17] : memref<400x128xf32, #tpu.memory_space<vmem>> -> memref<80x128xf32, #tpu.memory_space<vmem>>
      %dma_start3A_19 = arith.constant 0 : i32
      %dma_start3A_20 = tpu.memref_slice %arg6[%run_scoped3A_9, %dma_start3A_19] : memref<5x80xi32, #tpu.memory_space<vmem>> -> memref<1x80xi32, #tpu.memory_space<vmem>>
      %dma_start3A_21 = tpu.memref_squeeze %dma_start3A_20 : memref<1x80xi32, #tpu.memory_space<vmem>> -> memref<80xi32, #tpu.memory_space<vmem>>
      %dma_start3A_22 = arith.constant 0 : i32
      %dma_start3A_23 = arith.constant 0 : i32
      %dma_start3A_24 = tpu.memref_slice %arg8[%dma_start3A_22, %dma_start3A_23] : memref<3200x128xf32, #tpu.memory_space<vmem_shared>> -> memref<3200x128xf32, #tpu.memory_space<vmem_shared>>
      tpu.enqueue_indirect_dma source(%dma_start3A_18 : memref<80x128xf32, #tpu.memory_space<vmem>>) target(%dma_start3A_24 : memref<3200x128xf32, #tpu.memory_space<vmem_shared>>) offsets(%dma_start3A_21 : memref<80xi32, #tpu.memory_space<vmem>>) semaphore(%run_scoped3A_16 : memref<!tpu.dma_semaphore, #tpu.memory_space<semaphore_mem>>) {add = true}
      %dma_wait3A = arith.constant 240 : i32
      %dma_wait3A_25 = arith.constant 0 : i32
      %dma_wait3A_26 = tpu.memref_slice %arg7[%dma_wait3A, %dma_wait3A_25] : memref<400x128xf32, #tpu.memory_space<vmem>> -> memref<80x128xf32, #tpu.memory_space<vmem>>
      %dma_wait3A_27 = arith.constant 0 : i32
      %dma_wait3A_28 = tpu.memref_slice %arg6[%run_scoped3A_9, %dma_wait3A_27] : memref<5x80xi32, #tpu.memory_space<vmem>> -> memref<1x80xi32, #tpu.memory_space<vmem>>
      %dma_wait3A_29 = tpu.memref_squeeze %dma_wait3A_28 : memref<1x80xi32, #tpu.memory_space<vmem>> -> memref<80xi32, #tpu.memory_space<vmem>>
      %dma_wait3A_30 = arith.constant 0 : i32
      %dma_wait3A_31 = arith.constant 0 : i32
      %dma_wait3A_32 = tpu.memref_slice %arg8[%dma_wait3A_30, %dma_wait3A_31] : memref<3200x128xf32, #tpu.memory_space<vmem_shared>> -> memref<3200x128xf32, #tpu.memory_space<vmem_shared>>
      tpu.wait_indirect_dma semaphore(%run_scoped3A_16 : memref<!tpu.dma_semaphore, #tpu.memory_space<semaphore_mem>>) src(%dma_wait3A_26 : memref<80x128xf32, #tpu.memory_space<vmem>>) dst(%dma_wait3A_32 : memref<3200x128xf32, #tpu.memory_space<vmem_shared>>)
      tpu.yield
    }) : () -> ()
    %run_scoped3A_10 = arith.constant 4 : i32
    "tpu.region"() ({
      %run_scoped3A_16 = tpu.sem_alloc : memref<!tpu.dma_semaphore, #tpu.memory_space<semaphore_mem>>
      %dma_start3A = arith.constant 320 : i32
      %dma_start3A_17 = arith.constant 0 : i32
      %dma_start3A_18 = tpu.memref_slice %arg7[%dma_start3A, %dma_start3A_17] : memref<400x128xf32, #tpu.memory_space<vmem>> -> memref<80x128xf32, #tpu.memory_space<vmem>>
      %dma_start3A_19 = arith.constant 0 : i32
      %dma_start3A_20 = tpu.memref_slice %arg6[%run_scoped3A_10, %dma_start3A_19] : memref<5x80xi32, #tpu.memory_space<vmem>> -> memref<1x80xi32, #tpu.memory_space<vmem>>
      %dma_start3A_21 = tpu.memref_squeeze %dma_start3A_20 : memref<1x80xi32, #tpu.memory_space<vmem>> -> memref<80xi32, #tpu.memory_space<vmem>>
      %dma_start3A_22 = arith.constant 0 : i32
      %dma_start3A_23 = arith.constant 0 : i32
      %dma_start3A_24 = tpu.memref_slice %arg8[%dma_start3A_22, %dma_start3A_23] : memref<3200x128xf32, #tpu.memory_space<vmem_shared>> -> memref<3200x128xf32, #tpu.memory_space<vmem_shared>>
      tpu.enqueue_indirect_dma source(%dma_start3A_18 : memref<80x128xf32, #tpu.memory_space<vmem>>) target(%dma_start3A_24 : memref<3200x128xf32, #tpu.memory_space<vmem_shared>>) offsets(%dma_start3A_21 : memref<80xi32, #tpu.memory_space<vmem>>) semaphore(%run_scoped3A_16 : memref<!tpu.dma_semaphore, #tpu.memory_space<semaphore_mem>>) {add = true}
      %dma_wait3A = arith.constant 320 : i32
      %dma_wait3A_25 = arith.constant 0 : i32
      %dma_wait3A_26 = tpu.memref_slice %arg7[%dma_wait3A, %dma_wait3A_25] : memref<400x128xf32, #tpu.memory_space<vmem>> -> memref<80x128xf32, #tpu.memory_space<vmem>>
      %dma_wait3A_27 = arith.constant 0 : i32
      %dma_wait3A_28 = tpu.memref_slice %arg6[%run_scoped3A_10, %dma_wait3A_27] : memref<5x80xi32, #tpu.memory_space<vmem>> -> memref<1x80xi32, #tpu.memory_space<vmem>>
      %dma_wait3A_29 = tpu.memref_squeeze %dma_wait3A_28 : memref<1x80xi32, #tpu.memory_space<vmem>> -> memref<80xi32, #tpu.memory_space<vmem>>
      %dma_wait3A_30 = arith.constant 0 : i32
      %dma_wait3A_31 = arith.constant 0 : i32
      %dma_wait3A_32 = tpu.memref_slice %arg8[%dma_wait3A_30, %dma_wait3A_31] : memref<3200x128xf32, #tpu.memory_space<vmem_shared>> -> memref<3200x128xf32, #tpu.memory_space<vmem_shared>>
      tpu.wait_indirect_dma semaphore(%run_scoped3A_16 : memref<!tpu.dma_semaphore, #tpu.memory_space<semaphore_mem>>) src(%dma_wait3A_26 : memref<80x128xf32, #tpu.memory_space<vmem>>) dst(%dma_wait3A_32 : memref<3200x128xf32, #tpu.memory_space<vmem_shared>>)
      tpu.yield
    }) : () -> ()
    %barrier3A_11 = arith.constant 0 : index
    tpu.barrier barrier_id(%barrier3A_11)
    %mul3A_12 = arith.constant 200 : i32
    %mul3A_13 = arith.muli %arg1, %mul3A_12 : i32
    %mul3A_14 = arith.constant 200 : i32
    %mul3A_15 = arith.muli %arg1, %mul3A_14 : i32
    "tpu.region"() ({
      %run_scoped3A_16 = tpu.sem_alloc : memref<!tpu.dma_semaphore, #tpu.memory_space<semaphore_mem>>
      %dma_start3A = arith.constant 0 : i32
      %dma_start3A_17 = tpu.memref_slice %arg5[%arg0, %mul3A_15, %dma_start3A] : memref<2x3200x128xf32, #tpu.memory_space<hbm>> -> memref<1x200x128xf32, #tpu.memory_space<hbm>>
      %dma_start3A_18 = tpu.memref_squeeze %dma_start3A_17 : memref<1x200x128xf32, #tpu.memory_space<hbm>> -> memref<200x128xf32, #tpu.memory_space<hbm>>
      %dma_start3A_19 = arith.constant 0 : i32
      %dma_start3A_20 = tpu.memref_slice %arg8[%mul3A_13, %dma_start3A_19] : memref<3200x128xf32, #tpu.memory_space<vmem_shared>> -> memref<200x128xf32, #tpu.memory_space<vmem_shared>>
      tpu.enqueue_dma source(%dma_start3A_20 : memref<200x128xf32, #tpu.memory_space<vmem_shared>>) target(%dma_start3A_18 : memref<200x128xf32, #tpu.memory_space<hbm>>) target_semaphore(%run_scoped3A_16 : memref<!tpu.dma_semaphore, #tpu.memory_space<semaphore_mem>>)
      %dma_wait3A = arith.constant 0 : i32
      %dma_wait3A_21 = tpu.memref_slice %arg5[%arg0, %mul3A_15, %dma_wait3A] : memref<2x3200x128xf32, #tpu.memory_space<hbm>> -> memref<1x200x128xf32, #tpu.memory_space<hbm>>
      %dma_wait3A_22 = tpu.memref_squeeze %dma_wait3A_21 : memref<1x200x128xf32, #tpu.memory_space<hbm>> -> memref<200x128xf32, #tpu.memory_space<hbm>>
      %dma_wait3A_23 = arith.constant 0 : i32
      %dma_wait3A_24 = tpu.memref_slice %arg8[%mul3A_13, %dma_wait3A_23] : memref<3200x128xf32, #tpu.memory_space<vmem_shared>> -> memref<200x128xf32, #tpu.memory_space<vmem_shared>>
      tpu.wait_dma2 semaphore(%run_scoped3A_16 : memref<!tpu.dma_semaphore, #tpu.memory_space<semaphore_mem>>) src(%dma_wait3A_24 : memref<200x128xf32, #tpu.memory_space<vmem_shared>>) dst(%dma_wait3A_22 : memref<200x128xf32, #tpu.memory_space<hbm>>)
      tpu.yield
    }) : () -> ()
    return
  }
}

#map = affine_map<(d0, d1) -> (0, 0)>
#map1 = affine_map<(d0, d1) -> (0, 0, 0)>
module attributes {stable_mosaic.version = 14 : i64} {
  func.func @k(%arg0: i32, %arg1: i32, %arg2: memref<3200x128xf32, #tpu.memory_space<hbm>>, %arg3: memref<32x5x80xi32, #tpu.memory_space<hbm>>, %arg4: memref<12800x128xf32, #tpu.memory_space<hbm>>, %arg5: memref<5x80xi32, #tpu.memory_space<vmem>>, %arg6: memref<400x128xf32, #tpu.memory_space<vmem>>, %arg7: memref<!tpu.dma_semaphore, #tpu.memory_space<semaphore_mem>>) attributes {dimension_semantics = [#tpu.dimension_semantics<core_parallel>, #tpu.dimension_semantics<subcore_parallel>], iteration_bounds = array<i64: 2, 16>, scalar_prefetch = 0 : i64, scratch_operands = 3 : i64, tpu.core_type = #tpu.core_type<sc_vector_subcore>, window_params = [{transform_indices = #map}, {transform_indices = #map1}, {transform_indices = #map}]} {
    %mul3A = arith.constant 2 : i32
    %mul3A_0 = arith.muli %arg1, %mul3A : i32
    %add3A = arith.addi %mul3A_0, %arg0 : i32
    "tpu.region"() ({
      %run_scoped3A = tpu.sem_alloc : memref<!tpu.dma_semaphore, #tpu.memory_space<semaphore_mem>>
      %dma_start3A_101 = arith.constant 0 : i32
      %dma_start3A_102 = arith.constant 0 : i32
      %dma_start3A_103 = tpu.memref_slice %arg3[%add3A, %dma_start3A_101, %dma_start3A_102] : memref<32x5x80xi32, #tpu.memory_space<hbm>> -> memref<1x5x80xi32, #tpu.memory_space<hbm>>
      %dma_start3A_104 = tpu.memref_squeeze %dma_start3A_103 : memref<1x5x80xi32, #tpu.memory_space<hbm>> -> memref<5x80xi32, #tpu.memory_space<hbm>>
      %dma_start3A_105 = arith.constant 0 : i32
      %dma_start3A_106 = arith.constant 0 : i32
      %dma_start3A_107 = tpu.memref_slice %arg3[%add3A, %dma_start3A_105, %dma_start3A_106] : memref<32x5x80xi32, #tpu.memory_space<hbm>> -> memref<1x5x80xi32, #tpu.memory_space<hbm>>
      %dma_start3A_108 = tpu.memref_squeeze %dma_start3A_107 : memref<1x5x80xi32, #tpu.memory_space<hbm>> -> memref<5x80xi32, #tpu.memory_space<hbm>>
      tpu.enqueue_dma source(%dma_start3A_108 : memref<5x80xi32, #tpu.memory_space<hbm>>) target(%arg5 : memref<5x80xi32, #tpu.memory_space<vmem>>) target_semaphore(%run_scoped3A : memref<!tpu.dma_semaphore, #tpu.memory_space<semaphore_mem>>)
      %dma_wait3A_109 = arith.constant 0 : i32
      %dma_wait3A_110 = arith.constant 0 : i32
      %dma_wait3A_111 = tpu.memref_slice %arg3[%add3A, %dma_wait3A_109, %dma_wait3A_110] : memref<32x5x80xi32, #tpu.memory_space<hbm>> -> memref<1x5x80xi32, #tpu.memory_space<hbm>>
      %dma_wait3A_112 = tpu.memref_squeeze %dma_wait3A_111 : memref<1x5x80xi32, #tpu.memory_space<hbm>> -> memref<5x80xi32, #tpu.memory_space<hbm>>
      %dma_wait3A_113 = arith.constant 0 : i32
      %dma_wait3A_114 = arith.constant 0 : i32
      %dma_wait3A_115 = tpu.memref_slice %arg3[%add3A, %dma_wait3A_113, %dma_wait3A_114] : memref<32x5x80xi32, #tpu.memory_space<hbm>> -> memref<1x5x80xi32, #tpu.memory_space<hbm>>
      %dma_wait3A_116 = tpu.memref_squeeze %dma_wait3A_115 : memref<1x5x80xi32, #tpu.memory_space<hbm>> -> memref<5x80xi32, #tpu.memory_space<hbm>>
      tpu.wait_dma2 semaphore(%run_scoped3A : memref<!tpu.dma_semaphore, #tpu.memory_space<semaphore_mem>>) src(%dma_wait3A_116 : memref<5x80xi32, #tpu.memory_space<hbm>>) dst(%arg5 : memref<5x80xi32, #tpu.memory_space<vmem>>)
      tpu.yield
    }) : () -> ()
    %dma_start3A = arith.constant 0 : i32
    %dma_start3A_1 = arith.constant 0 : i32
    %dma_start3A_2 = arith.constant 0 : i32
    %dma_start3A_3 = tpu.memref_slice %arg6[%dma_start3A_1, %dma_start3A_2] : memref<400x128xf32, #tpu.memory_space<vmem>> -> memref<80x128xf32, #tpu.memory_space<vmem>>
    %dma_start3A_4 = arith.constant 0 : i32
    %dma_start3A_5 = tpu.memref_slice %arg5[%dma_start3A, %dma_start3A_4] : memref<5x80xi32, #tpu.memory_space<vmem>> -> memref<1x80xi32, #tpu.memory_space<vmem>>
    %dma_start3A_6 = tpu.memref_squeeze %dma_start3A_5 : memref<1x80xi32, #tpu.memory_space<vmem>> -> memref<80xi32, #tpu.memory_space<vmem>>
    %dma_start3A_7 = arith.constant 0 : i32
    %dma_start3A_8 = arith.constant 0 : i32
    %dma_start3A_9 = tpu.memref_slice %arg2[%dma_start3A_7, %dma_start3A_8] : memref<3200x128xf32, #tpu.memory_space<hbm>> -> memref<3200x128xf32, #tpu.memory_space<hbm>>
    tpu.enqueue_indirect_dma source(%dma_start3A_9 : memref<3200x128xf32, #tpu.memory_space<hbm>>) target(%dma_start3A_3 : memref<80x128xf32, #tpu.memory_space<vmem>>) offsets(%dma_start3A_6 : memref<80xi32, #tpu.memory_space<vmem>>) semaphore(%arg7 : memref<!tpu.dma_semaphore, #tpu.memory_space<semaphore_mem>>)
    %dma_start3A_10 = arith.constant 1 : i32
    %dma_start3A_11 = arith.constant 80 : i32
    %dma_start3A_12 = arith.constant 0 : i32
    %dma_start3A_13 = tpu.memref_slice %arg6[%dma_start3A_11, %dma_start3A_12] : memref<400x128xf32, #tpu.memory_space<vmem>> -> memref<80x128xf32, #tpu.memory_space<vmem>>
    %dma_start3A_14 = arith.constant 0 : i32
    %dma_start3A_15 = tpu.memref_slice %arg5[%dma_start3A_10, %dma_start3A_14] : memref<5x80xi32, #tpu.memory_space<vmem>> -> memref<1x80xi32, #tpu.memory_space<vmem>>
    %dma_start3A_16 = tpu.memref_squeeze %dma_start3A_15 : memref<1x80xi32, #tpu.memory_space<vmem>> -> memref<80xi32, #tpu.memory_space<vmem>>
    %dma_start3A_17 = arith.constant 0 : i32
    %dma_start3A_18 = arith.constant 0 : i32
    %dma_start3A_19 = tpu.memref_slice %arg2[%dma_start3A_17, %dma_start3A_18] : memref<3200x128xf32, #tpu.memory_space<hbm>> -> memref<3200x128xf32, #tpu.memory_space<hbm>>
    tpu.enqueue_indirect_dma source(%dma_start3A_19 : memref<3200x128xf32, #tpu.memory_space<hbm>>) target(%dma_start3A_13 : memref<80x128xf32, #tpu.memory_space<vmem>>) offsets(%dma_start3A_16 : memref<80xi32, #tpu.memory_space<vmem>>) semaphore(%arg7 : memref<!tpu.dma_semaphore, #tpu.memory_space<semaphore_mem>>)
    %dma_start3A_20 = arith.constant 2 : i32
    %dma_start3A_21 = arith.constant 160 : i32
    %dma_start3A_22 = arith.constant 0 : i32
    %dma_start3A_23 = tpu.memref_slice %arg6[%dma_start3A_21, %dma_start3A_22] : memref<400x128xf32, #tpu.memory_space<vmem>> -> memref<80x128xf32, #tpu.memory_space<vmem>>
    %dma_start3A_24 = arith.constant 0 : i32
    %dma_start3A_25 = tpu.memref_slice %arg5[%dma_start3A_20, %dma_start3A_24] : memref<5x80xi32, #tpu.memory_space<vmem>> -> memref<1x80xi32, #tpu.memory_space<vmem>>
    %dma_start3A_26 = tpu.memref_squeeze %dma_start3A_25 : memref<1x80xi32, #tpu.memory_space<vmem>> -> memref<80xi32, #tpu.memory_space<vmem>>
    %dma_start3A_27 = arith.constant 0 : i32
    %dma_start3A_28 = arith.constant 0 : i32
    %dma_start3A_29 = tpu.memref_slice %arg2[%dma_start3A_27, %dma_start3A_28] : memref<3200x128xf32, #tpu.memory_space<hbm>> -> memref<3200x128xf32, #tpu.memory_space<hbm>>
    tpu.enqueue_indirect_dma source(%dma_start3A_29 : memref<3200x128xf32, #tpu.memory_space<hbm>>) target(%dma_start3A_23 : memref<80x128xf32, #tpu.memory_space<vmem>>) offsets(%dma_start3A_26 : memref<80xi32, #tpu.memory_space<vmem>>) semaphore(%arg7 : memref<!tpu.dma_semaphore, #tpu.memory_space<semaphore_mem>>)
    %dma_start3A_30 = arith.constant 3 : i32
    %dma_start3A_31 = arith.constant 240 : i32
    %dma_start3A_32 = arith.constant 0 : i32
    %dma_start3A_33 = tpu.memref_slice %arg6[%dma_start3A_31, %dma_start3A_32] : memref<400x128xf32, #tpu.memory_space<vmem>> -> memref<80x128xf32, #tpu.memory_space<vmem>>
    %dma_start3A_34 = arith.constant 0 : i32
    %dma_start3A_35 = tpu.memref_slice %arg5[%dma_start3A_30, %dma_start3A_34] : memref<5x80xi32, #tpu.memory_space<vmem>> -> memref<1x80xi32, #tpu.memory_space<vmem>>
    %dma_start3A_36 = tpu.memref_squeeze %dma_start3A_35 : memref<1x80xi32, #tpu.memory_space<vmem>> -> memref<80xi32, #tpu.memory_space<vmem>>
    %dma_start3A_37 = arith.constant 0 : i32
    %dma_start3A_38 = arith.constant 0 : i32
    %dma_start3A_39 = tpu.memref_slice %arg2[%dma_start3A_37, %dma_start3A_38] : memref<3200x128xf32, #tpu.memory_space<hbm>> -> memref<3200x128xf32, #tpu.memory_space<hbm>>
    tpu.enqueue_indirect_dma source(%dma_start3A_39 : memref<3200x128xf32, #tpu.memory_space<hbm>>) target(%dma_start3A_33 : memref<80x128xf32, #tpu.memory_space<vmem>>) offsets(%dma_start3A_36 : memref<80xi32, #tpu.memory_space<vmem>>) semaphore(%arg7 : memref<!tpu.dma_semaphore, #tpu.memory_space<semaphore_mem>>)
    %dma_start3A_40 = arith.constant 4 : i32
    %dma_start3A_41 = arith.constant 320 : i32
    %dma_start3A_42 = arith.constant 0 : i32
    %dma_start3A_43 = tpu.memref_slice %arg6[%dma_start3A_41, %dma_start3A_42] : memref<400x128xf32, #tpu.memory_space<vmem>> -> memref<80x128xf32, #tpu.memory_space<vmem>>
    %dma_start3A_44 = arith.constant 0 : i32
    %dma_start3A_45 = tpu.memref_slice %arg5[%dma_start3A_40, %dma_start3A_44] : memref<5x80xi32, #tpu.memory_space<vmem>> -> memref<1x80xi32, #tpu.memory_space<vmem>>
    %dma_start3A_46 = tpu.memref_squeeze %dma_start3A_45 : memref<1x80xi32, #tpu.memory_space<vmem>> -> memref<80xi32, #tpu.memory_space<vmem>>
    %dma_start3A_47 = arith.constant 0 : i32
    %dma_start3A_48 = arith.constant 0 : i32
    %dma_start3A_49 = tpu.memref_slice %arg2[%dma_start3A_47, %dma_start3A_48] : memref<3200x128xf32, #tpu.memory_space<hbm>> -> memref<3200x128xf32, #tpu.memory_space<hbm>>
    tpu.enqueue_indirect_dma source(%dma_start3A_49 : memref<3200x128xf32, #tpu.memory_space<hbm>>) target(%dma_start3A_43 : memref<80x128xf32, #tpu.memory_space<vmem>>) offsets(%dma_start3A_46 : memref<80xi32, #tpu.memory_space<vmem>>) semaphore(%arg7 : memref<!tpu.dma_semaphore, #tpu.memory_space<semaphore_mem>>)
    %dma_wait3A = arith.constant 0 : i32
    %dma_wait3A_50 = arith.constant 0 : i32
    %dma_wait3A_51 = arith.constant 0 : i32
    %dma_wait3A_52 = tpu.memref_slice %arg6[%dma_wait3A_50, %dma_wait3A_51] : memref<400x128xf32, #tpu.memory_space<vmem>> -> memref<80x128xf32, #tpu.memory_space<vmem>>
    %dma_wait3A_53 = arith.constant 0 : i32
    %dma_wait3A_54 = tpu.memref_slice %arg5[%dma_wait3A, %dma_wait3A_53] : memref<5x80xi32, #tpu.memory_space<vmem>> -> memref<1x80xi32, #tpu.memory_space<vmem>>
    %dma_wait3A_55 = tpu.memref_squeeze %dma_wait3A_54 : memref<1x80xi32, #tpu.memory_space<vmem>> -> memref<80xi32, #tpu.memory_space<vmem>>
    %dma_wait3A_56 = arith.constant 0 : i32
    %dma_wait3A_57 = arith.constant 0 : i32
    %dma_wait3A_58 = tpu.memref_slice %arg2[%dma_wait3A_56, %dma_wait3A_57] : memref<3200x128xf32, #tpu.memory_space<hbm>> -> memref<3200x128xf32, #tpu.memory_space<hbm>>
    tpu.wait_indirect_dma semaphore(%arg7 : memref<!tpu.dma_semaphore, #tpu.memory_space<semaphore_mem>>) src(%dma_wait3A_58 : memref<3200x128xf32, #tpu.memory_space<hbm>>) dst(%dma_wait3A_52 : memref<80x128xf32, #tpu.memory_space<vmem>>)
    %dma_wait3A_59 = arith.constant 1 : i32
    %dma_wait3A_60 = arith.constant 80 : i32
    %dma_wait3A_61 = arith.constant 0 : i32
    %dma_wait3A_62 = tpu.memref_slice %arg6[%dma_wait3A_60, %dma_wait3A_61] : memref<400x128xf32, #tpu.memory_space<vmem>> -> memref<80x128xf32, #tpu.memory_space<vmem>>
    %dma_wait3A_63 = arith.constant 0 : i32
    %dma_wait3A_64 = tpu.memref_slice %arg5[%dma_wait3A_59, %dma_wait3A_63] : memref<5x80xi32, #tpu.memory_space<vmem>> -> memref<1x80xi32, #tpu.memory_space<vmem>>
    %dma_wait3A_65 = tpu.memref_squeeze %dma_wait3A_64 : memref<1x80xi32, #tpu.memory_space<vmem>> -> memref<80xi32, #tpu.memory_space<vmem>>
    %dma_wait3A_66 = arith.constant 0 : i32
    %dma_wait3A_67 = arith.constant 0 : i32
    %dma_wait3A_68 = tpu.memref_slice %arg2[%dma_wait3A_66, %dma_wait3A_67] : memref<3200x128xf32, #tpu.memory_space<hbm>> -> memref<3200x128xf32, #tpu.memory_space<hbm>>
    tpu.wait_indirect_dma semaphore(%arg7 : memref<!tpu.dma_semaphore, #tpu.memory_space<semaphore_mem>>) src(%dma_wait3A_68 : memref<3200x128xf32, #tpu.memory_space<hbm>>) dst(%dma_wait3A_62 : memref<80x128xf32, #tpu.memory_space<vmem>>)
    %dma_wait3A_69 = arith.constant 2 : i32
    %dma_wait3A_70 = arith.constant 160 : i32
    %dma_wait3A_71 = arith.constant 0 : i32
    %dma_wait3A_72 = tpu.memref_slice %arg6[%dma_wait3A_70, %dma_wait3A_71] : memref<400x128xf32, #tpu.memory_space<vmem>> -> memref<80x128xf32, #tpu.memory_space<vmem>>
    %dma_wait3A_73 = arith.constant 0 : i32
    %dma_wait3A_74 = tpu.memref_slice %arg5[%dma_wait3A_69, %dma_wait3A_73] : memref<5x80xi32, #tpu.memory_space<vmem>> -> memref<1x80xi32, #tpu.memory_space<vmem>>
    %dma_wait3A_75 = tpu.memref_squeeze %dma_wait3A_74 : memref<1x80xi32, #tpu.memory_space<vmem>> -> memref<80xi32, #tpu.memory_space<vmem>>
    %dma_wait3A_76 = arith.constant 0 : i32
    %dma_wait3A_77 = arith.constant 0 : i32
    %dma_wait3A_78 = tpu.memref_slice %arg2[%dma_wait3A_76, %dma_wait3A_77] : memref<3200x128xf32, #tpu.memory_space<hbm>> -> memref<3200x128xf32, #tpu.memory_space<hbm>>
    tpu.wait_indirect_dma semaphore(%arg7 : memref<!tpu.dma_semaphore, #tpu.memory_space<semaphore_mem>>) src(%dma_wait3A_78 : memref<3200x128xf32, #tpu.memory_space<hbm>>) dst(%dma_wait3A_72 : memref<80x128xf32, #tpu.memory_space<vmem>>)
    %dma_wait3A_79 = arith.constant 3 : i32
    %dma_wait3A_80 = arith.constant 240 : i32
    %dma_wait3A_81 = arith.constant 0 : i32
    %dma_wait3A_82 = tpu.memref_slice %arg6[%dma_wait3A_80, %dma_wait3A_81] : memref<400x128xf32, #tpu.memory_space<vmem>> -> memref<80x128xf32, #tpu.memory_space<vmem>>
    %dma_wait3A_83 = arith.constant 0 : i32
    %dma_wait3A_84 = tpu.memref_slice %arg5[%dma_wait3A_79, %dma_wait3A_83] : memref<5x80xi32, #tpu.memory_space<vmem>> -> memref<1x80xi32, #tpu.memory_space<vmem>>
    %dma_wait3A_85 = tpu.memref_squeeze %dma_wait3A_84 : memref<1x80xi32, #tpu.memory_space<vmem>> -> memref<80xi32, #tpu.memory_space<vmem>>
    %dma_wait3A_86 = arith.constant 0 : i32
    %dma_wait3A_87 = arith.constant 0 : i32
    %dma_wait3A_88 = tpu.memref_slice %arg2[%dma_wait3A_86, %dma_wait3A_87] : memref<3200x128xf32, #tpu.memory_space<hbm>> -> memref<3200x128xf32, #tpu.memory_space<hbm>>
    tpu.wait_indirect_dma semaphore(%arg7 : memref<!tpu.dma_semaphore, #tpu.memory_space<semaphore_mem>>) src(%dma_wait3A_88 : memref<3200x128xf32, #tpu.memory_space<hbm>>) dst(%dma_wait3A_82 : memref<80x128xf32, #tpu.memory_space<vmem>>)
    %dma_wait3A_89 = arith.constant 4 : i32
    %dma_wait3A_90 = arith.constant 320 : i32
    %dma_wait3A_91 = arith.constant 0 : i32
    %dma_wait3A_92 = tpu.memref_slice %arg6[%dma_wait3A_90, %dma_wait3A_91] : memref<400x128xf32, #tpu.memory_space<vmem>> -> memref<80x128xf32, #tpu.memory_space<vmem>>
    %dma_wait3A_93 = arith.constant 0 : i32
    %dma_wait3A_94 = tpu.memref_slice %arg5[%dma_wait3A_89, %dma_wait3A_93] : memref<5x80xi32, #tpu.memory_space<vmem>> -> memref<1x80xi32, #tpu.memory_space<vmem>>
    %dma_wait3A_95 = tpu.memref_squeeze %dma_wait3A_94 : memref<1x80xi32, #tpu.memory_space<vmem>> -> memref<80xi32, #tpu.memory_space<vmem>>
    %dma_wait3A_96 = arith.constant 0 : i32
    %dma_wait3A_97 = arith.constant 0 : i32
    %dma_wait3A_98 = tpu.memref_slice %arg2[%dma_wait3A_96, %dma_wait3A_97] : memref<3200x128xf32, #tpu.memory_space<hbm>> -> memref<3200x128xf32, #tpu.memory_space<hbm>>
    tpu.wait_indirect_dma semaphore(%arg7 : memref<!tpu.dma_semaphore, #tpu.memory_space<semaphore_mem>>) src(%dma_wait3A_98 : memref<3200x128xf32, #tpu.memory_space<hbm>>) dst(%dma_wait3A_92 : memref<80x128xf32, #tpu.memory_space<vmem>>)
    %mul3A_99 = arith.constant 400 : i32
    %mul3A_100 = arith.muli %add3A, %mul3A_99 : i32
    "tpu.region"() ({
      %run_scoped3A = tpu.sem_alloc : memref<!tpu.dma_semaphore, #tpu.memory_space<semaphore_mem>>
      %dma_start3A_101 = arith.constant 0 : i32
      %dma_start3A_102 = tpu.memref_slice %arg4[%mul3A_100, %dma_start3A_101] : memref<12800x128xf32, #tpu.memory_space<hbm>> -> memref<400x128xf32, #tpu.memory_space<hbm>>
      %dma_start3A_103 = arith.constant 0 : i32
      %dma_start3A_104 = tpu.memref_slice %arg4[%mul3A_100, %dma_start3A_103] : memref<12800x128xf32, #tpu.memory_space<hbm>> -> memref<400x128xf32, #tpu.memory_space<hbm>>
      tpu.enqueue_dma source(%arg6 : memref<400x128xf32, #tpu.memory_space<vmem>>) target(%dma_start3A_104 : memref<400x128xf32, #tpu.memory_space<hbm>>) target_semaphore(%run_scoped3A : memref<!tpu.dma_semaphore, #tpu.memory_space<semaphore_mem>>)
      %dma_wait3A_105 = arith.constant 0 : i32
      %dma_wait3A_106 = tpu.memref_slice %arg4[%mul3A_100, %dma_wait3A_105] : memref<12800x128xf32, #tpu.memory_space<hbm>> -> memref<400x128xf32, #tpu.memory_space<hbm>>
      %dma_wait3A_107 = arith.constant 0 : i32
      %dma_wait3A_108 = tpu.memref_slice %arg4[%mul3A_100, %dma_wait3A_107] : memref<12800x128xf32, #tpu.memory_space<hbm>> -> memref<400x128xf32, #tpu.memory_space<hbm>>
      tpu.wait_dma2 semaphore(%run_scoped3A : memref<!tpu.dma_semaphore, #tpu.memory_space<semaphore_mem>>) src(%arg6 : memref<400x128xf32, #tpu.memory_space<vmem>>) dst(%dma_wait3A_108 : memref<400x128xf32, #tpu.memory_space<hbm>>)
      tpu.yield
    }) : () -> ()
    return
  }
}

#map = affine_map<(d0, d1) -> (0, 0)>
#map1 = affine_map<(d0, d1) -> (0, 0, 0)>
#map2 = affine_map<(d0, d1) -> (0, 0, 0, 0)>
module attributes {stable_mosaic.version = 14 : i64} {
  func.func @k(%arg0: i32, %arg1: i32, %arg2: memref<12800x128xf32, #tpu.memory_space<hbm>>, %arg3: memref<12800x128xf32, #tpu.memory_space<hbm>>, %arg4: memref<32x5x80xi32, #tpu.memory_space<hbm>>, %arg5: memref<3200x128xf32, #tpu.memory_space<hbm>>, %arg6: memref<2x2x3200x128xf32, #tpu.memory_space<hbm>>, %arg7: memref<5x80xi32, #tpu.memory_space<vmem>>, %arg8: memref<400x128xf32, #tpu.memory_space<vmem>>, %arg9: memref<3200x128xf32, #tpu.memory_space<vmem_shared>>) attributes {dimension_semantics = [#tpu.dimension_semantics<core_parallel>, #tpu.dimension_semantics<subcore_parallel>], iteration_bounds = array<i64: 2, 16>, scalar_prefetch = 0 : i64, scratch_operands = 3 : i64, tpu.core_type = #tpu.core_type<sc_vector_subcore>, window_params = [{transform_indices = #map}, {transform_indices = #map}, {transform_indices = #map1}, {transform_indices = #map}, {transform_indices = #map2}]} {
    %mul3A = arith.constant 2 : i32
    %mul3A_0 = arith.muli %arg1, %mul3A : i32
    %add3A = arith.addi %mul3A_0, %arg0 : i32
    "tpu.region"() ({
      %run_scoped3A_35 = tpu.sem_alloc : memref<!tpu.dma_semaphore, #tpu.memory_space<semaphore_mem>>
      %dma_start3A = arith.constant 0 : i32
      %dma_start3A_36 = arith.constant 0 : i32
      %dma_start3A_37 = tpu.memref_slice %arg4[%add3A, %dma_start3A, %dma_start3A_36] : memref<32x5x80xi32, #tpu.memory_space<hbm>> -> memref<1x5x80xi32, #tpu.memory_space<hbm>>
      %dma_start3A_38 = tpu.memref_squeeze %dma_start3A_37 : memref<1x5x80xi32, #tpu.memory_space<hbm>> -> memref<5x80xi32, #tpu.memory_space<hbm>>
      %dma_start3A_39 = arith.constant 0 : i32
      %dma_start3A_40 = arith.constant 0 : i32
      %dma_start3A_41 = tpu.memref_slice %arg4[%add3A, %dma_start3A_39, %dma_start3A_40] : memref<32x5x80xi32, #tpu.memory_space<hbm>> -> memref<1x5x80xi32, #tpu.memory_space<hbm>>
      %dma_start3A_42 = tpu.memref_squeeze %dma_start3A_41 : memref<1x5x80xi32, #tpu.memory_space<hbm>> -> memref<5x80xi32, #tpu.memory_space<hbm>>
      tpu.enqueue_dma source(%dma_start3A_42 : memref<5x80xi32, #tpu.memory_space<hbm>>) target(%arg7 : memref<5x80xi32, #tpu.memory_space<vmem>>) target_semaphore(%run_scoped3A_35 : memref<!tpu.dma_semaphore, #tpu.memory_space<semaphore_mem>>)
      %dma_wait3A = arith.constant 0 : i32
      %dma_wait3A_43 = arith.constant 0 : i32
      %dma_wait3A_44 = tpu.memref_slice %arg4[%add3A, %dma_wait3A, %dma_wait3A_43] : memref<32x5x80xi32, #tpu.memory_space<hbm>> -> memref<1x5x80xi32, #tpu.memory_space<hbm>>
      %dma_wait3A_45 = tpu.memref_squeeze %dma_wait3A_44 : memref<1x5x80xi32, #tpu.memory_space<hbm>> -> memref<5x80xi32, #tpu.memory_space<hbm>>
      %dma_wait3A_46 = arith.constant 0 : i32
      %dma_wait3A_47 = arith.constant 0 : i32
      %dma_wait3A_48 = tpu.memref_slice %arg4[%add3A, %dma_wait3A_46, %dma_wait3A_47] : memref<32x5x80xi32, #tpu.memory_space<hbm>> -> memref<1x5x80xi32, #tpu.memory_space<hbm>>
      %dma_wait3A_49 = tpu.memref_squeeze %dma_wait3A_48 : memref<1x5x80xi32, #tpu.memory_space<hbm>> -> memref<5x80xi32, #tpu.memory_space<hbm>>
      tpu.wait_dma2 semaphore(%run_scoped3A_35 : memref<!tpu.dma_semaphore, #tpu.memory_space<semaphore_mem>>) src(%dma_wait3A_49 : memref<5x80xi32, #tpu.memory_space<hbm>>) dst(%arg7 : memref<5x80xi32, #tpu.memory_space<vmem>>)
      tpu.yield
    }) : () -> ()
    %mul3A_1 = arith.constant 200 : i32
    %mul3A_2 = arith.muli %arg1, %mul3A_1 : i32
    %mul3A_3 = arith.constant 200 : i32
    %mul3A_4 = arith.muli %arg1, %mul3A_3 : i32
    "tpu.region"() ({
      %run_scoped3A_35 = tpu.sem_alloc : memref<!tpu.dma_semaphore, #tpu.memory_space<semaphore_mem>>
      %dma_start3A = arith.constant 0 : i32
      %dma_start3A_36 = tpu.memref_slice %arg9[%mul3A_4, %dma_start3A] : memref<3200x128xf32, #tpu.memory_space<vmem_shared>> -> memref<200x128xf32, #tpu.memory_space<vmem_shared>>
      %dma_start3A_37 = arith.constant 0 : i32
      %dma_start3A_38 = tpu.memref_slice %arg5[%mul3A_2, %dma_start3A_37] : memref<3200x128xf32, #tpu.memory_space<hbm>> -> memref<200x128xf32, #tpu.memory_space<hbm>>
      tpu.enqueue_dma source(%dma_start3A_38 : memref<200x128xf32, #tpu.memory_space<hbm>>) target(%dma_start3A_36 : memref<200x128xf32, #tpu.memory_space<vmem_shared>>) target_semaphore(%run_scoped3A_35 : memref<!tpu.dma_semaphore, #tpu.memory_space<semaphore_mem>>)
      %dma_wait3A = arith.constant 0 : i32
      %dma_wait3A_39 = tpu.memref_slice %arg9[%mul3A_4, %dma_wait3A] : memref<3200x128xf32, #tpu.memory_space<vmem_shared>> -> memref<200x128xf32, #tpu.memory_space<vmem_shared>>
      %dma_wait3A_40 = arith.constant 0 : i32
      %dma_wait3A_41 = tpu.memref_slice %arg5[%mul3A_2, %dma_wait3A_40] : memref<3200x128xf32, #tpu.memory_space<hbm>> -> memref<200x128xf32, #tpu.memory_space<hbm>>
      tpu.wait_dma2 semaphore(%run_scoped3A_35 : memref<!tpu.dma_semaphore, #tpu.memory_space<semaphore_mem>>) src(%dma_wait3A_41 : memref<200x128xf32, #tpu.memory_space<hbm>>) dst(%dma_wait3A_39 : memref<200x128xf32, #tpu.memory_space<vmem_shared>>)
      tpu.yield
    }) : () -> ()
    %mul3A_5 = arith.constant 400 : i32
    %mul3A_6 = arith.muli %add3A, %mul3A_5 : i32
    "tpu.region"() ({
      %run_scoped3A_35 = tpu.sem_alloc : memref<!tpu.dma_semaphore, #tpu.memory_space<semaphore_mem>>
      %dma_start3A = arith.constant 0 : i32
      %dma_start3A_36 = tpu.memref_slice %arg2[%mul3A_6, %dma_start3A] : memref<12800x128xf32, #tpu.memory_space<hbm>> -> memref<400x128xf32, #tpu.memory_space<hbm>>
      %dma_start3A_37 = arith.constant 0 : i32
      %dma_start3A_38 = tpu.memref_slice %arg2[%mul3A_6, %dma_start3A_37] : memref<12800x128xf32, #tpu.memory_space<hbm>> -> memref<400x128xf32, #tpu.memory_space<hbm>>
      tpu.enqueue_dma source(%dma_start3A_38 : memref<400x128xf32, #tpu.memory_space<hbm>>) target(%arg8 : memref<400x128xf32, #tpu.memory_space<vmem>>) target_semaphore(%run_scoped3A_35 : memref<!tpu.dma_semaphore, #tpu.memory_space<semaphore_mem>>)
      %dma_wait3A = arith.constant 0 : i32
      %dma_wait3A_39 = tpu.memref_slice %arg2[%mul3A_6, %dma_wait3A] : memref<12800x128xf32, #tpu.memory_space<hbm>> -> memref<400x128xf32, #tpu.memory_space<hbm>>
      %dma_wait3A_40 = arith.constant 0 : i32
      %dma_wait3A_41 = tpu.memref_slice %arg2[%mul3A_6, %dma_wait3A_40] : memref<12800x128xf32, #tpu.memory_space<hbm>> -> memref<400x128xf32, #tpu.memory_space<hbm>>
      tpu.wait_dma2 semaphore(%run_scoped3A_35 : memref<!tpu.dma_semaphore, #tpu.memory_space<semaphore_mem>>) src(%dma_wait3A_41 : memref<400x128xf32, #tpu.memory_space<hbm>>) dst(%arg8 : memref<400x128xf32, #tpu.memory_space<vmem>>)
      tpu.yield
    }) : () -> ()
    %barrier3A = arith.constant 0 : index
    tpu.barrier barrier_id(%barrier3A)
    %run_scoped3A = arith.constant 0 : i32
    "tpu.region"() ({
      %run_scoped3A_35 = tpu.sem_alloc : memref<!tpu.dma_semaphore, #tpu.memory_space<semaphore_mem>>
      %dma_start3A = arith.constant 0 : i32
      %dma_start3A_36 = arith.constant 0 : i32
      %dma_start3A_37 = tpu.memref_slice %arg8[%dma_start3A, %dma_start3A_36] : memref<400x128xf32, #tpu.memory_space<vmem>> -> memref<80x128xf32, #tpu.memory_space<vmem>>
      %dma_start3A_38 = arith.constant 0 : i32
      %dma_start3A_39 = tpu.memref_slice %arg7[%run_scoped3A, %dma_start3A_38] : memref<5x80xi32, #tpu.memory_space<vmem>> -> memref<1x80xi32, #tpu.memory_space<vmem>>
      %dma_start3A_40 = tpu.memref_squeeze %dma_start3A_39 : memref<1x80xi32, #tpu.memory_space<vmem>> -> memref<80xi32, #tpu.memory_space<vmem>>
      %dma_start3A_41 = arith.constant 0 : i32
      %dma_start3A_42 = arith.constant 0 : i32
      %dma_start3A_43 = tpu.memref_slice %arg9[%dma_start3A_41, %dma_start3A_42] : memref<3200x128xf32, #tpu.memory_space<vmem_shared>> -> memref<3200x128xf32, #tpu.memory_space<vmem_shared>>
      tpu.enqueue_indirect_dma source(%dma_start3A_37 : memref<80x128xf32, #tpu.memory_space<vmem>>) target(%dma_start3A_43 : memref<3200x128xf32, #tpu.memory_space<vmem_shared>>) offsets(%dma_start3A_40 : memref<80xi32, #tpu.memory_space<vmem>>) semaphore(%run_scoped3A_35 : memref<!tpu.dma_semaphore, #tpu.memory_space<semaphore_mem>>) {add = true}
      %dma_wait3A = arith.constant 0 : i32
      %dma_wait3A_44 = arith.constant 0 : i32
      %dma_wait3A_45 = tpu.memref_slice %arg8[%dma_wait3A, %dma_wait3A_44] : memref<400x128xf32, #tpu.memory_space<vmem>> -> memref<80x128xf32, #tpu.memory_space<vmem>>
      %dma_wait3A_46 = arith.constant 0 : i32
      %dma_wait3A_47 = tpu.memref_slice %arg7[%run_scoped3A, %dma_wait3A_46] : memref<5x80xi32, #tpu.memory_space<vmem>> -> memref<1x80xi32, #tpu.memory_space<vmem>>
      %dma_wait3A_48 = tpu.memref_squeeze %dma_wait3A_47 : memref<1x80xi32, #tpu.memory_space<vmem>> -> memref<80xi32, #tpu.memory_space<vmem>>
      %dma_wait3A_49 = arith.constant 0 : i32
      %dma_wait3A_50 = arith.constant 0 : i32
      %dma_wait3A_51 = tpu.memref_slice %arg9[%dma_wait3A_49, %dma_wait3A_50] : memref<3200x128xf32, #tpu.memory_space<vmem_shared>> -> memref<3200x128xf32, #tpu.memory_space<vmem_shared>>
      tpu.wait_indirect_dma semaphore(%run_scoped3A_35 : memref<!tpu.dma_semaphore, #tpu.memory_space<semaphore_mem>>) src(%dma_wait3A_45 : memref<80x128xf32, #tpu.memory_space<vmem>>) dst(%dma_wait3A_51 : memref<3200x128xf32, #tpu.memory_space<vmem_shared>>)
      tpu.yield
    }) : () -> ()
    %run_scoped3A_7 = arith.constant 1 : i32
    "tpu.region"() ({
      %run_scoped3A_35 = tpu.sem_alloc : memref<!tpu.dma_semaphore, #tpu.memory_space<semaphore_mem>>
      %dma_start3A = arith.constant 80 : i32
      %dma_start3A_36 = arith.constant 0 : i32
      %dma_start3A_37 = tpu.memref_slice %arg8[%dma_start3A, %dma_start3A_36] : memref<400x128xf32, #tpu.memory_space<vmem>> -> memref<80x128xf32, #tpu.memory_space<vmem>>
      %dma_start3A_38 = arith.constant 0 : i32
      %dma_start3A_39 = tpu.memref_slice %arg7[%run_scoped3A_7, %dma_start3A_38] : memref<5x80xi32, #tpu.memory_space<vmem>> -> memref<1x80xi32, #tpu.memory_space<vmem>>
      %dma_start3A_40 = tpu.memref_squeeze %dma_start3A_39 : memref<1x80xi32, #tpu.memory_space<vmem>> -> memref<80xi32, #tpu.memory_space<vmem>>
      %dma_start3A_41 = arith.constant 0 : i32
      %dma_start3A_42 = arith.constant 0 : i32
      %dma_start3A_43 = tpu.memref_slice %arg9[%dma_start3A_41, %dma_start3A_42] : memref<3200x128xf32, #tpu.memory_space<vmem_shared>> -> memref<3200x128xf32, #tpu.memory_space<vmem_shared>>
      tpu.enqueue_indirect_dma source(%dma_start3A_37 : memref<80x128xf32, #tpu.memory_space<vmem>>) target(%dma_start3A_43 : memref<3200x128xf32, #tpu.memory_space<vmem_shared>>) offsets(%dma_start3A_40 : memref<80xi32, #tpu.memory_space<vmem>>) semaphore(%run_scoped3A_35 : memref<!tpu.dma_semaphore, #tpu.memory_space<semaphore_mem>>) {add = true}
      %dma_wait3A = arith.constant 80 : i32
      %dma_wait3A_44 = arith.constant 0 : i32
      %dma_wait3A_45 = tpu.memref_slice %arg8[%dma_wait3A, %dma_wait3A_44] : memref<400x128xf32, #tpu.memory_space<vmem>> -> memref<80x128xf32, #tpu.memory_space<vmem>>
      %dma_wait3A_46 = arith.constant 0 : i32
      %dma_wait3A_47 = tpu.memref_slice %arg7[%run_scoped3A_7, %dma_wait3A_46] : memref<5x80xi32, #tpu.memory_space<vmem>> -> memref<1x80xi32, #tpu.memory_space<vmem>>
      %dma_wait3A_48 = tpu.memref_squeeze %dma_wait3A_47 : memref<1x80xi32, #tpu.memory_space<vmem>> -> memref<80xi32, #tpu.memory_space<vmem>>
      %dma_wait3A_49 = arith.constant 0 : i32
      %dma_wait3A_50 = arith.constant 0 : i32
      %dma_wait3A_51 = tpu.memref_slice %arg9[%dma_wait3A_49, %dma_wait3A_50] : memref<3200x128xf32, #tpu.memory_space<vmem_shared>> -> memref<3200x128xf32, #tpu.memory_space<vmem_shared>>
      tpu.wait_indirect_dma semaphore(%run_scoped3A_35 : memref<!tpu.dma_semaphore, #tpu.memory_space<semaphore_mem>>) src(%dma_wait3A_45 : memref<80x128xf32, #tpu.memory_space<vmem>>) dst(%dma_wait3A_51 : memref<3200x128xf32, #tpu.memory_space<vmem_shared>>)
      tpu.yield
    }) : () -> ()
    %run_scoped3A_8 = arith.constant 2 : i32
    "tpu.region"() ({
      %run_scoped3A_35 = tpu.sem_alloc : memref<!tpu.dma_semaphore, #tpu.memory_space<semaphore_mem>>
      %dma_start3A = arith.constant 160 : i32
      %dma_start3A_36 = arith.constant 0 : i32
      %dma_start3A_37 = tpu.memref_slice %arg8[%dma_start3A, %dma_start3A_36] : memref<400x128xf32, #tpu.memory_space<vmem>> -> memref<80x128xf32, #tpu.memory_space<vmem>>
      %dma_start3A_38 = arith.constant 0 : i32
      %dma_start3A_39 = tpu.memref_slice %arg7[%run_scoped3A_8, %dma_start3A_38] : memref<5x80xi32, #tpu.memory_space<vmem>> -> memref<1x80xi32, #tpu.memory_space<vmem>>
      %dma_start3A_40 = tpu.memref_squeeze %dma_start3A_39 : memref<1x80xi32, #tpu.memory_space<vmem>> -> memref<80xi32, #tpu.memory_space<vmem>>
      %dma_start3A_41 = arith.constant 0 : i32
      %dma_start3A_42 = arith.constant 0 : i32
      %dma_start3A_43 = tpu.memref_slice %arg9[%dma_start3A_41, %dma_start3A_42] : memref<3200x128xf32, #tpu.memory_space<vmem_shared>> -> memref<3200x128xf32, #tpu.memory_space<vmem_shared>>
      tpu.enqueue_indirect_dma source(%dma_start3A_37 : memref<80x128xf32, #tpu.memory_space<vmem>>) target(%dma_start3A_43 : memref<3200x128xf32, #tpu.memory_space<vmem_shared>>) offsets(%dma_start3A_40 : memref<80xi32, #tpu.memory_space<vmem>>) semaphore(%run_scoped3A_35 : memref<!tpu.dma_semaphore, #tpu.memory_space<semaphore_mem>>) {add = true}
      %dma_wait3A = arith.constant 160 : i32
      %dma_wait3A_44 = arith.constant 0 : i32
      %dma_wait3A_45 = tpu.memref_slice %arg8[%dma_wait3A, %dma_wait3A_44] : memref<400x128xf32, #tpu.memory_space<vmem>> -> memref<80x128xf32, #tpu.memory_space<vmem>>
      %dma_wait3A_46 = arith.constant 0 : i32
      %dma_wait3A_47 = tpu.memref_slice %arg7[%run_scoped3A_8, %dma_wait3A_46] : memref<5x80xi32, #tpu.memory_space<vmem>> -> memref<1x80xi32, #tpu.memory_space<vmem>>
      %dma_wait3A_48 = tpu.memref_squeeze %dma_wait3A_47 : memref<1x80xi32, #tpu.memory_space<vmem>> -> memref<80xi32, #tpu.memory_space<vmem>>
      %dma_wait3A_49 = arith.constant 0 : i32
      %dma_wait3A_50 = arith.constant 0 : i32
      %dma_wait3A_51 = tpu.memref_slice %arg9[%dma_wait3A_49, %dma_wait3A_50] : memref<3200x128xf32, #tpu.memory_space<vmem_shared>> -> memref<3200x128xf32, #tpu.memory_space<vmem_shared>>
      tpu.wait_indirect_dma semaphore(%run_scoped3A_35 : memref<!tpu.dma_semaphore, #tpu.memory_space<semaphore_mem>>) src(%dma_wait3A_45 : memref<80x128xf32, #tpu.memory_space<vmem>>) dst(%dma_wait3A_51 : memref<3200x128xf32, #tpu.memory_space<vmem_shared>>)
      tpu.yield
    }) : () -> ()
    %run_scoped3A_9 = arith.constant 3 : i32
    "tpu.region"() ({
      %run_scoped3A_35 = tpu.sem_alloc : memref<!tpu.dma_semaphore, #tpu.memory_space<semaphore_mem>>
      %dma_start3A = arith.constant 240 : i32
      %dma_start3A_36 = arith.constant 0 : i32
      %dma_start3A_37 = tpu.memref_slice %arg8[%dma_start3A, %dma_start3A_36] : memref<400x128xf32, #tpu.memory_space<vmem>> -> memref<80x128xf32, #tpu.memory_space<vmem>>
      %dma_start3A_38 = arith.constant 0 : i32
      %dma_start3A_39 = tpu.memref_slice %arg7[%run_scoped3A_9, %dma_start3A_38] : memref<5x80xi32, #tpu.memory_space<vmem>> -> memref<1x80xi32, #tpu.memory_space<vmem>>
      %dma_start3A_40 = tpu.memref_squeeze %dma_start3A_39 : memref<1x80xi32, #tpu.memory_space<vmem>> -> memref<80xi32, #tpu.memory_space<vmem>>
      %dma_start3A_41 = arith.constant 0 : i32
      %dma_start3A_42 = arith.constant 0 : i32
      %dma_start3A_43 = tpu.memref_slice %arg9[%dma_start3A_41, %dma_start3A_42] : memref<3200x128xf32, #tpu.memory_space<vmem_shared>> -> memref<3200x128xf32, #tpu.memory_space<vmem_shared>>
      tpu.enqueue_indirect_dma source(%dma_start3A_37 : memref<80x128xf32, #tpu.memory_space<vmem>>) target(%dma_start3A_43 : memref<3200x128xf32, #tpu.memory_space<vmem_shared>>) offsets(%dma_start3A_40 : memref<80xi32, #tpu.memory_space<vmem>>) semaphore(%run_scoped3A_35 : memref<!tpu.dma_semaphore, #tpu.memory_space<semaphore_mem>>) {add = true}
      %dma_wait3A = arith.constant 240 : i32
      %dma_wait3A_44 = arith.constant 0 : i32
      %dma_wait3A_45 = tpu.memref_slice %arg8[%dma_wait3A, %dma_wait3A_44] : memref<400x128xf32, #tpu.memory_space<vmem>> -> memref<80x128xf32, #tpu.memory_space<vmem>>
      %dma_wait3A_46 = arith.constant 0 : i32
      %dma_wait3A_47 = tpu.memref_slice %arg7[%run_scoped3A_9, %dma_wait3A_46] : memref<5x80xi32, #tpu.memory_space<vmem>> -> memref<1x80xi32, #tpu.memory_space<vmem>>
      %dma_wait3A_48 = tpu.memref_squeeze %dma_wait3A_47 : memref<1x80xi32, #tpu.memory_space<vmem>> -> memref<80xi32, #tpu.memory_space<vmem>>
      %dma_wait3A_49 = arith.constant 0 : i32
      %dma_wait3A_50 = arith.constant 0 : i32
      %dma_wait3A_51 = tpu.memref_slice %arg9[%dma_wait3A_49, %dma_wait3A_50] : memref<3200x128xf32, #tpu.memory_space<vmem_shared>> -> memref<3200x128xf32, #tpu.memory_space<vmem_shared>>
      tpu.wait_indirect_dma semaphore(%run_scoped3A_35 : memref<!tpu.dma_semaphore, #tpu.memory_space<semaphore_mem>>) src(%dma_wait3A_45 : memref<80x128xf32, #tpu.memory_space<vmem>>) dst(%dma_wait3A_51 : memref<3200x128xf32, #tpu.memory_space<vmem_shared>>)
      tpu.yield
    }) : () -> ()
    %run_scoped3A_10 = arith.constant 4 : i32
    "tpu.region"() ({
      %run_scoped3A_35 = tpu.sem_alloc : memref<!tpu.dma_semaphore, #tpu.memory_space<semaphore_mem>>
      %dma_start3A = arith.constant 320 : i32
      %dma_start3A_36 = arith.constant 0 : i32
      %dma_start3A_37 = tpu.memref_slice %arg8[%dma_start3A, %dma_start3A_36] : memref<400x128xf32, #tpu.memory_space<vmem>> -> memref<80x128xf32, #tpu.memory_space<vmem>>
      %dma_start3A_38 = arith.constant 0 : i32
      %dma_start3A_39 = tpu.memref_slice %arg7[%run_scoped3A_10, %dma_start3A_38] : memref<5x80xi32, #tpu.memory_space<vmem>> -> memref<1x80xi32, #tpu.memory_space<vmem>>
      %dma_start3A_40 = tpu.memref_squeeze %dma_start3A_39 : memref<1x80xi32, #tpu.memory_space<vmem>> -> memref<80xi32, #tpu.memory_space<vmem>>
      %dma_start3A_41 = arith.constant 0 : i32
      %dma_start3A_42 = arith.constant 0 : i32
      %dma_start3A_43 = tpu.memref_slice %arg9[%dma_start3A_41, %dma_start3A_42] : memref<3200x128xf32, #tpu.memory_space<vmem_shared>> -> memref<3200x128xf32, #tpu.memory_space<vmem_shared>>
      tpu.enqueue_indirect_dma source(%dma_start3A_37 : memref<80x128xf32, #tpu.memory_space<vmem>>) target(%dma_start3A_43 : memref<3200x128xf32, #tpu.memory_space<vmem_shared>>) offsets(%dma_start3A_40 : memref<80xi32, #tpu.memory_space<vmem>>) semaphore(%run_scoped3A_35 : memref<!tpu.dma_semaphore, #tpu.memory_space<semaphore_mem>>) {add = true}
      %dma_wait3A = arith.constant 320 : i32
      %dma_wait3A_44 = arith.constant 0 : i32
      %dma_wait3A_45 = tpu.memref_slice %arg8[%dma_wait3A, %dma_wait3A_44] : memref<400x128xf32, #tpu.memory_space<vmem>> -> memref<80x128xf32, #tpu.memory_space<vmem>>
      %dma_wait3A_46 = arith.constant 0 : i32
      %dma_wait3A_47 = tpu.memref_slice %arg7[%run_scoped3A_10, %dma_wait3A_46] : memref<5x80xi32, #tpu.memory_space<vmem>> -> memref<1x80xi32, #tpu.memory_space<vmem>>
      %dma_wait3A_48 = tpu.memref_squeeze %dma_wait3A_47 : memref<1x80xi32, #tpu.memory_space<vmem>> -> memref<80xi32, #tpu.memory_space<vmem>>
      %dma_wait3A_49 = arith.constant 0 : i32
      %dma_wait3A_50 = arith.constant 0 : i32
      %dma_wait3A_51 = tpu.memref_slice %arg9[%dma_wait3A_49, %dma_wait3A_50] : memref<3200x128xf32, #tpu.memory_space<vmem_shared>> -> memref<3200x128xf32, #tpu.memory_space<vmem_shared>>
      tpu.wait_indirect_dma semaphore(%run_scoped3A_35 : memref<!tpu.dma_semaphore, #tpu.memory_space<semaphore_mem>>) src(%dma_wait3A_45 : memref<80x128xf32, #tpu.memory_space<vmem>>) dst(%dma_wait3A_51 : memref<3200x128xf32, #tpu.memory_space<vmem_shared>>)
      tpu.yield
    }) : () -> ()
    %barrier3A_11 = arith.constant 0 : index
    tpu.barrier barrier_id(%barrier3A_11)
    %mul3A_12 = arith.constant 200 : i32
    %mul3A_13 = arith.muli %arg1, %mul3A_12 : i32
    %mul3A_14 = arith.constant 200 : i32
    %mul3A_15 = arith.muli %arg1, %mul3A_14 : i32
    %run_scoped3A_16 = arith.constant 0 : i32
    "tpu.region"() ({
      %run_scoped3A_35 = tpu.sem_alloc : memref<!tpu.dma_semaphore, #tpu.memory_space<semaphore_mem>>
      %dma_start3A = arith.constant 0 : i32
      %dma_start3A_36 = tpu.memref_slice %arg6[%arg0, %run_scoped3A_16, %mul3A_15, %dma_start3A] : memref<2x2x3200x128xf32, #tpu.memory_space<hbm>> -> memref<1x1x200x128xf32, #tpu.memory_space<hbm>>
      %dma_start3A_37 = tpu.memref_squeeze %dma_start3A_36 : memref<1x1x200x128xf32, #tpu.memory_space<hbm>> -> memref<200x128xf32, #tpu.memory_space<hbm>>
      %dma_start3A_38 = arith.constant 0 : i32
      %dma_start3A_39 = tpu.memref_slice %arg9[%mul3A_13, %dma_start3A_38] : memref<3200x128xf32, #tpu.memory_space<vmem_shared>> -> memref<200x128xf32, #tpu.memory_space<vmem_shared>>
      tpu.enqueue_dma source(%dma_start3A_39 : memref<200x128xf32, #tpu.memory_space<vmem_shared>>) target(%dma_start3A_37 : memref<200x128xf32, #tpu.memory_space<hbm>>) target_semaphore(%run_scoped3A_35 : memref<!tpu.dma_semaphore, #tpu.memory_space<semaphore_mem>>)
      %dma_wait3A = arith.constant 0 : i32
      %dma_wait3A_40 = tpu.memref_slice %arg6[%arg0, %run_scoped3A_16, %mul3A_15, %dma_wait3A] : memref<2x2x3200x128xf32, #tpu.memory_space<hbm>> -> memref<1x1x200x128xf32, #tpu.memory_space<hbm>>
      %dma_wait3A_41 = tpu.memref_squeeze %dma_wait3A_40 : memref<1x1x200x128xf32, #tpu.memory_space<hbm>> -> memref<200x128xf32, #tpu.memory_space<hbm>>
      %dma_wait3A_42 = arith.constant 0 : i32
      %dma_wait3A_43 = tpu.memref_slice %arg9[%mul3A_13, %dma_wait3A_42] : memref<3200x128xf32, #tpu.memory_space<vmem_shared>> -> memref<200x128xf32, #tpu.memory_space<vmem_shared>>
      tpu.wait_dma2 semaphore(%run_scoped3A_35 : memref<!tpu.dma_semaphore, #tpu.memory_space<semaphore_mem>>) src(%dma_wait3A_43 : memref<200x128xf32, #tpu.memory_space<vmem_shared>>) dst(%dma_wait3A_41 : memref<200x128xf32, #tpu.memory_space<hbm>>)
      tpu.yield
    }) : () -> ()
    %mul3A_17 = arith.constant 200 : i32
    %mul3A_18 = arith.muli %arg1, %mul3A_17 : i32
    %mul3A_19 = arith.constant 200 : i32
    %mul3A_20 = arith.muli %arg1, %mul3A_19 : i32
    "tpu.region"() ({
      %run_scoped3A_35 = tpu.sem_alloc : memref<!tpu.dma_semaphore, #tpu.memory_space<semaphore_mem>>
      %dma_start3A = arith.constant 0 : i32
      %dma_start3A_36 = tpu.memref_slice %arg9[%mul3A_20, %dma_start3A] : memref<3200x128xf32, #tpu.memory_space<vmem_shared>> -> memref<200x128xf32, #tpu.memory_space<vmem_shared>>
      %dma_start3A_37 = arith.constant 0 : i32
      %dma_start3A_38 = tpu.memref_slice %arg5[%mul3A_18, %dma_start3A_37] : memref<3200x128xf32, #tpu.memory_space<hbm>> -> memref<200x128xf32, #tpu.memory_space<hbm>>
      tpu.enqueue_dma source(%dma_start3A_38 : memref<200x128xf32, #tpu.memory_space<hbm>>) target(%dma_start3A_36 : memref<200x128xf32, #tpu.memory_space<vmem_shared>>) target_semaphore(%run_scoped3A_35 : memref<!tpu.dma_semaphore, #tpu.memory_space<semaphore_mem>>)
      %dma_wait3A = arith.constant 0 : i32
      %dma_wait3A_39 = tpu.memref_slice %arg9[%mul3A_20, %dma_wait3A] : memref<3200x128xf32, #tpu.memory_space<vmem_shared>> -> memref<200x128xf32, #tpu.memory_space<vmem_shared>>
      %dma_wait3A_40 = arith.constant 0 : i32
      %dma_wait3A_41 = tpu.memref_slice %arg5[%mul3A_18, %dma_wait3A_40] : memref<3200x128xf32, #tpu.memory_space<hbm>> -> memref<200x128xf32, #tpu.memory_space<hbm>>
      tpu.wait_dma2 semaphore(%run_scoped3A_35 : memref<!tpu.dma_semaphore, #tpu.memory_space<semaphore_mem>>) src(%dma_wait3A_41 : memref<200x128xf32, #tpu.memory_space<hbm>>) dst(%dma_wait3A_39 : memref<200x128xf32, #tpu.memory_space<vmem_shared>>)
      tpu.yield
    }) : () -> ()
    %mul3A_21 = arith.constant 400 : i32
    %mul3A_22 = arith.muli %add3A, %mul3A_21 : i32
    "tpu.region"() ({
      %run_scoped3A_35 = tpu.sem_alloc : memref<!tpu.dma_semaphore, #tpu.memory_space<semaphore_mem>>
      %dma_start3A = arith.constant 0 : i32
      %dma_start3A_36 = tpu.memref_slice %arg3[%mul3A_22, %dma_start3A] : memref<12800x128xf32, #tpu.memory_space<hbm>> -> memref<400x128xf32, #tpu.memory_space<hbm>>
      %dma_start3A_37 = arith.constant 0 : i32
      %dma_start3A_38 = tpu.memref_slice %arg3[%mul3A_22, %dma_start3A_37] : memref<12800x128xf32, #tpu.memory_space<hbm>> -> memref<400x128xf32, #tpu.memory_space<hbm>>
      tpu.enqueue_dma source(%dma_start3A_38 : memref<400x128xf32, #tpu.memory_space<hbm>>) target(%arg8 : memref<400x128xf32, #tpu.memory_space<vmem>>) target_semaphore(%run_scoped3A_35 : memref<!tpu.dma_semaphore, #tpu.memory_space<semaphore_mem>>)
      %dma_wait3A = arith.constant 0 : i32
      %dma_wait3A_39 = tpu.memref_slice %arg3[%mul3A_22, %dma_wait3A] : memref<12800x128xf32, #tpu.memory_space<hbm>> -> memref<400x128xf32, #tpu.memory_space<hbm>>
      %dma_wait3A_40 = arith.constant 0 : i32
      %dma_wait3A_41 = tpu.memref_slice %arg3[%mul3A_22, %dma_wait3A_40] : memref<12800x128xf32, #tpu.memory_space<hbm>> -> memref<400x128xf32, #tpu.memory_space<hbm>>
      tpu.wait_dma2 semaphore(%run_scoped3A_35 : memref<!tpu.dma_semaphore, #tpu.memory_space<semaphore_mem>>) src(%dma_wait3A_41 : memref<400x128xf32, #tpu.memory_space<hbm>>) dst(%arg8 : memref<400x128xf32, #tpu.memory_space<vmem>>)
      tpu.yield
    }) : () -> ()
    %barrier3A_23 = arith.constant 0 : index
    tpu.barrier barrier_id(%barrier3A_23)
    %run_scoped3A_24 = arith.constant 0 : i32
    "tpu.region"() ({
      %run_scoped3A_35 = tpu.sem_alloc : memref<!tpu.dma_semaphore, #tpu.memory_space<semaphore_mem>>
      %dma_start3A = arith.constant 0 : i32
      %dma_start3A_36 = arith.constant 0 : i32
      %dma_start3A_37 = tpu.memref_slice %arg8[%dma_start3A, %dma_start3A_36] : memref<400x128xf32, #tpu.memory_space<vmem>> -> memref<80x128xf32, #tpu.memory_space<vmem>>
      %dma_start3A_38 = arith.constant 0 : i32
      %dma_start3A_39 = tpu.memref_slice %arg7[%run_scoped3A_24, %dma_start3A_38] : memref<5x80xi32, #tpu.memory_space<vmem>> -> memref<1x80xi32, #tpu.memory_space<vmem>>
      %dma_start3A_40 = tpu.memref_squeeze %dma_start3A_39 : memref<1x80xi32, #tpu.memory_space<vmem>> -> memref<80xi32, #tpu.memory_space<vmem>>
      %dma_start3A_41 = arith.constant 0 : i32
      %dma_start3A_42 = arith.constant 0 : i32
      %dma_start3A_43 = tpu.memref_slice %arg9[%dma_start3A_41, %dma_start3A_42] : memref<3200x128xf32, #tpu.memory_space<vmem_shared>> -> memref<3200x128xf32, #tpu.memory_space<vmem_shared>>
      tpu.enqueue_indirect_dma source(%dma_start3A_37 : memref<80x128xf32, #tpu.memory_space<vmem>>) target(%dma_start3A_43 : memref<3200x128xf32, #tpu.memory_space<vmem_shared>>) offsets(%dma_start3A_40 : memref<80xi32, #tpu.memory_space<vmem>>) semaphore(%run_scoped3A_35 : memref<!tpu.dma_semaphore, #tpu.memory_space<semaphore_mem>>) {add = true}
      %dma_wait3A = arith.constant 0 : i32
      %dma_wait3A_44 = arith.constant 0 : i32
      %dma_wait3A_45 = tpu.memref_slice %arg8[%dma_wait3A, %dma_wait3A_44] : memref<400x128xf32, #tpu.memory_space<vmem>> -> memref<80x128xf32, #tpu.memory_space<vmem>>
      %dma_wait3A_46 = arith.constant 0 : i32
      %dma_wait3A_47 = tpu.memref_slice %arg7[%run_scoped3A_24, %dma_wait3A_46] : memref<5x80xi32, #tpu.memory_space<vmem>> -> memref<1x80xi32, #tpu.memory_space<vmem>>
      %dma_wait3A_48 = tpu.memref_squeeze %dma_wait3A_47 : memref<1x80xi32, #tpu.memory_space<vmem>> -> memref<80xi32, #tpu.memory_space<vmem>>
      %dma_wait3A_49 = arith.constant 0 : i32
      %dma_wait3A_50 = arith.constant 0 : i32
      %dma_wait3A_51 = tpu.memref_slice %arg9[%dma_wait3A_49, %dma_wait3A_50] : memref<3200x128xf32, #tpu.memory_space<vmem_shared>> -> memref<3200x128xf32, #tpu.memory_space<vmem_shared>>
      tpu.wait_indirect_dma semaphore(%run_scoped3A_35 : memref<!tpu.dma_semaphore, #tpu.memory_space<semaphore_mem>>) src(%dma_wait3A_45 : memref<80x128xf32, #tpu.memory_space<vmem>>) dst(%dma_wait3A_51 : memref<3200x128xf32, #tpu.memory_space<vmem_shared>>)
      tpu.yield
    }) : () -> ()
    %run_scoped3A_25 = arith.constant 1 : i32
    "tpu.region"() ({
      %run_scoped3A_35 = tpu.sem_alloc : memref<!tpu.dma_semaphore, #tpu.memory_space<semaphore_mem>>
      %dma_start3A = arith.constant 80 : i32
      %dma_start3A_36 = arith.constant 0 : i32
      %dma_start3A_37 = tpu.memref_slice %arg8[%dma_start3A, %dma_start3A_36] : memref<400x128xf32, #tpu.memory_space<vmem>> -> memref<80x128xf32, #tpu.memory_space<vmem>>
      %dma_start3A_38 = arith.constant 0 : i32
      %dma_start3A_39 = tpu.memref_slice %arg7[%run_scoped3A_25, %dma_start3A_38] : memref<5x80xi32, #tpu.memory_space<vmem>> -> memref<1x80xi32, #tpu.memory_space<vmem>>
      %dma_start3A_40 = tpu.memref_squeeze %dma_start3A_39 : memref<1x80xi32, #tpu.memory_space<vmem>> -> memref<80xi32, #tpu.memory_space<vmem>>
      %dma_start3A_41 = arith.constant 0 : i32
      %dma_start3A_42 = arith.constant 0 : i32
      %dma_start3A_43 = tpu.memref_slice %arg9[%dma_start3A_41, %dma_start3A_42] : memref<3200x128xf32, #tpu.memory_space<vmem_shared>> -> memref<3200x128xf32, #tpu.memory_space<vmem_shared>>
      tpu.enqueue_indirect_dma source(%dma_start3A_37 : memref<80x128xf32, #tpu.memory_space<vmem>>) target(%dma_start3A_43 : memref<3200x128xf32, #tpu.memory_space<vmem_shared>>) offsets(%dma_start3A_40 : memref<80xi32, #tpu.memory_space<vmem>>) semaphore(%run_scoped3A_35 : memref<!tpu.dma_semaphore, #tpu.memory_space<semaphore_mem>>) {add = true}
      %dma_wait3A = arith.constant 80 : i32
      %dma_wait3A_44 = arith.constant 0 : i32
      %dma_wait3A_45 = tpu.memref_slice %arg8[%dma_wait3A, %dma_wait3A_44] : memref<400x128xf32, #tpu.memory_space<vmem>> -> memref<80x128xf32, #tpu.memory_space<vmem>>
      %dma_wait3A_46 = arith.constant 0 : i32
      %dma_wait3A_47 = tpu.memref_slice %arg7[%run_scoped3A_25, %dma_wait3A_46] : memref<5x80xi32, #tpu.memory_space<vmem>> -> memref<1x80xi32, #tpu.memory_space<vmem>>
      %dma_wait3A_48 = tpu.memref_squeeze %dma_wait3A_47 : memref<1x80xi32, #tpu.memory_space<vmem>> -> memref<80xi32, #tpu.memory_space<vmem>>
      %dma_wait3A_49 = arith.constant 0 : i32
      %dma_wait3A_50 = arith.constant 0 : i32
      %dma_wait3A_51 = tpu.memref_slice %arg9[%dma_wait3A_49, %dma_wait3A_50] : memref<3200x128xf32, #tpu.memory_space<vmem_shared>> -> memref<3200x128xf32, #tpu.memory_space<vmem_shared>>
      tpu.wait_indirect_dma semaphore(%run_scoped3A_35 : memref<!tpu.dma_semaphore, #tpu.memory_space<semaphore_mem>>) src(%dma_wait3A_45 : memref<80x128xf32, #tpu.memory_space<vmem>>) dst(%dma_wait3A_51 : memref<3200x128xf32, #tpu.memory_space<vmem_shared>>)
      tpu.yield
    }) : () -> ()
    %run_scoped3A_26 = arith.constant 2 : i32
    "tpu.region"() ({
      %run_scoped3A_35 = tpu.sem_alloc : memref<!tpu.dma_semaphore, #tpu.memory_space<semaphore_mem>>
      %dma_start3A = arith.constant 160 : i32
      %dma_start3A_36 = arith.constant 0 : i32
      %dma_start3A_37 = tpu.memref_slice %arg8[%dma_start3A, %dma_start3A_36] : memref<400x128xf32, #tpu.memory_space<vmem>> -> memref<80x128xf32, #tpu.memory_space<vmem>>
      %dma_start3A_38 = arith.constant 0 : i32
      %dma_start3A_39 = tpu.memref_slice %arg7[%run_scoped3A_26, %dma_start3A_38] : memref<5x80xi32, #tpu.memory_space<vmem>> -> memref<1x80xi32, #tpu.memory_space<vmem>>
      %dma_start3A_40 = tpu.memref_squeeze %dma_start3A_39 : memref<1x80xi32, #tpu.memory_space<vmem>> -> memref<80xi32, #tpu.memory_space<vmem>>
      %dma_start3A_41 = arith.constant 0 : i32
      %dma_start3A_42 = arith.constant 0 : i32
      %dma_start3A_43 = tpu.memref_slice %arg9[%dma_start3A_41, %dma_start3A_42] : memref<3200x128xf32, #tpu.memory_space<vmem_shared>> -> memref<3200x128xf32, #tpu.memory_space<vmem_shared>>
      tpu.enqueue_indirect_dma source(%dma_start3A_37 : memref<80x128xf32, #tpu.memory_space<vmem>>) target(%dma_start3A_43 : memref<3200x128xf32, #tpu.memory_space<vmem_shared>>) offsets(%dma_start3A_40 : memref<80xi32, #tpu.memory_space<vmem>>) semaphore(%run_scoped3A_35 : memref<!tpu.dma_semaphore, #tpu.memory_space<semaphore_mem>>) {add = true}
      %dma_wait3A = arith.constant 160 : i32
      %dma_wait3A_44 = arith.constant 0 : i32
      %dma_wait3A_45 = tpu.memref_slice %arg8[%dma_wait3A, %dma_wait3A_44] : memref<400x128xf32, #tpu.memory_space<vmem>> -> memref<80x128xf32, #tpu.memory_space<vmem>>
      %dma_wait3A_46 = arith.constant 0 : i32
      %dma_wait3A_47 = tpu.memref_slice %arg7[%run_scoped3A_26, %dma_wait3A_46] : memref<5x80xi32, #tpu.memory_space<vmem>> -> memref<1x80xi32, #tpu.memory_space<vmem>>
      %dma_wait3A_48 = tpu.memref_squeeze %dma_wait3A_47 : memref<1x80xi32, #tpu.memory_space<vmem>> -> memref<80xi32, #tpu.memory_space<vmem>>
      %dma_wait3A_49 = arith.constant 0 : i32
      %dma_wait3A_50 = arith.constant 0 : i32
      %dma_wait3A_51 = tpu.memref_slice %arg9[%dma_wait3A_49, %dma_wait3A_50] : memref<3200x128xf32, #tpu.memory_space<vmem_shared>> -> memref<3200x128xf32, #tpu.memory_space<vmem_shared>>
      tpu.wait_indirect_dma semaphore(%run_scoped3A_35 : memref<!tpu.dma_semaphore, #tpu.memory_space<semaphore_mem>>) src(%dma_wait3A_45 : memref<80x128xf32, #tpu.memory_space<vmem>>) dst(%dma_wait3A_51 : memref<3200x128xf32, #tpu.memory_space<vmem_shared>>)
      tpu.yield
    }) : () -> ()
    %run_scoped3A_27 = arith.constant 3 : i32
    "tpu.region"() ({
      %run_scoped3A_35 = tpu.sem_alloc : memref<!tpu.dma_semaphore, #tpu.memory_space<semaphore_mem>>
      %dma_start3A = arith.constant 240 : i32
      %dma_start3A_36 = arith.constant 0 : i32
      %dma_start3A_37 = tpu.memref_slice %arg8[%dma_start3A, %dma_start3A_36] : memref<400x128xf32, #tpu.memory_space<vmem>> -> memref<80x128xf32, #tpu.memory_space<vmem>>
      %dma_start3A_38 = arith.constant 0 : i32
      %dma_start3A_39 = tpu.memref_slice %arg7[%run_scoped3A_27, %dma_start3A_38] : memref<5x80xi32, #tpu.memory_space<vmem>> -> memref<1x80xi32, #tpu.memory_space<vmem>>
      %dma_start3A_40 = tpu.memref_squeeze %dma_start3A_39 : memref<1x80xi32, #tpu.memory_space<vmem>> -> memref<80xi32, #tpu.memory_space<vmem>>
      %dma_start3A_41 = arith.constant 0 : i32
      %dma_start3A_42 = arith.constant 0 : i32
      %dma_start3A_43 = tpu.memref_slice %arg9[%dma_start3A_41, %dma_start3A_42] : memref<3200x128xf32, #tpu.memory_space<vmem_shared>> -> memref<3200x128xf32, #tpu.memory_space<vmem_shared>>
      tpu.enqueue_indirect_dma source(%dma_start3A_37 : memref<80x128xf32, #tpu.memory_space<vmem>>) target(%dma_start3A_43 : memref<3200x128xf32, #tpu.memory_space<vmem_shared>>) offsets(%dma_start3A_40 : memref<80xi32, #tpu.memory_space<vmem>>) semaphore(%run_scoped3A_35 : memref<!tpu.dma_semaphore, #tpu.memory_space<semaphore_mem>>) {add = true}
      %dma_wait3A = arith.constant 240 : i32
      %dma_wait3A_44 = arith.constant 0 : i32
      %dma_wait3A_45 = tpu.memref_slice %arg8[%dma_wait3A, %dma_wait3A_44] : memref<400x128xf32, #tpu.memory_space<vmem>> -> memref<80x128xf32, #tpu.memory_space<vmem>>
      %dma_wait3A_46 = arith.constant 0 : i32
      %dma_wait3A_47 = tpu.memref_slice %arg7[%run_scoped3A_27, %dma_wait3A_46] : memref<5x80xi32, #tpu.memory_space<vmem>> -> memref<1x80xi32, #tpu.memory_space<vmem>>
      %dma_wait3A_48 = tpu.memref_squeeze %dma_wait3A_47 : memref<1x80xi32, #tpu.memory_space<vmem>> -> memref<80xi32, #tpu.memory_space<vmem>>
      %dma_wait3A_49 = arith.constant 0 : i32
      %dma_wait3A_50 = arith.constant 0 : i32
      %dma_wait3A_51 = tpu.memref_slice %arg9[%dma_wait3A_49, %dma_wait3A_50] : memref<3200x128xf32, #tpu.memory_space<vmem_shared>> -> memref<3200x128xf32, #tpu.memory_space<vmem_shared>>
      tpu.wait_indirect_dma semaphore(%run_scoped3A_35 : memref<!tpu.dma_semaphore, #tpu.memory_space<semaphore_mem>>) src(%dma_wait3A_45 : memref<80x128xf32, #tpu.memory_space<vmem>>) dst(%dma_wait3A_51 : memref<3200x128xf32, #tpu.memory_space<vmem_shared>>)
      tpu.yield
    }) : () -> ()
    %run_scoped3A_28 = arith.constant 4 : i32
    "tpu.region"() ({
      %run_scoped3A_35 = tpu.sem_alloc : memref<!tpu.dma_semaphore, #tpu.memory_space<semaphore_mem>>
      %dma_start3A = arith.constant 320 : i32
      %dma_start3A_36 = arith.constant 0 : i32
      %dma_start3A_37 = tpu.memref_slice %arg8[%dma_start3A, %dma_start3A_36] : memref<400x128xf32, #tpu.memory_space<vmem>> -> memref<80x128xf32, #tpu.memory_space<vmem>>
      %dma_start3A_38 = arith.constant 0 : i32
      %dma_start3A_39 = tpu.memref_slice %arg7[%run_scoped3A_28, %dma_start3A_38] : memref<5x80xi32, #tpu.memory_space<vmem>> -> memref<1x80xi32, #tpu.memory_space<vmem>>
      %dma_start3A_40 = tpu.memref_squeeze %dma_start3A_39 : memref<1x80xi32, #tpu.memory_space<vmem>> -> memref<80xi32, #tpu.memory_space<vmem>>
      %dma_start3A_41 = arith.constant 0 : i32
      %dma_start3A_42 = arith.constant 0 : i32
      %dma_start3A_43 = tpu.memref_slice %arg9[%dma_start3A_41, %dma_start3A_42] : memref<3200x128xf32, #tpu.memory_space<vmem_shared>> -> memref<3200x128xf32, #tpu.memory_space<vmem_shared>>
      tpu.enqueue_indirect_dma source(%dma_start3A_37 : memref<80x128xf32, #tpu.memory_space<vmem>>) target(%dma_start3A_43 : memref<3200x128xf32, #tpu.memory_space<vmem_shared>>) offsets(%dma_start3A_40 : memref<80xi32, #tpu.memory_space<vmem>>) semaphore(%run_scoped3A_35 : memref<!tpu.dma_semaphore, #tpu.memory_space<semaphore_mem>>) {add = true}
      %dma_wait3A = arith.constant 320 : i32
      %dma_wait3A_44 = arith.constant 0 : i32
      %dma_wait3A_45 = tpu.memref_slice %arg8[%dma_wait3A, %dma_wait3A_44] : memref<400x128xf32, #tpu.memory_space<vmem>> -> memref<80x128xf32, #tpu.memory_space<vmem>>
      %dma_wait3A_46 = arith.constant 0 : i32
      %dma_wait3A_47 = tpu.memref_slice %arg7[%run_scoped3A_28, %dma_wait3A_46] : memref<5x80xi32, #tpu.memory_space<vmem>> -> memref<1x80xi32, #tpu.memory_space<vmem>>
      %dma_wait3A_48 = tpu.memref_squeeze %dma_wait3A_47 : memref<1x80xi32, #tpu.memory_space<vmem>> -> memref<80xi32, #tpu.memory_space<vmem>>
      %dma_wait3A_49 = arith.constant 0 : i32
      %dma_wait3A_50 = arith.constant 0 : i32
      %dma_wait3A_51 = tpu.memref_slice %arg9[%dma_wait3A_49, %dma_wait3A_50] : memref<3200x128xf32, #tpu.memory_space<vmem_shared>> -> memref<3200x128xf32, #tpu.memory_space<vmem_shared>>
      tpu.wait_indirect_dma semaphore(%run_scoped3A_35 : memref<!tpu.dma_semaphore, #tpu.memory_space<semaphore_mem>>) src(%dma_wait3A_45 : memref<80x128xf32, #tpu.memory_space<vmem>>) dst(%dma_wait3A_51 : memref<3200x128xf32, #tpu.memory_space<vmem_shared>>)
      tpu.yield
    }) : () -> ()
    %barrier3A_29 = arith.constant 0 : index
    tpu.barrier barrier_id(%barrier3A_29)
    %mul3A_30 = arith.constant 200 : i32
    %mul3A_31 = arith.muli %arg1, %mul3A_30 : i32
    %mul3A_32 = arith.constant 200 : i32
    %mul3A_33 = arith.muli %arg1, %mul3A_32 : i32
    %run_scoped3A_34 = arith.constant 1 : i32
    "tpu.region"() ({
      %run_scoped3A_35 = tpu.sem_alloc : memref<!tpu.dma_semaphore, #tpu.memory_space<semaphore_mem>>
      %dma_start3A = arith.constant 0 : i32
      %dma_start3A_36 = tpu.memref_slice %arg6[%arg0, %run_scoped3A_34, %mul3A_33, %dma_start3A] : memref<2x2x3200x128xf32, #tpu.memory_space<hbm>> -> memref<1x1x200x128xf32, #tpu.memory_space<hbm>>
      %dma_start3A_37 = tpu.memref_squeeze %dma_start3A_36 : memref<1x1x200x128xf32, #tpu.memory_space<hbm>> -> memref<200x128xf32, #tpu.memory_space<hbm>>
      %dma_start3A_38 = arith.constant 0 : i32
      %dma_start3A_39 = tpu.memref_slice %arg9[%mul3A_31, %dma_start3A_38] : memref<3200x128xf32, #tpu.memory_space<vmem_shared>> -> memref<200x128xf32, #tpu.memory_space<vmem_shared>>
      tpu.enqueue_dma source(%dma_start3A_39 : memref<200x128xf32, #tpu.memory_space<vmem_shared>>) target(%dma_start3A_37 : memref<200x128xf32, #tpu.memory_space<hbm>>) target_semaphore(%run_scoped3A_35 : memref<!tpu.dma_semaphore, #tpu.memory_space<semaphore_mem>>)
      %dma_wait3A = arith.constant 0 : i32
      %dma_wait3A_40 = tpu.memref_slice %arg6[%arg0, %run_scoped3A_34, %mul3A_33, %dma_wait3A] : memref<2x2x3200x128xf32, #tpu.memory_space<hbm>> -> memref<1x1x200x128xf32, #tpu.memory_space<hbm>>
      %dma_wait3A_41 = tpu.memref_squeeze %dma_wait3A_40 : memref<1x1x200x128xf32, #tpu.memory_space<hbm>> -> memref<200x128xf32, #tpu.memory_space<hbm>>
      %dma_wait3A_42 = arith.constant 0 : i32
      %dma_wait3A_43 = tpu.memref_slice %arg9[%mul3A_31, %dma_wait3A_42] : memref<3200x128xf32, #tpu.memory_space<vmem_shared>> -> memref<200x128xf32, #tpu.memory_space<vmem_shared>>
      tpu.wait_dma2 semaphore(%run_scoped3A_35 : memref<!tpu.dma_semaphore, #tpu.memory_space<semaphore_mem>>) src(%dma_wait3A_43 : memref<200x128xf32, #tpu.memory_space<vmem_shared>>) dst(%dma_wait3A_41 : memref<200x128xf32, #tpu.memory_space<hbm>>)
      tpu.yield
    }) : () -> ()
    return
  }
}

module attributes {stable_mosaic.version = 14 : i64} {
  func.func @_finalize_body(%arg0: memref<2x3200x128xf32, #tpu.memory_space<vmem>>, %arg1: memref<2x3200x128xf32, #tpu.memory_space<vmem>>, %arg2: memref<3200x15xf32, #tpu.memory_space<vmem>>, %arg3: memref<15x64xf32, #tpu.memory_space<vmem>>, %arg4: memref<1x64xf32, #tpu.memory_space<vmem>>, %arg5: memref<1x64xf32, #tpu.memory_space<vmem>>, %arg6: memref<1x64xf32, #tpu.memory_space<vmem>>, %arg7: memref<3200x64xf32, #tpu.memory_space<vmem>>) attributes {dimension_semantics = [], scalar_prefetch = 0 : i64, scratch_operands = 0 : i64, tpu.core_type = #tpu.core_type<tc>} {
    %get3A = arith.constant 0 : index
    %get3A_0 = arith.constant 0 : index
    %get3A_1 = arith.constant 0 : index
    %get3A_2 = vector.load %arg0[%get3A, %get3A_0, %get3A_1] : memref<2x3200x128xf32, #tpu.memory_space<vmem>>, vector<1x3200x128xf32>
    %get3A_3 = vector.shape_cast %get3A_2 : vector<1x3200x128xf32> to vector<3200x128xf32>
    %get3A_4 = arith.constant 1 : index
    %get3A_5 = arith.constant 0 : index
    %get3A_6 = arith.constant 0 : index
    %get3A_7 = vector.load %arg0[%get3A_4, %get3A_5, %get3A_6] : memref<2x3200x128xf32, #tpu.memory_space<vmem>>, vector<1x3200x128xf32>
    %get3A_8 = vector.shape_cast %get3A_7 : vector<1x3200x128xf32> to vector<3200x128xf32>
    %add3A = arith.addf %get3A_3, %get3A_8 : vector<3200x128xf32>
    %slice3A = vector.extract_strided_slice %add3A {offsets = [0, 0], sizes = [3200, 64], strides = [1, 1]} : vector<3200x128xf32> to vector<3200x64xf32>
    %get3A_9 = arith.constant 0 : index
    %get3A_10 = arith.constant 0 : index
    %get3A_11 = arith.constant 0 : index
    %get3A_12 = vector.load %arg1[%get3A_9, %get3A_10, %get3A_11] : memref<2x3200x128xf32, #tpu.memory_space<vmem>>, vector<1x3200x128xf32>
    %get3A_13 = vector.shape_cast %get3A_12 : vector<1x3200x128xf32> to vector<3200x128xf32>
    %get3A_14 = arith.constant 1 : index
    %get3A_15 = arith.constant 0 : index
    %get3A_16 = arith.constant 0 : index
    %get3A_17 = vector.load %arg1[%get3A_14, %get3A_15, %get3A_16] : memref<2x3200x128xf32, #tpu.memory_space<vmem>>, vector<1x3200x128xf32>
    %get3A_18 = vector.shape_cast %get3A_17 : vector<1x3200x128xf32> to vector<3200x128xf32>
    %add3A_19 = arith.addf %get3A_13, %get3A_18 : vector<3200x128xf32>
    %slice3A_20 = vector.extract_strided_slice %add3A_19 {offsets = [0, 64], sizes = [3200, 1], strides = [1, 1]} : vector<3200x128xf32> to vector<3200x1xf32>
    %max3A = arith.constant 1.000000e+00 : f32
    %max3A_21 = vector.broadcast %max3A : f32 to vector<3200x1xf32>
    %max3A_22 = arith.maximumf %slice3A_20, %max3A_21 : vector<3200x1xf32>
    %div3A = vector.broadcast %max3A_22 : vector<3200x1xf32> to vector<3200x64xf32>
    %div3A_23 = arith.divf %slice3A, %div3A : vector<3200x64xf32>
    %get3A_24 = arith.constant 0 : index
    %get3A_25 = arith.constant 0 : index
    %get3A_26 = vector.load %arg2[%get3A_24, %get3A_25] : memref<3200x15xf32, #tpu.memory_space<vmem>>, vector<3200x15xf32>
    %get3A_27 = arith.constant 0 : index
    %get3A_28 = arith.constant 0 : index
    %get3A_29 = vector.load %arg3[%get3A_27, %get3A_28] : memref<15x64xf32, #tpu.memory_space<vmem>>, vector<15x64xf32>
    %dot_general3A = arith.constant dense<0.000000e+00> : vector<3200x64xf32>
    %dot_general3A_30 = tpu.matmul %get3A_26, %get3A_29, %dot_general3A {dimension_numbers = #tpu.dot_dimension_numbers<[1], [0], [0], [1], [0, 0, 1, 1], [], []>, transpose_lhs_hint = false} : vector<3200x15xf32>, vector<15x64xf32>, vector<3200x64xf32> -> vector<3200x64xf32>
    %add3A_31 = arith.addf %div3A_23, %dot_general3A_30 : vector<3200x64xf32>
    %get3A_32 = arith.constant 0 : index
    %get3A_33 = arith.constant 0 : index
    %get3A_34 = vector.load %arg4[%get3A_32, %get3A_33] : memref<1x64xf32, #tpu.memory_space<vmem>>, vector<1x64xf32>
    %add3A_35 = vector.broadcast %get3A_34 : vector<1x64xf32> to vector<3200x64xf32>
    %add3A_36 = arith.addf %add3A_31, %add3A_35 : vector<3200x64xf32>
    %reduce_sum3A = arith.constant dense<0.000000e+00> : vector<64xf32>
    %reduce_sum3A_37 = vector.multi_reduction <add>, %add3A_36, %reduce_sum3A [0] : vector<3200x64xf32> to vector<64xf32>
    %broadcast_in_dim3A = vector.shape_cast %reduce_sum3A_37 : vector<64xf32> to vector<1x64xf32>
    %div3A_38 = arith.constant 3.200000e+03 : f32
    %div3A_39 = vector.broadcast %div3A_38 : f32 to vector<1x64xf32>
    %div3A_40 = arith.divf %broadcast_in_dim3A, %div3A_39 : vector<1x64xf32>
    %sub3A = vector.broadcast %div3A_40 : vector<1x64xf32> to vector<3200x64xf32>
    %sub3A_41 = arith.subf %add3A_36, %sub3A : vector<3200x64xf32>
    %integer_pow3A = arith.mulf %sub3A_41, %sub3A_41 : vector<3200x64xf32>
    %reduce_sum3A_42 = arith.constant dense<0.000000e+00> : vector<64xf32>
    %reduce_sum3A_43 = vector.multi_reduction <add>, %integer_pow3A, %reduce_sum3A_42 [0] : vector<3200x64xf32> to vector<64xf32>
    %broadcast_in_dim3A_44 = vector.shape_cast %reduce_sum3A_43 : vector<64xf32> to vector<1x64xf32>
    %div3A_45 = arith.constant 3.200000e+03 : f32
    %div3A_46 = vector.broadcast %div3A_45 : f32 to vector<1x64xf32>
    %div3A_47 = arith.divf %broadcast_in_dim3A_44, %div3A_46 : vector<1x64xf32>
    %get3A_48 = arith.constant 0 : index
    %get3A_49 = arith.constant 0 : index
    %get3A_50 = vector.load %arg5[%get3A_48, %get3A_49] : memref<1x64xf32, #tpu.memory_space<vmem>>, vector<1x64xf32>
    %sub3A_51 = vector.broadcast %div3A_40 : vector<1x64xf32> to vector<3200x64xf32>
    %sub3A_52 = arith.subf %add3A_36, %sub3A_51 : vector<3200x64xf32>
    %mul3A = vector.broadcast %get3A_50 : vector<1x64xf32> to vector<3200x64xf32>
    %mul3A_53 = arith.mulf %mul3A, %sub3A_52 : vector<3200x64xf32>
    %add3A_54 = arith.constant 9.99999974E-6 : f32
    %add3A_55 = vector.broadcast %add3A_54 : f32 to vector<1x64xf32>
    %add3A_56 = arith.addf %div3A_47, %add3A_55 : vector<1x64xf32>
    %rsqrt3A = math.rsqrt %add3A_56 : vector<1x64xf32>
    %mul3A_57 = vector.broadcast %rsqrt3A : vector<1x64xf32> to vector<3200x64xf32>
    %mul3A_58 = arith.mulf %mul3A_53, %mul3A_57 : vector<3200x64xf32>
    %get3A_59 = arith.constant 0 : index
    %get3A_60 = arith.constant 0 : index
    %get3A_61 = vector.load %arg6[%get3A_59, %get3A_60] : memref<1x64xf32, #tpu.memory_space<vmem>>, vector<1x64xf32>
    %add3A_62 = vector.broadcast %get3A_61 : vector<1x64xf32> to vector<3200x64xf32>
    %add3A_63 = arith.addf %mul3A_58, %add3A_62 : vector<3200x64xf32>
    %max3A_64 = arith.constant 0.000000e+00 : f32
    %max3A_65 = vector.broadcast %max3A_64 : f32 to vector<3200x64xf32>
    %max3A_66 = arith.maximumf %add3A_63, %max3A_65 : vector<3200x64xf32>
    %swap3A = arith.constant 0 : index
    %swap3A_67 = arith.constant 0 : index
    %swap3A_68 = vector.load %arg7[%swap3A, %swap3A_67] : memref<3200x64xf32, #tpu.memory_space<vmem>>, vector<3200x64xf32>
    tpu.vector_store %arg7[%swap3A, %swap3A_67], %max3A_66 {strides = array<i32>} : memref<3200x64xf32, #tpu.memory_space<vmem>>, vector<3200x64xf32>,
    return
  }
}

module attributes {stable_mosaic.version = 14 : i64} {
  func.func @_msg_body(%arg0: i32, %arg1: memref<1600x128xf32, #tpu.memory_space<vmem>>, %arg2: memref<1600x3xf32, #tpu.memory_space<vmem>>, %arg3: memref<3x32xf32, #tpu.memory_space<vmem>>, %arg4: memref<1x32xf32, #tpu.memory_space<vmem>>, %arg5: memref<512x128xbf16, #tpu.memory_space<vmem>>, %arg6: memref<16x128xf32, #tpu.memory_space<vmem>>, %arg7: memref<1x128xf32, #tpu.memory_space<vmem>>, %arg8: memref<1600x128xf32, #tpu.memory_space<vmem>>) attributes {dimension_semantics = [#tpu.dimension_semantics<arbitrary>], iteration_bounds = array<i64: 8>, scalar_prefetch = 0 : i64, scratch_operands = 0 : i64, tpu.core_type = #tpu.core_type<tc>, window_params = [{transform_indices = @transform_0, window_bounds = array<i64: 1600, 128>}, {transform_indices = @transform_1, window_bounds = array<i64: 1600, 3>}, {pipeline_mode = #tpu.pipeline_mode<synchronous>, transform_indices = @transform_2, window_bounds = array<i64: 3, 32>}, {pipeline_mode = #tpu.pipeline_mode<synchronous>, transform_indices = @transform_3, window_bounds = array<i64: 1, 32>}, {pipeline_mode = #tpu.pipeline_mode<synchronous>, transform_indices = @transform_4, window_bounds = array<i64: 512, 128>}, {pipeline_mode = #tpu.pipeline_mode<synchronous>, transform_indices = @transform_5, window_bounds = array<i64: 16, 128>}, {pipeline_mode = #tpu.pipeline_mode<synchronous>, transform_indices = @transform_6, window_bounds = array<i64: 1, 128>}, {transform_indices = @transform_7, window_bounds = array<i64: 1600, 128>}]} {
    %get3A = arith.constant 0 : index
    %get3A_0 = arith.constant 0 : index
    %get3A_1 = vector.load %arg2[%get3A, %get3A_0] : memref<1600x3xf32, #tpu.memory_space<vmem>>, vector<1600x3xf32>
    %get3A_2 = arith.constant 0 : index
    %get3A_3 = arith.constant 0 : index
    %get3A_4 = vector.load %arg3[%get3A_2, %get3A_3] : memref<3x32xf32, #tpu.memory_space<vmem>>, vector<3x32xf32>
    %dot_general3A = arith.constant dense<0.000000e+00> : vector<1600x32xf32>
    %dot_general3A_5 = tpu.matmul %get3A_1, %get3A_4, %dot_general3A {dimension_numbers = #tpu.dot_dimension_numbers<[1], [0], [0], [1], [0, 0, 1, 1], [], []>, transpose_lhs_hint = false} : vector<1600x3xf32>, vector<3x32xf32>, vector<1600x32xf32> -> vector<1600x32xf32>
    %get3A_6 = arith.constant 0 : index
    %get3A_7 = arith.constant 0 : index
    %get3A_8 = vector.load %arg4[%get3A_6, %get3A_7] : memref<1x32xf32, #tpu.memory_space<vmem>>, vector<1x32xf32>
    %add3A = vector.broadcast %get3A_8 : vector<1x32xf32> to vector<1600x32xf32>
    %add3A_9 = arith.addf %dot_general3A_5, %add3A : vector<1600x32xf32>
    %max3A = arith.constant 0.000000e+00 : f32
    %max3A_10 = vector.broadcast %max3A : f32 to vector<1600x32xf32>
    %max3A_11 = arith.maximumf %add3A_9, %max3A_10 : vector<1600x32xf32>
    %get3A_12 = arith.constant 0 : index
    %get3A_13 = arith.constant 0 : index
    %get3A_14 = vector.load %arg1[%get3A_12, %get3A_13] : memref<1600x128xf32, #tpu.memory_space<vmem>>, vector<1600x128xf32>
    %slice3A = vector.extract_strided_slice %get3A_14 {offsets = [0, 0], sizes = [1600, 16], strides = [1, 1]} : vector<1600x128xf32> to vector<1600x16xf32>
    %get3A_15 = arith.constant 0 : index
    %get3A_16 = arith.constant 0 : index
    %get3A_17 = vector.load %arg6[%get3A_15, %get3A_16] : memref<16x128xf32, #tpu.memory_space<vmem>>, vector<16x128xf32>
    %dot_general3A_18 = arith.constant dense<0.000000e+00> : vector<1600x128xf32>
    %dot_general3A_19 = tpu.matmul %slice3A, %get3A_17, %dot_general3A_18 {dimension_numbers = #tpu.dot_dimension_numbers<[1], [0], [0], [1], [0, 0, 1, 1], [], []>, transpose_lhs_hint = false} : vector<1600x16xf32>, vector<16x128xf32>, vector<1600x128xf32> -> vector<1600x128xf32>
    %get3A_20 = arith.constant 0 : index
    %get3A_21 = arith.constant 0 : index
    %get3A_22 = vector.load %arg7[%get3A_20, %get3A_21] : memref<1x128xf32, #tpu.memory_space<vmem>>, vector<1x128xf32>
    %add3A_23 = vector.broadcast %get3A_22 : vector<1x128xf32> to vector<1600x128xf32>
    %add3A_24 = arith.addf %dot_general3A_19, %add3A_23 : vector<1600x128xf32>
    %convert_element_type3A = arith.truncf %slice3A : vector<1600x16xf32> to vector<1600x16xbf16>
    %convert_element_type3A_25 = arith.truncf %max3A_11 : vector<1600x32xf32> to vector<1600x32xbf16>
    %slice3A_26 = vector.extract_strided_slice %convert_element_type3A_25 {offsets = [0, 0], sizes = [1600, 1], strides = [1, 1]} : vector<1600x32xbf16> to vector<1600x1xbf16>
    %mul3A = vector.broadcast %slice3A_26 : vector<1600x1xbf16> to vector<1600x16xbf16>
    %mul3A_27 = arith.mulf %convert_element_type3A, %mul3A : vector<1600x16xbf16>
    %get3A_28 = arith.constant 0 : index
    %get3A_29 = arith.constant 0 : index
    %get3A_30 = vector.load %arg5[%get3A_28, %get3A_29] : memref<512x128xbf16, #tpu.memory_space<vmem>>, vector<16x128xbf16>
    %dot_general3A_31 = arith.constant dense<0.000000e+00> : vector<1600x128xf32>
    %dot_general3A_32 = tpu.matmul %mul3A_27, %get3A_30, %dot_general3A_31 {dimension_numbers = #tpu.dot_dimension_numbers<[1], [0], [0], [1], [0, 0, 1, 1], [], []>, transpose_lhs_hint = false} : vector<1600x16xbf16>, vector<16x128xbf16>, vector<1600x128xf32> -> vector<1600x128xf32>
    %add3A_33 = arith.addf %add3A_24, %dot_general3A_32 : vector<1600x128xf32>
    %slice3A_34 = vector.extract_strided_slice %convert_element_type3A_25 {offsets = [0, 1], sizes = [1600, 1], strides = [1, 1]} : vector<1600x32xbf16> to vector<1600x1xbf16>
    %mul3A_35 = vector.broadcast %slice3A_34 : vector<1600x1xbf16> to vector<1600x16xbf16>
    %mul3A_36 = arith.mulf %convert_element_type3A, %mul3A_35 : vector<1600x16xbf16>
    %get3A_37 = arith.constant 16 : index
    %get3A_38 = arith.constant 0 : index
    %get3A_39 = vector.load %arg5[%get3A_37, %get3A_38] : memref<512x128xbf16, #tpu.memory_space<vmem>>, vector<16x128xbf16>
    %dot_general3A_40 = arith.constant dense<0.000000e+00> : vector<1600x128xf32>
    %dot_general3A_41 = tpu.matmul %mul3A_36, %get3A_39, %dot_general3A_40 {dimension_numbers = #tpu.dot_dimension_numbers<[1], [0], [0], [1], [0, 0, 1, 1], [], []>, transpose_lhs_hint = false} : vector<1600x16xbf16>, vector<16x128xbf16>, vector<1600x128xf32> -> vector<1600x128xf32>
    %add3A_42 = arith.addf %add3A_33, %dot_general3A_41 : vector<1600x128xf32>
    %slice3A_43 = vector.extract_strided_slice %convert_element_type3A_25 {offsets = [0, 2], sizes = [1600, 1], strides = [1, 1]} : vector<1600x32xbf16> to vector<1600x1xbf16>
    %mul3A_44 = vector.broadcast %slice3A_43 : vector<1600x1xbf16> to vector<1600x16xbf16>
    %mul3A_45 = arith.mulf %convert_element_type3A, %mul3A_44 : vector<1600x16xbf16>
    %get3A_46 = arith.constant 32 : index
    %get3A_47 = arith.constant 0 : index
    %get3A_48 = vector.load %arg5[%get3A_46, %get3A_47] : memref<512x128xbf16, #tpu.memory_space<vmem>>, vector<16x128xbf16>
    %dot_general3A_49 = arith.constant dense<0.000000e+00> : vector<1600x128xf32>
    %dot_general3A_50 = tpu.matmul %mul3A_45, %get3A_48, %dot_general3A_49 {dimension_numbers = #tpu.dot_dimension_numbers<[1], [0], [0], [1], [0, 0, 1, 1], [], []>, transpose_lhs_hint = false} : vector<1600x16xbf16>, vector<16x128xbf16>, vector<1600x128xf32> -> vector<1600x128xf32>
    %add3A_51 = arith.addf %add3A_42, %dot_general3A_50 : vector<1600x128xf32>
    %slice3A_52 = vector.extract_strided_slice %convert_element_type3A_25 {offsets = [0, 3], sizes = [1600, 1], strides = [1, 1]} : vector<1600x32xbf16> to vector<1600x1xbf16>
    %mul3A_53 = vector.broadcast %slice3A_52 : vector<1600x1xbf16> to vector<1600x16xbf16>
    %mul3A_54 = arith.mulf %convert_element_type3A, %mul3A_53 : vector<1600x16xbf16>
    %get3A_55 = arith.constant 48 : index
    %get3A_56 = arith.constant 0 : index
    %get3A_57 = vector.load %arg5[%get3A_55, %get3A_56] : memref<512x128xbf16, #tpu.memory_space<vmem>>, vector<16x128xbf16>
    %dot_general3A_58 = arith.constant dense<0.000000e+00> : vector<1600x128xf32>
    %dot_general3A_59 = tpu.matmul %mul3A_54, %get3A_57, %dot_general3A_58 {dimension_numbers = #tpu.dot_dimension_numbers<[1], [0], [0], [1], [0, 0, 1, 1], [], []>, transpose_lhs_hint = false} : vector<1600x16xbf16>, vector<16x128xbf16>, vector<1600x128xf32> -> vector<1600x128xf32>
    %add3A_60 = arith.addf %add3A_51, %dot_general3A_59 : vector<1600x128xf32>
    %slice3A_61 = vector.extract_strided_slice %convert_element_type3A_25 {offsets = [0, 4], sizes = [1600, 1], strides = [1, 1]} : vector<1600x32xbf16> to vector<1600x1xbf16>
    %mul3A_62 = vector.broadcast %slice3A_61 : vector<1600x1xbf16> to vector<1600x16xbf16>
    %mul3A_63 = arith.mulf %convert_element_type3A, %mul3A_62 : vector<1600x16xbf16>
    %get3A_64 = arith.constant 64 : index
    %get3A_65 = arith.constant 0 : index
    %get3A_66 = vector.load %arg5[%get3A_64, %get3A_65] : memref<512x128xbf16, #tpu.memory_space<vmem>>, vector<16x128xbf16>
    %dot_general3A_67 = arith.constant dense<0.000000e+00> : vector<1600x128xf32>
    %dot_general3A_68 = tpu.matmul %mul3A_63, %get3A_66, %dot_general3A_67 {dimension_numbers = #tpu.dot_dimension_numbers<[1], [0], [0], [1], [0, 0, 1, 1], [], []>, transpose_lhs_hint = false} : vector<1600x16xbf16>, vector<16x128xbf16>, vector<1600x128xf32> -> vector<1600x128xf32>
    %add3A_69 = arith.addf %add3A_60, %dot_general3A_68 : vector<1600x128xf32>
    %slice3A_70 = vector.extract_strided_slice %convert_element_type3A_25 {offsets = [0, 5], sizes = [1600, 1], strides = [1, 1]} : vector<1600x32xbf16> to vector<1600x1xbf16>
    %mul3A_71 = vector.broadcast %slice3A_70 : vector<1600x1xbf16> to vector<1600x16xbf16>
    %mul3A_72 = arith.mulf %convert_element_type3A, %mul3A_71 : vector<1600x16xbf16>
    %get3A_73 = arith.constant 80 : index
    %get3A_74 = arith.constant 0 : index
    %get3A_75 = vector.load %arg5[%get3A_73, %get3A_74] : memref<512x128xbf16, #tpu.memory_space<vmem>>, vector<16x128xbf16>
    %dot_general3A_76 = arith.constant dense<0.000000e+00> : vector<1600x128xf32>
    %dot_general3A_77 = tpu.matmul %mul3A_72, %get3A_75, %dot_general3A_76 {dimension_numbers = #tpu.dot_dimension_numbers<[1], [0], [0], [1], [0, 0, 1, 1], [], []>, transpose_lhs_hint = false} : vector<1600x16xbf16>, vector<16x128xbf16>, vector<1600x128xf32> -> vector<1600x128xf32>
    %add3A_78 = arith.addf %add3A_69, %dot_general3A_77 : vector<1600x128xf32>
    %slice3A_79 = vector.extract_strided_slice %convert_element_type3A_25 {offsets = [0, 6], sizes = [1600, 1], strides = [1, 1]} : vector<1600x32xbf16> to vector<1600x1xbf16>
    %mul3A_80 = vector.broadcast %slice3A_79 : vector<1600x1xbf16> to vector<1600x16xbf16>
    %mul3A_81 = arith.mulf %convert_element_type3A, %mul3A_80 : vector<1600x16xbf16>
    %get3A_82 = arith.constant 96 : index
    %get3A_83 = arith.constant 0 : index
    %get3A_84 = vector.load %arg5[%get3A_82, %get3A_83] : memref<512x128xbf16, #tpu.memory_space<vmem>>, vector<16x128xbf16>
    %dot_general3A_85 = arith.constant dense<0.000000e+00> : vector<1600x128xf32>
    %dot_general3A_86 = tpu.matmul %mul3A_81, %get3A_84, %dot_general3A_85 {dimension_numbers = #tpu.dot_dimension_numbers<[1], [0], [0], [1], [0, 0, 1, 1], [], []>, transpose_lhs_hint = false} : vector<1600x16xbf16>, vector<16x128xbf16>, vector<1600x128xf32> -> vector<1600x128xf32>
    %add3A_87 = arith.addf %add3A_78, %dot_general3A_86 : vector<1600x128xf32>
    %slice3A_88 = vector.extract_strided_slice %convert_element_type3A_25 {offsets = [0, 7], sizes = [1600, 1], strides = [1, 1]} : vector<1600x32xbf16> to vector<1600x1xbf16>
    %mul3A_89 = vector.broadcast %slice3A_88 : vector<1600x1xbf16> to vector<1600x16xbf16>
    %mul3A_90 = arith.mulf %convert_element_type3A, %mul3A_89 : vector<1600x16xbf16>
    %get3A_91 = arith.constant 112 : index
    %get3A_92 = arith.constant 0 : index
    %get3A_93 = vector.load %arg5[%get3A_91, %get3A_92] : memref<512x128xbf16, #tpu.memory_space<vmem>>, vector<16x128xbf16>
    %dot_general3A_94 = arith.constant dense<0.000000e+00> : vector<1600x128xf32>
    %dot_general3A_95 = tpu.matmul %mul3A_90, %get3A_93, %dot_general3A_94 {dimension_numbers = #tpu.dot_dimension_numbers<[1], [0], [0], [1], [0, 0, 1, 1], [], []>, transpose_lhs_hint = false} : vector<1600x16xbf16>, vector<16x128xbf16>, vector<1600x128xf32> -> vector<1600x128xf32>
    %add3A_96 = arith.addf %add3A_87, %dot_general3A_95 : vector<1600x128xf32>
    %slice3A_97 = vector.extract_strided_slice %convert_element_type3A_25 {offsets = [0, 8], sizes = [1600, 1], strides = [1, 1]} : vector<1600x32xbf16> to vector<1600x1xbf16>
    %mul3A_98 = vector.broadcast %slice3A_97 : vector<1600x1xbf16> to vector<1600x16xbf16>
    %mul3A_99 = arith.mulf %convert_element_type3A, %mul3A_98 : vector<1600x16xbf16>
    %get3A_100 = arith.constant 128 : index
    %get3A_101 = arith.constant 0 : index
    %get3A_102 = vector.load %arg5[%get3A_100, %get3A_101] : memref<512x128xbf16, #tpu.memory_space<vmem>>, vector<16x128xbf16>
    %dot_general3A_103 = arith.constant dense<0.000000e+00> : vector<1600x128xf32>
    %dot_general3A_104 = tpu.matmul %mul3A_99, %get3A_102, %dot_general3A_103 {dimension_numbers = #tpu.dot_dimension_numbers<[1], [0], [0], [1], [0, 0, 1, 1], [], []>, transpose_lhs_hint = false} : vector<1600x16xbf16>, vector<16x128xbf16>, vector<1600x128xf32> -> vector<1600x128xf32>
    %add3A_105 = arith.addf %add3A_96, %dot_general3A_104 : vector<1600x128xf32>
    %slice3A_106 = vector.extract_strided_slice %convert_element_type3A_25 {offsets = [0, 9], sizes = [1600, 1], strides = [1, 1]} : vector<1600x32xbf16> to vector<1600x1xbf16>
    %mul3A_107 = vector.broadcast %slice3A_106 : vector<1600x1xbf16> to vector<1600x16xbf16>
    %mul3A_108 = arith.mulf %convert_element_type3A, %mul3A_107 : vector<1600x16xbf16>
    %get3A_109 = arith.constant 144 : index
    %get3A_110 = arith.constant 0 : index
    %get3A_111 = vector.load %arg5[%get3A_109, %get3A_110] : memref<512x128xbf16, #tpu.memory_space<vmem>>, vector<16x128xbf16>
    %dot_general3A_112 = arith.constant dense<0.000000e+00> : vector<1600x128xf32>
    %dot_general3A_113 = tpu.matmul %mul3A_108, %get3A_111, %dot_general3A_112 {dimension_numbers = #tpu.dot_dimension_numbers<[1], [0], [0], [1], [0, 0, 1, 1], [], []>, transpose_lhs_hint = false} : vector<1600x16xbf16>, vector<16x128xbf16>, vector<1600x128xf32> -> vector<1600x128xf32>
    %add3A_114 = arith.addf %add3A_105, %dot_general3A_113 : vector<1600x128xf32>
    %slice3A_115 = vector.extract_strided_slice %convert_element_type3A_25 {offsets = [0, 10], sizes = [1600, 1], strides = [1, 1]} : vector<1600x32xbf16> to vector<1600x1xbf16>
    %mul3A_116 = vector.broadcast %slice3A_115 : vector<1600x1xbf16> to vector<1600x16xbf16>
    %mul3A_117 = arith.mulf %convert_element_type3A, %mul3A_116 : vector<1600x16xbf16>
    %get3A_118 = arith.constant 160 : index
    %get3A_119 = arith.constant 0 : index
    %get3A_120 = vector.load %arg5[%get3A_118, %get3A_119] : memref<512x128xbf16, #tpu.memory_space<vmem>>, vector<16x128xbf16>
    %dot_general3A_121 = arith.constant dense<0.000000e+00> : vector<1600x128xf32>
    %dot_general3A_122 = tpu.matmul %mul3A_117, %get3A_120, %dot_general3A_121 {dimension_numbers = #tpu.dot_dimension_numbers<[1], [0], [0], [1], [0, 0, 1, 1], [], []>, transpose_lhs_hint = false} : vector<1600x16xbf16>, vector<16x128xbf16>, vector<1600x128xf32> -> vector<1600x128xf32>
    %add3A_123 = arith.addf %add3A_114, %dot_general3A_122 : vector<1600x128xf32>
    %slice3A_124 = vector.extract_strided_slice %convert_element_type3A_25 {offsets = [0, 11], sizes = [1600, 1], strides = [1, 1]} : vector<1600x32xbf16> to vector<1600x1xbf16>
    %mul3A_125 = vector.broadcast %slice3A_124 : vector<1600x1xbf16> to vector<1600x16xbf16>
    %mul3A_126 = arith.mulf %convert_element_type3A, %mul3A_125 : vector<1600x16xbf16>
    %get3A_127 = arith.constant 176 : index
    %get3A_128 = arith.constant 0 : index
    %get3A_129 = vector.load %arg5[%get3A_127, %get3A_128] : memref<512x128xbf16, #tpu.memory_space<vmem>>, vector<16x128xbf16>
    %dot_general3A_130 = arith.constant dense<0.000000e+00> : vector<1600x128xf32>
    %dot_general3A_131 = tpu.matmul %mul3A_126, %get3A_129, %dot_general3A_130 {dimension_numbers = #tpu.dot_dimension_numbers<[1], [0], [0], [1], [0, 0, 1, 1], [], []>, transpose_lhs_hint = false} : vector<1600x16xbf16>, vector<16x128xbf16>, vector<1600x128xf32> -> vector<1600x128xf32>
    %add3A_132 = arith.addf %add3A_123, %dot_general3A_131 : vector<1600x128xf32>
    %slice3A_133 = vector.extract_strided_slice %convert_element_type3A_25 {offsets = [0, 12], sizes = [1600, 1], strides = [1, 1]} : vector<1600x32xbf16> to vector<1600x1xbf16>
    %mul3A_134 = vector.broadcast %slice3A_133 : vector<1600x1xbf16> to vector<1600x16xbf16>
    %mul3A_135 = arith.mulf %convert_element_type3A, %mul3A_134 : vector<1600x16xbf16>
    %get3A_136 = arith.constant 192 : index
    %get3A_137 = arith.constant 0 : index
    %get3A_138 = vector.load %arg5[%get3A_136, %get3A_137] : memref<512x128xbf16, #tpu.memory_space<vmem>>, vector<16x128xbf16>
    %dot_general3A_139 = arith.constant dense<0.000000e+00> : vector<1600x128xf32>
    %dot_general3A_140 = tpu.matmul %mul3A_135, %get3A_138, %dot_general3A_139 {dimension_numbers = #tpu.dot_dimension_numbers<[1], [0], [0], [1], [0, 0, 1, 1], [], []>, transpose_lhs_hint = false} : vector<1600x16xbf16>, vector<16x128xbf16>, vector<1600x128xf32> -> vector<1600x128xf32>
    %add3A_141 = arith.addf %add3A_132, %dot_general3A_140 : vector<1600x128xf32>
    %slice3A_142 = vector.extract_strided_slice %convert_element_type3A_25 {offsets = [0, 13], sizes = [1600, 1], strides = [1, 1]} : vector<1600x32xbf16> to vector<1600x1xbf16>
    %mul3A_143 = vector.broadcast %slice3A_142 : vector<1600x1xbf16> to vector<1600x16xbf16>
    %mul3A_144 = arith.mulf %convert_element_type3A, %mul3A_143 : vector<1600x16xbf16>
    %get3A_145 = arith.constant 208 : index
    %get3A_146 = arith.constant 0 : index
    %get3A_147 = vector.load %arg5[%get3A_145, %get3A_146] : memref<512x128xbf16, #tpu.memory_space<vmem>>, vector<16x128xbf16>
    %dot_general3A_148 = arith.constant dense<0.000000e+00> : vector<1600x128xf32>
    %dot_general3A_149 = tpu.matmul %mul3A_144, %get3A_147, %dot_general3A_148 {dimension_numbers = #tpu.dot_dimension_numbers<[1], [0], [0], [1], [0, 0, 1, 1], [], []>, transpose_lhs_hint = false} : vector<1600x16xbf16>, vector<16x128xbf16>, vector<1600x128xf32> -> vector<1600x128xf32>
    %add3A_150 = arith.addf %add3A_141, %dot_general3A_149 : vector<1600x128xf32>
    %slice3A_151 = vector.extract_strided_slice %convert_element_type3A_25 {offsets = [0, 14], sizes = [1600, 1], strides = [1, 1]} : vector<1600x32xbf16> to vector<1600x1xbf16>
    %mul3A_152 = vector.broadcast %slice3A_151 : vector<1600x1xbf16> to vector<1600x16xbf16>
    %mul3A_153 = arith.mulf %convert_element_type3A, %mul3A_152 : vector<1600x16xbf16>
    %get3A_154 = arith.constant 224 : index
    %get3A_155 = arith.constant 0 : index
    %get3A_156 = vector.load %arg5[%get3A_154, %get3A_155] : memref<512x128xbf16, #tpu.memory_space<vmem>>, vector<16x128xbf16>
    %dot_general3A_157 = arith.constant dense<0.000000e+00> : vector<1600x128xf32>
    %dot_general3A_158 = tpu.matmul %mul3A_153, %get3A_156, %dot_general3A_157 {dimension_numbers = #tpu.dot_dimension_numbers<[1], [0], [0], [1], [0, 0, 1, 1], [], []>, transpose_lhs_hint = false} : vector<1600x16xbf16>, vector<16x128xbf16>, vector<1600x128xf32> -> vector<1600x128xf32>
    %add3A_159 = arith.addf %add3A_150, %dot_general3A_158 : vector<1600x128xf32>
    %slice3A_160 = vector.extract_strided_slice %convert_element_type3A_25 {offsets = [0, 15], sizes = [1600, 1], strides = [1, 1]} : vector<1600x32xbf16> to vector<1600x1xbf16>
    %mul3A_161 = vector.broadcast %slice3A_160 : vector<1600x1xbf16> to vector<1600x16xbf16>
    %mul3A_162 = arith.mulf %convert_element_type3A, %mul3A_161 : vector<1600x16xbf16>
    %get3A_163 = arith.constant 240 : index
    %get3A_164 = arith.constant 0 : index
    %get3A_165 = vector.load %arg5[%get3A_163, %get3A_164] : memref<512x128xbf16, #tpu.memory_space<vmem>>, vector<16x128xbf16>
    %dot_general3A_166 = arith.constant dense<0.000000e+00> : vector<1600x128xf32>
    %dot_general3A_167 = tpu.matmul %mul3A_162, %get3A_165, %dot_general3A_166 {dimension_numbers = #tpu.dot_dimension_numbers<[1], [0], [0], [1], [0, 0, 1, 1], [], []>, transpose_lhs_hint = false} : vector<1600x16xbf16>, vector<16x128xbf16>, vector<1600x128xf32> -> vector<1600x128xf32>
    %add3A_168 = arith.addf %add3A_159, %dot_general3A_167 : vector<1600x128xf32>
    %slice3A_169 = vector.extract_strided_slice %convert_element_type3A_25 {offsets = [0, 16], sizes = [1600, 1], strides = [1, 1]} : vector<1600x32xbf16> to vector<1600x1xbf16>
    %mul3A_170 = vector.broadcast %slice3A_169 : vector<1600x1xbf16> to vector<1600x16xbf16>
    %mul3A_171 = arith.mulf %convert_element_type3A, %mul3A_170 : vector<1600x16xbf16>
    %get3A_172 = arith.constant 256 : index
    %get3A_173 = arith.constant 0 : index
    %get3A_174 = vector.load %arg5[%get3A_172, %get3A_173] : memref<512x128xbf16, #tpu.memory_space<vmem>>, vector<16x128xbf16>
    %dot_general3A_175 = arith.constant dense<0.000000e+00> : vector<1600x128xf32>
    %dot_general3A_176 = tpu.matmul %mul3A_171, %get3A_174, %dot_general3A_175 {dimension_numbers = #tpu.dot_dimension_numbers<[1], [0], [0], [1], [0, 0, 1, 1], [], []>, transpose_lhs_hint = false} : vector<1600x16xbf16>, vector<16x128xbf16>, vector<1600x128xf32> -> vector<1600x128xf32>
    %add3A_177 = arith.addf %add3A_168, %dot_general3A_176 : vector<1600x128xf32>
    %slice3A_178 = vector.extract_strided_slice %convert_element_type3A_25 {offsets = [0, 17], sizes = [1600, 1], strides = [1, 1]} : vector<1600x32xbf16> to vector<1600x1xbf16>
    %mul3A_179 = vector.broadcast %slice3A_178 : vector<1600x1xbf16> to vector<1600x16xbf16>
    %mul3A_180 = arith.mulf %convert_element_type3A, %mul3A_179 : vector<1600x16xbf16>
    %get3A_181 = arith.constant 272 : index
    %get3A_182 = arith.constant 0 : index
    %get3A_183 = vector.load %arg5[%get3A_181, %get3A_182] : memref<512x128xbf16, #tpu.memory_space<vmem>>, vector<16x128xbf16>
    %dot_general3A_184 = arith.constant dense<0.000000e+00> : vector<1600x128xf32>
    %dot_general3A_185 = tpu.matmul %mul3A_180, %get3A_183, %dot_general3A_184 {dimension_numbers = #tpu.dot_dimension_numbers<[1], [0], [0], [1], [0, 0, 1, 1], [], []>, transpose_lhs_hint = false} : vector<1600x16xbf16>, vector<16x128xbf16>, vector<1600x128xf32> -> vector<1600x128xf32>
    %add3A_186 = arith.addf %add3A_177, %dot_general3A_185 : vector<1600x128xf32>
    %slice3A_187 = vector.extract_strided_slice %convert_element_type3A_25 {offsets = [0, 18], sizes = [1600, 1], strides = [1, 1]} : vector<1600x32xbf16> to vector<1600x1xbf16>
    %mul3A_188 = vector.broadcast %slice3A_187 : vector<1600x1xbf16> to vector<1600x16xbf16>
    %mul3A_189 = arith.mulf %convert_element_type3A, %mul3A_188 : vector<1600x16xbf16>
    %get3A_190 = arith.constant 288 : index
    %get3A_191 = arith.constant 0 : index
    %get3A_192 = vector.load %arg5[%get3A_190, %get3A_191] : memref<512x128xbf16, #tpu.memory_space<vmem>>, vector<16x128xbf16>
    %dot_general3A_193 = arith.constant dense<0.000000e+00> : vector<1600x128xf32>
    %dot_general3A_194 = tpu.matmul %mul3A_189, %get3A_192, %dot_general3A_193 {dimension_numbers = #tpu.dot_dimension_numbers<[1], [0], [0], [1], [0, 0, 1, 1], [], []>, transpose_lhs_hint = false} : vector<1600x16xbf16>, vector<16x128xbf16>, vector<1600x128xf32> -> vector<1600x128xf32>
    %add3A_195 = arith.addf %add3A_186, %dot_general3A_194 : vector<1600x128xf32>
    %slice3A_196 = vector.extract_strided_slice %convert_element_type3A_25 {offsets = [0, 19], sizes = [1600, 1], strides = [1, 1]} : vector<1600x32xbf16> to vector<1600x1xbf16>
    %mul3A_197 = vector.broadcast %slice3A_196 : vector<1600x1xbf16> to vector<1600x16xbf16>
    %mul3A_198 = arith.mulf %convert_element_type3A, %mul3A_197 : vector<1600x16xbf16>
    %get3A_199 = arith.constant 304 : index
    %get3A_200 = arith.constant 0 : index
    %get3A_201 = vector.load %arg5[%get3A_199, %get3A_200] : memref<512x128xbf16, #tpu.memory_space<vmem>>, vector<16x128xbf16>
    %dot_general3A_202 = arith.constant dense<0.000000e+00> : vector<1600x128xf32>
    %dot_general3A_203 = tpu.matmul %mul3A_198, %get3A_201, %dot_general3A_202 {dimension_numbers = #tpu.dot_dimension_numbers<[1], [0], [0], [1], [0, 0, 1, 1], [], []>, transpose_lhs_hint = false} : vector<1600x16xbf16>, vector<16x128xbf16>, vector<1600x128xf32> -> vector<1600x128xf32>
    %add3A_204 = arith.addf %add3A_195, %dot_general3A_203 : vector<1600x128xf32>
    %slice3A_205 = vector.extract_strided_slice %convert_element_type3A_25 {offsets = [0, 20], sizes = [1600, 1], strides = [1, 1]} : vector<1600x32xbf16> to vector<1600x1xbf16>
    %mul3A_206 = vector.broadcast %slice3A_205 : vector<1600x1xbf16> to vector<1600x16xbf16>
    %mul3A_207 = arith.mulf %convert_element_type3A, %mul3A_206 : vector<1600x16xbf16>
    %get3A_208 = arith.constant 320 : index
    %get3A_209 = arith.constant 0 : index
    %get3A_210 = vector.load %arg5[%get3A_208, %get3A_209] : memref<512x128xbf16, #tpu.memory_space<vmem>>, vector<16x128xbf16>
    %dot_general3A_211 = arith.constant dense<0.000000e+00> : vector<1600x128xf32>
    %dot_general3A_212 = tpu.matmul %mul3A_207, %get3A_210, %dot_general3A_211 {dimension_numbers = #tpu.dot_dimension_numbers<[1], [0], [0], [1], [0, 0, 1, 1], [], []>, transpose_lhs_hint = false} : vector<1600x16xbf16>, vector<16x128xbf16>, vector<1600x128xf32> -> vector<1600x128xf32>
    %add3A_213 = arith.addf %add3A_204, %dot_general3A_212 : vector<1600x128xf32>
    %slice3A_214 = vector.extract_strided_slice %convert_element_type3A_25 {offsets = [0, 21], sizes = [1600, 1], strides = [1, 1]} : vector<1600x32xbf16> to vector<1600x1xbf16>
    %mul3A_215 = vector.broadcast %slice3A_214 : vector<1600x1xbf16> to vector<1600x16xbf16>
    %mul3A_216 = arith.mulf %convert_element_type3A, %mul3A_215 : vector<1600x16xbf16>
    %get3A_217 = arith.constant 336 : index
    %get3A_218 = arith.constant 0 : index
    %get3A_219 = vector.load %arg5[%get3A_217, %get3A_218] : memref<512x128xbf16, #tpu.memory_space<vmem>>, vector<16x128xbf16>
    %dot_general3A_220 = arith.constant dense<0.000000e+00> : vector<1600x128xf32>
    %dot_general3A_221 = tpu.matmul %mul3A_216, %get3A_219, %dot_general3A_220 {dimension_numbers = #tpu.dot_dimension_numbers<[1], [0], [0], [1], [0, 0, 1, 1], [], []>, transpose_lhs_hint = false} : vector<1600x16xbf16>, vector<16x128xbf16>, vector<1600x128xf32> -> vector<1600x128xf32>
    %add3A_222 = arith.addf %add3A_213, %dot_general3A_221 : vector<1600x128xf32>
    %slice3A_223 = vector.extract_strided_slice %convert_element_type3A_25 {offsets = [0, 22], sizes = [1600, 1], strides = [1, 1]} : vector<1600x32xbf16> to vector<1600x1xbf16>
    %mul3A_224 = vector.broadcast %slice3A_223 : vector<1600x1xbf16> to vector<1600x16xbf16>
    %mul3A_225 = arith.mulf %convert_element_type3A, %mul3A_224 : vector<1600x16xbf16>
    %get3A_226 = arith.constant 352 : index
    %get3A_227 = arith.constant 0 : index
    %get3A_228 = vector.load %arg5[%get3A_226, %get3A_227] : memref<512x128xbf16, #tpu.memory_space<vmem>>, vector<16x128xbf16>
    %dot_general3A_229 = arith.constant dense<0.000000e+00> : vector<1600x128xf32>
    %dot_general3A_230 = tpu.matmul %mul3A_225, %get3A_228, %dot_general3A_229 {dimension_numbers = #tpu.dot_dimension_numbers<[1], [0], [0], [1], [0, 0, 1, 1], [], []>, transpose_lhs_hint = false} : vector<1600x16xbf16>, vector<16x128xbf16>, vector<1600x128xf32> -> vector<1600x128xf32>
    %add3A_231 = arith.addf %add3A_222, %dot_general3A_230 : vector<1600x128xf32>
    %slice3A_232 = vector.extract_strided_slice %convert_element_type3A_25 {offsets = [0, 23], sizes = [1600, 1], strides = [1, 1]} : vector<1600x32xbf16> to vector<1600x1xbf16>
    %mul3A_233 = vector.broadcast %slice3A_232 : vector<1600x1xbf16> to vector<1600x16xbf16>
    %mul3A_234 = arith.mulf %convert_element_type3A, %mul3A_233 : vector<1600x16xbf16>
    %get3A_235 = arith.constant 368 : index
    %get3A_236 = arith.constant 0 : index
    %get3A_237 = vector.load %arg5[%get3A_235, %get3A_236] : memref<512x128xbf16, #tpu.memory_space<vmem>>, vector<16x128xbf16>
    %dot_general3A_238 = arith.constant dense<0.000000e+00> : vector<1600x128xf32>
    %dot_general3A_239 = tpu.matmul %mul3A_234, %get3A_237, %dot_general3A_238 {dimension_numbers = #tpu.dot_dimension_numbers<[1], [0], [0], [1], [0, 0, 1, 1], [], []>, transpose_lhs_hint = false} : vector<1600x16xbf16>, vector<16x128xbf16>, vector<1600x128xf32> -> vector<1600x128xf32>
    %add3A_240 = arith.addf %add3A_231, %dot_general3A_239 : vector<1600x128xf32>
    %slice3A_241 = vector.extract_strided_slice %convert_element_type3A_25 {offsets = [0, 24], sizes = [1600, 1], strides = [1, 1]} : vector<1600x32xbf16> to vector<1600x1xbf16>
    %mul3A_242 = vector.broadcast %slice3A_241 : vector<1600x1xbf16> to vector<1600x16xbf16>
    %mul3A_243 = arith.mulf %convert_element_type3A, %mul3A_242 : vector<1600x16xbf16>
    %get3A_244 = arith.constant 384 : index
    %get3A_245 = arith.constant 0 : index
    %get3A_246 = vector.load %arg5[%get3A_244, %get3A_245] : memref<512x128xbf16, #tpu.memory_space<vmem>>, vector<16x128xbf16>
    %dot_general3A_247 = arith.constant dense<0.000000e+00> : vector<1600x128xf32>
    %dot_general3A_248 = tpu.matmul %mul3A_243, %get3A_246, %dot_general3A_247 {dimension_numbers = #tpu.dot_dimension_numbers<[1], [0], [0], [1], [0, 0, 1, 1], [], []>, transpose_lhs_hint = false} : vector<1600x16xbf16>, vector<16x128xbf16>, vector<1600x128xf32> -> vector<1600x128xf32>
    %add3A_249 = arith.addf %add3A_240, %dot_general3A_248 : vector<1600x128xf32>
    %slice3A_250 = vector.extract_strided_slice %convert_element_type3A_25 {offsets = [0, 25], sizes = [1600, 1], strides = [1, 1]} : vector<1600x32xbf16> to vector<1600x1xbf16>
    %mul3A_251 = vector.broadcast %slice3A_250 : vector<1600x1xbf16> to vector<1600x16xbf16>
    %mul3A_252 = arith.mulf %convert_element_type3A, %mul3A_251 : vector<1600x16xbf16>
    %get3A_253 = arith.constant 400 : index
    %get3A_254 = arith.constant 0 : index
    %get3A_255 = vector.load %arg5[%get3A_253, %get3A_254] : memref<512x128xbf16, #tpu.memory_space<vmem>>, vector<16x128xbf16>
    %dot_general3A_256 = arith.constant dense<0.000000e+00> : vector<1600x128xf32>
    %dot_general3A_257 = tpu.matmul %mul3A_252, %get3A_255, %dot_general3A_256 {dimension_numbers = #tpu.dot_dimension_numbers<[1], [0], [0], [1], [0, 0, 1, 1], [], []>, transpose_lhs_hint = false} : vector<1600x16xbf16>, vector<16x128xbf16>, vector<1600x128xf32> -> vector<1600x128xf32>
    %add3A_258 = arith.addf %add3A_249, %dot_general3A_257 : vector<1600x128xf32>
    %slice3A_259 = vector.extract_strided_slice %convert_element_type3A_25 {offsets = [0, 26], sizes = [1600, 1], strides = [1, 1]} : vector<1600x32xbf16> to vector<1600x1xbf16>
    %mul3A_260 = vector.broadcast %slice3A_259 : vector<1600x1xbf16> to vector<1600x16xbf16>
    %mul3A_261 = arith.mulf %convert_element_type3A, %mul3A_260 : vector<1600x16xbf16>
    %get3A_262 = arith.constant 416 : index
    %get3A_263 = arith.constant 0 : index
    %get3A_264 = vector.load %arg5[%get3A_262, %get3A_263] : memref<512x128xbf16, #tpu.memory_space<vmem>>, vector<16x128xbf16>
    %dot_general3A_265 = arith.constant dense<0.000000e+00> : vector<1600x128xf32>
    %dot_general3A_266 = tpu.matmul %mul3A_261, %get3A_264, %dot_general3A_265 {dimension_numbers = #tpu.dot_dimension_numbers<[1], [0], [0], [1], [0, 0, 1, 1], [], []>, transpose_lhs_hint = false} : vector<1600x16xbf16>, vector<16x128xbf16>, vector<1600x128xf32> -> vector<1600x128xf32>
    %add3A_267 = arith.addf %add3A_258, %dot_general3A_266 : vector<1600x128xf32>
    %slice3A_268 = vector.extract_strided_slice %convert_element_type3A_25 {offsets = [0, 27], sizes = [1600, 1], strides = [1, 1]} : vector<1600x32xbf16> to vector<1600x1xbf16>
    %mul3A_269 = vector.broadcast %slice3A_268 : vector<1600x1xbf16> to vector<1600x16xbf16>
    %mul3A_270 = arith.mulf %convert_element_type3A, %mul3A_269 : vector<1600x16xbf16>
    %get3A_271 = arith.constant 432 : index
    %get3A_272 = arith.constant 0 : index
    %get3A_273 = vector.load %arg5[%get3A_271, %get3A_272] : memref<512x128xbf16, #tpu.memory_space<vmem>>, vector<16x128xbf16>
    %dot_general3A_274 = arith.constant dense<0.000000e+00> : vector<1600x128xf32>
    %dot_general3A_275 = tpu.matmul %mul3A_270, %get3A_273, %dot_general3A_274 {dimension_numbers = #tpu.dot_dimension_numbers<[1], [0], [0], [1], [0, 0, 1, 1], [], []>, transpose_lhs_hint = false} : vector<1600x16xbf16>, vector<16x128xbf16>, vector<1600x128xf32> -> vector<1600x128xf32>
    %add3A_276 = arith.addf %add3A_267, %dot_general3A_275 : vector<1600x128xf32>
    %slice3A_277 = vector.extract_strided_slice %convert_element_type3A_25 {offsets = [0, 28], sizes = [1600, 1], strides = [1, 1]} : vector<1600x32xbf16> to vector<1600x1xbf16>
    %mul3A_278 = vector.broadcast %slice3A_277 : vector<1600x1xbf16> to vector<1600x16xbf16>
    %mul3A_279 = arith.mulf %convert_element_type3A, %mul3A_278 : vector<1600x16xbf16>
    %get3A_280 = arith.constant 448 : index
    %get3A_281 = arith.constant 0 : index
    %get3A_282 = vector.load %arg5[%get3A_280, %get3A_281] : memref<512x128xbf16, #tpu.memory_space<vmem>>, vector<16x128xbf16>
    %dot_general3A_283 = arith.constant dense<0.000000e+00> : vector<1600x128xf32>
    %dot_general3A_284 = tpu.matmul %mul3A_279, %get3A_282, %dot_general3A_283 {dimension_numbers = #tpu.dot_dimension_numbers<[1], [0], [0], [1], [0, 0, 1, 1], [], []>, transpose_lhs_hint = false} : vector<1600x16xbf16>, vector<16x128xbf16>, vector<1600x128xf32> -> vector<1600x128xf32>
    %add3A_285 = arith.addf %add3A_276, %dot_general3A_284 : vector<1600x128xf32>
    %slice3A_286 = vector.extract_strided_slice %convert_element_type3A_25 {offsets = [0, 29], sizes = [1600, 1], strides = [1, 1]} : vector<1600x32xbf16> to vector<1600x1xbf16>
    %mul3A_287 = vector.broadcast %slice3A_286 : vector<1600x1xbf16> to vector<1600x16xbf16>
    %mul3A_288 = arith.mulf %convert_element_type3A, %mul3A_287 : vector<1600x16xbf16>
    %get3A_289 = arith.constant 464 : index
    %get3A_290 = arith.constant 0 : index
    %get3A_291 = vector.load %arg5[%get3A_289, %get3A_290] : memref<512x128xbf16, #tpu.memory_space<vmem>>, vector<16x128xbf16>
    %dot_general3A_292 = arith.constant dense<0.000000e+00> : vector<1600x128xf32>
    %dot_general3A_293 = tpu.matmul %mul3A_288, %get3A_291, %dot_general3A_292 {dimension_numbers = #tpu.dot_dimension_numbers<[1], [0], [0], [1], [0, 0, 1, 1], [], []>, transpose_lhs_hint = false} : vector<1600x16xbf16>, vector<16x128xbf16>, vector<1600x128xf32> -> vector<1600x128xf32>
    %add3A_294 = arith.addf %add3A_285, %dot_general3A_293 : vector<1600x128xf32>
    %slice3A_295 = vector.extract_strided_slice %convert_element_type3A_25 {offsets = [0, 30], sizes = [1600, 1], strides = [1, 1]} : vector<1600x32xbf16> to vector<1600x1xbf16>
    %mul3A_296 = vector.broadcast %slice3A_295 : vector<1600x1xbf16> to vector<1600x16xbf16>
    %mul3A_297 = arith.mulf %convert_element_type3A, %mul3A_296 : vector<1600x16xbf16>
    %get3A_298 = arith.constant 480 : index
    %get3A_299 = arith.constant 0 : index
    %get3A_300 = vector.load %arg5[%get3A_298, %get3A_299] : memref<512x128xbf16, #tpu.memory_space<vmem>>, vector<16x128xbf16>
    %dot_general3A_301 = arith.constant dense<0.000000e+00> : vector<1600x128xf32>
    %dot_general3A_302 = tpu.matmul %mul3A_297, %get3A_300, %dot_general3A_301 {dimension_numbers = #tpu.dot_dimension_numbers<[1], [0], [0], [1], [0, 0, 1, 1], [], []>, transpose_lhs_hint = false} : vector<1600x16xbf16>, vector<16x128xbf16>, vector<1600x128xf32> -> vector<1600x128xf32>
    %add3A_303 = arith.addf %add3A_294, %dot_general3A_302 : vector<1600x128xf32>
    %slice3A_304 = vector.extract_strided_slice %convert_element_type3A_25 {offsets = [0, 31], sizes = [1600, 1], strides = [1, 1]} : vector<1600x32xbf16> to vector<1600x1xbf16>
    %mul3A_305 = vector.broadcast %slice3A_304 : vector<1600x1xbf16> to vector<1600x16xbf16>
    %mul3A_306 = arith.mulf %convert_element_type3A, %mul3A_305 : vector<1600x16xbf16>
    %get3A_307 = arith.constant 496 : index
    %get3A_308 = arith.constant 0 : index
    %get3A_309 = vector.load %arg5[%get3A_307, %get3A_308] : memref<512x128xbf16, #tpu.memory_space<vmem>>, vector<16x128xbf16>
    %dot_general3A_310 = arith.constant dense<0.000000e+00> : vector<1600x128xf32>
    %dot_general3A_311 = tpu.matmul %mul3A_306, %get3A_309, %dot_general3A_310 {dimension_numbers = #tpu.dot_dimension_numbers<[1], [0], [0], [1], [0, 0, 1, 1], [], []>, transpose_lhs_hint = false} : vector<1600x16xbf16>, vector<16x128xbf16>, vector<1600x128xf32> -> vector<1600x128xf32>
    %add3A_312 = arith.addf %add3A_303, %dot_general3A_311 : vector<1600x128xf32>
    %swap3A = arith.constant 0 : index
    %swap3A_313 = arith.constant 0 : index
    %swap3A_314 = vector.load %arg8[%swap3A, %swap3A_313] : memref<1600x128xf32, #tpu.memory_space<vmem>>, vector<1600x128xf32>
    tpu.vector_store %arg8[%swap3A, %swap3A_313], %add3A_312 {strides = array<i32>} : memref<1600x128xf32, #tpu.memory_space<vmem>>, vector<1600x128xf32>,
    return
  }
  func.func @transform_0(%arg0: i32) -> (i32, i32) {
    %c0_i32 = arith.constant 0 : i32
    %c0_i32_0 = arith.constant 0 : i32
    return %arg0, %c0_i32 : i32, i32
  }
  func.func @transform_1(%arg0: i32) -> (i32, i32) {
    %c0_i32 = arith.constant 0 : i32
    %c0_i32_0 = arith.constant 0 : i32
    return %arg0, %c0_i32 : i32, i32
  }
  func.func @transform_2(%arg0: i32) -> (i32, i32) {
    %c0_i32 = arith.constant 0 : i32
    %c0_i32_0 = arith.constant 0 : i32
    %c0_i32_1 = arith.constant 0 : i32
    return %c0_i32, %c0_i32_0 : i32, i32
  }
  func.func @transform_3(%arg0: i32) -> (i32, i32) {
    %c0_i32 = arith.constant 0 : i32
    %c0_i32_0 = arith.constant 0 : i32
    %c0_i32_1 = arith.constant 0 : i32
    return %c0_i32, %c0_i32_0 : i32, i32
  }
  func.func @transform_4(%arg0: i32) -> (i32, i32) {
    %c0_i32 = arith.constant 0 : i32
    %c0_i32_0 = arith.constant 0 : i32
    %c0_i32_1 = arith.constant 0 : i32
    return %c0_i32, %c0_i32_0 : i32, i32
  }
  func.func @transform_5(%arg0: i32) -> (i32, i32) {
    %c0_i32 = arith.constant 0 : i32
    %c0_i32_0 = arith.constant 0 : i32
    %c0_i32_1 = arith.constant 0 : i32
    return %c0_i32, %c0_i32_0 : i32, i32
  }
  func.func @transform_6(%arg0: i32) -> (i32, i32) {
    %c0_i32 = arith.constant 0 : i32
    %c0_i32_0 = arith.constant 0 : i32
    %c0_i32_1 = arith.constant 0 : i32
    return %c0_i32, %c0_i32_0 : i32, i32
  }
  func.func @transform_7(%arg0: i32) -> (i32, i32) {
    %c0_i32 = arith.constant 0 : i32
    %c0_i32_0 = arith.constant 0 : i32
    return %arg0, %c0_i32 : i32, i32
  }
}

module attributes {stable_mosaic.version = 14 : i64} {
  func.func @_msg_body(%arg0: i32, %arg1: memref<1600x128xf32, #tpu.memory_space<vmem>>, %arg2: memref<1600x3xf32, #tpu.memory_space<vmem>>, %arg3: memref<3x32xf32, #tpu.memory_space<vmem>>, %arg4: memref<1x32xf32, #tpu.memory_space<vmem>>, %arg5: memref<2048x128xbf16, #tpu.memory_space<vmem>>, %arg6: memref<64x128xf32, #tpu.memory_space<vmem>>, %arg7: memref<1x128xf32, #tpu.memory_space<vmem>>, %arg8: memref<1600x128xf32, #tpu.memory_space<vmem>>) attributes {dimension_semantics = [#tpu.dimension_semantics<arbitrary>], iteration_bounds = array<i64: 8>, scalar_prefetch = 0 : i64, scratch_operands = 0 : i64, tpu.core_type = #tpu.core_type<tc>, window_params = [{transform_indices = @transform_0, window_bounds = array<i64: 1600, 128>}, {transform_indices = @transform_1, window_bounds = array<i64: 1600, 3>}, {pipeline_mode = #tpu.pipeline_mode<synchronous>, transform_indices = @transform_2, window_bounds = array<i64: 3, 32>}, {pipeline_mode = #tpu.pipeline_mode<synchronous>, transform_indices = @transform_3, window_bounds = array<i64: 1, 32>}, {pipeline_mode = #tpu.pipeline_mode<synchronous>, transform_indices = @transform_4, window_bounds = array<i64: 2048, 128>}, {pipeline_mode = #tpu.pipeline_mode<synchronous>, transform_indices = @transform_5, window_bounds = array<i64: 64, 128>}, {pipeline_mode = #tpu.pipeline_mode<synchronous>, transform_indices = @transform_6, window_bounds = array<i64: 1, 128>}, {transform_indices = @transform_7, window_bounds = array<i64: 1600, 128>}]} {
    %get3A = arith.constant 0 : index
    %get3A_0 = arith.constant 0 : index
    %get3A_1 = vector.load %arg2[%get3A, %get3A_0] : memref<1600x3xf32, #tpu.memory_space<vmem>>, vector<1600x3xf32>
    %get3A_2 = arith.constant 0 : index
    %get3A_3 = arith.constant 0 : index
    %get3A_4 = vector.load %arg3[%get3A_2, %get3A_3] : memref<3x32xf32, #tpu.memory_space<vmem>>, vector<3x32xf32>
    %dot_general3A = arith.constant dense<0.000000e+00> : vector<1600x32xf32>
    %dot_general3A_5 = tpu.matmul %get3A_1, %get3A_4, %dot_general3A {dimension_numbers = #tpu.dot_dimension_numbers<[1], [0], [0], [1], [0, 0, 1, 1], [], []>, transpose_lhs_hint = false} : vector<1600x3xf32>, vector<3x32xf32>, vector<1600x32xf32> -> vector<1600x32xf32>
    %get3A_6 = arith.constant 0 : index
    %get3A_7 = arith.constant 0 : index
    %get3A_8 = vector.load %arg4[%get3A_6, %get3A_7] : memref<1x32xf32, #tpu.memory_space<vmem>>, vector<1x32xf32>
    %add3A = vector.broadcast %get3A_8 : vector<1x32xf32> to vector<1600x32xf32>
    %add3A_9 = arith.addf %dot_general3A_5, %add3A : vector<1600x32xf32>
    %max3A = arith.constant 0.000000e+00 : f32
    %max3A_10 = vector.broadcast %max3A : f32 to vector<1600x32xf32>
    %max3A_11 = arith.maximumf %add3A_9, %max3A_10 : vector<1600x32xf32>
    %get3A_12 = arith.constant 0 : index
    %get3A_13 = arith.constant 0 : index
    %get3A_14 = vector.load %arg1[%get3A_12, %get3A_13] : memref<1600x128xf32, #tpu.memory_space<vmem>>, vector<1600x128xf32>
    %slice3A = vector.extract_strided_slice %get3A_14 {offsets = [0, 0], sizes = [1600, 64], strides = [1, 1]} : vector<1600x128xf32> to vector<1600x64xf32>
    %get3A_15 = arith.constant 0 : index
    %get3A_16 = arith.constant 0 : index
    %get3A_17 = vector.load %arg6[%get3A_15, %get3A_16] : memref<64x128xf32, #tpu.memory_space<vmem>>, vector<64x128xf32>
    %dot_general3A_18 = arith.constant dense<0.000000e+00> : vector<1600x128xf32>
    %dot_general3A_19 = tpu.matmul %slice3A, %get3A_17, %dot_general3A_18 {dimension_numbers = #tpu.dot_dimension_numbers<[1], [0], [0], [1], [0, 0, 1, 1], [], []>, transpose_lhs_hint = false} : vector<1600x64xf32>, vector<64x128xf32>, vector<1600x128xf32> -> vector<1600x128xf32>
    %get3A_20 = arith.constant 0 : index
    %get3A_21 = arith.constant 0 : index
    %get3A_22 = vector.load %arg7[%get3A_20, %get3A_21] : memref<1x128xf32, #tpu.memory_space<vmem>>, vector<1x128xf32>
    %add3A_23 = vector.broadcast %get3A_22 : vector<1x128xf32> to vector<1600x128xf32>
    %add3A_24 = arith.addf %dot_general3A_19, %add3A_23 : vector<1600x128xf32>
    %convert_element_type3A = arith.truncf %slice3A : vector<1600x64xf32> to vector<1600x64xbf16>
    %convert_element_type3A_25 = arith.truncf %max3A_11 : vector<1600x32xf32> to vector<1600x32xbf16>
    %slice3A_26 = vector.extract_strided_slice %convert_element_type3A_25 {offsets = [0, 0], sizes = [1600, 1], strides = [1, 1]} : vector<1600x32xbf16> to vector<1600x1xbf16>
    %mul3A = vector.broadcast %slice3A_26 : vector<1600x1xbf16> to vector<1600x64xbf16>
    %mul3A_27 = arith.mulf %convert_element_type3A, %mul3A : vector<1600x64xbf16>
    %get3A_28 = arith.constant 0 : index
    %get3A_29 = arith.constant 0 : index
    %get3A_30 = vector.load %arg5[%get3A_28, %get3A_29] : memref<2048x128xbf16, #tpu.memory_space<vmem>>, vector<64x128xbf16>
    %dot_general3A_31 = arith.constant dense<0.000000e+00> : vector<1600x128xf32>
    %dot_general3A_32 = tpu.matmul %mul3A_27, %get3A_30, %dot_general3A_31 {dimension_numbers = #tpu.dot_dimension_numbers<[1], [0], [0], [1], [0, 0, 1, 1], [], []>, transpose_lhs_hint = false} : vector<1600x64xbf16>, vector<64x128xbf16>, vector<1600x128xf32> -> vector<1600x128xf32>
    %add3A_33 = arith.addf %add3A_24, %dot_general3A_32 : vector<1600x128xf32>
    %slice3A_34 = vector.extract_strided_slice %convert_element_type3A_25 {offsets = [0, 1], sizes = [1600, 1], strides = [1, 1]} : vector<1600x32xbf16> to vector<1600x1xbf16>
    %mul3A_35 = vector.broadcast %slice3A_34 : vector<1600x1xbf16> to vector<1600x64xbf16>
    %mul3A_36 = arith.mulf %convert_element_type3A, %mul3A_35 : vector<1600x64xbf16>
    %get3A_37 = arith.constant 64 : index
    %get3A_38 = arith.constant 0 : index
    %get3A_39 = vector.load %arg5[%get3A_37, %get3A_38] : memref<2048x128xbf16, #tpu.memory_space<vmem>>, vector<64x128xbf16>
    %dot_general3A_40 = arith.constant dense<0.000000e+00> : vector<1600x128xf32>
    %dot_general3A_41 = tpu.matmul %mul3A_36, %get3A_39, %dot_general3A_40 {dimension_numbers = #tpu.dot_dimension_numbers<[1], [0], [0], [1], [0, 0, 1, 1], [], []>, transpose_lhs_hint = false} : vector<1600x64xbf16>, vector<64x128xbf16>, vector<1600x128xf32> -> vector<1600x128xf32>
    %add3A_42 = arith.addf %add3A_33, %dot_general3A_41 : vector<1600x128xf32>
    %slice3A_43 = vector.extract_strided_slice %convert_element_type3A_25 {offsets = [0, 2], sizes = [1600, 1], strides = [1, 1]} : vector<1600x32xbf16> to vector<1600x1xbf16>
    %mul3A_44 = vector.broadcast %slice3A_43 : vector<1600x1xbf16> to vector<1600x64xbf16>
    %mul3A_45 = arith.mulf %convert_element_type3A, %mul3A_44 : vector<1600x64xbf16>
    %get3A_46 = arith.constant 128 : index
    %get3A_47 = arith.constant 0 : index
    %get3A_48 = vector.load %arg5[%get3A_46, %get3A_47] : memref<2048x128xbf16, #tpu.memory_space<vmem>>, vector<64x128xbf16>
    %dot_general3A_49 = arith.constant dense<0.000000e+00> : vector<1600x128xf32>
    %dot_general3A_50 = tpu.matmul %mul3A_45, %get3A_48, %dot_general3A_49 {dimension_numbers = #tpu.dot_dimension_numbers<[1], [0], [0], [1], [0, 0, 1, 1], [], []>, transpose_lhs_hint = false} : vector<1600x64xbf16>, vector<64x128xbf16>, vector<1600x128xf32> -> vector<1600x128xf32>
    %add3A_51 = arith.addf %add3A_42, %dot_general3A_50 : vector<1600x128xf32>
    %slice3A_52 = vector.extract_strided_slice %convert_element_type3A_25 {offsets = [0, 3], sizes = [1600, 1], strides = [1, 1]} : vector<1600x32xbf16> to vector<1600x1xbf16>
    %mul3A_53 = vector.broadcast %slice3A_52 : vector<1600x1xbf16> to vector<1600x64xbf16>
    %mul3A_54 = arith.mulf %convert_element_type3A, %mul3A_53 : vector<1600x64xbf16>
    %get3A_55 = arith.constant 192 : index
    %get3A_56 = arith.constant 0 : index
    %get3A_57 = vector.load %arg5[%get3A_55, %get3A_56] : memref<2048x128xbf16, #tpu.memory_space<vmem>>, vector<64x128xbf16>
    %dot_general3A_58 = arith.constant dense<0.000000e+00> : vector<1600x128xf32>
    %dot_general3A_59 = tpu.matmul %mul3A_54, %get3A_57, %dot_general3A_58 {dimension_numbers = #tpu.dot_dimension_numbers<[1], [0], [0], [1], [0, 0, 1, 1], [], []>, transpose_lhs_hint = false} : vector<1600x64xbf16>, vector<64x128xbf16>, vector<1600x128xf32> -> vector<1600x128xf32>
    %add3A_60 = arith.addf %add3A_51, %dot_general3A_59 : vector<1600x128xf32>
    %slice3A_61 = vector.extract_strided_slice %convert_element_type3A_25 {offsets = [0, 4], sizes = [1600, 1], strides = [1, 1]} : vector<1600x32xbf16> to vector<1600x1xbf16>
    %mul3A_62 = vector.broadcast %slice3A_61 : vector<1600x1xbf16> to vector<1600x64xbf16>
    %mul3A_63 = arith.mulf %convert_element_type3A, %mul3A_62 : vector<1600x64xbf16>
    %get3A_64 = arith.constant 256 : index
    %get3A_65 = arith.constant 0 : index
    %get3A_66 = vector.load %arg5[%get3A_64, %get3A_65] : memref<2048x128xbf16, #tpu.memory_space<vmem>>, vector<64x128xbf16>
    %dot_general3A_67 = arith.constant dense<0.000000e+00> : vector<1600x128xf32>
    %dot_general3A_68 = tpu.matmul %mul3A_63, %get3A_66, %dot_general3A_67 {dimension_numbers = #tpu.dot_dimension_numbers<[1], [0], [0], [1], [0, 0, 1, 1], [], []>, transpose_lhs_hint = false} : vector<1600x64xbf16>, vector<64x128xbf16>, vector<1600x128xf32> -> vector<1600x128xf32>
    %add3A_69 = arith.addf %add3A_60, %dot_general3A_68 : vector<1600x128xf32>
    %slice3A_70 = vector.extract_strided_slice %convert_element_type3A_25 {offsets = [0, 5], sizes = [1600, 1], strides = [1, 1]} : vector<1600x32xbf16> to vector<1600x1xbf16>
    %mul3A_71 = vector.broadcast %slice3A_70 : vector<1600x1xbf16> to vector<1600x64xbf16>
    %mul3A_72 = arith.mulf %convert_element_type3A, %mul3A_71 : vector<1600x64xbf16>
    %get3A_73 = arith.constant 320 : index
    %get3A_74 = arith.constant 0 : index
    %get3A_75 = vector.load %arg5[%get3A_73, %get3A_74] : memref<2048x128xbf16, #tpu.memory_space<vmem>>, vector<64x128xbf16>
    %dot_general3A_76 = arith.constant dense<0.000000e+00> : vector<1600x128xf32>
    %dot_general3A_77 = tpu.matmul %mul3A_72, %get3A_75, %dot_general3A_76 {dimension_numbers = #tpu.dot_dimension_numbers<[1], [0], [0], [1], [0, 0, 1, 1], [], []>, transpose_lhs_hint = false} : vector<1600x64xbf16>, vector<64x128xbf16>, vector<1600x128xf32> -> vector<1600x128xf32>
    %add3A_78 = arith.addf %add3A_69, %dot_general3A_77 : vector<1600x128xf32>
    %slice3A_79 = vector.extract_strided_slice %convert_element_type3A_25 {offsets = [0, 6], sizes = [1600, 1], strides = [1, 1]} : vector<1600x32xbf16> to vector<1600x1xbf16>
    %mul3A_80 = vector.broadcast %slice3A_79 : vector<1600x1xbf16> to vector<1600x64xbf16>
    %mul3A_81 = arith.mulf %convert_element_type3A, %mul3A_80 : vector<1600x64xbf16>
    %get3A_82 = arith.constant 384 : index
    %get3A_83 = arith.constant 0 : index
    %get3A_84 = vector.load %arg5[%get3A_82, %get3A_83] : memref<2048x128xbf16, #tpu.memory_space<vmem>>, vector<64x128xbf16>
    %dot_general3A_85 = arith.constant dense<0.000000e+00> : vector<1600x128xf32>
    %dot_general3A_86 = tpu.matmul %mul3A_81, %get3A_84, %dot_general3A_85 {dimension_numbers = #tpu.dot_dimension_numbers<[1], [0], [0], [1], [0, 0, 1, 1], [], []>, transpose_lhs_hint = false} : vector<1600x64xbf16>, vector<64x128xbf16>, vector<1600x128xf32> -> vector<1600x128xf32>
    %add3A_87 = arith.addf %add3A_78, %dot_general3A_86 : vector<1600x128xf32>
    %slice3A_88 = vector.extract_strided_slice %convert_element_type3A_25 {offsets = [0, 7], sizes = [1600, 1], strides = [1, 1]} : vector<1600x32xbf16> to vector<1600x1xbf16>
    %mul3A_89 = vector.broadcast %slice3A_88 : vector<1600x1xbf16> to vector<1600x64xbf16>
    %mul3A_90 = arith.mulf %convert_element_type3A, %mul3A_89 : vector<1600x64xbf16>
    %get3A_91 = arith.constant 448 : index
    %get3A_92 = arith.constant 0 : index
    %get3A_93 = vector.load %arg5[%get3A_91, %get3A_92] : memref<2048x128xbf16, #tpu.memory_space<vmem>>, vector<64x128xbf16>
    %dot_general3A_94 = arith.constant dense<0.000000e+00> : vector<1600x128xf32>
    %dot_general3A_95 = tpu.matmul %mul3A_90, %get3A_93, %dot_general3A_94 {dimension_numbers = #tpu.dot_dimension_numbers<[1], [0], [0], [1], [0, 0, 1, 1], [], []>, transpose_lhs_hint = false} : vector<1600x64xbf16>, vector<64x128xbf16>, vector<1600x128xf32> -> vector<1600x128xf32>
    %add3A_96 = arith.addf %add3A_87, %dot_general3A_95 : vector<1600x128xf32>
    %slice3A_97 = vector.extract_strided_slice %convert_element_type3A_25 {offsets = [0, 8], sizes = [1600, 1], strides = [1, 1]} : vector<1600x32xbf16> to vector<1600x1xbf16>
    %mul3A_98 = vector.broadcast %slice3A_97 : vector<1600x1xbf16> to vector<1600x64xbf16>
    %mul3A_99 = arith.mulf %convert_element_type3A, %mul3A_98 : vector<1600x64xbf16>
    %get3A_100 = arith.constant 512 : index
    %get3A_101 = arith.constant 0 : index
    %get3A_102 = vector.load %arg5[%get3A_100, %get3A_101] : memref<2048x128xbf16, #tpu.memory_space<vmem>>, vector<64x128xbf16>
    %dot_general3A_103 = arith.constant dense<0.000000e+00> : vector<1600x128xf32>
    %dot_general3A_104 = tpu.matmul %mul3A_99, %get3A_102, %dot_general3A_103 {dimension_numbers = #tpu.dot_dimension_numbers<[1], [0], [0], [1], [0, 0, 1, 1], [], []>, transpose_lhs_hint = false} : vector<1600x64xbf16>, vector<64x128xbf16>, vector<1600x128xf32> -> vector<1600x128xf32>
    %add3A_105 = arith.addf %add3A_96, %dot_general3A_104 : vector<1600x128xf32>
    %slice3A_106 = vector.extract_strided_slice %convert_element_type3A_25 {offsets = [0, 9], sizes = [1600, 1], strides = [1, 1]} : vector<1600x32xbf16> to vector<1600x1xbf16>
    %mul3A_107 = vector.broadcast %slice3A_106 : vector<1600x1xbf16> to vector<1600x64xbf16>
    %mul3A_108 = arith.mulf %convert_element_type3A, %mul3A_107 : vector<1600x64xbf16>
    %get3A_109 = arith.constant 576 : index
    %get3A_110 = arith.constant 0 : index
    %get3A_111 = vector.load %arg5[%get3A_109, %get3A_110] : memref<2048x128xbf16, #tpu.memory_space<vmem>>, vector<64x128xbf16>
    %dot_general3A_112 = arith.constant dense<0.000000e+00> : vector<1600x128xf32>
    %dot_general3A_113 = tpu.matmul %mul3A_108, %get3A_111, %dot_general3A_112 {dimension_numbers = #tpu.dot_dimension_numbers<[1], [0], [0], [1], [0, 0, 1, 1], [], []>, transpose_lhs_hint = false} : vector<1600x64xbf16>, vector<64x128xbf16>, vector<1600x128xf32> -> vector<1600x128xf32>
    %add3A_114 = arith.addf %add3A_105, %dot_general3A_113 : vector<1600x128xf32>
    %slice3A_115 = vector.extract_strided_slice %convert_element_type3A_25 {offsets = [0, 10], sizes = [1600, 1], strides = [1, 1]} : vector<1600x32xbf16> to vector<1600x1xbf16>
    %mul3A_116 = vector.broadcast %slice3A_115 : vector<1600x1xbf16> to vector<1600x64xbf16>
    %mul3A_117 = arith.mulf %convert_element_type3A, %mul3A_116 : vector<1600x64xbf16>
    %get3A_118 = arith.constant 640 : index
    %get3A_119 = arith.constant 0 : index
    %get3A_120 = vector.load %arg5[%get3A_118, %get3A_119] : memref<2048x128xbf16, #tpu.memory_space<vmem>>, vector<64x128xbf16>
    %dot_general3A_121 = arith.constant dense<0.000000e+00> : vector<1600x128xf32>
    %dot_general3A_122 = tpu.matmul %mul3A_117, %get3A_120, %dot_general3A_121 {dimension_numbers = #tpu.dot_dimension_numbers<[1], [0], [0], [1], [0, 0, 1, 1], [], []>, transpose_lhs_hint = false} : vector<1600x64xbf16>, vector<64x128xbf16>, vector<1600x128xf32> -> vector<1600x128xf32>
    %add3A_123 = arith.addf %add3A_114, %dot_general3A_122 : vector<1600x128xf32>
    %slice3A_124 = vector.extract_strided_slice %convert_element_type3A_25 {offsets = [0, 11], sizes = [1600, 1], strides = [1, 1]} : vector<1600x32xbf16> to vector<1600x1xbf16>
    %mul3A_125 = vector.broadcast %slice3A_124 : vector<1600x1xbf16> to vector<1600x64xbf16>
    %mul3A_126 = arith.mulf %convert_element_type3A, %mul3A_125 : vector<1600x64xbf16>
    %get3A_127 = arith.constant 704 : index
    %get3A_128 = arith.constant 0 : index
    %get3A_129 = vector.load %arg5[%get3A_127, %get3A_128] : memref<2048x128xbf16, #tpu.memory_space<vmem>>, vector<64x128xbf16>
    %dot_general3A_130 = arith.constant dense<0.000000e+00> : vector<1600x128xf32>
    %dot_general3A_131 = tpu.matmul %mul3A_126, %get3A_129, %dot_general3A_130 {dimension_numbers = #tpu.dot_dimension_numbers<[1], [0], [0], [1], [0, 0, 1, 1], [], []>, transpose_lhs_hint = false} : vector<1600x64xbf16>, vector<64x128xbf16>, vector<1600x128xf32> -> vector<1600x128xf32>
    %add3A_132 = arith.addf %add3A_123, %dot_general3A_131 : vector<1600x128xf32>
    %slice3A_133 = vector.extract_strided_slice %convert_element_type3A_25 {offsets = [0, 12], sizes = [1600, 1], strides = [1, 1]} : vector<1600x32xbf16> to vector<1600x1xbf16>
    %mul3A_134 = vector.broadcast %slice3A_133 : vector<1600x1xbf16> to vector<1600x64xbf16>
    %mul3A_135 = arith.mulf %convert_element_type3A, %mul3A_134 : vector<1600x64xbf16>
    %get3A_136 = arith.constant 768 : index
    %get3A_137 = arith.constant 0 : index
    %get3A_138 = vector.load %arg5[%get3A_136, %get3A_137] : memref<2048x128xbf16, #tpu.memory_space<vmem>>, vector<64x128xbf16>
    %dot_general3A_139 = arith.constant dense<0.000000e+00> : vector<1600x128xf32>
    %dot_general3A_140 = tpu.matmul %mul3A_135, %get3A_138, %dot_general3A_139 {dimension_numbers = #tpu.dot_dimension_numbers<[1], [0], [0], [1], [0, 0, 1, 1], [], []>, transpose_lhs_hint = false} : vector<1600x64xbf16>, vector<64x128xbf16>, vector<1600x128xf32> -> vector<1600x128xf32>
    %add3A_141 = arith.addf %add3A_132, %dot_general3A_140 : vector<1600x128xf32>
    %slice3A_142 = vector.extract_strided_slice %convert_element_type3A_25 {offsets = [0, 13], sizes = [1600, 1], strides = [1, 1]} : vector<1600x32xbf16> to vector<1600x1xbf16>
    %mul3A_143 = vector.broadcast %slice3A_142 : vector<1600x1xbf16> to vector<1600x64xbf16>
    %mul3A_144 = arith.mulf %convert_element_type3A, %mul3A_143 : vector<1600x64xbf16>
    %get3A_145 = arith.constant 832 : index
    %get3A_146 = arith.constant 0 : index
    %get3A_147 = vector.load %arg5[%get3A_145, %get3A_146] : memref<2048x128xbf16, #tpu.memory_space<vmem>>, vector<64x128xbf16>
    %dot_general3A_148 = arith.constant dense<0.000000e+00> : vector<1600x128xf32>
    %dot_general3A_149 = tpu.matmul %mul3A_144, %get3A_147, %dot_general3A_148 {dimension_numbers = #tpu.dot_dimension_numbers<[1], [0], [0], [1], [0, 0, 1, 1], [], []>, transpose_lhs_hint = false} : vector<1600x64xbf16>, vector<64x128xbf16>, vector<1600x128xf32> -> vector<1600x128xf32>
    %add3A_150 = arith.addf %add3A_141, %dot_general3A_149 : vector<1600x128xf32>
    %slice3A_151 = vector.extract_strided_slice %convert_element_type3A_25 {offsets = [0, 14], sizes = [1600, 1], strides = [1, 1]} : vector<1600x32xbf16> to vector<1600x1xbf16>
    %mul3A_152 = vector.broadcast %slice3A_151 : vector<1600x1xbf16> to vector<1600x64xbf16>
    %mul3A_153 = arith.mulf %convert_element_type3A, %mul3A_152 : vector<1600x64xbf16>
    %get3A_154 = arith.constant 896 : index
    %get3A_155 = arith.constant 0 : index
    %get3A_156 = vector.load %arg5[%get3A_154, %get3A_155] : memref<2048x128xbf16, #tpu.memory_space<vmem>>, vector<64x128xbf16>
    %dot_general3A_157 = arith.constant dense<0.000000e+00> : vector<1600x128xf32>
    %dot_general3A_158 = tpu.matmul %mul3A_153, %get3A_156, %dot_general3A_157 {dimension_numbers = #tpu.dot_dimension_numbers<[1], [0], [0], [1], [0, 0, 1, 1], [], []>, transpose_lhs_hint = false} : vector<1600x64xbf16>, vector<64x128xbf16>, vector<1600x128xf32> -> vector<1600x128xf32>
    %add3A_159 = arith.addf %add3A_150, %dot_general3A_158 : vector<1600x128xf32>
    %slice3A_160 = vector.extract_strided_slice %convert_element_type3A_25 {offsets = [0, 15], sizes = [1600, 1], strides = [1, 1]} : vector<1600x32xbf16> to vector<1600x1xbf16>
    %mul3A_161 = vector.broadcast %slice3A_160 : vector<1600x1xbf16> to vector<1600x64xbf16>
    %mul3A_162 = arith.mulf %convert_element_type3A, %mul3A_161 : vector<1600x64xbf16>
    %get3A_163 = arith.constant 960 : index
    %get3A_164 = arith.constant 0 : index
    %get3A_165 = vector.load %arg5[%get3A_163, %get3A_164] : memref<2048x128xbf16, #tpu.memory_space<vmem>>, vector<64x128xbf16>
    %dot_general3A_166 = arith.constant dense<0.000000e+00> : vector<1600x128xf32>
    %dot_general3A_167 = tpu.matmul %mul3A_162, %get3A_165, %dot_general3A_166 {dimension_numbers = #tpu.dot_dimension_numbers<[1], [0], [0], [1], [0, 0, 1, 1], [], []>, transpose_lhs_hint = false} : vector<1600x64xbf16>, vector<64x128xbf16>, vector<1600x128xf32> -> vector<1600x128xf32>
    %add3A_168 = arith.addf %add3A_159, %dot_general3A_167 : vector<1600x128xf32>
    %slice3A_169 = vector.extract_strided_slice %convert_element_type3A_25 {offsets = [0, 16], sizes = [1600, 1], strides = [1, 1]} : vector<1600x32xbf16> to vector<1600x1xbf16>
    %mul3A_170 = vector.broadcast %slice3A_169 : vector<1600x1xbf16> to vector<1600x64xbf16>
    %mul3A_171 = arith.mulf %convert_element_type3A, %mul3A_170 : vector<1600x64xbf16>
    %get3A_172 = arith.constant 1024 : index
    %get3A_173 = arith.constant 0 : index
    %get3A_174 = vector.load %arg5[%get3A_172, %get3A_173] : memref<2048x128xbf16, #tpu.memory_space<vmem>>, vector<64x128xbf16>
    %dot_general3A_175 = arith.constant dense<0.000000e+00> : vector<1600x128xf32>
    %dot_general3A_176 = tpu.matmul %mul3A_171, %get3A_174, %dot_general3A_175 {dimension_numbers = #tpu.dot_dimension_numbers<[1], [0], [0], [1], [0, 0, 1, 1], [], []>, transpose_lhs_hint = false} : vector<1600x64xbf16>, vector<64x128xbf16>, vector<1600x128xf32> -> vector<1600x128xf32>
    %add3A_177 = arith.addf %add3A_168, %dot_general3A_176 : vector<1600x128xf32>
    %slice3A_178 = vector.extract_strided_slice %convert_element_type3A_25 {offsets = [0, 17], sizes = [1600, 1], strides = [1, 1]} : vector<1600x32xbf16> to vector<1600x1xbf16>
    %mul3A_179 = vector.broadcast %slice3A_178 : vector<1600x1xbf16> to vector<1600x64xbf16>
    %mul3A_180 = arith.mulf %convert_element_type3A, %mul3A_179 : vector<1600x64xbf16>
    %get3A_181 = arith.constant 1088 : index
    %get3A_182 = arith.constant 0 : index
    %get3A_183 = vector.load %arg5[%get3A_181, %get3A_182] : memref<2048x128xbf16, #tpu.memory_space<vmem>>, vector<64x128xbf16>
    %dot_general3A_184 = arith.constant dense<0.000000e+00> : vector<1600x128xf32>
    %dot_general3A_185 = tpu.matmul %mul3A_180, %get3A_183, %dot_general3A_184 {dimension_numbers = #tpu.dot_dimension_numbers<[1], [0], [0], [1], [0, 0, 1, 1], [], []>, transpose_lhs_hint = false} : vector<1600x64xbf16>, vector<64x128xbf16>, vector<1600x128xf32> -> vector<1600x128xf32>
    %add3A_186 = arith.addf %add3A_177, %dot_general3A_185 : vector<1600x128xf32>
    %slice3A_187 = vector.extract_strided_slice %convert_element_type3A_25 {offsets = [0, 18], sizes = [1600, 1], strides = [1, 1]} : vector<1600x32xbf16> to vector<1600x1xbf16>
    %mul3A_188 = vector.broadcast %slice3A_187 : vector<1600x1xbf16> to vector<1600x64xbf16>
    %mul3A_189 = arith.mulf %convert_element_type3A, %mul3A_188 : vector<1600x64xbf16>
    %get3A_190 = arith.constant 1152 : index
    %get3A_191 = arith.constant 0 : index
    %get3A_192 = vector.load %arg5[%get3A_190, %get3A_191] : memref<2048x128xbf16, #tpu.memory_space<vmem>>, vector<64x128xbf16>
    %dot_general3A_193 = arith.constant dense<0.000000e+00> : vector<1600x128xf32>
    %dot_general3A_194 = tpu.matmul %mul3A_189, %get3A_192, %dot_general3A_193 {dimension_numbers = #tpu.dot_dimension_numbers<[1], [0], [0], [1], [0, 0, 1, 1], [], []>, transpose_lhs_hint = false} : vector<1600x64xbf16>, vector<64x128xbf16>, vector<1600x128xf32> -> vector<1600x128xf32>
    %add3A_195 = arith.addf %add3A_186, %dot_general3A_194 : vector<1600x128xf32>
    %slice3A_196 = vector.extract_strided_slice %convert_element_type3A_25 {offsets = [0, 19], sizes = [1600, 1], strides = [1, 1]} : vector<1600x32xbf16> to vector<1600x1xbf16>
    %mul3A_197 = vector.broadcast %slice3A_196 : vector<1600x1xbf16> to vector<1600x64xbf16>
    %mul3A_198 = arith.mulf %convert_element_type3A, %mul3A_197 : vector<1600x64xbf16>
    %get3A_199 = arith.constant 1216 : index
    %get3A_200 = arith.constant 0 : index
    %get3A_201 = vector.load %arg5[%get3A_199, %get3A_200] : memref<2048x128xbf16, #tpu.memory_space<vmem>>, vector<64x128xbf16>
    %dot_general3A_202 = arith.constant dense<0.000000e+00> : vector<1600x128xf32>
    %dot_general3A_203 = tpu.matmul %mul3A_198, %get3A_201, %dot_general3A_202 {dimension_numbers = #tpu.dot_dimension_numbers<[1], [0], [0], [1], [0, 0, 1, 1], [], []>, transpose_lhs_hint = false} : vector<1600x64xbf16>, vector<64x128xbf16>, vector<1600x128xf32> -> vector<1600x128xf32>
    %add3A_204 = arith.addf %add3A_195, %dot_general3A_203 : vector<1600x128xf32>
    %slice3A_205 = vector.extract_strided_slice %convert_element_type3A_25 {offsets = [0, 20], sizes = [1600, 1], strides = [1, 1]} : vector<1600x32xbf16> to vector<1600x1xbf16>
    %mul3A_206 = vector.broadcast %slice3A_205 : vector<1600x1xbf16> to vector<1600x64xbf16>
    %mul3A_207 = arith.mulf %convert_element_type3A, %mul3A_206 : vector<1600x64xbf16>
    %get3A_208 = arith.constant 1280 : index
    %get3A_209 = arith.constant 0 : index
    %get3A_210 = vector.load %arg5[%get3A_208, %get3A_209] : memref<2048x128xbf16, #tpu.memory_space<vmem>>, vector<64x128xbf16>
    %dot_general3A_211 = arith.constant dense<0.000000e+00> : vector<1600x128xf32>
    %dot_general3A_212 = tpu.matmul %mul3A_207, %get3A_210, %dot_general3A_211 {dimension_numbers = #tpu.dot_dimension_numbers<[1], [0], [0], [1], [0, 0, 1, 1], [], []>, transpose_lhs_hint = false} : vector<1600x64xbf16>, vector<64x128xbf16>, vector<1600x128xf32> -> vector<1600x128xf32>
    %add3A_213 = arith.addf %add3A_204, %dot_general3A_212 : vector<1600x128xf32>
    %slice3A_214 = vector.extract_strided_slice %convert_element_type3A_25 {offsets = [0, 21], sizes = [1600, 1], strides = [1, 1]} : vector<1600x32xbf16> to vector<1600x1xbf16>
    %mul3A_215 = vector.broadcast %slice3A_214 : vector<1600x1xbf16> to vector<1600x64xbf16>
    %mul3A_216 = arith.mulf %convert_element_type3A, %mul3A_215 : vector<1600x64xbf16>
    %get3A_217 = arith.constant 1344 : index
    %get3A_218 = arith.constant 0 : index
    %get3A_219 = vector.load %arg5[%get3A_217, %get3A_218] : memref<2048x128xbf16, #tpu.memory_space<vmem>>, vector<64x128xbf16>
    %dot_general3A_220 = arith.constant dense<0.000000e+00> : vector<1600x128xf32>
    %dot_general3A_221 = tpu.matmul %mul3A_216, %get3A_219, %dot_general3A_220 {dimension_numbers = #tpu.dot_dimension_numbers<[1], [0], [0], [1], [0, 0, 1, 1], [], []>, transpose_lhs_hint = false} : vector<1600x64xbf16>, vector<64x128xbf16>, vector<1600x128xf32> -> vector<1600x128xf32>
    %add3A_222 = arith.addf %add3A_213, %dot_general3A_221 : vector<1600x128xf32>
    %slice3A_223 = vector.extract_strided_slice %convert_element_type3A_25 {offsets = [0, 22], sizes = [1600, 1], strides = [1, 1]} : vector<1600x32xbf16> to vector<1600x1xbf16>
    %mul3A_224 = vector.broadcast %slice3A_223 : vector<1600x1xbf16> to vector<1600x64xbf16>
    %mul3A_225 = arith.mulf %convert_element_type3A, %mul3A_224 : vector<1600x64xbf16>
    %get3A_226 = arith.constant 1408 : index
    %get3A_227 = arith.constant 0 : index
    %get3A_228 = vector.load %arg5[%get3A_226, %get3A_227] : memref<2048x128xbf16, #tpu.memory_space<vmem>>, vector<64x128xbf16>
    %dot_general3A_229 = arith.constant dense<0.000000e+00> : vector<1600x128xf32>
    %dot_general3A_230 = tpu.matmul %mul3A_225, %get3A_228, %dot_general3A_229 {dimension_numbers = #tpu.dot_dimension_numbers<[1], [0], [0], [1], [0, 0, 1, 1], [], []>, transpose_lhs_hint = false} : vector<1600x64xbf16>, vector<64x128xbf16>, vector<1600x128xf32> -> vector<1600x128xf32>
    %add3A_231 = arith.addf %add3A_222, %dot_general3A_230 : vector<1600x128xf32>
    %slice3A_232 = vector.extract_strided_slice %convert_element_type3A_25 {offsets = [0, 23], sizes = [1600, 1], strides = [1, 1]} : vector<1600x32xbf16> to vector<1600x1xbf16>
    %mul3A_233 = vector.broadcast %slice3A_232 : vector<1600x1xbf16> to vector<1600x64xbf16>
    %mul3A_234 = arith.mulf %convert_element_type3A, %mul3A_233 : vector<1600x64xbf16>
    %get3A_235 = arith.constant 1472 : index
    %get3A_236 = arith.constant 0 : index
    %get3A_237 = vector.load %arg5[%get3A_235, %get3A_236] : memref<2048x128xbf16, #tpu.memory_space<vmem>>, vector<64x128xbf16>
    %dot_general3A_238 = arith.constant dense<0.000000e+00> : vector<1600x128xf32>
    %dot_general3A_239 = tpu.matmul %mul3A_234, %get3A_237, %dot_general3A_238 {dimension_numbers = #tpu.dot_dimension_numbers<[1], [0], [0], [1], [0, 0, 1, 1], [], []>, transpose_lhs_hint = false} : vector<1600x64xbf16>, vector<64x128xbf16>, vector<1600x128xf32> -> vector<1600x128xf32>
    %add3A_240 = arith.addf %add3A_231, %dot_general3A_239 : vector<1600x128xf32>
    %slice3A_241 = vector.extract_strided_slice %convert_element_type3A_25 {offsets = [0, 24], sizes = [1600, 1], strides = [1, 1]} : vector<1600x32xbf16> to vector<1600x1xbf16>
    %mul3A_242 = vector.broadcast %slice3A_241 : vector<1600x1xbf16> to vector<1600x64xbf16>
    %mul3A_243 = arith.mulf %convert_element_type3A, %mul3A_242 : vector<1600x64xbf16>
    %get3A_244 = arith.constant 1536 : index
    %get3A_245 = arith.constant 0 : index
    %get3A_246 = vector.load %arg5[%get3A_244, %get3A_245] : memref<2048x128xbf16, #tpu.memory_space<vmem>>, vector<64x128xbf16>
    %dot_general3A_247 = arith.constant dense<0.000000e+00> : vector<1600x128xf32>
    %dot_general3A_248 = tpu.matmul %mul3A_243, %get3A_246, %dot_general3A_247 {dimension_numbers = #tpu.dot_dimension_numbers<[1], [0], [0], [1], [0, 0, 1, 1], [], []>, transpose_lhs_hint = false} : vector<1600x64xbf16>, vector<64x128xbf16>, vector<1600x128xf32> -> vector<1600x128xf32>
    %add3A_249 = arith.addf %add3A_240, %dot_general3A_248 : vector<1600x128xf32>
    %slice3A_250 = vector.extract_strided_slice %convert_element_type3A_25 {offsets = [0, 25], sizes = [1600, 1], strides = [1, 1]} : vector<1600x32xbf16> to vector<1600x1xbf16>
    %mul3A_251 = vector.broadcast %slice3A_250 : vector<1600x1xbf16> to vector<1600x64xbf16>
    %mul3A_252 = arith.mulf %convert_element_type3A, %mul3A_251 : vector<1600x64xbf16>
    %get3A_253 = arith.constant 1600 : index
    %get3A_254 = arith.constant 0 : index
    %get3A_255 = vector.load %arg5[%get3A_253, %get3A_254] : memref<2048x128xbf16, #tpu.memory_space<vmem>>, vector<64x128xbf16>
    %dot_general3A_256 = arith.constant dense<0.000000e+00> : vector<1600x128xf32>
    %dot_general3A_257 = tpu.matmul %mul3A_252, %get3A_255, %dot_general3A_256 {dimension_numbers = #tpu.dot_dimension_numbers<[1], [0], [0], [1], [0, 0, 1, 1], [], []>, transpose_lhs_hint = false} : vector<1600x64xbf16>, vector<64x128xbf16>, vector<1600x128xf32> -> vector<1600x128xf32>
    %add3A_258 = arith.addf %add3A_249, %dot_general3A_257 : vector<1600x128xf32>
    %slice3A_259 = vector.extract_strided_slice %convert_element_type3A_25 {offsets = [0, 26], sizes = [1600, 1], strides = [1, 1]} : vector<1600x32xbf16> to vector<1600x1xbf16>
    %mul3A_260 = vector.broadcast %slice3A_259 : vector<1600x1xbf16> to vector<1600x64xbf16>
    %mul3A_261 = arith.mulf %convert_element_type3A, %mul3A_260 : vector<1600x64xbf16>
    %get3A_262 = arith.constant 1664 : index
    %get3A_263 = arith.constant 0 : index
    %get3A_264 = vector.load %arg5[%get3A_262, %get3A_263] : memref<2048x128xbf16, #tpu.memory_space<vmem>>, vector<64x128xbf16>
    %dot_general3A_265 = arith.constant dense<0.000000e+00> : vector<1600x128xf32>
    %dot_general3A_266 = tpu.matmul %mul3A_261, %get3A_264, %dot_general3A_265 {dimension_numbers = #tpu.dot_dimension_numbers<[1], [0], [0], [1], [0, 0, 1, 1], [], []>, transpose_lhs_hint = false} : vector<1600x64xbf16>, vector<64x128xbf16>, vector<1600x128xf32> -> vector<1600x128xf32>
    %add3A_267 = arith.addf %add3A_258, %dot_general3A_266 : vector<1600x128xf32>
    %slice3A_268 = vector.extract_strided_slice %convert_element_type3A_25 {offsets = [0, 27], sizes = [1600, 1], strides = [1, 1]} : vector<1600x32xbf16> to vector<1600x1xbf16>
    %mul3A_269 = vector.broadcast %slice3A_268 : vector<1600x1xbf16> to vector<1600x64xbf16>
    %mul3A_270 = arith.mulf %convert_element_type3A, %mul3A_269 : vector<1600x64xbf16>
    %get3A_271 = arith.constant 1728 : index
    %get3A_272 = arith.constant 0 : index
    %get3A_273 = vector.load %arg5[%get3A_271, %get3A_272] : memref<2048x128xbf16, #tpu.memory_space<vmem>>, vector<64x128xbf16>
    %dot_general3A_274 = arith.constant dense<0.000000e+00> : vector<1600x128xf32>
    %dot_general3A_275 = tpu.matmul %mul3A_270, %get3A_273, %dot_general3A_274 {dimension_numbers = #tpu.dot_dimension_numbers<[1], [0], [0], [1], [0, 0, 1, 1], [], []>, transpose_lhs_hint = false} : vector<1600x64xbf16>, vector<64x128xbf16>, vector<1600x128xf32> -> vector<1600x128xf32>
    %add3A_276 = arith.addf %add3A_267, %dot_general3A_275 : vector<1600x128xf32>
    %slice3A_277 = vector.extract_strided_slice %convert_element_type3A_25 {offsets = [0, 28], sizes = [1600, 1], strides = [1, 1]} : vector<1600x32xbf16> to vector<1600x1xbf16>
    %mul3A_278 = vector.broadcast %slice3A_277 : vector<1600x1xbf16> to vector<1600x64xbf16>
    %mul3A_279 = arith.mulf %convert_element_type3A, %mul3A_278 : vector<1600x64xbf16>
    %get3A_280 = arith.constant 1792 : index
    %get3A_281 = arith.constant 0 : index
    %get3A_282 = vector.load %arg5[%get3A_280, %get3A_281] : memref<2048x128xbf16, #tpu.memory_space<vmem>>, vector<64x128xbf16>
    %dot_general3A_283 = arith.constant dense<0.000000e+00> : vector<1600x128xf32>
    %dot_general3A_284 = tpu.matmul %mul3A_279, %get3A_282, %dot_general3A_283 {dimension_numbers = #tpu.dot_dimension_numbers<[1], [0], [0], [1], [0, 0, 1, 1], [], []>, transpose_lhs_hint = false} : vector<1600x64xbf16>, vector<64x128xbf16>, vector<1600x128xf32> -> vector<1600x128xf32>
    %add3A_285 = arith.addf %add3A_276, %dot_general3A_284 : vector<1600x128xf32>
    %slice3A_286 = vector.extract_strided_slice %convert_element_type3A_25 {offsets = [0, 29], sizes = [1600, 1], strides = [1, 1]} : vector<1600x32xbf16> to vector<1600x1xbf16>
    %mul3A_287 = vector.broadcast %slice3A_286 : vector<1600x1xbf16> to vector<1600x64xbf16>
    %mul3A_288 = arith.mulf %convert_element_type3A, %mul3A_287 : vector<1600x64xbf16>
    %get3A_289 = arith.constant 1856 : index
    %get3A_290 = arith.constant 0 : index
    %get3A_291 = vector.load %arg5[%get3A_289, %get3A_290] : memref<2048x128xbf16, #tpu.memory_space<vmem>>, vector<64x128xbf16>
    %dot_general3A_292 = arith.constant dense<0.000000e+00> : vector<1600x128xf32>
    %dot_general3A_293 = tpu.matmul %mul3A_288, %get3A_291, %dot_general3A_292 {dimension_numbers = #tpu.dot_dimension_numbers<[1], [0], [0], [1], [0, 0, 1, 1], [], []>, transpose_lhs_hint = false} : vector<1600x64xbf16>, vector<64x128xbf16>, vector<1600x128xf32> -> vector<1600x128xf32>
    %add3A_294 = arith.addf %add3A_285, %dot_general3A_293 : vector<1600x128xf32>
    %slice3A_295 = vector.extract_strided_slice %convert_element_type3A_25 {offsets = [0, 30], sizes = [1600, 1], strides = [1, 1]} : vector<1600x32xbf16> to vector<1600x1xbf16>
    %mul3A_296 = vector.broadcast %slice3A_295 : vector<1600x1xbf16> to vector<1600x64xbf16>
    %mul3A_297 = arith.mulf %convert_element_type3A, %mul3A_296 : vector<1600x64xbf16>
    %get3A_298 = arith.constant 1920 : index
    %get3A_299 = arith.constant 0 : index
    %get3A_300 = vector.load %arg5[%get3A_298, %get3A_299] : memref<2048x128xbf16, #tpu.memory_space<vmem>>, vector<64x128xbf16>
    %dot_general3A_301 = arith.constant dense<0.000000e+00> : vector<1600x128xf32>
    %dot_general3A_302 = tpu.matmul %mul3A_297, %get3A_300, %dot_general3A_301 {dimension_numbers = #tpu.dot_dimension_numbers<[1], [0], [0], [1], [0, 0, 1, 1], [], []>, transpose_lhs_hint = false} : vector<1600x64xbf16>, vector<64x128xbf16>, vector<1600x128xf32> -> vector<1600x128xf32>
    %add3A_303 = arith.addf %add3A_294, %dot_general3A_302 : vector<1600x128xf32>
    %slice3A_304 = vector.extract_strided_slice %convert_element_type3A_25 {offsets = [0, 31], sizes = [1600, 1], strides = [1, 1]} : vector<1600x32xbf16> to vector<1600x1xbf16>
    %mul3A_305 = vector.broadcast %slice3A_304 : vector<1600x1xbf16> to vector<1600x64xbf16>
    %mul3A_306 = arith.mulf %convert_element_type3A, %mul3A_305 : vector<1600x64xbf16>
    %get3A_307 = arith.constant 1984 : index
    %get3A_308 = arith.constant 0 : index
    %get3A_309 = vector.load %arg5[%get3A_307, %get3A_308] : memref<2048x128xbf16, #tpu.memory_space<vmem>>, vector<64x128xbf16>
    %dot_general3A_310 = arith.constant dense<0.000000e+00> : vector<1600x128xf32>
    %dot_general3A_311 = tpu.matmul %mul3A_306, %get3A_309, %dot_general3A_310 {dimension_numbers = #tpu.dot_dimension_numbers<[1], [0], [0], [1], [0, 0, 1, 1], [], []>, transpose_lhs_hint = false} : vector<1600x64xbf16>, vector<64x128xbf16>, vector<1600x128xf32> -> vector<1600x128xf32>
    %add3A_312 = arith.addf %add3A_303, %dot_general3A_311 : vector<1600x128xf32>
    %swap3A = arith.constant 0 : index
    %swap3A_313 = arith.constant 0 : index
    %swap3A_314 = vector.load %arg8[%swap3A, %swap3A_313] : memref<1600x128xf32, #tpu.memory_space<vmem>>, vector<1600x128xf32>
    tpu.vector_store %arg8[%swap3A, %swap3A_313], %add3A_312 {strides = array<i32>} : memref<1600x128xf32, #tpu.memory_space<vmem>>, vector<1600x128xf32>,
    return
  }
  func.func @transform_0(%arg0: i32) -> (i32, i32) {
    %c0_i32 = arith.constant 0 : i32
    %c0_i32_0 = arith.constant 0 : i32
    return %arg0, %c0_i32 : i32, i32
  }
  func.func @transform_1(%arg0: i32) -> (i32, i32) {
    %c0_i32 = arith.constant 0 : i32
    %c0_i32_0 = arith.constant 0 : i32
    return %arg0, %c0_i32 : i32, i32
  }
  func.func @transform_2(%arg0: i32) -> (i32, i32) {
    %c0_i32 = arith.constant 0 : i32
    %c0_i32_0 = arith.constant 0 : i32
    %c0_i32_1 = arith.constant 0 : i32
    return %c0_i32, %c0_i32_0 : i32, i32
  }
  func.func @transform_3(%arg0: i32) -> (i32, i32) {
    %c0_i32 = arith.constant 0 : i32
    %c0_i32_0 = arith.constant 0 : i32
    %c0_i32_1 = arith.constant 0 : i32
    return %c0_i32, %c0_i32_0 : i32, i32
  }
  func.func @transform_4(%arg0: i32) -> (i32, i32) {
    %c0_i32 = arith.constant 0 : i32
    %c0_i32_0 = arith.constant 0 : i32
    %c0_i32_1 = arith.constant 0 : i32
    return %c0_i32, %c0_i32_0 : i32, i32
  }
  func.func @transform_5(%arg0: i32) -> (i32, i32) {
    %c0_i32 = arith.constant 0 : i32
    %c0_i32_0 = arith.constant 0 : i32
    %c0_i32_1 = arith.constant 0 : i32
    return %c0_i32, %c0_i32_0 : i32, i32
  }
  func.func @transform_6(%arg0: i32) -> (i32, i32) {
    %c0_i32 = arith.constant 0 : i32
    %c0_i32_0 = arith.constant 0 : i32
    %c0_i32_1 = arith.constant 0 : i32
    return %c0_i32, %c0_i32_0 : i32, i32
  }
  func.func @transform_7(%arg0: i32) -> (i32, i32) {
    %c0_i32 = arith.constant 0 : i32
    %c0_i32_0 = arith.constant 0 : i32
    return %arg0, %c0_i32 : i32, i32
  }
}

module attributes {stable_mosaic.version = 14 : i64} {
  func.func @_finalize_body(%arg0: memref<2x3200x128xf32, #tpu.memory_space<vmem>>, %arg1: memref<2x3200x128xf32, #tpu.memory_space<vmem>>, %arg2: memref<3200x64xf32, #tpu.memory_space<vmem>>, %arg3: memref<64x128xf32, #tpu.memory_space<vmem>>, %arg4: memref<1x128xf32, #tpu.memory_space<vmem>>, %arg5: memref<1x128xf32, #tpu.memory_space<vmem>>, %arg6: memref<1x128xf32, #tpu.memory_space<vmem>>, %arg7: memref<3200x128xf32, #tpu.memory_space<vmem>>) attributes {dimension_semantics = [], scalar_prefetch = 0 : i64, scratch_operands = 0 : i64, tpu.core_type = #tpu.core_type<tc>} {
    %get3A = arith.constant 0 : index
    %get3A_0 = arith.constant 0 : index
    %get3A_1 = arith.constant 0 : index
    %get3A_2 = vector.load %arg0[%get3A, %get3A_0, %get3A_1] : memref<2x3200x128xf32, #tpu.memory_space<vmem>>, vector<1x3200x128xf32>
    %get3A_3 = vector.shape_cast %get3A_2 : vector<1x3200x128xf32> to vector<3200x128xf32>
    %get3A_4 = arith.constant 1 : index
    %get3A_5 = arith.constant 0 : index
    %get3A_6 = arith.constant 0 : index
    %get3A_7 = vector.load %arg0[%get3A_4, %get3A_5, %get3A_6] : memref<2x3200x128xf32, #tpu.memory_space<vmem>>, vector<1x3200x128xf32>
    %get3A_8 = vector.shape_cast %get3A_7 : vector<1x3200x128xf32> to vector<3200x128xf32>
    %add3A = arith.addf %get3A_3, %get3A_8 : vector<3200x128xf32>
    %get3A_9 = arith.constant 0 : index
    %get3A_10 = arith.constant 0 : index
    %get3A_11 = arith.constant 0 : index
    %get3A_12 = vector.load %arg1[%get3A_9, %get3A_10, %get3A_11] : memref<2x3200x128xf32, #tpu.memory_space<vmem>>, vector<1x3200x128xf32>
    %get3A_13 = vector.shape_cast %get3A_12 : vector<1x3200x128xf32> to vector<3200x128xf32>
    %get3A_14 = arith.constant 1 : index
    %get3A_15 = arith.constant 0 : index
    %get3A_16 = arith.constant 0 : index
    %get3A_17 = vector.load %arg1[%get3A_14, %get3A_15, %get3A_16] : memref<2x3200x128xf32, #tpu.memory_space<vmem>>, vector<1x3200x128xf32>
    %get3A_18 = vector.shape_cast %get3A_17 : vector<1x3200x128xf32> to vector<3200x128xf32>
    %add3A_19 = arith.addf %get3A_13, %get3A_18 : vector<3200x128xf32>
    %slice3A = vector.extract_strided_slice %add3A_19 {offsets = [0, 64], sizes = [3200, 1], strides = [1, 1]} : vector<3200x128xf32> to vector<3200x1xf32>
    %max3A = arith.constant 1.000000e+00 : f32
    %max3A_20 = vector.broadcast %max3A : f32 to vector<3200x1xf32>
    %max3A_21 = arith.maximumf %slice3A, %max3A_20 : vector<3200x1xf32>
    %div3A = vector.broadcast %max3A_21 : vector<3200x1xf32> to vector<3200x128xf32>
    %div3A_22 = arith.divf %add3A, %div3A : vector<3200x128xf32>
    %get3A_23 = arith.constant 0 : index
    %get3A_24 = arith.constant 0 : index
    %get3A_25 = vector.load %arg2[%get3A_23, %get3A_24] : memref<3200x64xf32, #tpu.memory_space<vmem>>, vector<3200x64xf32>
    %get3A_26 = arith.constant 0 : index
    %get3A_27 = arith.constant 0 : index
    %get3A_28 = vector.load %arg3[%get3A_26, %get3A_27] : memref<64x128xf32, #tpu.memory_space<vmem>>, vector<64x128xf32>
    %dot_general3A = arith.constant dense<0.000000e+00> : vector<3200x128xf32>
    %dot_general3A_29 = tpu.matmul %get3A_25, %get3A_28, %dot_general3A {dimension_numbers = #tpu.dot_dimension_numbers<[1], [0], [0], [1], [0, 0, 1, 1], [], []>, transpose_lhs_hint = false} : vector<3200x64xf32>, vector<64x128xf32>, vector<3200x128xf32> -> vector<3200x128xf32>
    %add3A_30 = arith.addf %div3A_22, %dot_general3A_29 : vector<3200x128xf32>
    %get3A_31 = arith.constant 0 : index
    %get3A_32 = arith.constant 0 : index
    %get3A_33 = vector.load %arg4[%get3A_31, %get3A_32] : memref<1x128xf32, #tpu.memory_space<vmem>>, vector<1x128xf32>
    %add3A_34 = vector.broadcast %get3A_33 : vector<1x128xf32> to vector<3200x128xf32>
    %add3A_35 = arith.addf %add3A_30, %add3A_34 : vector<3200x128xf32>
    %reduce_sum3A = arith.constant dense<0.000000e+00> : vector<128xf32>
    %reduce_sum3A_36 = vector.multi_reduction <add>, %add3A_35, %reduce_sum3A [0] : vector<3200x128xf32> to vector<128xf32>
    %broadcast_in_dim3A = vector.shape_cast %reduce_sum3A_36 : vector<128xf32> to vector<1x128xf32>
    %div3A_37 = arith.constant 3.200000e+03 : f32
    %div3A_38 = vector.broadcast %div3A_37 : f32 to vector<1x128xf32>
    %div3A_39 = arith.divf %broadcast_in_dim3A, %div3A_38 : vector<1x128xf32>
    %sub3A = vector.broadcast %div3A_39 : vector<1x128xf32> to vector<3200x128xf32>
    %sub3A_40 = arith.subf %add3A_35, %sub3A : vector<3200x128xf32>
    %integer_pow3A = arith.mulf %sub3A_40, %sub3A_40 : vector<3200x128xf32>
    %reduce_sum3A_41 = arith.constant dense<0.000000e+00> : vector<128xf32>
    %reduce_sum3A_42 = vector.multi_reduction <add>, %integer_pow3A, %reduce_sum3A_41 [0] : vector<3200x128xf32> to vector<128xf32>
    %broadcast_in_dim3A_43 = vector.shape_cast %reduce_sum3A_42 : vector<128xf32> to vector<1x128xf32>
    %div3A_44 = arith.constant 3.200000e+03 : f32
    %div3A_45 = vector.broadcast %div3A_44 : f32 to vector<1x128xf32>
    %div3A_46 = arith.divf %broadcast_in_dim3A_43, %div3A_45 : vector<1x128xf32>
    %get3A_47 = arith.constant 0 : index
    %get3A_48 = arith.constant 0 : index
    %get3A_49 = vector.load %arg5[%get3A_47, %get3A_48] : memref<1x128xf32, #tpu.memory_space<vmem>>, vector<1x128xf32>
    %sub3A_50 = vector.broadcast %div3A_39 : vector<1x128xf32> to vector<3200x128xf32>
    %sub3A_51 = arith.subf %add3A_35, %sub3A_50 : vector<3200x128xf32>
    %mul3A = vector.broadcast %get3A_49 : vector<1x128xf32> to vector<3200x128xf32>
    %mul3A_52 = arith.mulf %mul3A, %sub3A_51 : vector<3200x128xf32>
    %add3A_53 = arith.constant 9.99999974E-6 : f32
    %add3A_54 = vector.broadcast %add3A_53 : f32 to vector<1x128xf32>
    %add3A_55 = arith.addf %div3A_46, %add3A_54 : vector<1x128xf32>
    %rsqrt3A = math.rsqrt %add3A_55 : vector<1x128xf32>
    %mul3A_56 = vector.broadcast %rsqrt3A : vector<1x128xf32> to vector<3200x128xf32>
    %mul3A_57 = arith.mulf %mul3A_52, %mul3A_56 : vector<3200x128xf32>
    %get3A_58 = arith.constant 0 : index
    %get3A_59 = arith.constant 0 : index
    %get3A_60 = vector.load %arg6[%get3A_58, %get3A_59] : memref<1x128xf32, #tpu.memory_space<vmem>>, vector<1x128xf32>
    %add3A_61 = vector.broadcast %get3A_60 : vector<1x128xf32> to vector<3200x128xf32>
    %add3A_62 = arith.addf %mul3A_57, %add3A_61 : vector<3200x128xf32>
    %max3A_63 = arith.constant 0.000000e+00 : f32
    %max3A_64 = vector.broadcast %max3A_63 : f32 to vector<3200x128xf32>
    %max3A_65 = arith.maximumf %add3A_62, %max3A_64 : vector<3200x128xf32>
    %swap3A = arith.constant 0 : index
    %swap3A_66 = arith.constant 0 : index
    %swap3A_67 = vector.load %arg7[%swap3A, %swap3A_66] : memref<3200x128xf32, #tpu.memory_space<vmem>>, vector<3200x128xf32>
    tpu.vector_store %arg7[%swap3A, %swap3A_66], %max3A_65 {strides = array<i32>} : memref<3200x128xf32, #tpu.memory_space<vmem>>, vector<3200x128xf32>,
    return
  }
}

module attributes {stable_mosaic.version = 14 : i64} {
  func.func @_msg_body(%arg0: i32, %arg1: memref<1600x128xf32, #tpu.memory_space<vmem>>, %arg2: memref<1600x3xf32, #tpu.memory_space<vmem>>, %arg3: memref<3x32xf32, #tpu.memory_space<vmem>>, %arg4: memref<1x32xf32, #tpu.memory_space<vmem>>, %arg5: memref<4096x256xbf16, #tpu.memory_space<vmem>>, %arg6: memref<128x256xf32, #tpu.memory_space<vmem>>, %arg7: memref<1x256xf32, #tpu.memory_space<vmem>>, %arg8: memref<1600x128xf32, #tpu.memory_space<vmem>>, %arg9: memref<1600x128xf32, #tpu.memory_space<vmem>>) attributes {dimension_semantics = [#tpu.dimension_semantics<arbitrary>], iteration_bounds = array<i64: 8>, scalar_prefetch = 0 : i64, scratch_operands = 0 : i64, tpu.core_type = #tpu.core_type<tc>, window_params = [{transform_indices = @transform_0, window_bounds = array<i64: 1600, 128>}, {transform_indices = @transform_1, window_bounds = array<i64: 1600, 3>}, {pipeline_mode = #tpu.pipeline_mode<synchronous>, transform_indices = @transform_2, window_bounds = array<i64: 3, 32>}, {pipeline_mode = #tpu.pipeline_mode<synchronous>, transform_indices = @transform_3, window_bounds = array<i64: 1, 32>}, {pipeline_mode = #tpu.pipeline_mode<synchronous>, transform_indices = @transform_4, window_bounds = array<i64: 4096, 256>}, {pipeline_mode = #tpu.pipeline_mode<synchronous>, transform_indices = @transform_5, window_bounds = array<i64: 128, 256>}, {pipeline_mode = #tpu.pipeline_mode<synchronous>, transform_indices = @transform_6, window_bounds = array<i64: 1, 256>}, {transform_indices = @transform_7, window_bounds = array<i64: 1600, 128>}, {transform_indices = @transform_8, window_bounds = array<i64: 1600, 128>}]} {
    %get3A = arith.constant 0 : index
    %get3A_0 = arith.constant 0 : index
    %get3A_1 = vector.load %arg2[%get3A, %get3A_0] : memref<1600x3xf32, #tpu.memory_space<vmem>>, vector<1600x3xf32>
    %get3A_2 = arith.constant 0 : index
    %get3A_3 = arith.constant 0 : index
    %get3A_4 = vector.load %arg3[%get3A_2, %get3A_3] : memref<3x32xf32, #tpu.memory_space<vmem>>, vector<3x32xf32>
    %dot_general3A = arith.constant dense<0.000000e+00> : vector<1600x32xf32>
    %dot_general3A_5 = tpu.matmul %get3A_1, %get3A_4, %dot_general3A {dimension_numbers = #tpu.dot_dimension_numbers<[1], [0], [0], [1], [0, 0, 1, 1], [], []>, transpose_lhs_hint = false} : vector<1600x3xf32>, vector<3x32xf32>, vector<1600x32xf32> -> vector<1600x32xf32>
    %get3A_6 = arith.constant 0 : index
    %get3A_7 = arith.constant 0 : index
    %get3A_8 = vector.load %arg4[%get3A_6, %get3A_7] : memref<1x32xf32, #tpu.memory_space<vmem>>, vector<1x32xf32>
    %add3A = vector.broadcast %get3A_8 : vector<1x32xf32> to vector<1600x32xf32>
    %add3A_9 = arith.addf %dot_general3A_5, %add3A : vector<1600x32xf32>
    %max3A = arith.constant 0.000000e+00 : f32
    %max3A_10 = vector.broadcast %max3A : f32 to vector<1600x32xf32>
    %max3A_11 = arith.maximumf %add3A_9, %max3A_10 : vector<1600x32xf32>
    %get3A_12 = arith.constant 0 : index
    %get3A_13 = arith.constant 0 : index
    %get3A_14 = vector.load %arg1[%get3A_12, %get3A_13] : memref<1600x128xf32, #tpu.memory_space<vmem>>, vector<1600x128xf32>
    %get3A_15 = arith.constant 0 : index
    %get3A_16 = arith.constant 0 : index
    %get3A_17 = vector.load %arg6[%get3A_15, %get3A_16] : memref<128x256xf32, #tpu.memory_space<vmem>>, vector<128x256xf32>
    %dot_general3A_18 = arith.constant dense<0.000000e+00> : vector<1600x256xf32>
    %dot_general3A_19 = tpu.matmul %get3A_14, %get3A_17, %dot_general3A_18 {dimension_numbers = #tpu.dot_dimension_numbers<[1], [0], [0], [1], [0, 0, 1, 1], [], []>, transpose_lhs_hint = false} : vector<1600x128xf32>, vector<128x256xf32>, vector<1600x256xf32> -> vector<1600x256xf32>
    %get3A_20 = arith.constant 0 : index
    %get3A_21 = arith.constant 0 : index
    %get3A_22 = vector.load %arg7[%get3A_20, %get3A_21] : memref<1x256xf32, #tpu.memory_space<vmem>>, vector<1x256xf32>
    %add3A_23 = vector.broadcast %get3A_22 : vector<1x256xf32> to vector<1600x256xf32>
    %add3A_24 = arith.addf %dot_general3A_19, %add3A_23 : vector<1600x256xf32>
    %convert_element_type3A = arith.truncf %get3A_14 : vector<1600x128xf32> to vector<1600x128xbf16>
    %convert_element_type3A_25 = arith.truncf %max3A_11 : vector<1600x32xf32> to vector<1600x32xbf16>
    %slice3A = vector.extract_strided_slice %convert_element_type3A_25 {offsets = [0, 0], sizes = [1600, 1], strides = [1, 1]} : vector<1600x32xbf16> to vector<1600x1xbf16>
    %mul3A = vector.broadcast %slice3A : vector<1600x1xbf16> to vector<1600x128xbf16>
    %mul3A_26 = arith.mulf %convert_element_type3A, %mul3A : vector<1600x128xbf16>
    %slice3A_27 = vector.extract_strided_slice %convert_element_type3A_25 {offsets = [0, 1], sizes = [1600, 1], strides = [1, 1]} : vector<1600x32xbf16> to vector<1600x1xbf16>
    %mul3A_28 = vector.broadcast %slice3A_27 : vector<1600x1xbf16> to vector<1600x128xbf16>
    %mul3A_29 = arith.mulf %convert_element_type3A, %mul3A_28 : vector<1600x128xbf16>
    %slice3A_30 = vector.extract_strided_slice %convert_element_type3A_25 {offsets = [0, 2], sizes = [1600, 1], strides = [1, 1]} : vector<1600x32xbf16> to vector<1600x1xbf16>
    %mul3A_31 = vector.broadcast %slice3A_30 : vector<1600x1xbf16> to vector<1600x128xbf16>
    %mul3A_32 = arith.mulf %convert_element_type3A, %mul3A_31 : vector<1600x128xbf16>
    %slice3A_33 = vector.extract_strided_slice %convert_element_type3A_25 {offsets = [0, 3], sizes = [1600, 1], strides = [1, 1]} : vector<1600x32xbf16> to vector<1600x1xbf16>
    %mul3A_34 = vector.broadcast %slice3A_33 : vector<1600x1xbf16> to vector<1600x128xbf16>
    %mul3A_35 = arith.mulf %convert_element_type3A, %mul3A_34 : vector<1600x128xbf16>
    %slice3A_36 = vector.extract_strided_slice %convert_element_type3A_25 {offsets = [0, 4], sizes = [1600, 1], strides = [1, 1]} : vector<1600x32xbf16> to vector<1600x1xbf16>
    %mul3A_37 = vector.broadcast %slice3A_36 : vector<1600x1xbf16> to vector<1600x128xbf16>
    %mul3A_38 = arith.mulf %convert_element_type3A, %mul3A_37 : vector<1600x128xbf16>
    %slice3A_39 = vector.extract_strided_slice %convert_element_type3A_25 {offsets = [0, 5], sizes = [1600, 1], strides = [1, 1]} : vector<1600x32xbf16> to vector<1600x1xbf16>
    %mul3A_40 = vector.broadcast %slice3A_39 : vector<1600x1xbf16> to vector<1600x128xbf16>
    %mul3A_41 = arith.mulf %convert_element_type3A, %mul3A_40 : vector<1600x128xbf16>
    %slice3A_42 = vector.extract_strided_slice %convert_element_type3A_25 {offsets = [0, 6], sizes = [1600, 1], strides = [1, 1]} : vector<1600x32xbf16> to vector<1600x1xbf16>
    %mul3A_43 = vector.broadcast %slice3A_42 : vector<1600x1xbf16> to vector<1600x128xbf16>
    %mul3A_44 = arith.mulf %convert_element_type3A, %mul3A_43 : vector<1600x128xbf16>
    %slice3A_45 = vector.extract_strided_slice %convert_element_type3A_25 {offsets = [0, 7], sizes = [1600, 1], strides = [1, 1]} : vector<1600x32xbf16> to vector<1600x1xbf16>
    %mul3A_46 = vector.broadcast %slice3A_45 : vector<1600x1xbf16> to vector<1600x128xbf16>
    %mul3A_47 = arith.mulf %convert_element_type3A, %mul3A_46 : vector<1600x128xbf16>
    %slice3A_48 = vector.extract_strided_slice %convert_element_type3A_25 {offsets = [0, 8], sizes = [1600, 1], strides = [1, 1]} : vector<1600x32xbf16> to vector<1600x1xbf16>
    %mul3A_49 = vector.broadcast %slice3A_48 : vector<1600x1xbf16> to vector<1600x128xbf16>
    %mul3A_50 = arith.mulf %convert_element_type3A, %mul3A_49 : vector<1600x128xbf16>
    %slice3A_51 = vector.extract_strided_slice %convert_element_type3A_25 {offsets = [0, 9], sizes = [1600, 1], strides = [1, 1]} : vector<1600x32xbf16> to vector<1600x1xbf16>
    %mul3A_52 = vector.broadcast %slice3A_51 : vector<1600x1xbf16> to vector<1600x128xbf16>
    %mul3A_53 = arith.mulf %convert_element_type3A, %mul3A_52 : vector<1600x128xbf16>
    %slice3A_54 = vector.extract_strided_slice %convert_element_type3A_25 {offsets = [0, 10], sizes = [1600, 1], strides = [1, 1]} : vector<1600x32xbf16> to vector<1600x1xbf16>
    %mul3A_55 = vector.broadcast %slice3A_54 : vector<1600x1xbf16> to vector<1600x128xbf16>
    %mul3A_56 = arith.mulf %convert_element_type3A, %mul3A_55 : vector<1600x128xbf16>
    %slice3A_57 = vector.extract_strided_slice %convert_element_type3A_25 {offsets = [0, 11], sizes = [1600, 1], strides = [1, 1]} : vector<1600x32xbf16> to vector<1600x1xbf16>
    %mul3A_58 = vector.broadcast %slice3A_57 : vector<1600x1xbf16> to vector<1600x128xbf16>
    %mul3A_59 = arith.mulf %convert_element_type3A, %mul3A_58 : vector<1600x128xbf16>
    %slice3A_60 = vector.extract_strided_slice %convert_element_type3A_25 {offsets = [0, 12], sizes = [1600, 1], strides = [1, 1]} : vector<1600x32xbf16> to vector<1600x1xbf16>
    %mul3A_61 = vector.broadcast %slice3A_60 : vector<1600x1xbf16> to vector<1600x128xbf16>
    %mul3A_62 = arith.mulf %convert_element_type3A, %mul3A_61 : vector<1600x128xbf16>
    %slice3A_63 = vector.extract_strided_slice %convert_element_type3A_25 {offsets = [0, 13], sizes = [1600, 1], strides = [1, 1]} : vector<1600x32xbf16> to vector<1600x1xbf16>
    %mul3A_64 = vector.broadcast %slice3A_63 : vector<1600x1xbf16> to vector<1600x128xbf16>
    %mul3A_65 = arith.mulf %convert_element_type3A, %mul3A_64 : vector<1600x128xbf16>
    %slice3A_66 = vector.extract_strided_slice %convert_element_type3A_25 {offsets = [0, 14], sizes = [1600, 1], strides = [1, 1]} : vector<1600x32xbf16> to vector<1600x1xbf16>
    %mul3A_67 = vector.broadcast %slice3A_66 : vector<1600x1xbf16> to vector<1600x128xbf16>
    %mul3A_68 = arith.mulf %convert_element_type3A, %mul3A_67 : vector<1600x128xbf16>
    %slice3A_69 = vector.extract_strided_slice %convert_element_type3A_25 {offsets = [0, 15], sizes = [1600, 1], strides = [1, 1]} : vector<1600x32xbf16> to vector<1600x1xbf16>
    %mul3A_70 = vector.broadcast %slice3A_69 : vector<1600x1xbf16> to vector<1600x128xbf16>
    %mul3A_71 = arith.mulf %convert_element_type3A, %mul3A_70 : vector<1600x128xbf16>
    %slice3A_72 = vector.extract_strided_slice %convert_element_type3A_25 {offsets = [0, 16], sizes = [1600, 1], strides = [1, 1]} : vector<1600x32xbf16> to vector<1600x1xbf16>
    %mul3A_73 = vector.broadcast %slice3A_72 : vector<1600x1xbf16> to vector<1600x128xbf16>
    %mul3A_74 = arith.mulf %convert_element_type3A, %mul3A_73 : vector<1600x128xbf16>
    %slice3A_75 = vector.extract_strided_slice %convert_element_type3A_25 {offsets = [0, 17], sizes = [1600, 1], strides = [1, 1]} : vector<1600x32xbf16> to vector<1600x1xbf16>
    %mul3A_76 = vector.broadcast %slice3A_75 : vector<1600x1xbf16> to vector<1600x128xbf16>
    %mul3A_77 = arith.mulf %convert_element_type3A, %mul3A_76 : vector<1600x128xbf16>
    %slice3A_78 = vector.extract_strided_slice %convert_element_type3A_25 {offsets = [0, 18], sizes = [1600, 1], strides = [1, 1]} : vector<1600x32xbf16> to vector<1600x1xbf16>
    %mul3A_79 = vector.broadcast %slice3A_78 : vector<1600x1xbf16> to vector<1600x128xbf16>
    %mul3A_80 = arith.mulf %convert_element_type3A, %mul3A_79 : vector<1600x128xbf16>
    %slice3A_81 = vector.extract_strided_slice %convert_element_type3A_25 {offsets = [0, 19], sizes = [1600, 1], strides = [1, 1]} : vector<1600x32xbf16> to vector<1600x1xbf16>
    %mul3A_82 = vector.broadcast %slice3A_81 : vector<1600x1xbf16> to vector<1600x128xbf16>
    %mul3A_83 = arith.mulf %convert_element_type3A, %mul3A_82 : vector<1600x128xbf16>
    %slice3A_84 = vector.extract_strided_slice %convert_element_type3A_25 {offsets = [0, 20], sizes = [1600, 1], strides = [1, 1]} : vector<1600x32xbf16> to vector<1600x1xbf16>
    %mul3A_85 = vector.broadcast %slice3A_84 : vector<1600x1xbf16> to vector<1600x128xbf16>
    %mul3A_86 = arith.mulf %convert_element_type3A, %mul3A_85 : vector<1600x128xbf16>
    %slice3A_87 = vector.extract_strided_slice %convert_element_type3A_25 {offsets = [0, 21], sizes = [1600, 1], strides = [1, 1]} : vector<1600x32xbf16> to vector<1600x1xbf16>
    %mul3A_88 = vector.broadcast %slice3A_87 : vector<1600x1xbf16> to vector<1600x128xbf16>
    %mul3A_89 = arith.mulf %convert_element_type3A, %mul3A_88 : vector<1600x128xbf16>
    %slice3A_90 = vector.extract_strided_slice %convert_element_type3A_25 {offsets = [0, 22], sizes = [1600, 1], strides = [1, 1]} : vector<1600x32xbf16> to vector<1600x1xbf16>
    %mul3A_91 = vector.broadcast %slice3A_90 : vector<1600x1xbf16> to vector<1600x128xbf16>
    %mul3A_92 = arith.mulf %convert_element_type3A, %mul3A_91 : vector<1600x128xbf16>
    %slice3A_93 = vector.extract_strided_slice %convert_element_type3A_25 {offsets = [0, 23], sizes = [1600, 1], strides = [1, 1]} : vector<1600x32xbf16> to vector<1600x1xbf16>
    %mul3A_94 = vector.broadcast %slice3A_93 : vector<1600x1xbf16> to vector<1600x128xbf16>
    %mul3A_95 = arith.mulf %convert_element_type3A, %mul3A_94 : vector<1600x128xbf16>
    %slice3A_96 = vector.extract_strided_slice %convert_element_type3A_25 {offsets = [0, 24], sizes = [1600, 1], strides = [1, 1]} : vector<1600x32xbf16> to vector<1600x1xbf16>
    %mul3A_97 = vector.broadcast %slice3A_96 : vector<1600x1xbf16> to vector<1600x128xbf16>
    %mul3A_98 = arith.mulf %convert_element_type3A, %mul3A_97 : vector<1600x128xbf16>
    %slice3A_99 = vector.extract_strided_slice %convert_element_type3A_25 {offsets = [0, 25], sizes = [1600, 1], strides = [1, 1]} : vector<1600x32xbf16> to vector<1600x1xbf16>
    %mul3A_100 = vector.broadcast %slice3A_99 : vector<1600x1xbf16> to vector<1600x128xbf16>
    %mul3A_101 = arith.mulf %convert_element_type3A, %mul3A_100 : vector<1600x128xbf16>
    %slice3A_102 = vector.extract_strided_slice %convert_element_type3A_25 {offsets = [0, 26], sizes = [1600, 1], strides = [1, 1]} : vector<1600x32xbf16> to vector<1600x1xbf16>
    %mul3A_103 = vector.broadcast %slice3A_102 : vector<1600x1xbf16> to vector<1600x128xbf16>
    %mul3A_104 = arith.mulf %convert_element_type3A, %mul3A_103 : vector<1600x128xbf16>
    %slice3A_105 = vector.extract_strided_slice %convert_element_type3A_25 {offsets = [0, 27], sizes = [1600, 1], strides = [1, 1]} : vector<1600x32xbf16> to vector<1600x1xbf16>
    %mul3A_106 = vector.broadcast %slice3A_105 : vector<1600x1xbf16> to vector<1600x128xbf16>
    %mul3A_107 = arith.mulf %convert_element_type3A, %mul3A_106 : vector<1600x128xbf16>
    %slice3A_108 = vector.extract_strided_slice %convert_element_type3A_25 {offsets = [0, 28], sizes = [1600, 1], strides = [1, 1]} : vector<1600x32xbf16> to vector<1600x1xbf16>
    %mul3A_109 = vector.broadcast %slice3A_108 : vector<1600x1xbf16> to vector<1600x128xbf16>
    %mul3A_110 = arith.mulf %convert_element_type3A, %mul3A_109 : vector<1600x128xbf16>
    %slice3A_111 = vector.extract_strided_slice %convert_element_type3A_25 {offsets = [0, 29], sizes = [1600, 1], strides = [1, 1]} : vector<1600x32xbf16> to vector<1600x1xbf16>
    %mul3A_112 = vector.broadcast %slice3A_111 : vector<1600x1xbf16> to vector<1600x128xbf16>
    %mul3A_113 = arith.mulf %convert_element_type3A, %mul3A_112 : vector<1600x128xbf16>
    %slice3A_114 = vector.extract_strided_slice %convert_element_type3A_25 {offsets = [0, 30], sizes = [1600, 1], strides = [1, 1]} : vector<1600x32xbf16> to vector<1600x1xbf16>
    %mul3A_115 = vector.broadcast %slice3A_114 : vector<1600x1xbf16> to vector<1600x128xbf16>
    %mul3A_116 = arith.mulf %convert_element_type3A, %mul3A_115 : vector<1600x128xbf16>
    %slice3A_117 = vector.extract_strided_slice %convert_element_type3A_25 {offsets = [0, 31], sizes = [1600, 1], strides = [1, 1]} : vector<1600x32xbf16> to vector<1600x1xbf16>
    %mul3A_118 = vector.broadcast %slice3A_117 : vector<1600x1xbf16> to vector<1600x128xbf16>
    %mul3A_119 = arith.mulf %convert_element_type3A, %mul3A_118 : vector<1600x128xbf16>
    %concatenate3A = tpu.concatenate %mul3A_26, %mul3A_29, %mul3A_32, %mul3A_35, %mul3A_38, %mul3A_41, %mul3A_44, %mul3A_47, %mul3A_50, %mul3A_53, %mul3A_56, %mul3A_59, %mul3A_62, %mul3A_65, %mul3A_68, %mul3A_71, %mul3A_74, %mul3A_77, %mul3A_80, %mul3A_83, %mul3A_86, %mul3A_89, %mul3A_92, %mul3A_95, %mul3A_98, %mul3A_101, %mul3A_104, %mul3A_107, %mul3A_110, %mul3A_113, %mul3A_116, %mul3A_119 in 1 : vector<1600x128xbf16>, vector<1600x128xbf16>, vector<1600x128xbf16>, vector<1600x128xbf16>, vector<1600x128xbf16>, vector<1600x128xbf16>, vector<1600x128xbf16>, vector<1600x128xbf16>, vector<1600x128xbf16>, vector<1600x128xbf16>, vector<1600x128xbf16>, vector<1600x128xbf16>, vector<1600x128xbf16>, vector<1600x128xbf16>, vector<1600x128xbf16>, vector<1600x128xbf16>, vector<1600x128xbf16>, vector<1600x128xbf16>, vector<1600x128xbf16>, vector<1600x128xbf16>, vector<1600x128xbf16>, vector<1600x128xbf16>, vector<1600x128xbf16>, vector<1600x128xbf16>, vector<1600x128xbf16>, vector<1600x128xbf16>, vector<1600x128xbf16>, vector<1600x128xbf16>, vector<1600x128xbf16>, vector<1600x128xbf16>, vector<1600x128xbf16>, vector<1600x128xbf16> -> vector<1600x4096xbf16>
    %get3A_120 = arith.constant 0 : index
    %get3A_121 = arith.constant 0 : index
    %get3A_122 = vector.load %arg5[%get3A_120, %get3A_121] : memref<4096x256xbf16, #tpu.memory_space<vmem>>, vector<4096x256xbf16>
    %dot_general3A_123 = arith.constant dense<0.000000e+00> : vector<1600x256xf32>
    %dot_general3A_124 = tpu.matmul %concatenate3A, %get3A_122, %dot_general3A_123 {dimension_numbers = #tpu.dot_dimension_numbers<[1], [0], [0], [1], [0, 0, 1, 1], [], []>, transpose_lhs_hint = false} : vector<1600x4096xbf16>, vector<4096x256xbf16>, vector<1600x256xf32> -> vector<1600x256xf32>
    %add3A_125 = arith.addf %add3A_24, %dot_general3A_124 : vector<1600x256xf32>
    %slice3A_126 = vector.extract_strided_slice %add3A_125 {offsets = [0, 0], sizes = [1600, 128], strides = [1, 1]} : vector<1600x256xf32> to vector<1600x128xf32>
    %swap3A = arith.constant 0 : index
    %swap3A_127 = arith.constant 0 : index
    %swap3A_128 = vector.load %arg8[%swap3A, %swap3A_127] : memref<1600x128xf32, #tpu.memory_space<vmem>>, vector<1600x128xf32>
    tpu.vector_store %arg8[%swap3A, %swap3A_127], %slice3A_126 {strides = array<i32>} : memref<1600x128xf32, #tpu.memory_space<vmem>>, vector<1600x128xf32>,
    %slice3A_129 = vector.extract_strided_slice %add3A_125 {offsets = [0, 128], sizes = [1600, 128], strides = [1, 1]} : vector<1600x256xf32> to vector<1600x128xf32>
    %swap3A_130 = arith.constant 0 : index
    %swap3A_131 = arith.constant 0 : index
    %swap3A_132 = vector.load %arg9[%swap3A_130, %swap3A_131] : memref<1600x128xf32, #tpu.memory_space<vmem>>, vector<1600x128xf32>
    tpu.vector_store %arg9[%swap3A_130, %swap3A_131], %slice3A_129 {strides = array<i32>} : memref<1600x128xf32, #tpu.memory_space<vmem>>, vector<1600x128xf32>,
    return
  }
  func.func @transform_0(%arg0: i32) -> (i32, i32) {
    %c0_i32 = arith.constant 0 : i32
    %c0_i32_0 = arith.constant 0 : i32
    return %arg0, %c0_i32 : i32, i32
  }
  func.func @transform_1(%arg0: i32) -> (i32, i32) {
    %c0_i32 = arith.constant 0 : i32
    %c0_i32_0 = arith.constant 0 : i32
    return %arg0, %c0_i32 : i32, i32
  }
  func.func @transform_2(%arg0: i32) -> (i32, i32) {
    %c0_i32 = arith.constant 0 : i32
    %c0_i32_0 = arith.constant 0 : i32
    %c0_i32_1 = arith.constant 0 : i32
    return %c0_i32, %c0_i32_0 : i32, i32
  }
  func.func @transform_3(%arg0: i32) -> (i32, i32) {
    %c0_i32 = arith.constant 0 : i32
    %c0_i32_0 = arith.constant 0 : i32
    %c0_i32_1 = arith.constant 0 : i32
    return %c0_i32, %c0_i32_0 : i32, i32
  }
  func.func @transform_4(%arg0: i32) -> (i32, i32) {
    %c0_i32 = arith.constant 0 : i32
    %c0_i32_0 = arith.constant 0 : i32
    %c0_i32_1 = arith.constant 0 : i32
    return %c0_i32, %c0_i32_0 : i32, i32
  }
  func.func @transform_5(%arg0: i32) -> (i32, i32) {
    %c0_i32 = arith.constant 0 : i32
    %c0_i32_0 = arith.constant 0 : i32
    %c0_i32_1 = arith.constant 0 : i32
    return %c0_i32, %c0_i32_0 : i32, i32
  }
  func.func @transform_6(%arg0: i32) -> (i32, i32) {
    %c0_i32 = arith.constant 0 : i32
    %c0_i32_0 = arith.constant 0 : i32
    %c0_i32_1 = arith.constant 0 : i32
    return %c0_i32, %c0_i32_0 : i32, i32
  }
  func.func @transform_7(%arg0: i32) -> (i32, i32) {
    %c0_i32 = arith.constant 0 : i32
    %c0_i32_0 = arith.constant 0 : i32
    return %arg0, %c0_i32 : i32, i32
  }
  func.func @transform_8(%arg0: i32) -> (i32, i32) {
    %c0_i32 = arith.constant 0 : i32
    %c0_i32_0 = arith.constant 0 : i32
    return %arg0, %c0_i32 : i32, i32
  }
}

module attributes {stable_mosaic.version = 14 : i64} {
  func.func @_fin3_head_body(%arg0: memref<2x2x3200x128xf32, #tpu.memory_space<vmem>>, %arg1: memref<2x3200x128xf32, #tpu.memory_space<vmem>>, %arg2: memref<3200x128xf32, #tpu.memory_space<vmem>>, %arg3: memref<128x256xf32, #tpu.memory_space<vmem>>, %arg4: memref<1x256xf32, #tpu.memory_space<vmem>>, %arg5: memref<1x256xf32, #tpu.memory_space<vmem>>, %arg6: memref<1x256xf32, #tpu.memory_space<vmem>>, %arg7: memref<1x3200xi32, #tpu.memory_space<vmem>>, %arg8: memref<128x1xi32, #tpu.memory_space<vmem>>, %arg9: memref<256x200xf32, #tpu.memory_space<vmem>>, %arg10: memref<1x200xf32, #tpu.memory_space<vmem>>, %arg11: memref<128x200xf32, #tpu.memory_space<vmem>>, %arg12: memref<128x256xf32, #tpu.memory_space<vmem>>) attributes {dimension_semantics = [], scalar_prefetch = 0 : i64, scratch_operands = 0 : i64, tpu.core_type = #tpu.core_type<tc>} {
    %get3A = arith.constant 0 : index
    %get3A_0 = arith.constant 0 : index
    %get3A_1 = arith.constant 0 : index
    %get3A_2 = arith.constant 0 : index
    %get3A_3 = vector.load %arg0[%get3A, %get3A_0, %get3A_1, %get3A_2] : memref<2x2x3200x128xf32, #tpu.memory_space<vmem>>, vector<2x2x3200x128xf32>
    %slice3A = vector.extract_strided_slice %get3A_3 {offsets = [0, 0, 0, 0], sizes = [1, 1, 3200, 128], strides = [1, 1, 1, 1]} : vector<2x2x3200x128xf32> to vector<1x1x3200x128xf32>
    %squeeze3A = vector.shape_cast %slice3A : vector<1x1x3200x128xf32> to vector<3200x128xf32>
    %slice3A_4 = vector.extract_strided_slice %get3A_3 {offsets = [1, 0, 0, 0], sizes = [1, 1, 3200, 128], strides = [1, 1, 1, 1]} : vector<2x2x3200x128xf32> to vector<1x1x3200x128xf32>
    %squeeze3A_5 = vector.shape_cast %slice3A_4 : vector<1x1x3200x128xf32> to vector<3200x128xf32>
    %add3A = arith.addf %squeeze3A, %squeeze3A_5 : vector<3200x128xf32>
    %slice3A_6 = vector.extract_strided_slice %get3A_3 {offsets = [0, 1, 0, 0], sizes = [1, 1, 3200, 128], strides = [1, 1, 1, 1]} : vector<2x2x3200x128xf32> to vector<1x1x3200x128xf32>
    %squeeze3A_7 = vector.shape_cast %slice3A_6 : vector<1x1x3200x128xf32> to vector<3200x128xf32>
    %slice3A_8 = vector.extract_strided_slice %get3A_3 {offsets = [1, 1, 0, 0], sizes = [1, 1, 3200, 128], strides = [1, 1, 1, 1]} : vector<2x2x3200x128xf32> to vector<1x1x3200x128xf32>
    %squeeze3A_9 = vector.shape_cast %slice3A_8 : vector<1x1x3200x128xf32> to vector<3200x128xf32>
    %add3A_10 = arith.addf %squeeze3A_7, %squeeze3A_9 : vector<3200x128xf32>
    %concatenate3A = tpu.concatenate %add3A, %add3A_10 in 1 : vector<3200x128xf32>, vector<3200x128xf32> -> vector<3200x256xf32>
    %get3A_11 = arith.constant 0 : index
    %get3A_12 = arith.constant 0 : index
    %get3A_13 = arith.constant 0 : index
    %get3A_14 = vector.load %arg1[%get3A_11, %get3A_12, %get3A_13] : memref<2x3200x128xf32, #tpu.memory_space<vmem>>, vector<1x3200x128xf32>
    %get3A_15 = vector.shape_cast %get3A_14 : vector<1x3200x128xf32> to vector<3200x128xf32>
    %get3A_16 = arith.constant 1 : index
    %get3A_17 = arith.constant 0 : index
    %get3A_18 = arith.constant 0 : index
    %get3A_19 = vector.load %arg1[%get3A_16, %get3A_17, %get3A_18] : memref<2x3200x128xf32, #tpu.memory_space<vmem>>, vector<1x3200x128xf32>
    %get3A_20 = vector.shape_cast %get3A_19 : vector<1x3200x128xf32> to vector<3200x128xf32>
    %add3A_21 = arith.addf %get3A_15, %get3A_20 : vector<3200x128xf32>
    %slice3A_22 = vector.extract_strided_slice %add3A_21 {offsets = [0, 64], sizes = [3200, 1], strides = [1, 1]} : vector<3200x128xf32> to vector<3200x1xf32>
    %max3A = arith.constant 1.000000e+00 : f32
    %max3A_23 = vector.broadcast %max3A : f32 to vector<3200x1xf32>
    %max3A_24 = arith.maximumf %slice3A_22, %max3A_23 : vector<3200x1xf32>
    %div3A = vector.broadcast %max3A_24 : vector<3200x1xf32> to vector<3200x256xf32>
    %div3A_25 = arith.divf %concatenate3A, %div3A : vector<3200x256xf32>
    %get3A_26 = arith.constant 0 : index
    %get3A_27 = arith.constant 0 : index
    %get3A_28 = vector.load %arg2[%get3A_26, %get3A_27] : memref<3200x128xf32, #tpu.memory_space<vmem>>, vector<3200x128xf32>
    %get3A_29 = arith.constant 0 : index
    %get3A_30 = arith.constant 0 : index
    %get3A_31 = vector.load %arg3[%get3A_29, %get3A_30] : memref<128x256xf32, #tpu.memory_space<vmem>>, vector<128x256xf32>
    %dot_general3A = arith.constant dense<0.000000e+00> : vector<3200x256xf32>
    %dot_general3A_32 = tpu.matmul %get3A_28, %get3A_31, %dot_general3A {dimension_numbers = #tpu.dot_dimension_numbers<[1], [0], [0], [1], [0, 0, 1, 1], [], []>, transpose_lhs_hint = false} : vector<3200x128xf32>, vector<128x256xf32>, vector<3200x256xf32> -> vector<3200x256xf32>
    %add3A_33 = arith.addf %div3A_25, %dot_general3A_32 : vector<3200x256xf32>
    %get3A_34 = arith.constant 0 : index
    %get3A_35 = arith.constant 0 : index
    %get3A_36 = vector.load %arg4[%get3A_34, %get3A_35] : memref<1x256xf32, #tpu.memory_space<vmem>>, vector<1x256xf32>
    %add3A_37 = vector.broadcast %get3A_36 : vector<1x256xf32> to vector<3200x256xf32>
    %add3A_38 = arith.addf %add3A_33, %add3A_37 : vector<3200x256xf32>
    %reduce_sum3A = arith.constant dense<0.000000e+00> : vector<256xf32>
    %reduce_sum3A_39 = vector.multi_reduction <add>, %add3A_38, %reduce_sum3A [0] : vector<3200x256xf32> to vector<256xf32>
    %broadcast_in_dim3A = vector.shape_cast %reduce_sum3A_39 : vector<256xf32> to vector<1x256xf32>
    %div3A_40 = arith.constant 3.200000e+03 : f32
    %div3A_41 = vector.broadcast %div3A_40 : f32 to vector<1x256xf32>
    %div3A_42 = arith.divf %broadcast_in_dim3A, %div3A_41 : vector<1x256xf32>
    %sub3A = vector.broadcast %div3A_42 : vector<1x256xf32> to vector<3200x256xf32>
    %sub3A_43 = arith.subf %add3A_38, %sub3A : vector<3200x256xf32>
    %integer_pow3A = arith.mulf %sub3A_43, %sub3A_43 : vector<3200x256xf32>
    %reduce_sum3A_44 = arith.constant dense<0.000000e+00> : vector<256xf32>
    %reduce_sum3A_45 = vector.multi_reduction <add>, %integer_pow3A, %reduce_sum3A_44 [0] : vector<3200x256xf32> to vector<256xf32>
    %broadcast_in_dim3A_46 = vector.shape_cast %reduce_sum3A_45 : vector<256xf32> to vector<1x256xf32>
    %div3A_47 = arith.constant 3.200000e+03 : f32
    %div3A_48 = vector.broadcast %div3A_47 : f32 to vector<1x256xf32>
    %div3A_49 = arith.divf %broadcast_in_dim3A_46, %div3A_48 : vector<1x256xf32>
    %get3A_50 = arith.constant 0 : index
    %get3A_51 = arith.constant 0 : index
    %get3A_52 = vector.load %arg5[%get3A_50, %get3A_51] : memref<1x256xf32, #tpu.memory_space<vmem>>, vector<1x256xf32>
    %sub3A_53 = vector.broadcast %div3A_42 : vector<1x256xf32> to vector<3200x256xf32>
    %sub3A_54 = arith.subf %add3A_38, %sub3A_53 : vector<3200x256xf32>
    %mul3A = vector.broadcast %get3A_52 : vector<1x256xf32> to vector<3200x256xf32>
    %mul3A_55 = arith.mulf %mul3A, %sub3A_54 : vector<3200x256xf32>
    %add3A_56 = arith.constant 9.99999974E-6 : f32
    %add3A_57 = vector.broadcast %add3A_56 : f32 to vector<1x256xf32>
    %add3A_58 = arith.addf %div3A_49, %add3A_57 : vector<1x256xf32>
    %rsqrt3A = math.rsqrt %add3A_58 : vector<1x256xf32>
    %mul3A_59 = vector.broadcast %rsqrt3A : vector<1x256xf32> to vector<3200x256xf32>
    %mul3A_60 = arith.mulf %mul3A_55, %mul3A_59 : vector<3200x256xf32>
    %get3A_61 = arith.constant 0 : index
    %get3A_62 = arith.constant 0 : index
    %get3A_63 = vector.load %arg6[%get3A_61, %get3A_62] : memref<1x256xf32, #tpu.memory_space<vmem>>, vector<1x256xf32>
    %add3A_64 = vector.broadcast %get3A_63 : vector<1x256xf32> to vector<3200x256xf32>
    %add3A_65 = arith.addf %mul3A_60, %add3A_64 : vector<3200x256xf32>
    %max3A_66 = arith.constant 0.000000e+00 : f32
    %max3A_67 = vector.broadcast %max3A_66 : f32 to vector<3200x256xf32>
    %max3A_68 = arith.maximumf %add3A_65, %max3A_67 : vector<3200x256xf32>
    %get3A_69 = arith.constant 0 : index
    %get3A_70 = arith.constant 0 : index
    %get3A_71 = vector.load %arg7[%get3A_69, %get3A_70] : memref<1x3200xi32, #tpu.memory_space<vmem>>, vector<1x3200xi32>
    %iota3A = tpu.iota {dimensions = array<i32: 0>} : vector<128x3200xi32>
    %eq3A = vector.broadcast %get3A_71 : vector<1x3200xi32> to vector<128x3200xi32>
    %eq3A_72 = arith.cmpi eq, %eq3A, %iota3A : vector<128x3200xi32>
    %convert_element_type3A = arith.extui %eq3A_72 : vector<128x3200xi1> to vector<128x3200xi32>
    %convert_element_type3A_73 = arith.sitofp %convert_element_type3A : vector<128x3200xi32> to vector<128x3200xf32>
    %convert_element_type3A_74 = arith.extui %eq3A_72 : vector<128x3200xi1> to vector<128x3200xi32>
    %reduce_sum3A_75 = arith.constant dense<0> : vector<128xi32>
    %reduce_sum3A_76 = vector.multi_reduction <add>, %convert_element_type3A_74, %reduce_sum3A_75 [1] : vector<128x3200xi32> to vector<128xi32>
    %broadcast_in_dim3A_77 = vector.shape_cast %reduce_sum3A_76 : vector<128xi32> to vector<128x1xi32>
    %dot_general3A_78 = arith.constant dense<0.000000e+00> : vector<128x256xf32>
    %dot_general3A_79 = tpu.matmul %convert_element_type3A_73, %max3A_68, %dot_general3A_78 {dimension_numbers = #tpu.dot_dimension_numbers<[1], [0], [0], [1], [0, 0, 1, 1], [], []>, transpose_lhs_hint = false} : vector<128x3200xf32>, vector<3200x256xf32>, vector<128x256xf32> -> vector<128x256xf32>
    %convert_element_type3A_80 = arith.sitofp %broadcast_in_dim3A_77 : vector<128x1xi32> to vector<128x1xf32>
    %max3A_81 = arith.constant 1.000000e+00 : f32
    %max3A_82 = vector.broadcast %max3A_81 : f32 to vector<128x1xf32>
    %max3A_83 = arith.maximumf %convert_element_type3A_80, %max3A_82 : vector<128x1xf32>
    %div3A_84 = vector.broadcast %max3A_83 : vector<128x1xf32> to vector<128x256xf32>
    %div3A_85 = arith.divf %dot_general3A_79, %div3A_84 : vector<128x256xf32>
    %lt3A = vector.broadcast %get3A_71 : vector<1x3200xi32> to vector<128x3200xi32>
    %lt3A_86 = arith.cmpi slt, %lt3A, %iota3A : vector<128x3200xi32>
    %convert_element_type3A_87 = arith.extui %lt3A_86 : vector<128x3200xi1> to vector<128x3200xi32>
    %reduce_sum3A_88 = arith.constant dense<0> : vector<128xi32>
    %reduce_sum3A_89 = vector.multi_reduction <add>, %convert_element_type3A_87, %reduce_sum3A_88 [1] : vector<128x3200xi32> to vector<128xi32>
    %broadcast_in_dim3A_90 = vector.shape_cast %reduce_sum3A_89 : vector<128xi32> to vector<128x1xi32>
    %get3A_91 = arith.constant 0 : index
    %get3A_92 = arith.constant 0 : index
    %get3A_93 = vector.load %arg8[%get3A_91, %get3A_92] : memref<128x1xi32, #tpu.memory_space<vmem>>, vector<128x1xi32>
    %add3A_94 = arith.addi %get3A_93, %broadcast_in_dim3A_90 : vector<128x1xi32>
    %min3A = arith.constant 3199 : i32
    %min3A_95 = vector.broadcast %min3A : i32 to vector<128x1xi32>
    %min3A_96 = arith.minsi %add3A_94, %min3A_95 : vector<128x1xi32>
    %iota3A_97 = tpu.iota {dimensions = array<i32: 1>} : vector<128x3200xi32>
    %eq3A_98 = vector.broadcast %min3A_96 : vector<128x1xi32> to vector<128x3200xi32>
    %eq3A_99 = arith.cmpi eq, %iota3A_97, %eq3A_98 : vector<128x3200xi32>
    %convert_element_type3A_100 = arith.extui %eq3A_99 : vector<128x3200xi1> to vector<128x3200xi32>
    %convert_element_type3A_101 = arith.sitofp %convert_element_type3A_100 : vector<128x3200xi32> to vector<128x3200xf32>
    %dot_general3A_102 = arith.constant dense<0.000000e+00> : vector<128x256xf32>
    %dot_general3A_103 = tpu.matmul %convert_element_type3A_101, %max3A_68, %dot_general3A_102 {dimension_numbers = #tpu.dot_dimension_numbers<[1], [0], [0], [1], [0, 0, 1, 1], [], []>, transpose_lhs_hint = false} : vector<128x3200xf32>, vector<3200x256xf32>, vector<128x256xf32> -> vector<128x256xf32>
    %mul3A_104 = arith.constant 5.000000e-01 : f32
    %mul3A_105 = vector.broadcast %mul3A_104 : f32 to vector<128x256xf32>
    %mul3A_106 = arith.mulf %mul3A_105, %div3A_85 : vector<128x256xf32>
    %add3A_107 = arith.addf %mul3A_106, %dot_general3A_103 : vector<128x256xf32>
    %get3A_108 = arith.constant 0 : index
    %get3A_109 = arith.constant 0 : index
    %get3A_110 = vector.load %arg9[%get3A_108, %get3A_109] : memref<256x200xf32, #tpu.memory_space<vmem>>, vector<256x200xf32>
    %dot_general3A_111 = arith.constant dense<0.000000e+00> : vector<128x200xf32>
    %dot_general3A_112 = tpu.matmul %add3A_107, %get3A_110, %dot_general3A_111 {dimension_numbers = #tpu.dot_dimension_numbers<[1], [0], [0], [1], [0, 0, 1, 1], [], []>, transpose_lhs_hint = false} : vector<128x256xf32>, vector<256x200xf32>, vector<128x200xf32> -> vector<128x200xf32>
    %get3A_113 = arith.constant 0 : index
    %get3A_114 = arith.constant 0 : index
    %get3A_115 = vector.load %arg10[%get3A_113, %get3A_114] : memref<1x200xf32, #tpu.memory_space<vmem>>, vector<1x200xf32>
    %add3A_116 = vector.broadcast %get3A_115 : vector<1x200xf32> to vector<128x200xf32>
    %add3A_117 = arith.addf %dot_general3A_112, %add3A_116 : vector<128x200xf32>
    %swap3A = arith.constant 0 : index
    %swap3A_118 = arith.constant 0 : index
    %swap3A_119 = vector.load %arg11[%swap3A, %swap3A_118] : memref<128x200xf32, #tpu.memory_space<vmem>>, vector<128x200xf32>
    tpu.vector_store %arg11[%swap3A, %swap3A_118], %add3A_117 {strides = array<i32>} : memref<128x200xf32, #tpu.memory_space<vmem>>, vector<128x200xf32>,
    %swap3A_120 = arith.constant 0 : index
    %swap3A_121 = arith.constant 0 : index
    %swap3A_122 = vector.load %arg12[%swap3A_120, %swap3A_121] : memref<128x256xf32, #tpu.memory_space<vmem>>, vector<128x256xf32>
    tpu.vector_store %arg12[%swap3A_120, %swap3A_121], %dot_general3A_103 {strides = array<i32>} : memref<128x256xf32, #tpu.memory_space<vmem>>, vector<128x256xf32>,
    return
  }
}

</mosaic_0001>

<sc_bundles>
// kernel: kernel.14.cloned.1.call-start
scs
__scs_entry_jumppad:
0x0: {  	(pc) =	sbr.rel $0x88, $3  }
0x1: {  	(tag) =	ssettag $0x0;
	lr =	simm.s32 $0x1  }
0x2: {  	[smem:$0x3F82] =	sst lr;
	_ =	strace $0xD0000000  }
0x3: {  	_ = 	snop  }
0x4: {  	_ = 	snop  }
0x5: {  	_ = 	snop  }
0x6: {  	_ = 	snop  }
0x7: {  	_ = 	snop  }
__scs_overlays_trampoline_lowered:
0x8: {  	[smem:$0x3F91] =	sst s0  }
0x9: {  	[smem:$0x3F92] =	sst s1  }
0xa: {  	[smem:$0x3F93] =	sst s2  }
0xb: {  	[smem:$0x3F94] =	sst s3  }
0xc: {  	[smem:$0x3F95] =	sst s4  }
0xd: {  	[smem:$0x3F96] =	sst s5  }
0xe: {  	[smem:$0x3F97] =	sst s6  }
0xf: {  	[smem:$0x3F98] =	sst s7  }
0x10: {  	[smem:$0x3F99] =	sst s8  }
0x11: {  	[smem:$0x3F9A] =	sst s9;
	s0 =	simm.s32 @!p0 $0x0  }
0x12: {  	s1 =	sld [smem:$0x3F80];
	s0 =	simm.s32 @p0 $0x1  }
0x13: {  	[smem:$0x3F9B] =	sst s0;
	s0 =	simm.s32 @!p1 $0x0  }
0x14: {  	s2 =	sld [smem:$0x3F7F];
	s0 =	simm.s32 @p1 $0x1  }
0x15: {  	[smem:$0x3F9C] =	sst s0;
	s0 =	simm.s32 @!p2 $0x0  }
0x16: {  	s3 =	sld [smem:$0x3FDB];
	s0 =	simm.s32 @p2 $0x1  }
0x17: {  	s4 =	simm.s32 $0x1BF5;
	[smem:$0x3F9E] =	sst s0  }
0x18: {  	s0 =	sld [smem:$0x3F81];
	_ =	swait.ge [sflag:s4], $0x0  }
0x19: {  	s7 =	sld [smem:$0x3F82]  }
0x1a: {  	s8 =	sadd.s32 $0xFFFFE003, lr  }
0x1b: {  	s9 =	sadd.s32 $0xFFFFFEF7, lr;
	s5 =	simm.s32 $0xFFFFFFFF;
	p2 =	slt.u32 s8, $0xFFFFF086  }
0x1c: {  	p1 =	slt.u32 s9, $0xF7A;
	s5 =	simm.s32 @!p2 $0x0  }
0x1d: {  	s5 =	simm.s32 @p1 $0x1;
	p0 =	seq.s32 s7, s2  }
0x1e: {  	s7 =	smul.u32 @!p0 $0xF7A, s2;
	p2 =	seq.s32 @!p0 s5, $0x0  }
0x1f: {  	s9 =	smul.u32 $0xF7A, s1;
	s8 =	simm.s32 @!p0 $0x1BF5;
	p2 =	por !p2, p0  }
0x20: {  	[sflag:s8] =	ssyncset.s32 @!p0 $0xFFFFF086;
	s6 =	sadd.s32 @!p0 s3, s7;
	s7 =	simm.s32 @!p0 $0x108  }
0x21: {  	s3 =	sadd.s32 s3, s9;
	s6 =	sadd.s32 @!p0 $0x88, s6;
	s7 =	simm.s32 @p2 $0x1082  }
0x22: {  	[simem:s7], [sflag:s8] =	dma.local @!p0 [hbm:s6], $0xF7A  }
0x23: {  	s9 =	sor.u32 $0xD0000000, s2;
	s6 =	simm.s32 $0x108;
	_ =	swait.ge @!p0 [sflag:s8], $0x0  }
0x24: {  	s3 =	sadd.s32 $0x88, s3;
	s6 =	simm.s32 @!p1 $0x1082;
	[sflag:s4] =	ssyncset.s32 $0xFFFFF086  }
0x25: {  	[simem:s6], [sflag:s4] =	dma.local [hbm:s3], $0xF7A  }
0x26: {  	[smem:$0x3F82] =	sst s1;
	(tag) =	ssettag s2;
	_ =	strace s9  }
0x27: {  	s1 =	sld [smem:$0x3F92]  }
0x28: {  	s2 =	sld [smem:$0x3F93]  }
0x29: {  	s4 =	sld [smem:$0x3F95]  }
0x2a: {  	p0 =	seq.s32 s5, $0x0;
	s5 =	sld [smem:$0x3F96]  }
0x2b: {  	s6 =	sld [smem:$0x3F97]  }
0x2c: {  	s7 =	sld [smem:$0x3F98]  }
0x2d: {  	s3 =	simm.s32 $0x108;
	s8 =	sld [smem:$0x3F99]  }
0x2e: {  	s3 =	simm.s32 @!p0 $0x1082;
	s9 =	sld [smem:$0x3F9A]  }
0x2f: {  	lr =	sadd.s32 s0, s3;
	s0 =	sld [smem:$0x3F91]  }
0x30: {  	s3 =	sld [smem:$0x3F94]  }
0x31: {  	[smem:$0x3F9D] =	sst s10  }
0x32: {  	s10 =	sld [smem:$0x3F9B];
	_ =	sdelay $0x3  }
0x33: {  	p0 =	seq.s32 s10, $0x1;
	s10 =	sld [smem:$0x3F9D];
	_ =	sdelay $0x3  }
0x34: {  	[smem:$0x3F9D] =	sst s10  }
0x35: {  	s10 =	sld [smem:$0x3F9C];
	_ =	sdelay $0x3  }
0x36: {  	p1 =	seq.s32 s10, $0x1;
	s10 =	sld [smem:$0x3F9D];
	_ =	sdelay $0x3  }
0x37: {  	[smem:$0x3F9D] =	sst s10  }
0x38: {  	s10 =	sld [smem:$0x3F9E]  }
0x39: {  	_ = 	snop;
	(pc) =	sbr.ind lr, $3  }
0x3a: {  	_ = 	snop  }
0x3b: {  	_ = 	snop  }
0x3c: {  	p2 =	seq.s32 s10, $0x1;
	s10 =	sld [smem:$0x3F9D]  }
0x3d: {  	_ =	shalt  }
0x3e: {  	_ =	shalt  }
0x3f: {  	_ =	shalt  }
0x40: {  	_ =	shalt  }
0x41: {  	_ =	shalt  }
0x42: {  	_ =	shalt  }
0x43: {  	_ =	shalt  }
0x44: {  	_ =	shalt  }
0x45: {  	_ =	shalt  }
0x46: {  	_ =	shalt  }
0x47: {  	_ =	shalt  }
0x48: {  	_ =	shalt  }
0x49: {  	_ =	shalt  }
0x4a: {  	_ =	shalt  }
0x4b: {  	_ =	shalt  }
0x4c: {  	_ =	shalt  }
0x4d: {  	_ =	shalt  }
0x4e: {  	_ =	shalt  }
0x4f: {  	_ =	shalt  }
0x50: {  	_ =	shalt  }
0x51: {  	_ =	shalt  }
0x52: {  	_ =	shalt  }
0x53: {  	_ =	shalt  }
0x54: {  	_ =	shalt  }
0x55: {  	_ =	shalt  }
0x56: {  	_ =	shalt  }
0x57: {  	_ =	shalt  }
0x58: {  	_ =	shalt  }
0x59: {  	_ =	shalt  }
0x5a: {  	_ =	shalt  }
0x5b: {  	_ =	shalt  }
0x5c: {  	_ =	shalt  }
0x5d: {  	_ =	shalt  }
0x5e: {  	_ =	shalt  }
0x5f: {  	_ =	shalt  }
0x60: {  	_ =	shalt  }
0x61: {  	_ =	shalt  }
0x62: {  	_ =	shalt  }
0x63: {  	_ =	shalt  }
0x64: {  	_ =	shalt  }
0x65: {  	_ =	shalt  }
0x66: {  	_ =	shalt  }
0x67: {  	_ =	shalt  }
0x68: {  	_ =	shalt  }
0x69: {  	_ =	shalt  }
0x6a: {  	_ =	shalt  }
0x6b: {  	_ =	shalt  }
0x6c: {  	_ =	shalt  }
0x6d: {  	_ =	shalt  }
0x6e: {  	_ =	shalt  }
0x6f: {  	_ =	shalt  }
0x70: {  	_ =	shalt  }
0x71: {  	_ =	shalt  }
0x72: {  	_ =	shalt  }
0x73: {  	_ =	shalt  }
0x74: {  	_ =	shalt  }
0x75: {  	_ =	shalt  }
0x76: {  	_ =	shalt  }
0x77: {  	_ =	shalt  }
0x78: {  	_ =	shalt  }
0x79: {  	_ =	shalt  }
0x7a: {  	_ =	shalt  }
0x7b: {  	_ =	shalt  }
0x7c: {  	_ =	shalt  }
0x7d: {  	_ =	shalt  }
0x7e: {  	_ =	shalt  }
0x7f: {  	_ =	shalt  }
0x80: {  	_ =	shalt  }
0x81: {  	_ =	shalt  }
0x82: {  	_ =	shalt  }
0x83: {  	_ =	shalt  }
0x84: {  	_ =	shalt  }
0x85: {  	_ =	shalt  }
0x86: {  	_ =	shalt  }
0x87: {  	_ =	shalt  }
.Lfunc_end0:
.L_simem_size_0:
called_computation_lowered:
.L_overlay_start_0:
0x88: {  	s2 =	sld [smem:$0x3FD9]  }
0x89: {  	s3 =	sld [smem:$0x3FFE];
	_ =	sdelay $0x1  }
0x8a: {  	s1 =	srdreg.scid  }
0x8b: {  	s0 =	sand.u32 $0x1, s1  }
0x8c: {  	s14 =	sshll.u32 s0, $0xA;
	s2 =	sadd.s32 s3, s2  }
0x8d: {  	s2 =	sadd.s32 s2, s14  }
0x8e: {  	[smem:$0x3FA9] =	sst s2  }
0x8f: {  	_ = 	snop  }
0x90: {  	s2 =	sld [smem:$0x3FD0];
	_ =	sdelay $0x2  }
0x91: {  	s15 =	simm.s32 $0xA;
	s4 =	simm.s32 $0x10  }
0x92: {  	[smem:s4], [sflag:s15] =	dma.local [hbm:s2], $0x1  }
0x93: {  	_ =	swait.eq [sflag:s15], $0x1  }
0x94: {  	[sflag:s15] =	ssyncset.done $0x0  }
0x95: {  	[sflag:s15] =	ssyncadd.s32 $0xFFFFFFFF  }
0x96: {  	s16 =	sld [smem:$0x11];
	(tm) =	ssettm $0x1  }
0x97: {  	s17 =	sld [smem:$0x3FFB];
	_ =	sdelay $0x3  }
0x98: {  	_ =	strace s17  }
0x99: {  	s3 =	sld [smem:$0x3FFC];
	_ =	sdelay $0x3  }
0x9a: {  	_ =	strace s3  }
0x9b: {  	s3 =	sld [smem:$0x3FFD];
	_ =	sdelay $0x3  }
0x9c: {  	_ =	strace s3  }
0x9d: {  	_ =	strace $0x8FFFFFFF  }
0x9e: {  	s18 =	sld [smem:$0x3FDB];
	_ =	sdelay $0x1  }
0x9f: {  	s19 =	simm.s32 $_scs_section_size  }
0xa0: {  	s5 =	simm.s32 $_size__tile_overlayer_lowered;
	s6 =	simm.s32 $_tile_overlayer_lowered  }
0xa1: {  	s22 =	simm.s32 $0x1BFF;
	s21 =	sshll.u32 s6, $0x1;
	s3 =	sadd.s32 s19, s18  }
0xa2: {  	s7 =	simm.s32 $0x0;
	s20 =	sshll.u32 s5, $0x1;
	s5 =	sadd.s32 s21, s3  }
0xa3: {  	[timem:s7], [sflag:s22] =	dma.local [hbm:s5], s20  }
0xa4: {  	_ =	swait.ge [sflag:s22], s20  }
0xa5: {  	s4 =	ssub.s32 $0x0, s20;
	[sflag:s22] =	ssyncset.done $0x0  }
0xa6: {  	[sflag:s22] =	ssyncadd.s32 s4;
	_ =	sdelay $0x1  }
0xa7: {  	s23 =	simm.s32 $0x1B8B  }
0xa8: {  	_ =	swait.ge [sflag:s23], $0x1  }
0xa9: {  	[sflag:s23] =	ssyncset.done $0x0  }
0xaa: {  	s25 =	simm.s32 $0x1B8E;
	s24 =	sld [smem:$0x3FFE];
	[sflag:s23] =	ssyncadd.s32 $0xFFFFFFFF  }
0xab: {  	s26 =	simm.s32 $execute0_lowered;
	[smem:$0x3FD2] =	sst s25  }
0xac: {  	s5 =	sshll.u32 s26, $0x1;
	_ =	strace $0x80000046;
	[dreg:$0x1] =	wrdreg $0xFFFFFFFF  }
0xad: {  	s28 =	simm.s32 $_size_execute0_lowered;
	s3 =	sadd.s32 s3, s5;
	[dreg:$0x0] =	wrdreg $0x0  }
0xae: {  	s5 =	sshll.u32 s28, $0x1;
	[dreg:$0x2] =	wrdreg s3  }
0xaf: {  	[dreg:$0x3] =	wrdreg s5  }
0xb0: {  	[dreg:$0x4] =	wrdreg $0xC0  }
0xb1: {  	_ =	task [dreg:s7], $0x5FFFF  }
0xb2: {  	[dreg:$0x1] =	wrdreg $0xFFFFFFFF  }
0xb3: {  	[dreg:$0x0] =	wrdreg $0x60  }
0xb4: {  	[dreg:$0x2] =	wrdreg s24  }
0xb5: {  	[dreg:$0x3] =	wrdreg s16  }
0xb6: {  	[dreg:$0x4] =	wrdreg $0x9  }
0xb7: {  	_ =	task.clear_ibuf [dreg:s7], $0x5FFFF;
	_ =	strace $0x90000046  }
0xb8: {  	s29 =	simm.s32 $0x9;
	_ =	strace $0x80000048  }
0xb9: {  	_ =	swait.ge [sflag:s29], $0x1  }
0xba: {  	[sflag:s29] =	ssyncadd.s32 $0xFFFFFFFF  }
0xbb: {  	_ =	strace $0x90000048  }
0xbc: {  	_ =	sfence  }
0xbd: {  	s30 =	sld [smem:$0x0];
	_ =	sdelay $0x2  }
0xbe: {  	s31 =	sshll.u32 s1, $0xD;
	s1 =	sshrl.u32 s1, $0x2  }
0xbf: {  	s3 =	sand.u32 $0x4000, s31;
	s1 =	sadd.s32 s1, s30  }
0xc0: {  	s0 =	sor.u32 s3, s0;
	s1 =	sshll.u32 s1, $0x11  }
0xc1: {  	s0 =	sor.u32 s1, s0  }
0xc2: {  	s0 =	sadd.s32 $0x8F2B, s0  }
0xc3: {  	[sflag:s0] =	ssyncadd.remote.s32 $0x1  }
0xc4: {  	_ =	sfence.sel $0xFFFF  }
0xc5: {  	[dreg:$0x0] =	wrdreg $0xFFFFFFFF;
	(pc) =	sbr.abs _section_cstart, $3  }
0xc6: {  	[dreg:$0x1] =	wrdreg $0xFFFFFFFF  }
0xc7: {  	_ =	task.clear_ibuf [dreg:s7], $0x2FFFF;
	_ =	strace $0x9FFFFFFF  }
0xc8: {  	(tm) =	ssettm $0x7FFFFFFF  }
0xc9: {  	_ =	shalt  }
tec
execute0_lowered:
.L_overlay_start_1:
0x0: {  	(tag) =	ssettag $0x1  }
0x1: {  	s17 =	rddreg [dreg:$0x0]  }
0x2: {  	s1 =	srdreg.scid;
	s0 =	stileid.u32  }
0x3: {  	s3 =	rddreg [dreg:$0x1];
	s18 =	sand.u32 $0x1, s1;
	s4 =	sshll.u32 s0, $0x1  }
0x4: {  	s2 =	simm.s32 $0x0;
	s1 =	rddreg [dreg:$0x2];
	s19 =	sor.u32 s18, s4  }
0x5: {  	[smem:$0x7FF] =	sst s2;
	s4 =	sshll.u32 s19, $0x7  }
0x6: {  	_ =	strace $0x80000047;
	s4 =	sadd.s32 s3, s4;
	s3 =	simm.s32 $0x2  }
0x7: {  	[tilespmem:s2], [sflag:$0x2] =	stream.linear.gather [hbm4b:s4+s2], $0x280, $0x38;
	[tilespmem:$0xCC00] =	vst v63  }
0x8: {  	_ =	swait.ge [sflag:s3], $0x280  }
0x9: {  	s6 =	simm.s32 $0x50;
	[sflag:s3] =	ssyncset.done $0x0  }
0xa: {  	s7 =	simm.s32 $0x400;
	s5 =	sadd.s32 $0x5C00, s17;
	[sflag:s3] =	ssyncadd.s32 $0xFFFFFD80  }
0xb: {  	[tilespmem:s7], [sflag:$0x1] =	stream.indirect.gather [hbm4b:s5+s6], $0x80, s2, s6, $0xb8;
	[tilespmem:$0xCC00] =	vst v63  }
0xc: {  	s8 =	simm.s32 $0x80;
	s9 =	simm.s32 $0x2C00  }
0xd: {  	[tilespmem:s9], [sflag:$0x1] =	stream.indirect.gather [hbm4b:s5+s6], $0x80, s8, s6, $0xb8;
	[tilespmem:$0xCC00] =	vst v63  }
0xe: {  	s10 =	simm.s32 $0x100;
	s11 =	simm.s32 $0x5400  }
0xf: {  	[tilespmem:s11], [sflag:$0x1] =	stream.indirect.gather [hbm4b:s5+s6], $0x80, s10, s6, $0xb8;
	[tilespmem:$0xCC00] =	vst v63  }
0x10: {  	s12 =	simm.s32 $0x180;
	s13 =	simm.s32 $0x7C00  }
0x11: {  	[tilespmem:s13], [sflag:$0x1] =	stream.indirect.gather [hbm4b:s5+s6], $0x80, s12, s6, $0xb8;
	[tilespmem:$0xCC00] =	vst v63  }
0x12: {  	s14 =	simm.s32 $0x200;
	s15 =	simm.s32 $0xA400;
	s16 =	simm.s32 $0x1  }
0x13: {  	[tilespmem:s15], [sflag:$0x1] =	stream.indirect.gather [hbm4b:s5+s6], $0x80, s14, s6, $0xb8;
	[tilespmem:$0xCC00] =	vst v63  }
0x14: {  	_ =	swait.ge [sflag:s16], $0x2800  }
0x15: {  	[sflag:s16] =	ssyncset.done $0x0  }
0x16: {  	[sflag:s16] =	ssyncadd.s32 $0xFFFFD800  }
0x17: {  	_ =	swait.ge [sflag:s16], $0x2800  }
0x18: {  	[sflag:s16] =	ssyncset.done $0x0  }
0x19: {  	[sflag:s16] =	ssyncadd.s32 $0xFFFFD800  }
0x1a: {  	_ =	swait.ge [sflag:s16], $0x2800  }
0x1b: {  	[sflag:s16] =	ssyncset.done $0x0  }
0x1c: {  	s18 =	ssub.s32 $0x2, s18;
	[sflag:s16] =	ssyncadd.s32 $0xFFFFD800  }
0x1d: {  	s20 =	sshrl.u32 s18, $0x1;
	_ =	swait.ge [sflag:s16], $0x2800  }
0x1e: {  	s18 =	ssub.s32 s18, s20;
	[sflag:s16] =	ssyncset.done $0x0  }
0x1f: {  	s19 =	smul.u32 $0x1900, s19;
	s18 =	smax.u32 s18, $0x1;
	[sflag:s16] =	ssyncadd.s32 $0xFFFFD800  }
0x20: {  	p0 =	sne.s32 s18, $0x1;
	_ =	swait.ge [sflag:s16], $0x2800  }
.Ltmp0:
0x21: {  	s17 =	sadd.s32 s19, s17;
	[sflag:s16] =	ssyncset.done $0x0;
	(pc) =	sbr.rel @!p0 .LBB2_2-.Ltmp0, $4  }
0x22: {  	s17 =	sadd.s32 $0x12400, s17;
	[sflag:s16] =	ssyncadd.s32 $0xFFFFD800  }
0x23: {  	[hbm4b:s17+s2] =	stream.linear.scatter [tilespmem:s7], [sflag:$0x2], $0xC800, $0x38;
	[tilespmem:$0xCC00] =	vst v63  }
0x24: {  	_ =	swait.ge [sflag:s3], $0xC800  }
0x25: {  	s18 =	sadd.s32 $0xFFFFFFFF, s18;
	[sflag:s3] =	ssyncset.done $0x0  }
.LBB2_1:
0x26: {  	p0 =	sne.s32 s18, $0x1;
	s18 =	sadd.s32 $0xFFFFFFFF, s18;
	[sflag:s3] =	ssyncadd.s32 $0xFFFF3800  }
0x27: {  	[tilespmem:s2], [sflag:$0x2] =	stream.linear.gather [hbm4b:s4+s2], $0x280, $0x38;
	[tilespmem:$0xCC00] =	vst v63  }
0x28: {  	_ =	swait.ge [sflag:s3], $0x280  }
0x29: {  	[sflag:s3] =	ssyncset.done $0x0  }
0x2a: {  	[sflag:s3] =	ssyncadd.s32 $0xFFFFFD80  }
0x2b: {  	[tilespmem:s7], [sflag:$0x1] =	stream.indirect.gather [hbm4b:s5+s6], $0x80, s2, s6, $0xb8;
	[tilespmem:$0xCC00] =	vst v63  }
0x2c: {  	_ = 	snop  }
0x2d: {  	[tilespmem:s9], [sflag:$0x1] =	stream.indirect.gather [hbm4b:s5+s6], $0x80, s8, s6, $0xb8;
	[tilespmem:$0xCC00] =	vst v63  }
0x2e: {  	_ = 	snop  }
0x2f: {  	[tilespmem:s11], [sflag:$0x1] =	stream.indirect.gather [hbm4b:s5+s6], $0x80, s10, s6, $0xb8;
	[tilespmem:$0xCC00] =	vst v63  }
0x30: {  	_ = 	snop  }
0x31: {  	[tilespmem:s13], [sflag:$0x1] =	stream.indirect.gather [hbm4b:s5+s6], $0x80, s12, s6, $0xb8;
	[tilespmem:$0xCC00] =	vst v63  }
0x32: {  	_ = 	snop  }
0x33: {  	[tilespmem:s15], [sflag:$0x1] =	stream.indirect.gather [hbm4b:s5+s6], $0x80, s14, s6, $0xb8;
	[tilespmem:$0xCC00] =	vst v63  }
0x34: {  	_ =	swait.ge [sflag:s16], $0x2800  }
0x35: {  	[sflag:s16] =	ssyncset.done $0x0  }
0x36: {  	[sflag:s16] =	ssyncadd.s32 $0xFFFFD800  }
0x37: {  	_ =	swait.ge [sflag:s16], $0x2800  }
0x38: {  	[sflag:s16] =	ssyncset.done $0x0  }
0x39: {  	[sflag:s16] =	ssyncadd.s32 $0xFFFFD800  }
0x3a: {  	_ =	swait.ge [sflag:s16], $0x2800  }
0x3b: {  	[sflag:s16] =	ssyncset.done $0x0  }
0x3c: {  	[sflag:s16] =	ssyncadd.s32 $0xFFFFD800  }
0x3d: {  	_ =	swait.ge [sflag:s16], $0x2800  }
0x3e: {  	[sflag:s16] =	ssyncset.done $0x0  }
0x3f: {  	[sflag:s16] =	ssyncadd.s32 $0xFFFFD800  }
0x40: {  	_ =	swait.ge [sflag:s16], $0x2800  }
.Ltmp1:
0x41: {  	[sflag:s16] =	ssyncset.done $0x0;
	(pc) =	sbr.rel @p0 .LBB2_1-.Ltmp1, $4  }
0x42: {  	[sflag:s16] =	ssyncadd.s32 $0xFFFFD800  }
0x43: {  	[hbm4b:s17+s2] =	stream.linear.scatter [tilespmem:s7], [sflag:$0x2], $0xC800, $0x38;
	[tilespmem:$0xCC00] =	vst v63  }
0x44: {  	_ =	swait.ge [sflag:s3], $0xC800  }
0x45: {  	[sflag:s3] =	ssyncset.done $0x0  }
.LBB2_2:
0x46: {  	[sflag:s3] =	ssyncadd.s32 $0xFFFF3800  }
0x47: {  	_ =	sfence.sel $0x180000  }
0x48: {  	[bflag:$0x0] =	sbarrier.arrive $0xFFFF  }
0x49: {  	p0 =	sne.s32 s0, $0x0;
	_ =	strace $0x90000047  }
0x4a: {  	s0 =	sadd.s32 @!p0 $0x100000, s1;
	[bflag:$0x2] =	sbarrier.arrive $0xFFFF  }
0x4b: {  	[sflag:s0] =	ssyncadd.tile.s32 @!p0 $0x1;
	_ =	shalt  }
.Lfunc_end2:
_tile_overlayer_lowered:
.L_overlay_start_2:
0x4c: {  	(tag) =	ssettag $0x2  }
0x4d: {  	s0 =	rddreg [dreg:$0x0];
	s2 =	stileid.u32  }
0x4e: {  	s1 =	rddreg [dreg:$0x1];
	p0 =	sne.s32 s2, $0x0  }
0x4f: {  	s3 =	rddreg [dreg:$0x2];
	[bflag:$0x3] =	sbarrier.arrive $0xFFFF;
	s2 =	simm.s32 @!p0 $0x1C02  }
0x50: {  	[timem:s3], [sflag:s2] =	dma.local @!p0 [hbm:s0], s1  }
0x51: {  	s0 =	simm.s32 @!p0 $0x2  }
0x52: {  	_ =	swait.ge @!p0 [sflag:s0], s1  }
0x53: {  	s1 =	ssub.s32 @!p0 $0x0, s1;
	[sflag:s0] =	ssyncset.done @!p0 $0x0  }
0x54: {  	[sflag:s0] =	ssyncadd.s32 @!p0 s1  }
0x55: {  	[bflag:$0x3] =	sbarrier.arrive $0xFFFF  }
0x56: {  	_ =	shalt  }

// kernel: kernel.17.cloned.1.call-start
scs
__scs_entry_jumppad:
0x0: {  	(pc) =	sbr.rel $0x88, $3  }
0x1: {  	(tag) =	ssettag $0x0;
	lr =	simm.s32 $0x1  }
0x2: {  	[smem:$0x3F82] =	sst lr;
	_ =	strace $0xD0000000  }
0x3: {  	_ = 	snop  }
0x4: {  	_ = 	snop  }
0x5: {  	_ = 	snop  }
0x6: {  	_ = 	snop  }
0x7: {  	_ = 	snop  }
__scs_overlays_trampoline_lowered:
0x8: {  	[smem:$0x3F91] =	sst s0  }
0x9: {  	[smem:$0x3F92] =	sst s1  }
0xa: {  	[smem:$0x3F93] =	sst s2  }
0xb: {  	[smem:$0x3F94] =	sst s3  }
0xc: {  	[smem:$0x3F95] =	sst s4  }
0xd: {  	[smem:$0x3F96] =	sst s5  }
0xe: {  	[smem:$0x3F97] =	sst s6  }
0xf: {  	[smem:$0x3F98] =	sst s7  }
0x10: {  	[smem:$0x3F99] =	sst s8  }
0x11: {  	[smem:$0x3F9A] =	sst s9;
	s0 =	simm.s32 @!p0 $0x0  }
0x12: {  	s1 =	sld [smem:$0x3F80];
	s0 =	simm.s32 @p0 $0x1  }
0x13: {  	[smem:$0x3F9B] =	sst s0;
	s0 =	simm.s32 @!p1 $0x0  }
0x14: {  	s2 =	sld [smem:$0x3F7F];
	s0 =	simm.s32 @p1 $0x1  }
0x15: {  	[smem:$0x3F9C] =	sst s0;
	s0 =	simm.s32 @!p2 $0x0  }
0x16: {  	s3 =	sld [smem:$0x3FDB];
	s0 =	simm.s32 @p2 $0x1  }
0x17: {  	s4 =	simm.s32 $0x1BF5;
	[smem:$0x3F9E] =	sst s0  }
0x18: {  	s0 =	sld [smem:$0x3F81];
	_ =	swait.ge [sflag:s4], $0x0  }
0x19: {  	s7 =	sld [smem:$0x3F82]  }
0x1a: {  	s8 =	sadd.s32 $0xFFFFE003, lr  }
0x1b: {  	s9 =	sadd.s32 $0xFFFFFEF7, lr;
	s5 =	simm.s32 $0xFFFFFFFF;
	p2 =	slt.u32 s8, $0xFFFFF086  }
0x1c: {  	p1 =	slt.u32 s9, $0xF7A;
	s5 =	simm.s32 @!p2 $0x0  }
0x1d: {  	s5 =	simm.s32 @p1 $0x1;
	p0 =	seq.s32 s7, s2  }
0x1e: {  	s7 =	smul.u32 @!p0 $0xF7A, s2;
	p2 =	seq.s32 @!p0 s5, $0x0  }
0x1f: {  	s9 =	smul.u32 $0xF7A, s1;
	s8 =	simm.s32 @!p0 $0x1BF5;
	p2 =	por !p2, p0  }
0x20: {  	[sflag:s8] =	ssyncset.s32 @!p0 $0xFFFFF086;
	s6 =	sadd.s32 @!p0 s3, s7;
	s7 =	simm.s32 @!p0 $0x108  }
0x21: {  	s3 =	sadd.s32 s3, s9;
	s6 =	sadd.s32 @!p0 $0x88, s6;
	s7 =	simm.s32 @p2 $0x1082  }
0x22: {  	[simem:s7], [sflag:s8] =	dma.local @!p0 [hbm:s6], $0xF7A  }
0x23: {  	s9 =	sor.u32 $0xD0000000, s2;
	s6 =	simm.s32 $0x108;
	_ =	swait.ge @!p0 [sflag:s8], $0x0  }
0x24: {  	s3 =	sadd.s32 $0x88, s3;
	s6 =	simm.s32 @!p1 $0x1082;
	[sflag:s4] =	ssyncset.s32 $0xFFFFF086  }
0x25: {  	[simem:s6], [sflag:s4] =	dma.local [hbm:s3], $0xF7A  }
0x26: {  	[smem:$0x3F82] =	sst s1;
	(tag) =	ssettag s2;
	_ =	strace s9  }
0x27: {  	s1 =	sld [smem:$0x3F92]  }
0x28: {  	s2 =	sld [smem:$0x3F93]  }
0x29: {  	s4 =	sld [smem:$0x3F95]  }
0x2a: {  	p0 =	seq.s32 s5, $0x0;
	s5 =	sld [smem:$0x3F96]  }
0x2b: {  	s6 =	sld [smem:$0x3F97]  }
0x2c: {  	s7 =	sld [smem:$0x3F98]  }
0x2d: {  	s3 =	simm.s32 $0x108;
	s8 =	sld [smem:$0x3F99]  }
0x2e: {  	s3 =	simm.s32 @!p0 $0x1082;
	s9 =	sld [smem:$0x3F9A]  }
0x2f: {  	lr =	sadd.s32 s0, s3;
	s0 =	sld [smem:$0x3F91]  }
0x30: {  	s3 =	sld [smem:$0x3F94]  }
0x31: {  	[smem:$0x3F9D] =	sst s10  }
0x32: {  	s10 =	sld [smem:$0x3F9B];
	_ =	sdelay $0x3  }
0x33: {  	p0 =	seq.s32 s10, $0x1;
	s10 =	sld [smem:$0x3F9D];
	_ =	sdelay $0x3  }
0x34: {  	[smem:$0x3F9D] =	sst s10  }
0x35: {  	s10 =	sld [smem:$0x3F9C];
	_ =	sdelay $0x3  }
0x36: {  	p1 =	seq.s32 s10, $0x1;
	s10 =	sld [smem:$0x3F9D];
	_ =	sdelay $0x3  }
0x37: {  	[smem:$0x3F9D] =	sst s10  }
0x38: {  	s10 =	sld [smem:$0x3F9E]  }
0x39: {  	_ = 	snop;
	(pc) =	sbr.ind lr, $3  }
0x3a: {  	_ = 	snop  }
0x3b: {  	_ = 	snop  }
0x3c: {  	p2 =	seq.s32 s10, $0x1;
	s10 =	sld [smem:$0x3F9D]  }
0x3d: {  	_ =	shalt  }
0x3e: {  	_ =	shalt  }
0x3f: {  	_ =	shalt  }
0x40: {  	_ =	shalt  }
0x41: {  	_ =	shalt  }
0x42: {  	_ =	shalt  }
0x43: {  	_ =	shalt  }
0x44: {  	_ =	shalt  }
0x45: {  	_ =	shalt  }
0x46: {  	_ =	shalt  }
0x47: {  	_ =	shalt  }
0x48: {  	_ =	shalt  }
0x49: {  	_ =	shalt  }
0x4a: {  	_ =	shalt  }
0x4b: {  	_ =	shalt  }
0x4c: {  	_ =	shalt  }
0x4d: {  	_ =	shalt  }
0x4e: {  	_ =	shalt  }
0x4f: {  	_ =	shalt  }
0x50: {  	_ =	shalt  }
0x51: {  	_ =	shalt  }
0x52: {  	_ =	shalt  }
0x53: {  	_ =	shalt  }
0x54: {  	_ =	shalt  }
0x55: {  	_ =	shalt  }
0x56: {  	_ =	shalt  }
0x57: {  	_ =	shalt  }
0x58: {  	_ =	shalt  }
0x59: {  	_ =	shalt  }
0x5a: {  	_ =	shalt  }
0x5b: {  	_ =	shalt  }
0x5c: {  	_ =	shalt  }
0x5d: {  	_ =	shalt  }
0x5e: {  	_ =	shalt  }
0x5f: {  	_ =	shalt  }
0x60: {  	_ =	shalt  }
0x61: {  	_ =	shalt  }
0x62: {  	_ =	shalt  }
0x63: {  	_ =	shalt  }
0x64: {  	_ =	shalt  }
0x65: {  	_ =	shalt  }
0x66: {  	_ =	shalt  }
0x67: {  	_ =	shalt  }
0x68: {  	_ =	shalt  }
0x69: {  	_ =	shalt  }
0x6a: {  	_ =	shalt  }
0x6b: {  	_ =	shalt  }
0x6c: {  	_ =	shalt  }
0x6d: {  	_ =	shalt  }
0x6e: {  	_ =	shalt  }
0x6f: {  	_ =	shalt  }
0x70: {  	_ =	shalt  }
0x71: {  	_ =	shalt  }
0x72: {  	_ =	shalt  }
0x73: {  	_ =	shalt  }
0x74: {  	_ =	shalt  }
0x75: {  	_ =	shalt  }
0x76: {  	_ =	shalt  }
0x77: {  	_ =	shalt  }
0x78: {  	_ =	shalt  }
0x79: {  	_ =	shalt  }
0x7a: {  	_ =	shalt  }
0x7b: {  	_ =	shalt  }
0x7c: {  	_ =	shalt  }
0x7d: {  	_ =	shalt  }
0x7e: {  	_ =	shalt  }
0x7f: {  	_ =	shalt  }
0x80: {  	_ =	shalt  }
0x81: {  	_ =	shalt  }
0x82: {  	_ =	shalt  }
0x83: {  	_ =	shalt  }
0x84: {  	_ =	shalt  }
0x85: {  	_ =	shalt  }
0x86: {  	_ =	shalt  }
0x87: {  	_ =	shalt  }
.Lfunc_end0:
.L_simem_size_0:
called_computation.1_lowered:
.L_overlay_start_0:
0x88: {  	s2 =	sld [smem:$0x3FD9]  }
0x89: {  	s3 =	sld [smem:$0x3FFE];
	_ =	sdelay $0x1  }
0x8a: {  	s1 =	srdreg.scid  }
0x8b: {  	s0 =	sand.u32 $0x1, s1  }
0x8c: {  	s16 =	sshll.u32 s0, $0xA;
	s2 =	sadd.s32 s3, s2  }
0x8d: {  	s2 =	sadd.s32 s2, s16  }
0x8e: {  	[smem:$0x3FA9] =	sst s2  }
0x8f: {  	_ = 	snop  }
0x90: {  	(tm) =	ssettm $0x1  }
0x91: {  	s17 =	sld [smem:$0x3FFB];
	_ =	sdelay $0x3  }
0x92: {  	_ =	strace s17  }
0x93: {  	s2 =	sld [smem:$0x3FFC];
	_ =	sdelay $0x3  }
0x94: {  	_ =	strace s2  }
0x95: {  	s2 =	sld [smem:$0x3FFD];
	_ =	sdelay $0x3  }
0x96: {  	_ =	strace s2  }
0x97: {  	_ =	strace $0x8FFFFFFF  }
0x98: {  	s18 =	sld [smem:$0x3FDB];
	_ =	sdelay $0x1  }
0x99: {  	s19 =	simm.s32 $_scs_section_size  }
0x9a: {  	s4 =	simm.s32 $_size__tile_overlayer_lowered;
	s5 =	simm.s32 $_tile_overlayer_lowered  }
0x9b: {  	s22 =	simm.s32 $0x1BFF;
	s21 =	sshll.u32 s5, $0x1;
	s2 =	sadd.s32 s19, s18  }
0x9c: {  	s6 =	simm.s32 $0x0;
	s20 =	sshll.u32 s4, $0x1;
	s4 =	sadd.s32 s21, s2  }
0x9d: {  	[timem:s6], [sflag:s22] =	dma.local [hbm:s4], s20  }
0x9e: {  	_ =	swait.ge [sflag:s22], s20  }
0x9f: {  	s3 =	ssub.s32 $0x0, s20;
	[sflag:s22] =	ssyncset.done $0x0  }
0xa0: {  	[sflag:s22] =	ssyncadd.s32 s3;
	_ =	sdelay $0x1  }
0xa1: {  	s23 =	simm.s32 $0x1B8B  }
0xa2: {  	_ =	swait.ge [sflag:s23], $0x1  }
0xa3: {  	[sflag:s23] =	ssyncset.done $0x0  }
0xa4: {  	s25 =	simm.s32 $0x1B8E;
	s24 =	sld [smem:$0x3FFE];
	[sflag:s23] =	ssyncadd.s32 $0xFFFFFFFF  }
0xa5: {  	s26 =	simm.s32 $execute0_lowered;
	[smem:$0x3FD2] =	sst s25  }
0xa6: {  	s4 =	sshll.u32 s26, $0x1;
	_ =	strace $0x80000049;
	[dreg:$0x1] =	wrdreg $0xFFFFFFFF  }
0xa7: {  	s28 =	simm.s32 $_size_execute0_lowered;
	s2 =	sadd.s32 s2, s4;
	[dreg:$0x0] =	wrdreg $0x0  }
0xa8: {  	s4 =	sshll.u32 s28, $0x1;
	[dreg:$0x2] =	wrdreg s2  }
0xa9: {  	[dreg:$0x3] =	wrdreg s4  }
0xaa: {  	[dreg:$0x4] =	wrdreg $0xC0  }
0xab: {  	_ =	task [dreg:s6], $0x5FFFF  }
0xac: {  	[dreg:$0x1] =	wrdreg $0xFFFFFFFF  }
0xad: {  	[dreg:$0x0] =	wrdreg $0x60  }
0xae: {  	[dreg:$0x2] =	wrdreg s24  }
0xaf: {  	[dreg:$0x3] =	wrdreg $0xCC000  }
0xb0: {  	[dreg:$0x4] =	wrdreg $0x9  }
0xb1: {  	_ =	task.clear_ibuf [dreg:s6], $0x5FFFF;
	_ =	strace $0x90000049  }
0xb2: {  	s29 =	simm.s32 $0x9;
	_ =	strace $0x8000004B  }
0xb3: {  	_ =	swait.ge [sflag:s29], $0x1  }
0xb4: {  	[sflag:s29] =	ssyncadd.s32 $0xFFFFFFFF  }
0xb5: {  	_ =	strace $0x9000004B  }
0xb6: {  	_ =	sfence  }
0xb7: {  	s30 =	sld [smem:$0x0];
	_ =	sdelay $0x2  }
0xb8: {  	s31 =	sshll.u32 s1, $0xD;
	s1 =	sshrl.u32 s1, $0x2  }
0xb9: {  	s3 =	sand.u32 $0x4000, s31;
	s1 =	sadd.s32 s1, s30  }
0xba: {  	s0 =	sor.u32 s3, s0;
	s1 =	sshll.u32 s1, $0x11  }
0xbb: {  	s0 =	sor.u32 s1, s0  }
0xbc: {  	s0 =	sadd.s32 $0x8F2B, s0  }
0xbd: {  	[sflag:s0] =	ssyncadd.remote.s32 $0x1  }
0xbe: {  	_ =	sfence.sel $0xFFFF  }
0xbf: {  	[dreg:$0x0] =	wrdreg $0xFFFFFFFF;
	(pc) =	sbr.abs _section_cstart, $3  }
0xc0: {  	[dreg:$0x1] =	wrdreg $0xFFFFFFFF  }
0xc1: {  	_ =	task.clear_ibuf [dreg:s6], $0x2FFFF;
	_ =	strace $0x9FFFFFFF  }
0xc2: {  	(tm) =	ssettm $0x7FFFFFFF  }
0xc3: {  	_ =	shalt  }
tec
execute0_lowered:
.L_overlay_start_1:
0x0: {  	(tag) =	ssettag $0x1  }
0x1: {  	s20 =	rddreg [dreg:$0x0]  }
0x2: {  	s2 =	rddreg [dreg:$0x1]  }
0x3: {  	s0 =	rddreg [dreg:$0x2];
	s1 =	stileid.u32  }
0x4: {  	s3 =	simm.s32 $0x0;
	s4 =	srdreg.scid;
	s21 =	smul.u32 $0x6400, s1  }
0x5: {  	[smem:$0x7FF] =	sst s3;
	s5 =	smul.u32 $0x19000, s1;
	s22 =	sand.u32 $0x1, s4  }
0x6: {  	s24 =	sshll.u32 s1, $0x1;
	s28 =	sshll.u32 s1, $0x6;
	_ =	strace $0x8000004A  }
0x7: {  	s8 =	sor.u32 s22, s24;
	s6 =	sshrl.u32 s21, $0x3;
	s5 =	sshrl.u32 s5, $0x2  }
0x8: {  	s25 =	sadd.s32 s6, s20;
	s26 =	sadd.s32 s5, s2;
	s5 =	sor.u32 $0x1C01, s28  }
0x9: {  	s6 =	simm.s32 $0x1;
	s4 =	sadd.s32 $0x37C00, s25;
	s7 =	sshrl.u32 s26, $0x3  }
0xa: {  	[spmem:s7], [sflag:s5] =	dma.local [hbm:s4], $0xC80  }
0xb: {  	s9 =	sshll.u32 s8, $0x7;
	_ =	swait.ge [sflag:s6], $0xC80  }
0xc: {  	s9 =	sadd.s32 s9, s20;
	[sflag:s6] =	ssyncset.done $0x0  }
0xd: {  	s10 =	smul.u32 $0x1900, s8;
	s8 =	sadd.s32 $0x76600, s9;
	[sflag:s6] =	ssyncadd.s32 $0xFFFFF380  }
0xe: {  	[tilespmem:s3], [sflag:$0x1] =	stream.linear.gather [hbm4b:s8+s3], $0x280, $0x38;
	[tilespmem:$0x13000] =	vst v63  }
0xf: {  	_ =	swait.ge [sflag:s6], $0x280  }
0x10: {  	s29 =	sadd.s32 s10, s20;
	[sflag:s6] =	ssyncset.done $0x0  }
0x11: {  	s10 =	simm.s32 $0x400;
	s9 =	sadd.s32 $0x5C00, s29;
	[sflag:s6] =	ssyncadd.s32 $0xFFFFFD80  }
0x12: {  	[tilespmem:s10], [sflag:$0x1] =	stream.linear.gather [hbm4b:s9+s3], $0xC800, $0x38;
	[tilespmem:$0x13000] =	vst v63  }
0x13: {  	_ =	swait.ge [sflag:s6], $0xC800  }
0x14: {  	[sflag:s6] =	ssyncset.done $0x0  }
0x15: {  	[sflag:s6] =	ssyncadd.s32 $0xFFFF3800  }
0x16: {  	s11 =	simm.s32 $0x50;
	[bflag:$0x0] =	sbarrier.arrive $0xFFFF  }
0x17: {  	[spmem:s2] =	stream.indirect.scatter.add.f32 [tilespmem:s10], [sflag:$0x1], $0x80, s3, s11, $0xb8;
	[tilespmem:$0x13000] =	vst v63  }
0x18: {  	_ =	swait.ge [sflag:s6], $0x2800  }
0x19: {  	[sflag:s6] =	ssyncset.done $0x0  }
0x1a: {  	s12 =	simm.s32 $0x80;
	s13 =	simm.s32 $0x2C00;
	[sflag:s6] =	ssyncadd.s32 $0xFFFFD800  }
0x1b: {  	[spmem:s2] =	stream.indirect.scatter.add.f32 [tilespmem:s13], [sflag:$0x1], $0x80, s12, s11, $0xb8;
	[tilespmem:$0x13000] =	vst v63  }
0x1c: {  	_ =	swait.ge [sflag:s6], $0x2800  }
0x1d: {  	[sflag:s6] =	ssyncset.done $0x0  }
0x1e: {  	s14 =	simm.s32 $0x100;
	s15 =	simm.s32 $0x5400;
	[sflag:s6] =	ssyncadd.s32 $0xFFFFD800  }
0x1f: {  	[spmem:s2] =	stream.indirect.scatter.add.f32 [tilespmem:s15], [sflag:$0x1], $0x80, s14, s11, $0xb8;
	[tilespmem:$0x13000] =	vst v63  }
0x20: {  	_ =	swait.ge [sflag:s6], $0x2800  }
0x21: {  	s16 =	simm.s32 $0x180;
	s17 =	simm.s32 $0x7C00;
	[sflag:s6] =	ssyncset.done $0x0  }
0x22: {  	s18 =	simm.s32 $0x200;
	s23 =	smul.u32 $0x64000, s22;
	[sflag:s6] =	ssyncadd.s32 $0xFFFFD800  }
0x23: {  	[spmem:s2] =	stream.indirect.scatter.add.f32 [tilespmem:s17], [sflag:$0x1], $0x80, s16, s11, $0xb8;
	[tilespmem:$0x13000] =	vst v63  }
0x24: {  	s19 =	simm.s32 $0xA400;
	s22 =	ssub.s32 $0x2, s22;
	_ =	swait.ge [sflag:s6], $0x2800  }
0x25: {  	s30 =	sshrl.u32 s22, $0x1;
	s21 =	sadd.s32 s21, s23;
	[sflag:s6] =	ssyncset.done $0x0  }
0x26: {  	s31 =	ssub.s32 s22, s30;
	s21 =	sshrl.u32 s21, $0x3;
	[sflag:s6] =	ssyncadd.s32 $0xFFFFD800  }
0x27: {  	[spmem:s2] =	stream.indirect.scatter.add.f32 [tilespmem:s19], [sflag:$0x1], $0x80, s18, s11, $0xb8;
	[tilespmem:$0x13000] =	vst v63  }
0x28: {  	s20 =	sadd.s32 s21, s20;
	s21 =	smax.u32 s31, $0x1;
	_ =	swait.ge [sflag:s6], $0x2800  }
0x29: {  	p0 =	sne.s32 s21, $0x1;
	[sflag:s6] =	ssyncset.done $0x0  }
.Ltmp0:
0x2a: {  	[sflag:s6] =	ssyncadd.s32 $0xFFFFD800;
	(pc) =	sbr.rel @!p0 .LBB2_2-.Ltmp0, $4  }
0x2b: {  	s20 =	sadd.s32 $0x77600, s20;
	[bflag:$0x0] =	sbarrier.arrive $0xFFFF  }
0x2c: {  	[hbm:s20], [sflag:s5] =	dma.local [spmem:s7], $0xC80  }
0x2d: {  	_ =	swait.ge [sflag:s6], $0xC80  }
0x2e: {  	s21 =	sadd.s32 $0xFFFFFFFF, s21;
	[sflag:s6] =	ssyncset.done $0x0  }
.LBB2_1:
0x2f: {  	p0 =	sne.s32 s21, $0x1;
	s21 =	sadd.s32 $0xFFFFFFFF, s21;
	[sflag:s6] =	ssyncadd.s32 $0xFFFFF380  }
0x30: {  	[spmem:s7], [sflag:s5] =	dma.local [hbm:s4], $0xC80  }
0x31: {  	_ =	swait.ge [sflag:s6], $0xC80  }
0x32: {  	[sflag:s6] =	ssyncset.done $0x0  }
0x33: {  	[sflag:s6] =	ssyncadd.s32 $0xFFFFF380  }
0x34: {  	[tilespmem:s3], [sflag:$0x1] =	stream.linear.gather [hbm4b:s8+s3], $0x280, $0x38;
	[tilespmem:$0x13000] =	vst v63  }
0x35: {  	_ =	swait.ge [sflag:s6], $0x280  }
0x36: {  	[sflag:s6] =	ssyncset.done $0x0  }
0x37: {  	[sflag:s6] =	ssyncadd.s32 $0xFFFFFD80  }
0x38: {  	[tilespmem:s10], [sflag:$0x1] =	stream.linear.gather [hbm4b:s9+s3], $0xC800, $0x38;
	[tilespmem:$0x13000] =	vst v63  }
0x39: {  	_ =	swait.ge [sflag:s6], $0xC800  }
0x3a: {  	[sflag:s6] =	ssyncset.done $0x0  }
0x3b: {  	[sflag:s6] =	ssyncadd.s32 $0xFFFF3800  }
0x3c: {  	[bflag:$0x0] =	sbarrier.arrive $0xFFFF  }
0x3d: {  	[spmem:s2] =	stream.indirect.scatter.add.f32 [tilespmem:s10], [sflag:$0x1], $0x80, s3, s11, $0xb8;
	[tilespmem:$0x13000] =	vst v63  }
0x3e: {  	_ =	swait.ge [sflag:s6], $0x2800  }
0x3f: {  	[sflag:s6] =	ssyncset.done $0x0  }
0x40: {  	[sflag:s6] =	ssyncadd.s32 $0xFFFFD800  }
0x41: {  	[spmem:s2] =	stream.indirect.scatter.add.f32 [tilespmem:s13], [sflag:$0x1], $0x80, s12, s11, $0xb8;
	[tilespmem:$0x13000] =	vst v63  }
0x42: {  	_ =	swait.ge [sflag:s6], $0x2800  }
0x43: {  	[sflag:s6] =	ssyncset.done $0x0  }
0x44: {  	[sflag:s6] =	ssyncadd.s32 $0xFFFFD800  }
0x45: {  	[spmem:s2] =	stream.indirect.scatter.add.f32 [tilespmem:s15], [sflag:$0x1], $0x80, s14, s11, $0xb8;
	[tilespmem:$0x13000] =	vst v63  }
0x46: {  	_ =	swait.ge [sflag:s6], $0x2800  }
0x47: {  	[sflag:s6] =	ssyncset.done $0x0  }
0x48: {  	[sflag:s6] =	ssyncadd.s32 $0xFFFFD800  }
0x49: {  	[spmem:s2] =	stream.indirect.scatter.add.f32 [tilespmem:s17], [sflag:$0x1], $0x80, s16, s11, $0xb8;
	[tilespmem:$0x13000] =	vst v63  }
0x4a: {  	_ =	swait.ge [sflag:s6], $0x2800  }
0x4b: {  	[sflag:s6] =	ssyncset.done $0x0  }
0x4c: {  	[sflag:s6] =	ssyncadd.s32 $0xFFFFD800  }
0x4d: {  	[spmem:s2] =	stream.indirect.scatter.add.f32 [tilespmem:s19], [sflag:$0x1], $0x80, s18, s11, $0xb8;
	[tilespmem:$0x13000] =	vst v63  }
0x4e: {  	_ =	swait.ge [sflag:s6], $0x2800  }
0x4f: {  	[sflag:s6] =	ssyncset.done $0x0  }
.Ltmp1:
0x50: {  	[sflag:s6] =	ssyncadd.s32 $0xFFFFD800;
	(pc) =	sbr.rel @p0 .LBB2_1-.Ltmp1, $4  }
0x51: {  	[bflag:$0x0] =	sbarrier.arrive $0xFFFF  }
0x52: {  	[hbm:s20], [sflag:s5] =	dma.local [spmem:s7], $0xC80  }
0x53: {  	_ =	swait.ge [sflag:s6], $0xC80  }
0x54: {  	[sflag:s6] =	ssyncset.done $0x0  }
.LBB2_2:
0x55: {  	[sflag:s6] =	ssyncadd.s32 $0xFFFFF380  }
0x56: {  	_ =	sfence.sel $0x180000  }
0x57: {  	[bflag:$0x0] =	sbarrier.arrive $0xFFFF  }
0x58: {  	p0 =	sne.s32 s1, $0x0;
	_ =	strace $0x9000004A  }
0x59: {  	s0 =	sadd.s32 @!p0 $0x100000, s0;
	[bflag:$0x2] =	sbarrier.arrive $0xFFFF  }
0x5a: {  	[sflag:s0] =	ssyncadd.tile.s32 @!p0 $0x1;
	_ =	shalt  }
.Lfunc_end2:
_tile_overlayer_lowered:
.L_overlay_start_2:
0x5b: {  	(tag) =	ssettag $0x2  }
0x5c: {  	s0 =	rddreg [dreg:$0x0];
	s2 =	stileid.u32  }
0x5d: {  	s1 =	rddreg [dreg:$0x1];
	p0 =	sne.s32 s2, $0x0  }
0x5e: {  	s3 =	rddreg [dreg:$0x2];
	[bflag:$0x3] =	sbarrier.arrive $0xFFFF;
	s2 =	simm.s32 @!p0 $0x1C01  }
0x5f: {  	[timem:s3], [sflag:s2] =	dma.local @!p0 [hbm:s0], s1  }
0x60: {  	s0 =	simm.s32 @!p0 $0x1  }
0x61: {  	_ =	swait.ge @!p0 [sflag:s0], s1  }
0x62: {  	s1 =	ssub.s32 @!p0 $0x0, s1;
	[sflag:s0] =	ssyncset.done @!p0 $0x0  }
0x63: {  	[sflag:s0] =	ssyncadd.s32 @!p0 s1  }
0x64: {  	[bflag:$0x3] =	sbarrier.arrive $0xFFFF  }
0x65: {  	_ =	shalt  }

// kernel: kernel.20.cloned.1.call-start
scs
__scs_entry_jumppad:
0x0: {  	(pc) =	sbr.rel $0x88, $3  }
0x1: {  	(tag) =	ssettag $0x0;
	lr =	simm.s32 $0x1  }
0x2: {  	[smem:$0x3F82] =	sst lr;
	_ =	strace $0xD0000000  }
0x3: {  	_ = 	snop  }
0x4: {  	_ = 	snop  }
0x5: {  	_ = 	snop  }
0x6: {  	_ = 	snop  }
0x7: {  	_ = 	snop  }
__scs_overlays_trampoline_lowered:
0x8: {  	[smem:$0x3F91] =	sst s0  }
0x9: {  	[smem:$0x3F92] =	sst s1  }
0xa: {  	[smem:$0x3F93] =	sst s2  }
0xb: {  	[smem:$0x3F94] =	sst s3  }
0xc: {  	[smem:$0x3F95] =	sst s4  }
0xd: {  	[smem:$0x3F96] =	sst s5  }
0xe: {  	[smem:$0x3F97] =	sst s6  }
0xf: {  	[smem:$0x3F98] =	sst s7  }
0x10: {  	[smem:$0x3F99] =	sst s8  }
0x11: {  	[smem:$0x3F9A] =	sst s9;
	s0 =	simm.s32 @!p0 $0x0  }
0x12: {  	s1 =	sld [smem:$0x3F80];
	s0 =	simm.s32 @p0 $0x1  }
0x13: {  	[smem:$0x3F9B] =	sst s0;
	s0 =	simm.s32 @!p1 $0x0  }
0x14: {  	s2 =	sld [smem:$0x3F7F];
	s0 =	simm.s32 @p1 $0x1  }
0x15: {  	[smem:$0x3F9C] =	sst s0;
	s0 =	simm.s32 @!p2 $0x0  }
0x16: {  	s3 =	sld [smem:$0x3FDB];
	s0 =	simm.s32 @p2 $0x1  }
0x17: {  	s4 =	simm.s32 $0x1BF5;
	[smem:$0x3F9E] =	sst s0  }
0x18: {  	s0 =	sld [smem:$0x3F81];
	_ =	swait.ge [sflag:s4], $0x0  }
0x19: {  	s7 =	sld [smem:$0x3F82]  }
0x1a: {  	s8 =	sadd.s32 $0xFFFFE003, lr  }
0x1b: {  	s9 =	sadd.s32 $0xFFFFFEF7, lr;
	s5 =	simm.s32 $0xFFFFFFFF;
	p2 =	slt.u32 s8, $0xFFFFF086  }
0x1c: {  	p1 =	slt.u32 s9, $0xF7A;
	s5 =	simm.s32 @!p2 $0x0  }
0x1d: {  	s5 =	simm.s32 @p1 $0x1;
	p0 =	seq.s32 s7, s2  }
0x1e: {  	s7 =	smul.u32 @!p0 $0xF7A, s2;
	p2 =	seq.s32 @!p0 s5, $0x0  }
0x1f: {  	s9 =	smul.u32 $0xF7A, s1;
	s8 =	simm.s32 @!p0 $0x1BF5;
	p2 =	por !p2, p0  }
0x20: {  	[sflag:s8] =	ssyncset.s32 @!p0 $0xFFFFF086;
	s6 =	sadd.s32 @!p0 s3, s7;
	s7 =	simm.s32 @!p0 $0x108  }
0x21: {  	s3 =	sadd.s32 s3, s9;
	s6 =	sadd.s32 @!p0 $0x88, s6;
	s7 =	simm.s32 @p2 $0x1082  }
0x22: {  	[simem:s7], [sflag:s8] =	dma.local @!p0 [hbm:s6], $0xF7A  }
0x23: {  	s9 =	sor.u32 $0xD0000000, s2;
	s6 =	simm.s32 $0x108;
	_ =	swait.ge @!p0 [sflag:s8], $0x0  }
0x24: {  	s3 =	sadd.s32 $0x88, s3;
	s6 =	simm.s32 @!p1 $0x1082;
	[sflag:s4] =	ssyncset.s32 $0xFFFFF086  }
0x25: {  	[simem:s6], [sflag:s4] =	dma.local [hbm:s3], $0xF7A  }
0x26: {  	[smem:$0x3F82] =	sst s1;
	(tag) =	ssettag s2;
	_ =	strace s9  }
0x27: {  	s1 =	sld [smem:$0x3F92]  }
0x28: {  	s2 =	sld [smem:$0x3F93]  }
0x29: {  	s4 =	sld [smem:$0x3F95]  }
0x2a: {  	p0 =	seq.s32 s5, $0x0;
	s5 =	sld [smem:$0x3F96]  }
0x2b: {  	s6 =	sld [smem:$0x3F97]  }
0x2c: {  	s7 =	sld [smem:$0x3F98]  }
0x2d: {  	s3 =	simm.s32 $0x108;
	s8 =	sld [smem:$0x3F99]  }
0x2e: {  	s3 =	simm.s32 @!p0 $0x1082;
	s9 =	sld [smem:$0x3F9A]  }
0x2f: {  	lr =	sadd.s32 s0, s3;
	s0 =	sld [smem:$0x3F91]  }
0x30: {  	s3 =	sld [smem:$0x3F94]  }
0x31: {  	[smem:$0x3F9D] =	sst s10  }
0x32: {  	s10 =	sld [smem:$0x3F9B];
	_ =	sdelay $0x3  }
0x33: {  	p0 =	seq.s32 s10, $0x1;
	s10 =	sld [smem:$0x3F9D];
	_ =	sdelay $0x3  }
0x34: {  	[smem:$0x3F9D] =	sst s10  }
0x35: {  	s10 =	sld [smem:$0x3F9C];
	_ =	sdelay $0x3  }
0x36: {  	p1 =	seq.s32 s10, $0x1;
	s10 =	sld [smem:$0x3F9D];
	_ =	sdelay $0x3  }
0x37: {  	[smem:$0x3F9D] =	sst s10  }
0x38: {  	s10 =	sld [smem:$0x3F9E]  }
0x39: {  	_ = 	snop;
	(pc) =	sbr.ind lr, $3  }
0x3a: {  	_ = 	snop  }
0x3b: {  	_ = 	snop  }
0x3c: {  	p2 =	seq.s32 s10, $0x1;
	s10 =	sld [smem:$0x3F9D]  }
0x3d: {  	_ =	shalt  }
0x3e: {  	_ =	shalt  }
0x3f: {  	_ =	shalt  }
0x40: {  	_ =	shalt  }
0x41: {  	_ =	shalt  }
0x42: {  	_ =	shalt  }
0x43: {  	_ =	shalt  }
0x44: {  	_ =	shalt  }
0x45: {  	_ =	shalt  }
0x46: {  	_ =	shalt  }
0x47: {  	_ =	shalt  }
0x48: {  	_ =	shalt  }
0x49: {  	_ =	shalt  }
0x4a: {  	_ =	shalt  }
0x4b: {  	_ =	shalt  }
0x4c: {  	_ =	shalt  }
0x4d: {  	_ =	shalt  }
0x4e: {  	_ =	shalt  }
0x4f: {  	_ =	shalt  }
0x50: {  	_ =	shalt  }
0x51: {  	_ =	shalt  }
0x52: {  	_ =	shalt  }
0x53: {  	_ =	shalt  }
0x54: {  	_ =	shalt  }
0x55: {  	_ =	shalt  }
0x56: {  	_ =	shalt  }
0x57: {  	_ =	shalt  }
0x58: {  	_ =	shalt  }
0x59: {  	_ =	shalt  }
0x5a: {  	_ =	shalt  }
0x5b: {  	_ =	shalt  }
0x5c: {  	_ =	shalt  }
0x5d: {  	_ =	shalt  }
0x5e: {  	_ =	shalt  }
0x5f: {  	_ =	shalt  }
0x60: {  	_ =	shalt  }
0x61: {  	_ =	shalt  }
0x62: {  	_ =	shalt  }
0x63: {  	_ =	shalt  }
0x64: {  	_ =	shalt  }
0x65: {  	_ =	shalt  }
0x66: {  	_ =	shalt  }
0x67: {  	_ =	shalt  }
0x68: {  	_ =	shalt  }
0x69: {  	_ =	shalt  }
0x6a: {  	_ =	shalt  }
0x6b: {  	_ =	shalt  }
0x6c: {  	_ =	shalt  }
0x6d: {  	_ =	shalt  }
0x6e: {  	_ =	shalt  }
0x6f: {  	_ =	shalt  }
0x70: {  	_ =	shalt  }
0x71: {  	_ =	shalt  }
0x72: {  	_ =	shalt  }
0x73: {  	_ =	shalt  }
0x74: {  	_ =	shalt  }
0x75: {  	_ =	shalt  }
0x76: {  	_ =	shalt  }
0x77: {  	_ =	shalt  }
0x78: {  	_ =	shalt  }
0x79: {  	_ =	shalt  }
0x7a: {  	_ =	shalt  }
0x7b: {  	_ =	shalt  }
0x7c: {  	_ =	shalt  }
0x7d: {  	_ =	shalt  }
0x7e: {  	_ =	shalt  }
0x7f: {  	_ =	shalt  }
0x80: {  	_ =	shalt  }
0x81: {  	_ =	shalt  }
0x82: {  	_ =	shalt  }
0x83: {  	_ =	shalt  }
0x84: {  	_ =	shalt  }
0x85: {  	_ =	shalt  }
0x86: {  	_ =	shalt  }
0x87: {  	_ =	shalt  }
.Lfunc_end0:
.L_simem_size_0:
called_computation.2_lowered:
.L_overlay_start_0:
0x88: {  	s2 =	sld [smem:$0x3FD9]  }
0x89: {  	s3 =	sld [smem:$0x3FFE];
	_ =	sdelay $0x1  }
0x8a: {  	s1 =	srdreg.scid  }
0x8b: {  	s0 =	sand.u32 $0x1, s1  }
0x8c: {  	s14 =	sshll.u32 s0, $0xA;
	s2 =	sadd.s32 s3, s2  }
0x8d: {  	s2 =	sadd.s32 s2, s14  }
0x8e: {  	[smem:$0x3FA9] =	sst s2  }
0x8f: {  	_ = 	snop  }
0x90: {  	s2 =	sld [smem:$0x3FD0];
	_ =	sdelay $0x2  }
0x91: {  	s15 =	simm.s32 $0xA;
	s4 =	simm.s32 $0x10  }
0x92: {  	[smem:s4], [sflag:s15] =	dma.local [hbm:s2], $0x1  }
0x93: {  	_ =	swait.eq [sflag:s15], $0x1  }
0x94: {  	[sflag:s15] =	ssyncset.done $0x0  }
0x95: {  	[sflag:s15] =	ssyncadd.s32 $0xFFFFFFFF  }
0x96: {  	s16 =	sld [smem:$0x11];
	(tm) =	ssettm $0x1  }
0x97: {  	s17 =	sld [smem:$0x3FFB];
	_ =	sdelay $0x3  }
0x98: {  	_ =	strace s17  }
0x99: {  	s3 =	sld [smem:$0x3FFC];
	_ =	sdelay $0x3  }
0x9a: {  	_ =	strace s3  }
0x9b: {  	s3 =	sld [smem:$0x3FFD];
	_ =	sdelay $0x3  }
0x9c: {  	_ =	strace s3  }
0x9d: {  	_ =	strace $0x8FFFFFFF  }
0x9e: {  	s18 =	sld [smem:$0x3FDB];
	_ =	sdelay $0x1  }
0x9f: {  	s19 =	simm.s32 $_scs_section_size  }
0xa0: {  	s5 =	simm.s32 $_size__tile_overlayer_lowered;
	s6 =	simm.s32 $_tile_overlayer_lowered  }
0xa1: {  	s22 =	simm.s32 $0x1BFF;
	s21 =	sshll.u32 s6, $0x1;
	s3 =	sadd.s32 s19, s18  }
0xa2: {  	s7 =	simm.s32 $0x0;
	s20 =	sshll.u32 s5, $0x1;
	s5 =	sadd.s32 s21, s3  }
0xa3: {  	[timem:s7], [sflag:s22] =	dma.local [hbm:s5], s20  }
0xa4: {  	_ =	swait.ge [sflag:s22], s20  }
0xa5: {  	s4 =	ssub.s32 $0x0, s20;
	[sflag:s22] =	ssyncset.done $0x0  }
0xa6: {  	[sflag:s22] =	ssyncadd.s32 s4;
	_ =	sdelay $0x1  }
0xa7: {  	s23 =	simm.s32 $0x1B8B  }
0xa8: {  	_ =	swait.ge [sflag:s23], $0x1  }
0xa9: {  	[sflag:s23] =	ssyncset.done $0x0  }
0xaa: {  	s25 =	simm.s32 $0x1B8E;
	s24 =	sld [smem:$0x3FFE];
	[sflag:s23] =	ssyncadd.s32 $0xFFFFFFFF  }
0xab: {  	s26 =	simm.s32 $execute0_lowered;
	[smem:$0x3FD2] =	sst s25  }
0xac: {  	s5 =	sshll.u32 s26, $0x1;
	_ =	strace $0x8000004C;
	[dreg:$0x1] =	wrdreg $0xFFFFFFFF  }
0xad: {  	s28 =	simm.s32 $_size_execute0_lowered;
	s3 =	sadd.s32 s3, s5;
	[dreg:$0x0] =	wrdreg $0x0  }
0xae: {  	s5 =	sshll.u32 s28, $0x1;
	[dreg:$0x2] =	wrdreg s3  }
0xaf: {  	[dreg:$0x3] =	wrdreg s5  }
0xb0: {  	[dreg:$0x4] =	wrdreg $0xC0  }
0xb1: {  	_ =	task [dreg:s7], $0x5FFFF  }
0xb2: {  	[dreg:$0x1] =	wrdreg $0xFFFFFFFF  }
0xb3: {  	[dreg:$0x0] =	wrdreg $0x60  }
0xb4: {  	[dreg:$0x2] =	wrdreg s24  }
0xb5: {  	[dreg:$0x3] =	wrdreg s16  }
0xb6: {  	[dreg:$0x4] =	wrdreg $0x9  }
0xb7: {  	_ =	task.clear_ibuf [dreg:s7], $0x5FFFF;
	_ =	strace $0x9000004C  }
0xb8: {  	s29 =	simm.s32 $0x9;
	_ =	strace $0x8000004E  }
0xb9: {  	_ =	swait.ge [sflag:s29], $0x1  }
0xba: {  	[sflag:s29] =	ssyncadd.s32 $0xFFFFFFFF  }
0xbb: {  	_ =	strace $0x9000004E  }
0xbc: {  	_ =	sfence  }
0xbd: {  	s30 =	sld [smem:$0x0];
	_ =	sdelay $0x2  }
0xbe: {  	s31 =	sshll.u32 s1, $0xD;
	s1 =	sshrl.u32 s1, $0x2  }
0xbf: {  	s3 =	sand.u32 $0x4000, s31;
	s1 =	sadd.s32 s1, s30  }
0xc0: {  	s0 =	sor.u32 s3, s0;
	s1 =	sshll.u32 s1, $0x11  }
0xc1: {  	s0 =	sor.u32 s1, s0  }
0xc2: {  	s0 =	sadd.s32 $0x8F2B, s0  }
0xc3: {  	[sflag:s0] =	ssyncadd.remote.s32 $0x1  }
0xc4: {  	_ =	sfence.sel $0xFFFF  }
0xc5: {  	[dreg:$0x0] =	wrdreg $0xFFFFFFFF;
	(pc) =	sbr.abs _section_cstart, $3  }
0xc6: {  	[dreg:$0x1] =	wrdreg $0xFFFFFFFF  }
0xc7: {  	_ =	task.clear_ibuf [dreg:s7], $0x2FFFF;
	_ =	strace $0x9FFFFFFF  }
0xc8: {  	(tm) =	ssettm $0x7FFFFFFF  }
0xc9: {  	_ =	shalt  }
tec
execute0_lowered:
.L_overlay_start_1:
0x0: {  	(tag) =	ssettag $0x1  }
0x1: {  	s17 =	rddreg [dreg:$0x0]  }
0x2: {  	s1 =	srdreg.scid;
	s0 =	stileid.u32  }
0x3: {  	s3 =	rddreg [dreg:$0x1];
	s18 =	sand.u32 $0x1, s1;
	s4 =	sshll.u32 s0, $0x1  }
0x4: {  	s2 =	simm.s32 $0x0;
	s1 =	rddreg [dreg:$0x2];
	s19 =	sor.u32 s18, s4  }
0x5: {  	[smem:$0x7FF] =	sst s2;
	s4 =	sshll.u32 s19, $0x7  }
0x6: {  	_ =	strace $0x8000004D;
	s4 =	sadd.s32 s3, s4;
	s3 =	simm.s32 $0x2  }
0x7: {  	[tilespmem:s2], [sflag:$0x2] =	stream.linear.gather [hbm4b:s4+s2], $0x280, $0x38;
	[tilespmem:$0xCC00] =	vst v63  }
0x8: {  	_ =	swait.ge [sflag:s3], $0x280  }
0x9: {  	s6 =	simm.s32 $0x50;
	[sflag:s3] =	ssyncset.done $0x0  }
0xa: {  	s7 =	simm.s32 $0x400;
	s5 =	sadd.s32 $0x5C00, s17;
	[sflag:s3] =	ssyncadd.s32 $0xFFFFFD80  }
0xb: {  	[tilespmem:s7], [sflag:$0x1] =	stream.indirect.gather [hbm4b:s5+s6], $0x80, s2, s6, $0xb8;
	[tilespmem:$0xCC00] =	vst v63  }
0xc: {  	s8 =	simm.s32 $0x80;
	s9 =	simm.s32 $0x2C00  }
0xd: {  	[tilespmem:s9], [sflag:$0x1] =	stream.indirect.gather [hbm4b:s5+s6], $0x80, s8, s6, $0xb8;
	[tilespmem:$0xCC00] =	vst v63  }
0xe: {  	s10 =	simm.s32 $0x100;
	s11 =	simm.s32 $0x5400  }
0xf: {  	[tilespmem:s11], [sflag:$0x1] =	stream.indirect.gather [hbm4b:s5+s6], $0x80, s10, s6, $0xb8;
	[tilespmem:$0xCC00] =	vst v63  }
0x10: {  	s12 =	simm.s32 $0x180;
	s13 =	simm.s32 $0x7C00  }
0x11: {  	[tilespmem:s13], [sflag:$0x1] =	stream.indirect.gather [hbm4b:s5+s6], $0x80, s12, s6, $0xb8;
	[tilespmem:$0xCC00] =	vst v63  }
0x12: {  	s14 =	simm.s32 $0x200;
	s15 =	simm.s32 $0xA400;
	s16 =	simm.s32 $0x1  }
0x13: {  	[tilespmem:s15], [sflag:$0x1] =	stream.indirect.gather [hbm4b:s5+s6], $0x80, s14, s6, $0xb8;
	[tilespmem:$0xCC00] =	vst v63  }
0x14: {  	_ =	swait.ge [sflag:s16], $0x2800  }
0x15: {  	[sflag:s16] =	ssyncset.done $0x0  }
0x16: {  	[sflag:s16] =	ssyncadd.s32 $0xFFFFD800  }
0x17: {  	_ =	swait.ge [sflag:s16], $0x2800  }
0x18: {  	[sflag:s16] =	ssyncset.done $0x0  }
0x19: {  	[sflag:s16] =	ssyncadd.s32 $0xFFFFD800  }
0x1a: {  	_ =	swait.ge [sflag:s16], $0x2800  }
0x1b: {  	[sflag:s16] =	ssyncset.done $0x0  }
0x1c: {  	s18 =	ssub.s32 $0x2, s18;
	[sflag:s16] =	ssyncadd.s32 $0xFFFFD800  }
0x1d: {  	s20 =	sshrl.u32 s18, $0x1;
	_ =	swait.ge [sflag:s16], $0x2800  }
0x1e: {  	s18 =	ssub.s32 s18, s20;
	[sflag:s16] =	ssyncset.done $0x0  }
0x1f: {  	s19 =	smul.u32 $0x1900, s19;
	s18 =	smax.u32 s18, $0x1;
	[sflag:s16] =	ssyncadd.s32 $0xFFFFD800  }
0x20: {  	p0 =	sne.s32 s18, $0x1;
	_ =	swait.ge [sflag:s16], $0x2800  }
.Ltmp0:
0x21: {  	s17 =	sadd.s32 s19, s17;
	[sflag:s16] =	ssyncset.done $0x0;
	(pc) =	sbr.rel @!p0 .LBB2_2-.Ltmp0, $4  }
0x22: {  	s17 =	sadd.s32 $0x90600, s17;
	[sflag:s16] =	ssyncadd.s32 $0xFFFFD800  }
0x23: {  	[hbm4b:s17+s2] =	stream.linear.scatter [tilespmem:s7], [sflag:$0x2], $0xC800, $0x38;
	[tilespmem:$0xCC00] =	vst v63  }
0x24: {  	_ =	swait.ge [sflag:s3], $0xC800  }
0x25: {  	s18 =	sadd.s32 $0xFFFFFFFF, s18;
	[sflag:s3] =	ssyncset.done $0x0  }
.LBB2_1:
0x26: {  	p0 =	sne.s32 s18, $0x1;
	s18 =	sadd.s32 $0xFFFFFFFF, s18;
	[sflag:s3] =	ssyncadd.s32 $0xFFFF3800  }
0x27: {  	[tilespmem:s2], [sflag:$0x2] =	stream.linear.gather [hbm4b:s4+s2], $0x280, $0x38;
	[tilespmem:$0xCC00] =	vst v63  }
0x28: {  	_ =	swait.ge [sflag:s3], $0x280  }
0x29: {  	[sflag:s3] =	ssyncset.done $0x0  }
0x2a: {  	[sflag:s3] =	ssyncadd.s32 $0xFFFFFD80  }
0x2b: {  	[tilespmem:s7], [sflag:$0x1] =	stream.indirect.gather [hbm4b:s5+s6], $0x80, s2, s6, $0xb8;
	[tilespmem:$0xCC00] =	vst v63  }
0x2c: {  	_ = 	snop  }
0x2d: {  	[tilespmem:s9], [sflag:$0x1] =	stream.indirect.gather [hbm4b:s5+s6], $0x80, s8, s6, $0xb8;
	[tilespmem:$0xCC00] =	vst v63  }
0x2e: {  	_ = 	snop  }
0x2f: {  	[tilespmem:s11], [sflag:$0x1] =	stream.indirect.gather [hbm4b:s5+s6], $0x80, s10, s6, $0xb8;
	[tilespmem:$0xCC00] =	vst v63  }
0x30: {  	_ = 	snop  }
0x31: {  	[tilespmem:s13], [sflag:$0x1] =	stream.indirect.gather [hbm4b:s5+s6], $0x80, s12, s6, $0xb8;
	[tilespmem:$0xCC00] =	vst v63  }
0x32: {  	_ = 	snop  }
0x33: {  	[tilespmem:s15], [sflag:$0x1] =	stream.indirect.gather [hbm4b:s5+s6], $0x80, s14, s6, $0xb8;
	[tilespmem:$0xCC00] =	vst v63  }
0x34: {  	_ =	swait.ge [sflag:s16], $0x2800  }
0x35: {  	[sflag:s16] =	ssyncset.done $0x0  }
0x36: {  	[sflag:s16] =	ssyncadd.s32 $0xFFFFD800  }
0x37: {  	_ =	swait.ge [sflag:s16], $0x2800  }
0x38: {  	[sflag:s16] =	ssyncset.done $0x0  }
0x39: {  	[sflag:s16] =	ssyncadd.s32 $0xFFFFD800  }
0x3a: {  	_ =	swait.ge [sflag:s16], $0x2800  }
0x3b: {  	[sflag:s16] =	ssyncset.done $0x0  }
0x3c: {  	[sflag:s16] =	ssyncadd.s32 $0xFFFFD800  }
0x3d: {  	_ =	swait.ge [sflag:s16], $0x2800  }
0x3e: {  	[sflag:s16] =	ssyncset.done $0x0  }
0x3f: {  	[sflag:s16] =	ssyncadd.s32 $0xFFFFD800  }
0x40: {  	_ =	swait.ge [sflag:s16], $0x2800  }
.Ltmp1:
0x41: {  	[sflag:s16] =	ssyncset.done $0x0;
	(pc) =	sbr.rel @p0 .LBB2_1-.Ltmp1, $4  }
0x42: {  	[sflag:s16] =	ssyncadd.s32 $0xFFFFD800  }
0x43: {  	[hbm4b:s17+s2] =	stream.linear.scatter [tilespmem:s7], [sflag:$0x2], $0xC800, $0x38;
	[tilespmem:$0xCC00] =	vst v63  }
0x44: {  	_ =	swait.ge [sflag:s3], $0xC800  }
0x45: {  	[sflag:s3] =	ssyncset.done $0x0  }
.LBB2_2:
0x46: {  	[sflag:s3] =	ssyncadd.s32 $0xFFFF3800  }
0x47: {  	_ =	sfence.sel $0x180000  }
0x48: {  	[bflag:$0x0] =	sbarrier.arrive $0xFFFF  }
0x49: {  	p0 =	sne.s32 s0, $0x0;
	_ =	strace $0x9000004D  }
0x4a: {  	s0 =	sadd.s32 @!p0 $0x100000, s1;
	[bflag:$0x2] =	sbarrier.arrive $0xFFFF  }
0x4b: {  	[sflag:s0] =	ssyncadd.tile.s32 @!p0 $0x1;
	_ =	shalt  }
.Lfunc_end2:
_tile_overlayer_lowered:
.L_overlay_start_2:
0x4c: {  	(tag) =	ssettag $0x2  }
0x4d: {  	s0 =	rddreg [dreg:$0x0];
	s2 =	stileid.u32  }
0x4e: {  	s1 =	rddreg [dreg:$0x1];
	p0 =	sne.s32 s2, $0x0  }
0x4f: {  	s3 =	rddreg [dreg:$0x2];
	[bflag:$0x3] =	sbarrier.arrive $0xFFFF;
	s2 =	simm.s32 @!p0 $0x1C02  }
0x50: {  	[timem:s3], [sflag:s2] =	dma.local @!p0 [hbm:s0], s1  }
0x51: {  	s0 =	simm.s32 @!p0 $0x2  }
0x52: {  	_ =	swait.ge @!p0 [sflag:s0], s1  }
0x53: {  	s1 =	ssub.s32 @!p0 $0x0, s1;
	[sflag:s0] =	ssyncset.done @!p0 $0x0  }
0x54: {  	[sflag:s0] =	ssyncadd.s32 @!p0 s1  }
0x55: {  	[bflag:$0x3] =	sbarrier.arrive $0xFFFF  }
0x56: {  	_ =	shalt  }

// kernel: kernel.23.cloned.1.call-start
scs
__scs_entry_jumppad:
0x0: {  	(pc) =	sbr.rel $0x88, $3  }
0x1: {  	(tag) =	ssettag $0x0;
	lr =	simm.s32 $0x1  }
0x2: {  	[smem:$0x3F82] =	sst lr;
	_ =	strace $0xD0000000  }
0x3: {  	_ = 	snop  }
0x4: {  	_ = 	snop  }
0x5: {  	_ = 	snop  }
0x6: {  	_ = 	snop  }
0x7: {  	_ = 	snop  }
__scs_overlays_trampoline_lowered:
0x8: {  	[smem:$0x3F91] =	sst s0  }
0x9: {  	[smem:$0x3F92] =	sst s1  }
0xa: {  	[smem:$0x3F93] =	sst s2  }
0xb: {  	[smem:$0x3F94] =	sst s3  }
0xc: {  	[smem:$0x3F95] =	sst s4  }
0xd: {  	[smem:$0x3F96] =	sst s5  }
0xe: {  	[smem:$0x3F97] =	sst s6  }
0xf: {  	[smem:$0x3F98] =	sst s7  }
0x10: {  	[smem:$0x3F99] =	sst s8  }
0x11: {  	[smem:$0x3F9A] =	sst s9;
	s0 =	simm.s32 @!p0 $0x0  }
0x12: {  	s1 =	sld [smem:$0x3F80];
	s0 =	simm.s32 @p0 $0x1  }
0x13: {  	[smem:$0x3F9B] =	sst s0;
	s0 =	simm.s32 @!p1 $0x0  }
0x14: {  	s2 =	sld [smem:$0x3F7F];
	s0 =	simm.s32 @p1 $0x1  }
0x15: {  	[smem:$0x3F9C] =	sst s0;
	s0 =	simm.s32 @!p2 $0x0  }
0x16: {  	s3 =	sld [smem:$0x3FDB];
	s0 =	simm.s32 @p2 $0x1  }
0x17: {  	s4 =	simm.s32 $0x1BF5;
	[smem:$0x3F9E] =	sst s0  }
0x18: {  	s0 =	sld [smem:$0x3F81];
	_ =	swait.ge [sflag:s4], $0x0  }
0x19: {  	s7 =	sld [smem:$0x3F82]  }
0x1a: {  	s8 =	sadd.s32 $0xFFFFE003, lr  }
0x1b: {  	s9 =	sadd.s32 $0xFFFFFEF7, lr;
	s5 =	simm.s32 $0xFFFFFFFF;
	p2 =	slt.u32 s8, $0xFFFFF086  }
0x1c: {  	p1 =	slt.u32 s9, $0xF7A;
	s5 =	simm.s32 @!p2 $0x0  }
0x1d: {  	s5 =	simm.s32 @p1 $0x1;
	p0 =	seq.s32 s7, s2  }
0x1e: {  	s7 =	smul.u32 @!p0 $0xF7A, s2;
	p2 =	seq.s32 @!p0 s5, $0x0  }
0x1f: {  	s9 =	smul.u32 $0xF7A, s1;
	s8 =	simm.s32 @!p0 $0x1BF5;
	p2 =	por !p2, p0  }
0x20: {  	[sflag:s8] =	ssyncset.s32 @!p0 $0xFFFFF086;
	s6 =	sadd.s32 @!p0 s3, s7;
	s7 =	simm.s32 @!p0 $0x108  }
0x21: {  	s3 =	sadd.s32 s3, s9;
	s6 =	sadd.s32 @!p0 $0x88, s6;
	s7 =	simm.s32 @p2 $0x1082  }
0x22: {  	[simem:s7], [sflag:s8] =	dma.local @!p0 [hbm:s6], $0xF7A  }
0x23: {  	s9 =	sor.u32 $0xD0000000, s2;
	s6 =	simm.s32 $0x108;
	_ =	swait.ge @!p0 [sflag:s8], $0x0  }
0x24: {  	s3 =	sadd.s32 $0x88, s3;
	s6 =	simm.s32 @!p1 $0x1082;
	[sflag:s4] =	ssyncset.s32 $0xFFFFF086  }
0x25: {  	[simem:s6], [sflag:s4] =	dma.local [hbm:s3], $0xF7A  }
0x26: {  	[smem:$0x3F82] =	sst s1;
	(tag) =	ssettag s2;
	_ =	strace s9  }
0x27: {  	s1 =	sld [smem:$0x3F92]  }
0x28: {  	s2 =	sld [smem:$0x3F93]  }
0x29: {  	s4 =	sld [smem:$0x3F95]  }
0x2a: {  	p0 =	seq.s32 s5, $0x0;
	s5 =	sld [smem:$0x3F96]  }
0x2b: {  	s6 =	sld [smem:$0x3F97]  }
0x2c: {  	s7 =	sld [smem:$0x3F98]  }
0x2d: {  	s3 =	simm.s32 $0x108;
	s8 =	sld [smem:$0x3F99]  }
0x2e: {  	s3 =	simm.s32 @!p0 $0x1082;
	s9 =	sld [smem:$0x3F9A]  }
0x2f: {  	lr =	sadd.s32 s0, s3;
	s0 =	sld [smem:$0x3F91]  }
0x30: {  	s3 =	sld [smem:$0x3F94]  }
0x31: {  	[smem:$0x3F9D] =	sst s10  }
0x32: {  	s10 =	sld [smem:$0x3F9B];
	_ =	sdelay $0x3  }
0x33: {  	p0 =	seq.s32 s10, $0x1;
	s10 =	sld [smem:$0x3F9D];
	_ =	sdelay $0x3  }
0x34: {  	[smem:$0x3F9D] =	sst s10  }
0x35: {  	s10 =	sld [smem:$0x3F9C];
	_ =	sdelay $0x3  }
0x36: {  	p1 =	seq.s32 s10, $0x1;
	s10 =	sld [smem:$0x3F9D];
	_ =	sdelay $0x3  }
0x37: {  	[smem:$0x3F9D] =	sst s10  }
0x38: {  	s10 =	sld [smem:$0x3F9E]  }
0x39: {  	_ = 	snop;
	(pc) =	sbr.ind lr, $3  }
0x3a: {  	_ = 	snop  }
0x3b: {  	_ = 	snop  }
0x3c: {  	p2 =	seq.s32 s10, $0x1;
	s10 =	sld [smem:$0x3F9D]  }
0x3d: {  	_ =	shalt  }
0x3e: {  	_ =	shalt  }
0x3f: {  	_ =	shalt  }
0x40: {  	_ =	shalt  }
0x41: {  	_ =	shalt  }
0x42: {  	_ =	shalt  }
0x43: {  	_ =	shalt  }
0x44: {  	_ =	shalt  }
0x45: {  	_ =	shalt  }
0x46: {  	_ =	shalt  }
0x47: {  	_ =	shalt  }
0x48: {  	_ =	shalt  }
0x49: {  	_ =	shalt  }
0x4a: {  	_ =	shalt  }
0x4b: {  	_ =	shalt  }
0x4c: {  	_ =	shalt  }
0x4d: {  	_ =	shalt  }
0x4e: {  	_ =	shalt  }
0x4f: {  	_ =	shalt  }
0x50: {  	_ =	shalt  }
0x51: {  	_ =	shalt  }
0x52: {  	_ =	shalt  }
0x53: {  	_ =	shalt  }
0x54: {  	_ =	shalt  }
0x55: {  	_ =	shalt  }
0x56: {  	_ =	shalt  }
0x57: {  	_ =	shalt  }
0x58: {  	_ =	shalt  }
0x59: {  	_ =	shalt  }
0x5a: {  	_ =	shalt  }
0x5b: {  	_ =	shalt  }
0x5c: {  	_ =	shalt  }
0x5d: {  	_ =	shalt  }
0x5e: {  	_ =	shalt  }
0x5f: {  	_ =	shalt  }
0x60: {  	_ =	shalt  }
0x61: {  	_ =	shalt  }
0x62: {  	_ =	shalt  }
0x63: {  	_ =	shalt  }
0x64: {  	_ =	shalt  }
0x65: {  	_ =	shalt  }
0x66: {  	_ =	shalt  }
0x67: {  	_ =	shalt  }
0x68: {  	_ =	shalt  }
0x69: {  	_ =	shalt  }
0x6a: {  	_ =	shalt  }
0x6b: {  	_ =	shalt  }
0x6c: {  	_ =	shalt  }
0x6d: {  	_ =	shalt  }
0x6e: {  	_ =	shalt  }
0x6f: {  	_ =	shalt  }
0x70: {  	_ =	shalt  }
0x71: {  	_ =	shalt  }
0x72: {  	_ =	shalt  }
0x73: {  	_ =	shalt  }
0x74: {  	_ =	shalt  }
0x75: {  	_ =	shalt  }
0x76: {  	_ =	shalt  }
0x77: {  	_ =	shalt  }
0x78: {  	_ =	shalt  }
0x79: {  	_ =	shalt  }
0x7a: {  	_ =	shalt  }
0x7b: {  	_ =	shalt  }
0x7c: {  	_ =	shalt  }
0x7d: {  	_ =	shalt  }
0x7e: {  	_ =	shalt  }
0x7f: {  	_ =	shalt  }
0x80: {  	_ =	shalt  }
0x81: {  	_ =	shalt  }
0x82: {  	_ =	shalt  }
0x83: {  	_ =	shalt  }
0x84: {  	_ =	shalt  }
0x85: {  	_ =	shalt  }
0x86: {  	_ =	shalt  }
0x87: {  	_ =	shalt  }
.Lfunc_end0:
.L_simem_size_0:
called_computation.3_lowered:
.L_overlay_start_0:
0x88: {  	s2 =	sld [smem:$0x3FD9]  }
0x89: {  	s3 =	sld [smem:$0x3FFE];
	_ =	sdelay $0x1  }
0x8a: {  	s1 =	srdreg.scid  }
0x8b: {  	s0 =	sand.u32 $0x1, s1  }
0x8c: {  	s16 =	sshll.u32 s0, $0xA;
	s2 =	sadd.s32 s3, s2  }
0x8d: {  	s2 =	sadd.s32 s2, s16  }
0x8e: {  	[smem:$0x3FA9] =	sst s2  }
0x8f: {  	_ = 	snop  }
0x90: {  	(tm) =	ssettm $0x1  }
0x91: {  	s17 =	sld [smem:$0x3FFB];
	_ =	sdelay $0x3  }
0x92: {  	_ =	strace s17  }
0x93: {  	s2 =	sld [smem:$0x3FFC];
	_ =	sdelay $0x3  }
0x94: {  	_ =	strace s2  }
0x95: {  	s2 =	sld [smem:$0x3FFD];
	_ =	sdelay $0x3  }
0x96: {  	_ =	strace s2  }
0x97: {  	_ =	strace $0x8FFFFFFF  }
0x98: {  	s18 =	sld [smem:$0x3FDB];
	_ =	sdelay $0x1  }
0x99: {  	s19 =	simm.s32 $_scs_section_size  }
0x9a: {  	s4 =	simm.s32 $_size__tile_overlayer_lowered;
	s5 =	simm.s32 $_tile_overlayer_lowered  }
0x9b: {  	s22 =	simm.s32 $0x1BFF;
	s21 =	sshll.u32 s5, $0x1;
	s2 =	sadd.s32 s19, s18  }
0x9c: {  	s6 =	simm.s32 $0x0;
	s20 =	sshll.u32 s4, $0x1;
	s4 =	sadd.s32 s21, s2  }
0x9d: {  	[timem:s6], [sflag:s22] =	dma.local [hbm:s4], s20  }
0x9e: {  	_ =	swait.ge [sflag:s22], s20  }
0x9f: {  	s3 =	ssub.s32 $0x0, s20;
	[sflag:s22] =	ssyncset.done $0x0  }
0xa0: {  	[sflag:s22] =	ssyncadd.s32 s3;
	_ =	sdelay $0x1  }
0xa1: {  	s23 =	simm.s32 $0x1B8B  }
0xa2: {  	_ =	swait.ge [sflag:s23], $0x1  }
0xa3: {  	[sflag:s23] =	ssyncset.done $0x0  }
0xa4: {  	s25 =	simm.s32 $0x1B8E;
	s24 =	sld [smem:$0x3FFE];
	[sflag:s23] =	ssyncadd.s32 $0xFFFFFFFF  }
0xa5: {  	s26 =	simm.s32 $execute0_lowered;
	[smem:$0x3FD2] =	sst s25  }
0xa6: {  	s4 =	sshll.u32 s26, $0x1;
	_ =	strace $0x8000004F;
	[dreg:$0x1] =	wrdreg $0xFFFFFFFF  }
0xa7: {  	s28 =	simm.s32 $_size_execute0_lowered;
	s2 =	sadd.s32 s2, s4;
	[dreg:$0x0] =	wrdreg $0x0  }
0xa8: {  	s4 =	sshll.u32 s28, $0x1;
	[dreg:$0x2] =	wrdreg s2  }
0xa9: {  	[dreg:$0x3] =	wrdreg s4  }
0xaa: {  	[dreg:$0x4] =	wrdreg $0xC0  }
0xab: {  	_ =	task [dreg:s6], $0x5FFFF  }
0xac: {  	[dreg:$0x1] =	wrdreg $0xFFFFFFFF  }
0xad: {  	[dreg:$0x0] =	wrdreg $0x60  }
0xae: {  	[dreg:$0x2] =	wrdreg s24  }
0xaf: {  	[dreg:$0x3] =	wrdreg $0xCC000  }
0xb0: {  	[dreg:$0x4] =	wrdreg $0x9  }
0xb1: {  	_ =	task.clear_ibuf [dreg:s6], $0x5FFFF;
	_ =	strace $0x9000004F  }
0xb2: {  	s29 =	simm.s32 $0x9;
	_ =	strace $0x80000051  }
0xb3: {  	_ =	swait.ge [sflag:s29], $0x1  }
0xb4: {  	[sflag:s29] =	ssyncadd.s32 $0xFFFFFFFF  }
0xb5: {  	_ =	strace $0x90000051  }
0xb6: {  	_ =	sfence  }
0xb7: {  	s30 =	sld [smem:$0x0];
	_ =	sdelay $0x2  }
0xb8: {  	s31 =	sshll.u32 s1, $0xD;
	s1 =	sshrl.u32 s1, $0x2  }
0xb9: {  	s3 =	sand.u32 $0x4000, s31;
	s1 =	sadd.s32 s1, s30  }
0xba: {  	s0 =	sor.u32 s3, s0;
	s1 =	sshll.u32 s1, $0x11  }
0xbb: {  	s0 =	sor.u32 s1, s0  }
0xbc: {  	s0 =	sadd.s32 $0x8F2B, s0  }
0xbd: {  	[sflag:s0] =	ssyncadd.remote.s32 $0x1  }
0xbe: {  	_ =	sfence.sel $0xFFFF  }
0xbf: {  	[dreg:$0x0] =	wrdreg $0xFFFFFFFF;
	(pc) =	sbr.abs _section_cstart, $3  }
0xc0: {  	[dreg:$0x1] =	wrdreg $0xFFFFFFFF  }
0xc1: {  	_ =	task.clear_ibuf [dreg:s6], $0x2FFFF;
	_ =	strace $0x9FFFFFFF  }
0xc2: {  	(tm) =	ssettm $0x7FFFFFFF  }
0xc3: {  	_ =	shalt  }
tec
execute0_lowered:
.L_overlay_start_1:
0x0: {  	(tag) =	ssettag $0x1  }
0x1: {  	s20 =	rddreg [dreg:$0x0]  }
0x2: {  	s2 =	rddreg [dreg:$0x1]  }
0x3: {  	s0 =	rddreg [dreg:$0x2];
	s1 =	stileid.u32  }
0x4: {  	s3 =	simm.s32 $0x0;
	s4 =	srdreg.scid;
	s21 =	smul.u32 $0x6400, s1  }
0x5: {  	[smem:$0x7FF] =	sst s3;
	s5 =	smul.u32 $0x19000, s1;
	s22 =	sand.u32 $0x1, s4  }
0x6: {  	s24 =	sshll.u32 s1, $0x1;
	s28 =	sshll.u32 s1, $0x6;
	_ =	strace $0x80000050  }
0x7: {  	s8 =	sor.u32 s22, s24;
	s6 =	sshrl.u32 s21, $0x3;
	s5 =	sshrl.u32 s5, $0x2  }
0x8: {  	s25 =	sadd.s32 s6, s20;
	s26 =	sadd.s32 s5, s2;
	s5 =	sor.u32 $0x1C01, s28  }
0x9: {  	s6 =	simm.s32 $0x1;
	s4 =	sadd.s32 $0x37C00, s25;
	s7 =	sshrl.u32 s26, $0x3  }
0xa: {  	[spmem:s7], [sflag:s5] =	dma.local [hbm:s4], $0xC80  }
0xb: {  	s9 =	sshll.u32 s8, $0x7;
	_ =	swait.ge [sflag:s6], $0xC80  }
0xc: {  	s9 =	sadd.s32 s9, s20;
	[sflag:s6] =	ssyncset.done $0x0  }
0xd: {  	s10 =	smul.u32 $0x1900, s8;
	s8 =	sadd.s32 $0x76600, s9;
	[sflag:s6] =	ssyncadd.s32 $0xFFFFF380  }
0xe: {  	[tilespmem:s3], [sflag:$0x1] =	stream.linear.gather [hbm4b:s8+s3], $0x280, $0x38;
	[tilespmem:$0x13000] =	vst v63  }
0xf: {  	_ =	swait.ge [sflag:s6], $0x280  }
0x10: {  	s29 =	sadd.s32 s10, s20;
	[sflag:s6] =	ssyncset.done $0x0  }
0x11: {  	s10 =	simm.s32 $0x400;
	s9 =	sadd.s32 $0x5C00, s29;
	[sflag:s6] =	ssyncadd.s32 $0xFFFFFD80  }
0x12: {  	[tilespmem:s10], [sflag:$0x1] =	stream.linear.gather [hbm4b:s9+s3], $0xC800, $0x38;
	[tilespmem:$0x13000] =	vst v63  }
0x13: {  	_ =	swait.ge [sflag:s6], $0xC800  }
0x14: {  	[sflag:s6] =	ssyncset.done $0x0  }
0x15: {  	[sflag:s6] =	ssyncadd.s32 $0xFFFF3800  }
0x16: {  	s11 =	simm.s32 $0x50;
	[bflag:$0x0] =	sbarrier.arrive $0xFFFF  }
0x17: {  	[spmem:s2] =	stream.indirect.scatter.add.f32 [tilespmem:s10], [sflag:$0x1], $0x80, s3, s11, $0xb8;
	[tilespmem:$0x13000] =	vst v63  }
0x18: {  	_ =	swait.ge [sflag:s6], $0x2800  }
0x19: {  	[sflag:s6] =	ssyncset.done $0x0  }
0x1a: {  	s12 =	simm.s32 $0x80;
	s13 =	simm.s32 $0x2C00;
	[sflag:s6] =	ssyncadd.s32 $0xFFFFD800  }
0x1b: {  	[spmem:s2] =	stream.indirect.scatter.add.f32 [tilespmem:s13], [sflag:$0x1], $0x80, s12, s11, $0xb8;
	[tilespmem:$0x13000] =	vst v63  }
0x1c: {  	_ =	swait.ge [sflag:s6], $0x2800  }
0x1d: {  	[sflag:s6] =	ssyncset.done $0x0  }
0x1e: {  	s14 =	simm.s32 $0x100;
	s15 =	simm.s32 $0x5400;
	[sflag:s6] =	ssyncadd.s32 $0xFFFFD800  }
0x1f: {  	[spmem:s2] =	stream.indirect.scatter.add.f32 [tilespmem:s15], [sflag:$0x1], $0x80, s14, s11, $0xb8;
	[tilespmem:$0x13000] =	vst v63  }
0x20: {  	_ =	swait.ge [sflag:s6], $0x2800  }
0x21: {  	s16 =	simm.s32 $0x180;
	s17 =	simm.s32 $0x7C00;
	[sflag:s6] =	ssyncset.done $0x0  }
0x22: {  	s18 =	simm.s32 $0x200;
	s23 =	smul.u32 $0x64000, s22;
	[sflag:s6] =	ssyncadd.s32 $0xFFFFD800  }
0x23: {  	[spmem:s2] =	stream.indirect.scatter.add.f32 [tilespmem:s17], [sflag:$0x1], $0x80, s16, s11, $0xb8;
	[tilespmem:$0x13000] =	vst v63  }
0x24: {  	s19 =	simm.s32 $0xA400;
	s22 =	ssub.s32 $0x2, s22;
	_ =	swait.ge [sflag:s6], $0x2800  }
0x25: {  	s30 =	sshrl.u32 s22, $0x1;
	s21 =	sadd.s32 s21, s23;
	[sflag:s6] =	ssyncset.done $0x0  }
0x26: {  	s31 =	ssub.s32 s22, s30;
	s21 =	sshrl.u32 s21, $0x3;
	[sflag:s6] =	ssyncadd.s32 $0xFFFFD800  }
0x27: {  	[spmem:s2] =	stream.indirect.scatter.add.f32 [tilespmem:s19], [sflag:$0x1], $0x80, s18, s11, $0xb8;
	[tilespmem:$0x13000] =	vst v63  }
0x28: {  	s20 =	sadd.s32 s21, s20;
	s21 =	smax.u32 s31, $0x1;
	_ =	swait.ge [sflag:s6], $0x2800  }
0x29: {  	p0 =	sne.s32 s21, $0x1;
	[sflag:s6] =	ssyncset.done $0x0  }
.Ltmp0:
0x2a: {  	[sflag:s6] =	ssyncadd.s32 $0xFFFFD800;
	(pc) =	sbr.rel @!p0 .LBB2_2-.Ltmp0, $4  }
0x2b: {  	s20 =	sadd.s32 $0x90600, s20;
	[bflag:$0x0] =	sbarrier.arrive $0xFFFF  }
0x2c: {  	[hbm:s20], [sflag:s5] =	dma.local [spmem:s7], $0xC80  }
0x2d: {  	_ =	swait.ge [sflag:s6], $0xC80  }
0x2e: {  	s21 =	sadd.s32 $0xFFFFFFFF, s21;
	[sflag:s6] =	ssyncset.done $0x0  }
.LBB2_1:
0x2f: {  	p0 =	sne.s32 s21, $0x1;
	s21 =	sadd.s32 $0xFFFFFFFF, s21;
	[sflag:s6] =	ssyncadd.s32 $0xFFFFF380  }
0x30: {  	[spmem:s7], [sflag:s5] =	dma.local [hbm:s4], $0xC80  }
0x31: {  	_ =	swait.ge [sflag:s6], $0xC80  }
0x32: {  	[sflag:s6] =	ssyncset.done $0x0  }
0x33: {  	[sflag:s6] =	ssyncadd.s32 $0xFFFFF380  }
0x34: {  	[tilespmem:s3], [sflag:$0x1] =	stream.linear.gather [hbm4b:s8+s3], $0x280, $0x38;
	[tilespmem:$0x13000] =	vst v63  }
0x35: {  	_ =	swait.ge [sflag:s6], $0x280  }
0x36: {  	[sflag:s6] =	ssyncset.done $0x0  }
0x37: {  	[sflag:s6] =	ssyncadd.s32 $0xFFFFFD80  }
0x38: {  	[tilespmem:s10], [sflag:$0x1] =	stream.linear.gather [hbm4b:s9+s3], $0xC800, $0x38;
	[tilespmem:$0x13000] =	vst v63  }
0x39: {  	_ =	swait.ge [sflag:s6], $0xC800  }
0x3a: {  	[sflag:s6] =	ssyncset.done $0x0  }
0x3b: {  	[sflag:s6] =	ssyncadd.s32 $0xFFFF3800  }
0x3c: {  	[bflag:$0x0] =	sbarrier.arrive $0xFFFF  }
0x3d: {  	[spmem:s2] =	stream.indirect.scatter.add.f32 [tilespmem:s10], [sflag:$0x1], $0x80, s3, s11, $0xb8;
	[tilespmem:$0x13000] =	vst v63  }
0x3e: {  	_ =	swait.ge [sflag:s6], $0x2800  }
0x3f: {  	[sflag:s6] =	ssyncset.done $0x0  }
0x40: {  	[sflag:s6] =	ssyncadd.s32 $0xFFFFD800  }
0x41: {  	[spmem:s2] =	stream.indirect.scatter.add.f32 [tilespmem:s13], [sflag:$0x1], $0x80, s12, s11, $0xb8;
	[tilespmem:$0x13000] =	vst v63  }
0x42: {  	_ =	swait.ge [sflag:s6], $0x2800  }
0x43: {  	[sflag:s6] =	ssyncset.done $0x0  }
0x44: {  	[sflag:s6] =	ssyncadd.s32 $0xFFFFD800  }
0x45: {  	[spmem:s2] =	stream.indirect.scatter.add.f32 [tilespmem:s15], [sflag:$0x1], $0x80, s14, s11, $0xb8;
	[tilespmem:$0x13000] =	vst v63  }
0x46: {  	_ =	swait.ge [sflag:s6], $0x2800  }
0x47: {  	[sflag:s6] =	ssyncset.done $0x0  }
0x48: {  	[sflag:s6] =	ssyncadd.s32 $0xFFFFD800  }
0x49: {  	[spmem:s2] =	stream.indirect.scatter.add.f32 [tilespmem:s17], [sflag:$0x1], $0x80, s16, s11, $0xb8;
	[tilespmem:$0x13000] =	vst v63  }
0x4a: {  	_ =	swait.ge [sflag:s6], $0x2800  }
0x4b: {  	[sflag:s6] =	ssyncset.done $0x0  }
0x4c: {  	[sflag:s6] =	ssyncadd.s32 $0xFFFFD800  }
0x4d: {  	[spmem:s2] =	stream.indirect.scatter.add.f32 [tilespmem:s19], [sflag:$0x1], $0x80, s18, s11, $0xb8;
	[tilespmem:$0x13000] =	vst v63  }
0x4e: {  	_ =	swait.ge [sflag:s6], $0x2800  }
0x4f: {  	[sflag:s6] =	ssyncset.done $0x0  }
.Ltmp1:
0x50: {  	[sflag:s6] =	ssyncadd.s32 $0xFFFFD800;
	(pc) =	sbr.rel @p0 .LBB2_1-.Ltmp1, $4  }
0x51: {  	[bflag:$0x0] =	sbarrier.arrive $0xFFFF  }
0x52: {  	[hbm:s20], [sflag:s5] =	dma.local [spmem:s7], $0xC80  }
0x53: {  	_ =	swait.ge [sflag:s6], $0xC80  }
0x54: {  	[sflag:s6] =	ssyncset.done $0x0  }
.LBB2_2:
0x55: {  	[sflag:s6] =	ssyncadd.s32 $0xFFFFF380  }
0x56: {  	_ =	sfence.sel $0x180000  }
0x57: {  	[bflag:$0x0] =	sbarrier.arrive $0xFFFF  }
0x58: {  	p0 =	sne.s32 s1, $0x0;
	_ =	strace $0x90000050  }
0x59: {  	s0 =	sadd.s32 @!p0 $0x100000, s0;
	[bflag:$0x2] =	sbarrier.arrive $0xFFFF  }
0x5a: {  	[sflag:s0] =	ssyncadd.tile.s32 @!p0 $0x1;
	_ =	shalt  }
.Lfunc_end2:
_tile_overlayer_lowered:
.L_overlay_start_2:
0x5b: {  	(tag) =	ssettag $0x2  }
0x5c: {  	s0 =	rddreg [dreg:$0x0];
	s2 =	stileid.u32  }
0x5d: {  	s1 =	rddreg [dreg:$0x1];
	p0 =	sne.s32 s2, $0x0  }
0x5e: {  	s3 =	rddreg [dreg:$0x2];
	[bflag:$0x3] =	sbarrier.arrive $0xFFFF;
	s2 =	simm.s32 @!p0 $0x1C01  }
0x5f: {  	[timem:s3], [sflag:s2] =	dma.local @!p0 [hbm:s0], s1  }
0x60: {  	s0 =	simm.s32 @!p0 $0x1  }
0x61: {  	_ =	swait.ge @!p0 [sflag:s0], s1  }
0x62: {  	s1 =	ssub.s32 @!p0 $0x0, s1;
	[sflag:s0] =	ssyncset.done @!p0 $0x0  }
0x63: {  	[sflag:s0] =	ssyncadd.s32 @!p0 s1  }
0x64: {  	[bflag:$0x3] =	sbarrier.arrive $0xFFFF  }
0x65: {  	_ =	shalt  }

// kernel: kernel.26.cloned.1.call-start
scs
__scs_entry_jumppad:
0x0: {  	(pc) =	sbr.rel $0x88, $3  }
0x1: {  	(tag) =	ssettag $0x0;
	lr =	simm.s32 $0x1  }
0x2: {  	[smem:$0x3F82] =	sst lr;
	_ =	strace $0xD0000000  }
0x3: {  	_ = 	snop  }
0x4: {  	_ = 	snop  }
0x5: {  	_ = 	snop  }
0x6: {  	_ = 	snop  }
0x7: {  	_ = 	snop  }
__scs_overlays_trampoline_lowered:
0x8: {  	[smem:$0x3F91] =	sst s0  }
0x9: {  	[smem:$0x3F92] =	sst s1  }
0xa: {  	[smem:$0x3F93] =	sst s2  }
0xb: {  	[smem:$0x3F94] =	sst s3  }
0xc: {  	[smem:$0x3F95] =	sst s4  }
0xd: {  	[smem:$0x3F96] =	sst s5  }
0xe: {  	[smem:$0x3F97] =	sst s6  }
0xf: {  	[smem:$0x3F98] =	sst s7  }
0x10: {  	[smem:$0x3F99] =	sst s8  }
0x11: {  	[smem:$0x3F9A] =	sst s9;
	s0 =	simm.s32 @!p0 $0x0  }
0x12: {  	s1 =	sld [smem:$0x3F80];
	s0 =	simm.s32 @p0 $0x1  }
0x13: {  	[smem:$0x3F9B] =	sst s0;
	s0 =	simm.s32 @!p1 $0x0  }
0x14: {  	s2 =	sld [smem:$0x3F7F];
	s0 =	simm.s32 @p1 $0x1  }
0x15: {  	[smem:$0x3F9C] =	sst s0;
	s0 =	simm.s32 @!p2 $0x0  }
0x16: {  	s3 =	sld [smem:$0x3FDB];
	s0 =	simm.s32 @p2 $0x1  }
0x17: {  	s4 =	simm.s32 $0x1BF5;
	[smem:$0x3F9E] =	sst s0  }
0x18: {  	s0 =	sld [smem:$0x3F81];
	_ =	swait.ge [sflag:s4], $0x0  }
0x19: {  	s7 =	sld [smem:$0x3F82]  }
0x1a: {  	s8 =	sadd.s32 $0xFFFFE003, lr  }
0x1b: {  	s9 =	sadd.s32 $0xFFFFFEF7, lr;
	s5 =	simm.s32 $0xFFFFFFFF;
	p2 =	slt.u32 s8, $0xFFFFF086  }
0x1c: {  	p1 =	slt.u32 s9, $0xF7A;
	s5 =	simm.s32 @!p2 $0x0  }
0x1d: {  	s5 =	simm.s32 @p1 $0x1;
	p0 =	seq.s32 s7, s2  }
0x1e: {  	s7 =	smul.u32 @!p0 $0xF7A, s2;
	p2 =	seq.s32 @!p0 s5, $0x0  }
0x1f: {  	s9 =	smul.u32 $0xF7A, s1;
	s8 =	simm.s32 @!p0 $0x1BF5;
	p2 =	por !p2, p0  }
0x20: {  	[sflag:s8] =	ssyncset.s32 @!p0 $0xFFFFF086;
	s6 =	sadd.s32 @!p0 s3, s7;
	s7 =	simm.s32 @!p0 $0x108  }
0x21: {  	s3 =	sadd.s32 s3, s9;
	s6 =	sadd.s32 @!p0 $0x88, s6;
	s7 =	simm.s32 @p2 $0x1082  }
0x22: {  	[simem:s7], [sflag:s8] =	dma.local @!p0 [hbm:s6], $0xF7A  }
0x23: {  	s9 =	sor.u32 $0xD0000000, s2;
	s6 =	simm.s32 $0x108;
	_ =	swait.ge @!p0 [sflag:s8], $0x0  }
0x24: {  	s3 =	sadd.s32 $0x88, s3;
	s6 =	simm.s32 @!p1 $0x1082;
	[sflag:s4] =	ssyncset.s32 $0xFFFFF086  }
0x25: {  	[simem:s6], [sflag:s4] =	dma.local [hbm:s3], $0xF7A  }
0x26: {  	[smem:$0x3F82] =	sst s1;
	(tag) =	ssettag s2;
	_ =	strace s9  }
0x27: {  	s1 =	sld [smem:$0x3F92]  }
0x28: {  	s2 =	sld [smem:$0x3F93]  }
0x29: {  	s4 =	sld [smem:$0x3F95]  }
0x2a: {  	p0 =	seq.s32 s5, $0x0;
	s5 =	sld [smem:$0x3F96]  }
0x2b: {  	s6 =	sld [smem:$0x3F97]  }
0x2c: {  	s7 =	sld [smem:$0x3F98]  }
0x2d: {  	s3 =	simm.s32 $0x108;
	s8 =	sld [smem:$0x3F99]  }
0x2e: {  	s3 =	simm.s32 @!p0 $0x1082;
	s9 =	sld [smem:$0x3F9A]  }
0x2f: {  	lr =	sadd.s32 s0, s3;
	s0 =	sld [smem:$0x3F91]  }
0x30: {  	s3 =	sld [smem:$0x3F94]  }
0x31: {  	[smem:$0x3F9D] =	sst s10  }
0x32: {  	s10 =	sld [smem:$0x3F9B];
	_ =	sdelay $0x3  }
0x33: {  	p0 =	seq.s32 s10, $0x1;
	s10 =	sld [smem:$0x3F9D];
	_ =	sdelay $0x3  }
0x34: {  	[smem:$0x3F9D] =	sst s10  }
0x35: {  	s10 =	sld [smem:$0x3F9C];
	_ =	sdelay $0x3  }
0x36: {  	p1 =	seq.s32 s10, $0x1;
	s10 =	sld [smem:$0x3F9D];
	_ =	sdelay $0x3  }
0x37: {  	[smem:$0x3F9D] =	sst s10  }
0x38: {  	s10 =	sld [smem:$0x3F9E]  }
0x39: {  	_ = 	snop;
	(pc) =	sbr.ind lr, $3  }
0x3a: {  	_ = 	snop  }
0x3b: {  	_ = 	snop  }
0x3c: {  	p2 =	seq.s32 s10, $0x1;
	s10 =	sld [smem:$0x3F9D]  }
0x3d: {  	_ =	shalt  }
0x3e: {  	_ =	shalt  }
0x3f: {  	_ =	shalt  }
0x40: {  	_ =	shalt  }
0x41: {  	_ =	shalt  }
0x42: {  	_ =	shalt  }
0x43: {  	_ =	shalt  }
0x44: {  	_ =	shalt  }
0x45: {  	_ =	shalt  }
0x46: {  	_ =	shalt  }
0x47: {  	_ =	shalt  }
0x48: {  	_ =	shalt  }
0x49: {  	_ =	shalt  }
0x4a: {  	_ =	shalt  }
0x4b: {  	_ =	shalt  }
0x4c: {  	_ =	shalt  }
0x4d: {  	_ =	shalt  }
0x4e: {  	_ =	shalt  }
0x4f: {  	_ =	shalt  }
0x50: {  	_ =	shalt  }
0x51: {  	_ =	shalt  }
0x52: {  	_ =	shalt  }
0x53: {  	_ =	shalt  }
0x54: {  	_ =	shalt  }
0x55: {  	_ =	shalt  }
0x56: {  	_ =	shalt  }
0x57: {  	_ =	shalt  }
0x58: {  	_ =	shalt  }
0x59: {  	_ =	shalt  }
0x5a: {  	_ =	shalt  }
0x5b: {  	_ =	shalt  }
0x5c: {  	_ =	shalt  }
0x5d: {  	_ =	shalt  }
0x5e: {  	_ =	shalt  }
0x5f: {  	_ =	shalt  }
0x60: {  	_ =	shalt  }
0x61: {  	_ =	shalt  }
0x62: {  	_ =	shalt  }
0x63: {  	_ =	shalt  }
0x64: {  	_ =	shalt  }
0x65: {  	_ =	shalt  }
0x66: {  	_ =	shalt  }
0x67: {  	_ =	shalt  }
0x68: {  	_ =	shalt  }
0x69: {  	_ =	shalt  }
0x6a: {  	_ =	shalt  }
0x6b: {  	_ =	shalt  }
0x6c: {  	_ =	shalt  }
0x6d: {  	_ =	shalt  }
0x6e: {  	_ =	shalt  }
0x6f: {  	_ =	shalt  }
0x70: {  	_ =	shalt  }
0x71: {  	_ =	shalt  }
0x72: {  	_ =	shalt  }
0x73: {  	_ =	shalt  }
0x74: {  	_ =	shalt  }
0x75: {  	_ =	shalt  }
0x76: {  	_ =	shalt  }
0x77: {  	_ =	shalt  }
0x78: {  	_ =	shalt  }
0x79: {  	_ =	shalt  }
0x7a: {  	_ =	shalt  }
0x7b: {  	_ =	shalt  }
0x7c: {  	_ =	shalt  }
0x7d: {  	_ =	shalt  }
0x7e: {  	_ =	shalt  }
0x7f: {  	_ =	shalt  }
0x80: {  	_ =	shalt  }
0x81: {  	_ =	shalt  }
0x82: {  	_ =	shalt  }
0x83: {  	_ =	shalt  }
0x84: {  	_ =	shalt  }
0x85: {  	_ =	shalt  }
0x86: {  	_ =	shalt  }
0x87: {  	_ =	shalt  }
.Lfunc_end0:
.L_simem_size_0:
called_computation.4_lowered:
.L_overlay_start_0:
0x88: {  	s2 =	sld [smem:$0x3FD9]  }
0x89: {  	s3 =	sld [smem:$0x3FFE];
	_ =	sdelay $0x1  }
0x8a: {  	s1 =	srdreg.scid  }
0x8b: {  	s0 =	sand.u32 $0x1, s1  }
0x8c: {  	s14 =	sshll.u32 s0, $0xA;
	s2 =	sadd.s32 s3, s2  }
0x8d: {  	s2 =	sadd.s32 s2, s14  }
0x8e: {  	[smem:$0x3FA9] =	sst s2  }
0x8f: {  	_ = 	snop  }
0x90: {  	s2 =	sld [smem:$0x3FD0];
	_ =	sdelay $0x2  }
0x91: {  	s15 =	simm.s32 $0xA;
	s4 =	simm.s32 $0x10  }
0x92: {  	[smem:s4], [sflag:s15] =	dma.local [hbm:s2], $0x1  }
0x93: {  	_ =	swait.eq [sflag:s15], $0x1  }
0x94: {  	[sflag:s15] =	ssyncset.done $0x0  }
0x95: {  	[sflag:s15] =	ssyncadd.s32 $0xFFFFFFFF  }
0x96: {  	s16 =	sld [smem:$0x11];
	(tm) =	ssettm $0x1  }
0x97: {  	s17 =	sld [smem:$0x3FFB];
	_ =	sdelay $0x3  }
0x98: {  	_ =	strace s17  }
0x99: {  	s3 =	sld [smem:$0x3FFC];
	_ =	sdelay $0x3  }
0x9a: {  	_ =	strace s3  }
0x9b: {  	s3 =	sld [smem:$0x3FFD];
	_ =	sdelay $0x3  }
0x9c: {  	_ =	strace s3  }
0x9d: {  	_ =	strace $0x8FFFFFFF  }
0x9e: {  	s18 =	sld [smem:$0x3FDB];
	_ =	sdelay $0x1  }
0x9f: {  	s19 =	simm.s32 $_scs_section_size  }
0xa0: {  	s5 =	simm.s32 $_size__tile_overlayer_lowered;
	s6 =	simm.s32 $_tile_overlayer_lowered  }
0xa1: {  	s22 =	simm.s32 $0x1BFF;
	s21 =	sshll.u32 s6, $0x1;
	s3 =	sadd.s32 s19, s18  }
0xa2: {  	s7 =	simm.s32 $0x0;
	s20 =	sshll.u32 s5, $0x1;
	s5 =	sadd.s32 s21, s3  }
0xa3: {  	[timem:s7], [sflag:s22] =	dma.local [hbm:s5], s20  }
0xa4: {  	_ =	swait.ge [sflag:s22], s20  }
0xa5: {  	s4 =	ssub.s32 $0x0, s20;
	[sflag:s22] =	ssyncset.done $0x0  }
0xa6: {  	[sflag:s22] =	ssyncadd.s32 s4;
	_ =	sdelay $0x1  }
0xa7: {  	s23 =	simm.s32 $0x1B8B  }
0xa8: {  	_ =	swait.ge [sflag:s23], $0x1  }
0xa9: {  	[sflag:s23] =	ssyncset.done $0x0  }
0xaa: {  	s25 =	simm.s32 $0x1B8E;
	s24 =	sld [smem:$0x3FFE];
	[sflag:s23] =	ssyncadd.s32 $0xFFFFFFFF  }
0xab: {  	s26 =	simm.s32 $execute0_lowered;
	[smem:$0x3FD2] =	sst s25  }
0xac: {  	s5 =	sshll.u32 s26, $0x1;
	_ =	strace $0x80000052;
	[dreg:$0x1] =	wrdreg $0xFFFFFFFF  }
0xad: {  	s28 =	simm.s32 $_size_execute0_lowered;
	s3 =	sadd.s32 s3, s5;
	[dreg:$0x0] =	wrdreg $0x0  }
0xae: {  	s5 =	sshll.u32 s28, $0x1;
	[dreg:$0x2] =	wrdreg s3  }
0xaf: {  	[dreg:$0x3] =	wrdreg s5  }
0xb0: {  	[dreg:$0x4] =	wrdreg $0xC0  }
0xb1: {  	_ =	task [dreg:s7], $0x5FFFF  }
0xb2: {  	[dreg:$0x1] =	wrdreg $0xFFFFFFFF  }
0xb3: {  	[dreg:$0x0] =	wrdreg $0x60  }
0xb4: {  	[dreg:$0x2] =	wrdreg s24  }
0xb5: {  	[dreg:$0x3] =	wrdreg s16  }
0xb6: {  	[dreg:$0x4] =	wrdreg $0x9  }
0xb7: {  	_ =	task.clear_ibuf [dreg:s7], $0x5FFFF;
	_ =	strace $0x90000052  }
0xb8: {  	s29 =	simm.s32 $0x9;
	_ =	strace $0x80000054  }
0xb9: {  	_ =	swait.ge [sflag:s29], $0x1  }
0xba: {  	[sflag:s29] =	ssyncadd.s32 $0xFFFFFFFF  }
0xbb: {  	_ =	strace $0x90000054  }
0xbc: {  	_ =	sfence  }
0xbd: {  	s30 =	sld [smem:$0x0];
	_ =	sdelay $0x2  }
0xbe: {  	s31 =	sshll.u32 s1, $0xD;
	s1 =	sshrl.u32 s1, $0x2  }
0xbf: {  	s3 =	sand.u32 $0x4000, s31;
	s1 =	sadd.s32 s1, s30  }
0xc0: {  	s0 =	sor.u32 s3, s0;
	s1 =	sshll.u32 s1, $0x11  }
0xc1: {  	s0 =	sor.u32 s1, s0  }
0xc2: {  	s0 =	sadd.s32 $0x8F2B, s0  }
0xc3: {  	[sflag:s0] =	ssyncadd.remote.s32 $0x1  }
0xc4: {  	_ =	sfence.sel $0xFFFF  }
0xc5: {  	[dreg:$0x0] =	wrdreg $0xFFFFFFFF;
	(pc) =	sbr.abs _section_cstart, $3  }
0xc6: {  	[dreg:$0x1] =	wrdreg $0xFFFFFFFF  }
0xc7: {  	_ =	task.clear_ibuf [dreg:s7], $0x2FFFF;
	_ =	strace $0x9FFFFFFF  }
0xc8: {  	(tm) =	ssettm $0x7FFFFFFF  }
0xc9: {  	_ =	shalt  }
tec
execute0_lowered:
.L_overlay_start_1:
0x0: {  	(tag) =	ssettag $0x1  }
0x1: {  	s17 =	rddreg [dreg:$0x0]  }
0x2: {  	s1 =	srdreg.scid;
	s0 =	stileid.u32  }
0x3: {  	s3 =	rddreg [dreg:$0x1];
	s18 =	sand.u32 $0x1, s1;
	s4 =	sshll.u32 s0, $0x1  }
0x4: {  	s2 =	simm.s32 $0x0;
	s1 =	rddreg [dreg:$0x2];
	s19 =	sor.u32 s18, s4  }
0x5: {  	[smem:$0x7FF] =	sst s2;
	s4 =	sshll.u32 s19, $0x7  }
0x6: {  	_ =	strace $0x80000053;
	s4 =	sadd.s32 s3, s4;
	s3 =	simm.s32 $0x2  }
0x7: {  	[tilespmem:s2], [sflag:$0x2] =	stream.linear.gather [hbm4b:s4+s2], $0x280, $0x38;
	[tilespmem:$0xCC00] =	vst v63  }
0x8: {  	_ =	swait.ge [sflag:s3], $0x280  }
0x9: {  	s6 =	simm.s32 $0x50;
	[sflag:s3] =	ssyncset.done $0x0  }
0xa: {  	s7 =	simm.s32 $0x400;
	s5 =	sadd.s32 $0x5C00, s17;
	[sflag:s3] =	ssyncadd.s32 $0xFFFFFD80  }
0xb: {  	[tilespmem:s7], [sflag:$0x1] =	stream.indirect.gather [hbm4b:s5+s6], $0x80, s2, s6, $0xb8;
	[tilespmem:$0xCC00] =	vst v63  }
0xc: {  	s8 =	simm.s32 $0x80;
	s9 =	simm.s32 $0x2C00  }
0xd: {  	[tilespmem:s9], [sflag:$0x1] =	stream.indirect.gather [hbm4b:s5+s6], $0x80, s8, s6, $0xb8;
	[tilespmem:$0xCC00] =	vst v63  }
0xe: {  	s10 =	simm.s32 $0x100;
	s11 =	simm.s32 $0x5400  }
0xf: {  	[tilespmem:s11], [sflag:$0x1] =	stream.indirect.gather [hbm4b:s5+s6], $0x80, s10, s6, $0xb8;
	[tilespmem:$0xCC00] =	vst v63  }
0x10: {  	s12 =	simm.s32 $0x180;
	s13 =	simm.s32 $0x7C00  }
0x11: {  	[tilespmem:s13], [sflag:$0x1] =	stream.indirect.gather [hbm4b:s5+s6], $0x80, s12, s6, $0xb8;
	[tilespmem:$0xCC00] =	vst v63  }
0x12: {  	s14 =	simm.s32 $0x200;
	s15 =	simm.s32 $0xA400;
	s16 =	simm.s32 $0x1  }
0x13: {  	[tilespmem:s15], [sflag:$0x1] =	stream.indirect.gather [hbm4b:s5+s6], $0x80, s14, s6, $0xb8;
	[tilespmem:$0xCC00] =	vst v63  }
0x14: {  	_ =	swait.ge [sflag:s16], $0x2800  }
0x15: {  	[sflag:s16] =	ssyncset.done $0x0  }
0x16: {  	[sflag:s16] =	ssyncadd.s32 $0xFFFFD800  }
0x17: {  	_ =	swait.ge [sflag:s16], $0x2800  }
0x18: {  	[sflag:s16] =	ssyncset.done $0x0  }
0x19: {  	[sflag:s16] =	ssyncadd.s32 $0xFFFFD800  }
0x1a: {  	_ =	swait.ge [sflag:s16], $0x2800  }
0x1b: {  	[sflag:s16] =	ssyncset.done $0x0  }
0x1c: {  	s18 =	ssub.s32 $0x2, s18;
	[sflag:s16] =	ssyncadd.s32 $0xFFFFD800  }
0x1d: {  	s20 =	sshrl.u32 s18, $0x1;
	_ =	swait.ge [sflag:s16], $0x2800  }
0x1e: {  	s18 =	ssub.s32 s18, s20;
	[sflag:s16] =	ssyncset.done $0x0  }
0x1f: {  	s19 =	smul.u32 $0x1900, s19;
	s18 =	smax.u32 s18, $0x1;
	[sflag:s16] =	ssyncadd.s32 $0xFFFFD800  }
0x20: {  	p0 =	sne.s32 s18, $0x1;
	_ =	swait.ge [sflag:s16], $0x2800  }
.Ltmp0:
0x21: {  	s17 =	sadd.s32 s19, s17;
	[sflag:s16] =	ssyncset.done $0x0;
	(pc) =	sbr.rel @!p0 .LBB2_2-.Ltmp0, $4  }
0x22: {  	s17 =	sadd.s32 $0x90600, s17;
	[sflag:s16] =	ssyncadd.s32 $0xFFFFD800  }
0x23: {  	[hbm4b:s17+s2] =	stream.linear.scatter [tilespmem:s7], [sflag:$0x2], $0xC800, $0x38;
	[tilespmem:$0xCC00] =	vst v63  }
0x24: {  	_ =	swait.ge [sflag:s3], $0xC800  }
0x25: {  	s18 =	sadd.s32 $0xFFFFFFFF, s18;
	[sflag:s3] =	ssyncset.done $0x0  }
.LBB2_1:
0x26: {  	p0 =	sne.s32 s18, $0x1;
	s18 =	sadd.s32 $0xFFFFFFFF, s18;
	[sflag:s3] =	ssyncadd.s32 $0xFFFF3800  }
0x27: {  	[tilespmem:s2], [sflag:$0x2] =	stream.linear.gather [hbm4b:s4+s2], $0x280, $0x38;
	[tilespmem:$0xCC00] =	vst v63  }
0x28: {  	_ =	swait.ge [sflag:s3], $0x280  }
0x29: {  	[sflag:s3] =	ssyncset.done $0x0  }
0x2a: {  	[sflag:s3] =	ssyncadd.s32 $0xFFFFFD80  }
0x2b: {  	[tilespmem:s7], [sflag:$0x1] =	stream.indirect.gather [hbm4b:s5+s6], $0x80, s2, s6, $0xb8;
	[tilespmem:$0xCC00] =	vst v63  }
0x2c: {  	_ = 	snop  }
0x2d: {  	[tilespmem:s9], [sflag:$0x1] =	stream.indirect.gather [hbm4b:s5+s6], $0x80, s8, s6, $0xb8;
	[tilespmem:$0xCC00] =	vst v63  }
0x2e: {  	_ = 	snop  }
0x2f: {  	[tilespmem:s11], [sflag:$0x1] =	stream.indirect.gather [hbm4b:s5+s6], $0x80, s10, s6, $0xb8;
	[tilespmem:$0xCC00] =	vst v63  }
0x30: {  	_ = 	snop  }
0x31: {  	[tilespmem:s13], [sflag:$0x1] =	stream.indirect.gather [hbm4b:s5+s6], $0x80, s12, s6, $0xb8;
	[tilespmem:$0xCC00] =	vst v63  }
0x32: {  	_ = 	snop  }
0x33: {  	[tilespmem:s15], [sflag:$0x1] =	stream.indirect.gather [hbm4b:s5+s6], $0x80, s14, s6, $0xb8;
	[tilespmem:$0xCC00] =	vst v63  }
0x34: {  	_ =	swait.ge [sflag:s16], $0x2800  }
0x35: {  	[sflag:s16] =	ssyncset.done $0x0  }
0x36: {  	[sflag:s16] =	ssyncadd.s32 $0xFFFFD800  }
0x37: {  	_ =	swait.ge [sflag:s16], $0x2800  }
0x38: {  	[sflag:s16] =	ssyncset.done $0x0  }
0x39: {  	[sflag:s16] =	ssyncadd.s32 $0xFFFFD800  }
0x3a: {  	_ =	swait.ge [sflag:s16], $0x2800  }
0x3b: {  	[sflag:s16] =	ssyncset.done $0x0  }
0x3c: {  	[sflag:s16] =	ssyncadd.s32 $0xFFFFD800  }
0x3d: {  	_ =	swait.ge [sflag:s16], $0x2800  }
0x3e: {  	[sflag:s16] =	ssyncset.done $0x0  }
0x3f: {  	[sflag:s16] =	ssyncadd.s32 $0xFFFFD800  }
0x40: {  	_ =	swait.ge [sflag:s16], $0x2800  }
.Ltmp1:
0x41: {  	[sflag:s16] =	ssyncset.done $0x0;
	(pc) =	sbr.rel @p0 .LBB2_1-.Ltmp1, $4  }
0x42: {  	[sflag:s16] =	ssyncadd.s32 $0xFFFFD800  }
0x43: {  	[hbm4b:s17+s2] =	stream.linear.scatter [tilespmem:s7], [sflag:$0x2], $0xC800, $0x38;
	[tilespmem:$0xCC00] =	vst v63  }
0x44: {  	_ =	swait.ge [sflag:s3], $0xC800  }
0x45: {  	[sflag:s3] =	ssyncset.done $0x0  }
.LBB2_2:
0x46: {  	[sflag:s3] =	ssyncadd.s32 $0xFFFF3800  }
0x47: {  	_ =	sfence.sel $0x180000  }
0x48: {  	[bflag:$0x0] =	sbarrier.arrive $0xFFFF  }
0x49: {  	p0 =	sne.s32 s0, $0x0;
	_ =	strace $0x90000053  }
0x4a: {  	s0 =	sadd.s32 @!p0 $0x100000, s1;
	[bflag:$0x2] =	sbarrier.arrive $0xFFFF  }
0x4b: {  	[sflag:s0] =	ssyncadd.tile.s32 @!p0 $0x1;
	_ =	shalt  }
.Lfunc_end2:
_tile_overlayer_lowered:
.L_overlay_start_2:
0x4c: {  	(tag) =	ssettag $0x2  }
0x4d: {  	s0 =	rddreg [dreg:$0x0];
	s2 =	stileid.u32  }
0x4e: {  	s1 =	rddreg [dreg:$0x1];
	p0 =	sne.s32 s2, $0x0  }
0x4f: {  	s3 =	rddreg [dreg:$0x2];
	[bflag:$0x3] =	sbarrier.arrive $0xFFFF;
	s2 =	simm.s32 @!p0 $0x1C02  }
0x50: {  	[timem:s3], [sflag:s2] =	dma.local @!p0 [hbm:s0], s1  }
0x51: {  	s0 =	simm.s32 @!p0 $0x2  }
0x52: {  	_ =	swait.ge @!p0 [sflag:s0], s1  }
0x53: {  	s1 =	ssub.s32 @!p0 $0x0, s1;
	[sflag:s0] =	ssyncset.done @!p0 $0x0  }
0x54: {  	[sflag:s0] =	ssyncadd.s32 @!p0 s1  }
0x55: {  	[bflag:$0x3] =	sbarrier.arrive $0xFFFF  }
0x56: {  	_ =	shalt  }

// kernel: kernel.29.cloned.1.call-start
scs
__scs_entry_jumppad:
0x0: {  	(pc) =	sbr.rel $0x88, $3  }
0x1: {  	(tag) =	ssettag $0x0;
	lr =	simm.s32 $0x1  }
0x2: {  	[smem:$0x3F82] =	sst lr;
	_ =	strace $0xD0000000  }
0x3: {  	_ = 	snop  }
0x4: {  	_ = 	snop  }
0x5: {  	_ = 	snop  }
0x6: {  	_ = 	snop  }
0x7: {  	_ = 	snop  }
__scs_overlays_trampoline_lowered:
0x8: {  	[smem:$0x3F91] =	sst s0  }
0x9: {  	[smem:$0x3F92] =	sst s1  }
0xa: {  	[smem:$0x3F93] =	sst s2  }
0xb: {  	[smem:$0x3F94] =	sst s3  }
0xc: {  	[smem:$0x3F95] =	sst s4  }
0xd: {  	[smem:$0x3F96] =	sst s5  }
0xe: {  	[smem:$0x3F97] =	sst s6  }
0xf: {  	[smem:$0x3F98] =	sst s7  }
0x10: {  	[smem:$0x3F99] =	sst s8  }
0x11: {  	[smem:$0x3F9A] =	sst s9;
	s0 =	simm.s32 @!p0 $0x0  }
0x12: {  	s1 =	sld [smem:$0x3F80];
	s0 =	simm.s32 @p0 $0x1  }
0x13: {  	[smem:$0x3F9B] =	sst s0;
	s0 =	simm.s32 @!p1 $0x0  }
0x14: {  	s2 =	sld [smem:$0x3F7F];
	s0 =	simm.s32 @p1 $0x1  }
0x15: {  	[smem:$0x3F9C] =	sst s0;
	s0 =	simm.s32 @!p2 $0x0  }
0x16: {  	s3 =	sld [smem:$0x3FDB];
	s0 =	simm.s32 @p2 $0x1  }
0x17: {  	s4 =	simm.s32 $0x1BF5;
	[smem:$0x3F9E] =	sst s0  }
0x18: {  	s0 =	sld [smem:$0x3F81];
	_ =	swait.ge [sflag:s4], $0x0  }
0x19: {  	s7 =	sld [smem:$0x3F82]  }
0x1a: {  	s8 =	sadd.s32 $0xFFFFE003, lr  }
0x1b: {  	s9 =	sadd.s32 $0xFFFFFEF7, lr;
	s5 =	simm.s32 $0xFFFFFFFF;
	p2 =	slt.u32 s8, $0xFFFFF086  }
0x1c: {  	p1 =	slt.u32 s9, $0xF7A;
	s5 =	simm.s32 @!p2 $0x0  }
0x1d: {  	s5 =	simm.s32 @p1 $0x1;
	p0 =	seq.s32 s7, s2  }
0x1e: {  	s7 =	smul.u32 @!p0 $0xF7A, s2;
	p2 =	seq.s32 @!p0 s5, $0x0  }
0x1f: {  	s9 =	smul.u32 $0xF7A, s1;
	s8 =	simm.s32 @!p0 $0x1BF5;
	p2 =	por !p2, p0  }
0x20: {  	[sflag:s8] =	ssyncset.s32 @!p0 $0xFFFFF086;
	s6 =	sadd.s32 @!p0 s3, s7;
	s7 =	simm.s32 @!p0 $0x108  }
0x21: {  	s3 =	sadd.s32 s3, s9;
	s6 =	sadd.s32 @!p0 $0x88, s6;
	s7 =	simm.s32 @p2 $0x1082  }
0x22: {  	[simem:s7], [sflag:s8] =	dma.local @!p0 [hbm:s6], $0xF7A  }
0x23: {  	s9 =	sor.u32 $0xD0000000, s2;
	s6 =	simm.s32 $0x108;
	_ =	swait.ge @!p0 [sflag:s8], $0x0  }
0x24: {  	s3 =	sadd.s32 $0x88, s3;
	s6 =	simm.s32 @!p1 $0x1082;
	[sflag:s4] =	ssyncset.s32 $0xFFFFF086  }
0x25: {  	[simem:s6], [sflag:s4] =	dma.local [hbm:s3], $0xF7A  }
0x26: {  	[smem:$0x3F82] =	sst s1;
	(tag) =	ssettag s2;
	_ =	strace s9  }
0x27: {  	s1 =	sld [smem:$0x3F92]  }
0x28: {  	s2 =	sld [smem:$0x3F93]  }
0x29: {  	s4 =	sld [smem:$0x3F95]  }
0x2a: {  	p0 =	seq.s32 s5, $0x0;
	s5 =	sld [smem:$0x3F96]  }
0x2b: {  	s6 =	sld [smem:$0x3F97]  }
0x2c: {  	s7 =	sld [smem:$0x3F98]  }
0x2d: {  	s3 =	simm.s32 $0x108;
	s8 =	sld [smem:$0x3F99]  }
0x2e: {  	s3 =	simm.s32 @!p0 $0x1082;
	s9 =	sld [smem:$0x3F9A]  }
0x2f: {  	lr =	sadd.s32 s0, s3;
	s0 =	sld [smem:$0x3F91]  }
0x30: {  	s3 =	sld [smem:$0x3F94]  }
0x31: {  	[smem:$0x3F9D] =	sst s10  }
0x32: {  	s10 =	sld [smem:$0x3F9B];
	_ =	sdelay $0x3  }
0x33: {  	p0 =	seq.s32 s10, $0x1;
	s10 =	sld [smem:$0x3F9D];
	_ =	sdelay $0x3  }
0x34: {  	[smem:$0x3F9D] =	sst s10  }
0x35: {  	s10 =	sld [smem:$0x3F9C];
	_ =	sdelay $0x3  }
0x36: {  	p1 =	seq.s32 s10, $0x1;
	s10 =	sld [smem:$0x3F9D];
	_ =	sdelay $0x3  }
0x37: {  	[smem:$0x3F9D] =	sst s10  }
0x38: {  	s10 =	sld [smem:$0x3F9E]  }
0x39: {  	_ = 	snop;
	(pc) =	sbr.ind lr, $3  }
0x3a: {  	_ = 	snop  }
0x3b: {  	_ = 	snop  }
0x3c: {  	p2 =	seq.s32 s10, $0x1;
	s10 =	sld [smem:$0x3F9D]  }
0x3d: {  	_ =	shalt  }
0x3e: {  	_ =	shalt  }
0x3f: {  	_ =	shalt  }
0x40: {  	_ =	shalt  }
0x41: {  	_ =	shalt  }
0x42: {  	_ =	shalt  }
0x43: {  	_ =	shalt  }
0x44: {  	_ =	shalt  }
0x45: {  	_ =	shalt  }
0x46: {  	_ =	shalt  }
0x47: {  	_ =	shalt  }
0x48: {  	_ =	shalt  }
0x49: {  	_ =	shalt  }
0x4a: {  	_ =	shalt  }
0x4b: {  	_ =	shalt  }
0x4c: {  	_ =	shalt  }
0x4d: {  	_ =	shalt  }
0x4e: {  	_ =	shalt  }
0x4f: {  	_ =	shalt  }
0x50: {  	_ =	shalt  }
0x51: {  	_ =	shalt  }
0x52: {  	_ =	shalt  }
0x53: {  	_ =	shalt  }
0x54: {  	_ =	shalt  }
0x55: {  	_ =	shalt  }
0x56: {  	_ =	shalt  }
0x57: {  	_ =	shalt  }
0x58: {  	_ =	shalt  }
0x59: {  	_ =	shalt  }
0x5a: {  	_ =	shalt  }
0x5b: {  	_ =	shalt  }
0x5c: {  	_ =	shalt  }
0x5d: {  	_ =	shalt  }
0x5e: {  	_ =	shalt  }
0x5f: {  	_ =	shalt  }
0x60: {  	_ =	shalt  }
0x61: {  	_ =	shalt  }
0x62: {  	_ =	shalt  }
0x63: {  	_ =	shalt  }
0x64: {  	_ =	shalt  }
0x65: {  	_ =	shalt  }
0x66: {  	_ =	shalt  }
0x67: {  	_ =	shalt  }
0x68: {  	_ =	shalt  }
0x69: {  	_ =	shalt  }
0x6a: {  	_ =	shalt  }
0x6b: {  	_ =	shalt  }
0x6c: {  	_ =	shalt  }
0x6d: {  	_ =	shalt  }
0x6e: {  	_ =	shalt  }
0x6f: {  	_ =	shalt  }
0x70: {  	_ =	shalt  }
0x71: {  	_ =	shalt  }
0x72: {  	_ =	shalt  }
0x73: {  	_ =	shalt  }
0x74: {  	_ =	shalt  }
0x75: {  	_ =	shalt  }
0x76: {  	_ =	shalt  }
0x77: {  	_ =	shalt  }
0x78: {  	_ =	shalt  }
0x79: {  	_ =	shalt  }
0x7a: {  	_ =	shalt  }
0x7b: {  	_ =	shalt  }
0x7c: {  	_ =	shalt  }
0x7d: {  	_ =	shalt  }
0x7e: {  	_ =	shalt  }
0x7f: {  	_ =	shalt  }
0x80: {  	_ =	shalt  }
0x81: {  	_ =	shalt  }
0x82: {  	_ =	shalt  }
0x83: {  	_ =	shalt  }
0x84: {  	_ =	shalt  }
0x85: {  	_ =	shalt  }
0x86: {  	_ =	shalt  }
0x87: {  	_ =	shalt  }
.Lfunc_end0:
.L_simem_size_0:
called_computation.5_lowered:
.L_overlay_start_0:
0x88: {  	s2 =	sld [smem:$0x3FD9]  }
0x89: {  	s3 =	sld [smem:$0x3FFE];
	_ =	sdelay $0x1  }
0x8a: {  	s1 =	srdreg.scid  }
0x8b: {  	s0 =	sand.u32 $0x1, s1  }
0x8c: {  	s16 =	sshll.u32 s0, $0xA;
	s2 =	sadd.s32 s3, s2  }
0x8d: {  	s2 =	sadd.s32 s2, s16  }
0x8e: {  	[smem:$0x3FA9] =	sst s2  }
0x8f: {  	_ = 	snop  }
0x90: {  	(tm) =	ssettm $0x1  }
0x91: {  	s17 =	sld [smem:$0x3FFB];
	_ =	sdelay $0x3  }
0x92: {  	_ =	strace s17  }
0x93: {  	s2 =	sld [smem:$0x3FFC];
	_ =	sdelay $0x3  }
0x94: {  	_ =	strace s2  }
0x95: {  	s2 =	sld [smem:$0x3FFD];
	_ =	sdelay $0x3  }
0x96: {  	_ =	strace s2  }
0x97: {  	_ =	strace $0x8FFFFFFF  }
0x98: {  	s18 =	sld [smem:$0x3FDB];
	_ =	sdelay $0x1  }
0x99: {  	s19 =	simm.s32 $_scs_section_size  }
0x9a: {  	s4 =	simm.s32 $_size__tile_overlayer_lowered;
	s5 =	simm.s32 $_tile_overlayer_lowered  }
0x9b: {  	s22 =	simm.s32 $0x1BFF;
	s21 =	sshll.u32 s5, $0x1;
	s2 =	sadd.s32 s19, s18  }
0x9c: {  	s6 =	simm.s32 $0x0;
	s20 =	sshll.u32 s4, $0x1;
	s4 =	sadd.s32 s21, s2  }
0x9d: {  	[timem:s6], [sflag:s22] =	dma.local [hbm:s4], s20  }
0x9e: {  	_ =	swait.ge [sflag:s22], s20  }
0x9f: {  	s3 =	ssub.s32 $0x0, s20;
	[sflag:s22] =	ssyncset.done $0x0  }
0xa0: {  	[sflag:s22] =	ssyncadd.s32 s3;
	_ =	sdelay $0x1  }
0xa1: {  	s23 =	simm.s32 $0x1B8B  }
0xa2: {  	_ =	swait.ge [sflag:s23], $0x1  }
0xa3: {  	[sflag:s23] =	ssyncset.done $0x0  }
0xa4: {  	s25 =	simm.s32 $0x1B8E;
	s24 =	sld [smem:$0x3FFE];
	[sflag:s23] =	ssyncadd.s32 $0xFFFFFFFF  }
0xa5: {  	s26 =	simm.s32 $execute0_lowered;
	[smem:$0x3FD2] =	sst s25  }
0xa6: {  	s4 =	sshll.u32 s26, $0x1;
	_ =	strace $0x80000055;
	[dreg:$0x1] =	wrdreg $0xFFFFFFFF  }
0xa7: {  	s28 =	simm.s32 $_size_execute0_lowered;
	s2 =	sadd.s32 s2, s4;
	[dreg:$0x0] =	wrdreg $0x0  }
0xa8: {  	s4 =	sshll.u32 s28, $0x1;
	[dreg:$0x2] =	wrdreg s2  }
0xa9: {  	[dreg:$0x3] =	wrdreg s4  }
0xaa: {  	[dreg:$0x4] =	wrdreg $0xC0  }
0xab: {  	_ =	task [dreg:s6], $0x5FFFF  }
0xac: {  	[dreg:$0x1] =	wrdreg $0xFFFFFFFF  }
0xad: {  	[dreg:$0x0] =	wrdreg $0x60  }
0xae: {  	[dreg:$0x2] =	wrdreg s24  }
0xaf: {  	[dreg:$0x3] =	wrdreg $0xCC000  }
0xb0: {  	[dreg:$0x4] =	wrdreg $0x9  }
0xb1: {  	_ =	task.clear_ibuf [dreg:s6], $0x5FFFF;
	_ =	strace $0x90000055  }
0xb2: {  	s29 =	simm.s32 $0x9;
	_ =	strace $0x80000057  }
0xb3: {  	_ =	swait.ge [sflag:s29], $0x1  }
0xb4: {  	[sflag:s29] =	ssyncadd.s32 $0xFFFFFFFF  }
0xb5: {  	_ =	strace $0x90000057  }
0xb6: {  	_ =	sfence  }
0xb7: {  	s30 =	sld [smem:$0x0];
	_ =	sdelay $0x2  }
0xb8: {  	s31 =	sshll.u32 s1, $0xD;
	s1 =	sshrl.u32 s1, $0x2  }
0xb9: {  	s3 =	sand.u32 $0x4000, s31;
	s1 =	sadd.s32 s1, s30  }
0xba: {  	s0 =	sor.u32 s3, s0;
	s1 =	sshll.u32 s1, $0x11  }
0xbb: {  	s0 =	sor.u32 s1, s0  }
0xbc: {  	s0 =	sadd.s32 $0x8F2B, s0  }
0xbd: {  	[sflag:s0] =	ssyncadd.remote.s32 $0x1  }
0xbe: {  	_ =	sfence.sel $0xFFFF  }
0xbf: {  	[dreg:$0x0] =	wrdreg $0xFFFFFFFF;
	(pc) =	sbr.abs _section_cstart, $3  }
0xc0: {  	[dreg:$0x1] =	wrdreg $0xFFFFFFFF  }
0xc1: {  	_ =	task.clear_ibuf [dreg:s6], $0x2FFFF;
	_ =	strace $0x9FFFFFFF  }
0xc2: {  	(tm) =	ssettm $0x7FFFFFFF  }
0xc3: {  	_ =	shalt  }
tec
execute0_lowered:
.L_overlay_start_1:
0x0: {  	(tag) =	ssettag $0x1  }
0x1: {  	s20 =	rddreg [dreg:$0x0]  }
0x2: {  	s2 =	rddreg [dreg:$0x1]  }
0x3: {  	s0 =	rddreg [dreg:$0x2]  }
0x4: {  	s4 =	srdreg.scid;
	s1 =	stileid.u32  }
0x5: {  	s3 =	simm.s32 $0x0;
	s22 =	sand.u32 $0x1, s4;
	s26 =	sshll.u32 s1, $0x1  }
0x6: {  	[smem:$0x7FF] =	sst s3;
	s21 =	smul.u32 $0x6400, s1;
	s4 =	sor.u32 s22, s26  }
0x7: {  	s6 =	smul.u32 $0x19000, s1;
	s29 =	sshll.u32 s1, $0x6;
	s5 =	sshll.u32 s4, $0x7  }
0x8: {  	_ =	strace $0x80000056;
	s9 =	smul.u32 $0x1900, s4;
	s28 =	sadd.s32 s5, s20  }
0x9: {  	s7 =	sshrl.u32 s21, $0x3;
	s5 =	simm.s32 $0x1;
	s4 =	sadd.s32 $0x76600, s28  }
0xa: {  	[tilespmem:s3], [sflag:$0x1] =	stream.linear.gather [hbm4b:s4+s3], $0x280, $0x38;
	[tilespmem:$0x13000] =	vst v63  }
0xb: {  	s6 =	sshrl.u32 s6, $0x2;
	s7 =	sadd.s32 s7, s20;
	_ =	swait.ge [sflag:s5], $0x280  }
0xc: {  	s8 =	sadd.s32 s6, s2;
	s6 =	sadd.s32 $0x37C00, s7;
	[sflag:s5] =	ssyncset.done $0x0  }
0xd: {  	s7 =	sor.u32 $0x1C01, s29;
	s8 =	sshrl.u32 s8, $0x3;
	[sflag:s5] =	ssyncadd.s32 $0xFFFFFD80  }
0xe: {  	[spmem:s8], [sflag:s7] =	dma.local [hbm:s6], $0xC80  }
0xf: {  	_ =	swait.ge [sflag:s5], $0xC80  }
0x10: {  	s23 =	sadd.s32 s9, s20;
	[sflag:s5] =	ssyncset.done $0x0  }
0x11: {  	s10 =	simm.s32 $0x400;
	s9 =	sadd.s32 $0x44400, s23;
	[sflag:s5] =	ssyncadd.s32 $0xFFFFF380  }
0x12: {  	[tilespmem:s10], [sflag:$0x1] =	stream.linear.gather [hbm4b:s9+s3], $0xC800, $0x38;
	[tilespmem:$0x13000] =	vst v63  }
0x13: {  	_ =	swait.ge [sflag:s5], $0xC800  }
0x14: {  	[sflag:s5] =	ssyncset.done $0x0  }
0x15: {  	[sflag:s5] =	ssyncadd.s32 $0xFFFF3800  }
0x16: {  	s11 =	simm.s32 $0x50;
	[bflag:$0x0] =	sbarrier.arrive $0xFFFF  }
0x17: {  	[spmem:s2] =	stream.indirect.scatter.add.f32 [tilespmem:s10], [sflag:$0x1], $0x80, s3, s11, $0xb8;
	[tilespmem:$0x13000] =	vst v63  }
0x18: {  	_ =	swait.ge [sflag:s5], $0x2800  }
0x19: {  	[sflag:s5] =	ssyncset.done $0x0  }
0x1a: {  	s12 =	simm.s32 $0x80;
	s13 =	simm.s32 $0x2C00;
	[sflag:s5] =	ssyncadd.s32 $0xFFFFD800  }
0x1b: {  	[spmem:s2] =	stream.indirect.scatter.add.f32 [tilespmem:s13], [sflag:$0x1], $0x80, s12, s11, $0xb8;
	[tilespmem:$0x13000] =	vst v63  }
0x1c: {  	_ =	swait.ge [sflag:s5], $0x2800  }
0x1d: {  	[sflag:s5] =	ssyncset.done $0x0  }
0x1e: {  	s14 =	simm.s32 $0x100;
	s15 =	simm.s32 $0x5400;
	[sflag:s5] =	ssyncadd.s32 $0xFFFFD800  }
0x1f: {  	[spmem:s2] =	stream.indirect.scatter.add.f32 [tilespmem:s15], [sflag:$0x1], $0x80, s14, s11, $0xb8;
	[tilespmem:$0x13000] =	vst v63  }
0x20: {  	_ =	swait.ge [sflag:s5], $0x2800  }
0x21: {  	[sflag:s5] =	ssyncset.done $0x0  }
0x22: {  	s16 =	simm.s32 $0x180;
	s17 =	simm.s32 $0x7C00;
	[sflag:s5] =	ssyncadd.s32 $0xFFFFD800  }
0x23: {  	[spmem:s2] =	stream.indirect.scatter.add.f32 [tilespmem:s17], [sflag:$0x1], $0x80, s16, s11, $0xb8;
	[tilespmem:$0x13000] =	vst v63  }
0x24: {  	_ =	swait.ge [sflag:s5], $0x2800  }
0x25: {  	s18 =	simm.s32 $0x200;
	[sflag:s5] =	ssyncset.done $0x0  }
0x26: {  	s19 =	simm.s32 $0xA400;
	s24 =	smul.u32 $0xC8000, s22;
	[sflag:s5] =	ssyncadd.s32 $0xFFFFD800  }
0x27: {  	[spmem:s2] =	stream.indirect.scatter.add.f32 [tilespmem:s19], [sflag:$0x1], $0x80, s18, s11, $0xb8;
	[tilespmem:$0x13000] =	vst v63  }
0x28: {  	s21 =	sadd.s32 s21, s24;
	_ =	swait.ge [sflag:s5], $0x2800  }
0x29: {  	s21 =	sshrl.u32 s21, $0x3;
	[sflag:s5] =	ssyncset.done $0x0  }
0x2a: {  	s30 =	sadd.s32 s21, s20;
	[sflag:s5] =	ssyncadd.s32 $0xFFFFD800  }
0x2b: {  	s20 =	sadd.s32 $0xC2600, s30;
	[bflag:$0x0] =	sbarrier.arrive $0xFFFF  }
0x2c: {  	[hbm:s20], [sflag:s7] =	dma.local [spmem:s8], $0xC80  }
0x2d: {  	_ =	swait.ge [sflag:s5], $0xC80  }
0x2e: {  	[sflag:s5] =	ssyncset.done $0x0  }
0x2f: {  	[sflag:s5] =	ssyncadd.s32 $0xFFFFF380  }
0x30: {  	[spmem:s8], [sflag:s7] =	dma.local [hbm:s6], $0xC80  }
0x31: {  	_ =	swait.ge [sflag:s5], $0xC80  }
0x32: {  	[sflag:s5] =	ssyncset.done $0x0  }
0x33: {  	s21 =	sadd.s32 $0x90600, s23;
	[sflag:s5] =	ssyncadd.s32 $0xFFFFF380  }
0x34: {  	[tilespmem:s10], [sflag:$0x1] =	stream.linear.gather [hbm4b:s21+s3], $0xC800, $0x38;
	[tilespmem:$0x13000] =	vst v63  }
0x35: {  	_ =	swait.ge [sflag:s5], $0xC800  }
0x36: {  	[sflag:s5] =	ssyncset.done $0x0  }
0x37: {  	[sflag:s5] =	ssyncadd.s32 $0xFFFF3800  }
0x38: {  	[bflag:$0x0] =	sbarrier.arrive $0xFFFF  }
0x39: {  	[spmem:s2] =	stream.indirect.scatter.add.f32 [tilespmem:s10], [sflag:$0x1], $0x80, s3, s11, $0xb8;
	[tilespmem:$0x13000] =	vst v63  }
0x3a: {  	_ =	swait.ge [sflag:s5], $0x2800  }
0x3b: {  	[sflag:s5] =	ssyncset.done $0x0  }
0x3c: {  	[sflag:s5] =	ssyncadd.s32 $0xFFFFD800  }
0x3d: {  	[spmem:s2] =	stream.indirect.scatter.add.f32 [tilespmem:s13], [sflag:$0x1], $0x80, s12, s11, $0xb8;
	[tilespmem:$0x13000] =	vst v63  }
0x3e: {  	_ =	swait.ge [sflag:s5], $0x2800  }
0x3f: {  	[sflag:s5] =	ssyncset.done $0x0  }
0x40: {  	[sflag:s5] =	ssyncadd.s32 $0xFFFFD800  }
0x41: {  	[spmem:s2] =	stream.indirect.scatter.add.f32 [tilespmem:s15], [sflag:$0x1], $0x80, s14, s11, $0xb8;
	[tilespmem:$0x13000] =	vst v63  }
0x42: {  	_ =	swait.ge [sflag:s5], $0x2800  }
0x43: {  	[sflag:s5] =	ssyncset.done $0x0  }
0x44: {  	[sflag:s5] =	ssyncadd.s32 $0xFFFFD800  }
0x45: {  	[spmem:s2] =	stream.indirect.scatter.add.f32 [tilespmem:s17], [sflag:$0x1], $0x80, s16, s11, $0xb8;
	[tilespmem:$0x13000] =	vst v63  }
0x46: {  	s22 =	ssub.s32 $0x2, s22;
	_ =	swait.ge [sflag:s5], $0x2800  }
0x47: {  	s31 =	sshrl.u32 s22, $0x1;
	[sflag:s5] =	ssyncset.done $0x0  }
0x48: {  	s23 =	ssub.s32 s22, s31;
	[sflag:s5] =	ssyncadd.s32 $0xFFFFD800  }
0x49: {  	[spmem:s2] =	stream.indirect.scatter.add.f32 [tilespmem:s19], [sflag:$0x1], $0x80, s18, s11, $0xb8;
	[tilespmem:$0x13000] =	vst v63  }
0x4a: {  	s23 =	smax.u32 s23, $0x1;
	_ =	swait.ge [sflag:s5], $0x2800  }
0x4b: {  	p0 =	sne.s32 s23, $0x1;
	[sflag:s5] =	ssyncset.done $0x0  }
.Ltmp0:
0x4c: {  	[sflag:s5] =	ssyncadd.s32 $0xFFFFD800;
	(pc) =	sbr.rel @!p0 .LBB2_2-.Ltmp0, $4  }
0x4d: {  	s22 =	sadd.s32 $0xCEE00, s30;
	[bflag:$0x0] =	sbarrier.arrive $0xFFFF  }
0x4e: {  	[hbm:s22], [sflag:s7] =	dma.local [spmem:s8], $0xC80  }
0x4f: {  	_ =	swait.ge [sflag:s5], $0xC80  }
0x50: {  	s23 =	sadd.s32 $0xFFFFFFFF, s23;
	[sflag:s5] =	ssyncset.done $0x0  }
.LBB2_1:
0x51: {  	p0 =	sne.s32 s23, $0x1;
	s23 =	sadd.s32 $0xFFFFFFFF, s23;
	[sflag:s5] =	ssyncadd.s32 $0xFFFFF380  }
0x52: {  	[tilespmem:s3], [sflag:$0x1] =	stream.linear.gather [hbm4b:s4+s3], $0x280, $0x38;
	[tilespmem:$0x13000] =	vst v63  }
0x53: {  	_ =	swait.ge [sflag:s5], $0x280  }
0x54: {  	[sflag:s5] =	ssyncset.done $0x0  }
0x55: {  	[sflag:s5] =	ssyncadd.s32 $0xFFFFFD80  }
0x56: {  	[spmem:s8], [sflag:s7] =	dma.local [hbm:s6], $0xC80  }
0x57: {  	_ =	swait.ge [sflag:s5], $0xC80  }
0x58: {  	[sflag:s5] =	ssyncset.done $0x0  }
0x59: {  	[sflag:s5] =	ssyncadd.s32 $0xFFFFF380  }
0x5a: {  	[tilespmem:s10], [sflag:$0x1] =	stream.linear.gather [hbm4b:s9+s3], $0xC800, $0x38;
	[tilespmem:$0x13000] =	vst v63  }
0x5b: {  	_ =	swait.ge [sflag:s5], $0xC800  }
0x5c: {  	[sflag:s5] =	ssyncset.done $0x0  }
0x5d: {  	[sflag:s5] =	ssyncadd.s32 $0xFFFF3800  }
0x5e: {  	[bflag:$0x0] =	sbarrier.arrive $0xFFFF  }
0x5f: {  	[spmem:s2] =	stream.indirect.scatter.add.f32 [tilespmem:s10], [sflag:$0x1], $0x80, s3, s11, $0xb8;
	[tilespmem:$0x13000] =	vst v63  }
0x60: {  	_ =	swait.ge [sflag:s5], $0x2800  }
0x61: {  	[sflag:s5] =	ssyncset.done $0x0  }
0x62: {  	[sflag:s5] =	ssyncadd.s32 $0xFFFFD800  }
0x63: {  	[spmem:s2] =	stream.indirect.scatter.add.f32 [tilespmem:s13], [sflag:$0x1], $0x80, s12, s11, $0xb8;
	[tilespmem:$0x13000] =	vst v63  }
0x64: {  	_ =	swait.ge [sflag:s5], $0x2800  }
0x65: {  	[sflag:s5] =	ssyncset.done $0x0  }
0x66: {  	[sflag:s5] =	ssyncadd.s32 $0xFFFFD800  }
0x67: {  	[spmem:s2] =	stream.indirect.scatter.add.f32 [tilespmem:s15], [sflag:$0x1], $0x80, s14, s11, $0xb8;
	[tilespmem:$0x13000] =	vst v63  }
0x68: {  	_ =	swait.ge [sflag:s5], $0x2800  }
0x69: {  	[sflag:s5] =	ssyncset.done $0x0  }
0x6a: {  	[sflag:s5] =	ssyncadd.s32 $0xFFFFD800  }
0x6b: {  	[spmem:s2] =	stream.indirect.scatter.add.f32 [tilespmem:s17], [sflag:$0x1], $0x80, s16, s11, $0xb8;
	[tilespmem:$0x13000] =	vst v63  }
0x6c: {  	_ =	swait.ge [sflag:s5], $0x2800  }
0x6d: {  	[sflag:s5] =	ssyncset.done $0x0  }
0x6e: {  	[sflag:s5] =	ssyncadd.s32 $0xFFFFD800  }
0x6f: {  	[spmem:s2] =	stream.indirect.scatter.add.f32 [tilespmem:s19], [sflag:$0x1], $0x80, s18, s11, $0xb8;
	[tilespmem:$0x13000] =	vst v63  }
0x70: {  	_ =	swait.ge [sflag:s5], $0x2800  }
0x71: {  	[sflag:s5] =	ssyncset.done $0x0  }
0x72: {  	[sflag:s5] =	ssyncadd.s32 $0xFFFFD800  }
0x73: {  	[bflag:$0x0] =	sbarrier.arrive $0xFFFF  }
0x74: {  	[hbm:s20], [sflag:s7] =	dma.local [spmem:s8], $0xC80  }
0x75: {  	_ =	swait.ge [sflag:s5], $0xC80  }
0x76: {  	[sflag:s5] =	ssyncset.done $0x0  }
0x77: {  	[sflag:s5] =	ssyncadd.s32 $0xFFFFF380  }
0x78: {  	[spmem:s8], [sflag:s7] =	dma.local [hbm:s6], $0xC80  }
0x79: {  	_ =	swait.ge [sflag:s5], $0xC80  }
0x7a: {  	[sflag:s5] =	ssyncset.done $0x0  }
0x7b: {  	[sflag:s5] =	ssyncadd.s32 $0xFFFFF380  }
0x7c: {  	[tilespmem:s10], [sflag:$0x1] =	stream.linear.gather [hbm4b:s21+s3], $0xC800, $0x38;
	[tilespmem:$0x13000] =	vst v63  }
0x7d: {  	_ =	swait.ge [sflag:s5], $0xC800  }
0x7e: {  	[sflag:s5] =	ssyncset.done $0x0  }
0x7f: {  	[sflag:s5] =	ssyncadd.s32 $0xFFFF3800  }
0x80: {  	[bflag:$0x0] =	sbarrier.arrive $0xFFFF  }
0x81: {  	[spmem:s2] =	stream.indirect.scatter.add.f32 [tilespmem:s10], [sflag:$0x1], $0x80, s3, s11, $0xb8;
	[tilespmem:$0x13000] =	vst v63  }
0x82: {  	_ =	swait.ge [sflag:s5], $0x2800  }
0x83: {  	[sflag:s5] =	ssyncset.done $0x0  }
0x84: {  	[sflag:s5] =	ssyncadd.s32 $0xFFFFD800  }
0x85: {  	[spmem:s2] =	stream.indirect.scatter.add.f32 [tilespmem:s13], [sflag:$0x1], $0x80, s12, s11, $0xb8;
	[tilespmem:$0x13000] =	vst v63  }
0x86: {  	_ =	swait.ge [sflag:s5], $0x2800  }
0x87: {  	[sflag:s5] =	ssyncset.done $0x0  }
0x88: {  	[sflag:s5] =	ssyncadd.s32 $0xFFFFD800  }
0x89: {  	[spmem:s2] =	stream.indirect.scatter.add.f32 [tilespmem:s15], [sflag:$0x1], $0x80, s14, s11, $0xb8;
	[tilespmem:$0x13000] =	vst v63  }
0x8a: {  	_ =	swait.ge [sflag:s5], $0x2800  }
0x8b: {  	[sflag:s5] =	ssyncset.done $0x0  }
0x8c: {  	[sflag:s5] =	ssyncadd.s32 $0xFFFFD800  }
0x8d: {  	[spmem:s2] =	stream.indirect.scatter.add.f32 [tilespmem:s17], [sflag:$0x1], $0x80, s16, s11, $0xb8;
	[tilespmem:$0x13000] =	vst v63  }
0x8e: {  	_ =	swait.ge [sflag:s5], $0x2800  }
0x8f: {  	[sflag:s5] =	ssyncset.done $0x0  }
0x90: {  	[sflag:s5] =	ssyncadd.s32 $0xFFFFD800  }
0x91: {  	[spmem:s2] =	stream.indirect.scatter.add.f32 [tilespmem:s19], [sflag:$0x1], $0x80, s18, s11, $0xb8;
	[tilespmem:$0x13000] =	vst v63  }
0x92: {  	_ =	swait.ge [sflag:s5], $0x2800  }
0x93: {  	[sflag:s5] =	ssyncset.done $0x0  }
.Ltmp1:
0x94: {  	[sflag:s5] =	ssyncadd.s32 $0xFFFFD800;
	(pc) =	sbr.rel @p0 .LBB2_1-.Ltmp1, $4  }
0x95: {  	[bflag:$0x0] =	sbarrier.arrive $0xFFFF  }
0x96: {  	[hbm:s22], [sflag:s7] =	dma.local [spmem:s8], $0xC80  }
0x97: {  	_ =	swait.ge [sflag:s5], $0xC80  }
0x98: {  	[sflag:s5] =	ssyncset.done $0x0  }
.LBB2_2:
0x99: {  	[sflag:s5] =	ssyncadd.s32 $0xFFFFF380  }
0x9a: {  	_ =	sfence.sel $0x180000  }
0x9b: {  	[bflag:$0x0] =	sbarrier.arrive $0xFFFF  }
0x9c: {  	p0 =	sne.s32 s1, $0x0;
	_ =	strace $0x90000056  }
0x9d: {  	s0 =	sadd.s32 @!p0 $0x100000, s0;
	[bflag:$0x2] =	sbarrier.arrive $0xFFFF  }
0x9e: {  	[sflag:s0] =	ssyncadd.tile.s32 @!p0 $0x1;
	_ =	shalt  }
.Lfunc_end2:
_tile_overlayer_lowered:
.L_overlay_start_2:
0x9f: {  	(tag) =	ssettag $0x2  }
0xa0: {  	s0 =	rddreg [dreg:$0x0];
	s2 =	stileid.u32  }
0xa1: {  	s1 =	rddreg [dreg:$0x1];
	p0 =	sne.s32 s2, $0x0  }
0xa2: {  	s3 =	rddreg [dreg:$0x2];
	[bflag:$0x3] =	sbarrier.arrive $0xFFFF;
	s2 =	simm.s32 @!p0 $0x1C01  }
0xa3: {  	[timem:s3], [sflag:s2] =	dma.local @!p0 [hbm:s0], s1  }
0xa4: {  	s0 =	simm.s32 @!p0 $0x1  }
0xa5: {  	_ =	swait.ge @!p0 [sflag:s0], s1  }
0xa6: {  	s1 =	ssub.s32 @!p0 $0x0, s1;
	[sflag:s0] =	ssyncset.done @!p0 $0x0  }
0xa7: {  	[sflag:s0] =	ssyncadd.s32 @!p0 s1  }
0xa8: {  	[bflag:$0x3] =	sbarrier.arrive $0xFFFF  }
0xa9: {  	_ =	shalt  }

</sc_bundles>
